<compile_context>
chip_gen: v7x
topology: tpu7x:2x2x1
jax: 0.10.2.dev20260603
libtpu: 0.0.44.dev20260713+nightly
codegen_flags: <defaults>
</compile_context>

<pallas_src>
import jax
import jax.numpy as jnp
import numpy as np
from jax import lax
from jax.experimental import pallas as pl
from jax.experimental.pallas import tpu as pltpu
from jax.experimental.pallas import tpu_sc as plsc

N = 10000
E = 320000
NC = 2
NS = 16
NW = NC * NS
CHUNK = 128
K = 327680 // (NW * CHUNK)
SLOTS = NW * K * CHUNK
TRASH = N
N_PAD = 10240
STRIPE = N_PAD // NS

_f32 = jnp.float32


def _mesh():
    return plsc.VectorSubcoreMesh(
        core_axis_name="c", subcore_axis_name="s",
        num_cores=NC, num_subcores=NS)



def _deg_body(dst_hbm, ones_hbm, zeros_hbm, out_hbm, dst_v, ones_v, stage_v, acc_sh, dsem):
    c = lax.axis_index("c")
    s = lax.axis_index("s")
    wid = c * NS + s
    pltpu.sync_copy(dst_hbm.at[wid], dst_v)
    pltpu.sync_copy(ones_hbm, ones_v)
    pltpu.sync_copy(zeros_hbm, stage_v)
    pltpu.sync_copy(stage_v, acc_sh.at[pl.ds(s * STRIPE, STRIPE)])
    plsc.subcore_barrier()

    def body(j, carry):
        pltpu.async_copy(ones_v, acc_sh.at[dst_v.at[j]], dsem, add=True)
        return carry

    lax.fori_loop(0, K, body, 0)

    def drain(j, carry):
        pltpu.make_async_copy(ones_hbm, ones_v, dsem).wait()
        return carry

    lax.fori_loop(0, K, drain, 0)
    plsc.subcore_barrier()
    pltpu.sync_copy(acc_sh.at[pl.ds(s * STRIPE, STRIPE)], stage_v)
    pltpu.sync_copy(stage_v, out_hbm.at[c, pl.ds(s * STRIPE, STRIPE)])


def _deg_call(dst_p, ones_c, zeros_s):
    return pl.kernel(
        _deg_body,
        out_type=jax.ShapeDtypeStruct((NC, N_PAD), _f32),
        mesh=_mesh(),
        scratch_types=[
            pltpu.VMEM((K, CHUNK), jnp.int32),
            pltpu.VMEM((CHUNK,), _f32),
            pltpu.VMEM((STRIPE,), _f32),
            pltpu.VMEM_SHARED((N_PAD,), _f32),
            pltpu.SemaphoreType.DMA,
        ],
        compiler_params=pltpu.CompilerParams(use_tc_tiling_on_sc=False),
    )(dst_p, ones_c, zeros_s)



NSLOT = 5
LEAD = 3
WCH = STRIPE // CHUNK


def _agg_body(u_hbm, src_hbm, dst_hbm, zeros_hbm, out_hbm,
              src_v, dst_v, rows_v, stage_v, acc_sh, gsem, ssem, wsem):
    c = lax.axis_index("c")
    s = lax.axis_index("s")
    wid = c * NS + s
    pltpu.sync_copy(src_hbm.at[wid], src_v)
    pltpu.sync_copy(dst_hbm.at[wid], dst_v)
    pltpu.sync_copy(zeros_hbm, stage_v)
    for t in range(WCH):
        pltpu.async_copy(stage_v, acc_sh.at[pl.ds(s * STRIPE + t * CHUNK, CHUNK)],
                         wsem.at[t])
    for t in range(WCH):
        pltpu.make_async_copy(zeros_hbm, stage_v, wsem.at[t]).wait()
    plsc.subcore_barrier()

    def gather(j, slot):
        pltpu.async_copy(u_hbm.at[src_v.at[j]], rows_v.at[slot], gsem.at[slot])

    def gather_wait(slot):
        pltpu.make_async_copy(u_hbm.at[pl.ds(0, CHUNK)], rows_v.at[slot],
                              gsem.at[slot]).wait()

    def scatter(j, slot):
        pltpu.async_copy(rows_v.at[slot], acc_sh.at[dst_v.at[j]],
                         ssem.at[slot], add=True)

    def scatter_wait(slot):
        pltpu.make_async_copy(u_hbm.at[pl.ds(0, CHUNK)], rows_v.at[slot],
                              ssem.at[slot]).wait()

    for b in range(LEAD):
        gather(b, b)

    def body(m, carry):
        for b in range(NSLOT):
            j = m * NSLOT + b
            slot = b
            gather_wait(slot)
            scatter(j, slot)
            nslot = (b + LEAD) % NSLOT
            nj = j + LEAD

            @pl.when(nj < K)
            def _():
                @pl.when(nj >= NSLOT)
                def _():
                    scatter_wait(nslot)
                gather(nj, nslot)
        return carry

    lax.fori_loop(0, K // NSLOT, body, 0)
    for b in range(NSLOT):
        scatter_wait(b)
    plsc.subcore_barrier()
    bufs = [rows_v.at[t] for t in range(NSLOT)] + [stage_v]
    for t in range(WCH):
        pltpu.async_copy(acc_sh.at[pl.ds(s * STRIPE + t * CHUNK, CHUNK)],
                         bufs[t], wsem.at[t])
    for t in range(WCH):
        pltpu.make_async_copy(zeros_hbm, bufs[t], wsem.at[t]).wait()
        pltpu.async_copy(bufs[t], out_hbm.at[c, pl.ds(s * STRIPE + t * CHUNK, CHUNK)],
                         wsem.at[WCH + t])
    for t in range(WCH):
        pltpu.make_async_copy(zeros_hbm, bufs[t], wsem.at[WCH + t]).wait()


def _agg_call(u_pad, src_p, dst_p, zeros_sh, h):
    return pl.kernel(
        _agg_body,
        out_type=jax.ShapeDtypeStruct((NC, N_PAD, h), _f32),
        mesh=_mesh(),
        scratch_types=[
            pltpu.VMEM((K, CHUNK), jnp.int32),
            pltpu.VMEM((K, CHUNK), jnp.int32),
            pltpu.VMEM((NSLOT, CHUNK, h), _f32),
            pltpu.VMEM((CHUNK, h), _f32),
            pltpu.VMEM_SHARED((N_PAD, h), _f32),
            pltpu.SemaphoreType.DMA((NSLOT,)),
            pltpu.SemaphoreType.DMA((NSLOT,)),
            pltpu.SemaphoreType.DMA((2 * WCH,)),
        ],
        compiler_params=pltpu.CompilerParams(use_tc_tiling_on_sc=False),
    )(u_pad, src_p, dst_p, zeros_sh)



def _tc_pre_body(x_ref, w1_ref, dp_ref, u1_ref, dinv_ref):
    deg = sum(dp_ref[:, i:i + 1] for i in range(NC)) + 1.0
    rowmask = lax.broadcasted_iota(jnp.int32, (N_PAD, 1), 0) < N
    dinv = jnp.where(rowmask, lax.rsqrt(deg), 0.0)
    z = jnp.dot(x_ref[...], w1_ref[...], preferred_element_type=_f32)
    u1_ref[0:N, :] = z * dinv[0:N]
    u1_ref[N:N_PAD, :] = jnp.zeros((N_PAD - N, 64), _f32)
    dinv_ref[...] = dinv


def _tc_mid_body(sp_ref, u_ref, dinv_ref, b_ref, g_ref, be_ref, w_ref, out_ref):
    dinv = dinv_ref[...]
    stot = sum(sp_ref[i] for i in range(NC)) + u_ref[...]
    cvt = stot * dinv + b_ref[...]
    rowmask = (lax.broadcasted_iota(jnp.int32, (N_PAD, 1), 0) < N).astype(_f32)
    mean = jnp.sum(cvt * rowmask, axis=0, keepdims=True) * (1.0 / N)
    dctr = (cvt - mean) * rowmask
    var = jnp.sum(dctr * dctr, axis=0, keepdims=True) * (1.0 / N)
    y = jnp.maximum((cvt - mean) * lax.rsqrt(var + 1e-5) * g_ref[...] + be_ref[...], 0.0)
    out_ref[...] = jnp.dot(y, w_ref[...], preferred_element_type=_f32) * dinv


def _tc_fin_body(sp_ref, u_ref, dinv_ref, b3_ref, w4_ref, b4_ref, out_ref):
    stot = sum(sp_ref[i] for i in range(NC)) + u_ref[...]
    y = jnp.maximum(stot * dinv_ref[...] + b3_ref[...], 0.0)
    out_ref[...] = jnp.dot(y, w4_ref[...], preferred_element_type=_f32) + b4_ref[...]


def _tc_pre(x, W1, dp):
    return pl.pallas_call(
        _tc_pre_body,
        out_shape=(jax.ShapeDtypeStruct((N_PAD, 64), _f32),
                   jax.ShapeDtypeStruct((N_PAD, 1), _f32)),
    )(x, W1, dp)


def _tc_mid(sp, u, dinv, b, g, be, W, h2):
    return pl.pallas_call(
        _tc_mid_body,
        out_shape=jax.ShapeDtypeStruct((N_PAD, h2), _f32),
    )(sp, u, dinv, b, g, be, W)


def _tc_fin(sp, u, dinv, b3, W4, b4):
    return pl.pallas_call(
        _tc_fin_body,
        out_shape=jax.ShapeDtypeStruct((N_PAD, 1), _f32),
    )(sp, u, dinv, b3, W4, b4)



def kernel(x, edge_index, W1, b1, g1, be1, W2, b2, g2, be2, W3, b3, W4, b4):
    src = edge_index[0]
    dst = edge_index[1]
    pad = SLOTS - E
    pad_src = jnp.asarray(np.arange(pad, dtype=np.int32) % N)
    pad_dst = jnp.asarray(TRASH + (np.arange(pad, dtype=np.int32) % (N_PAD - N)))
    src_p = jnp.concatenate([src, pad_src]).reshape(NW, K, CHUNK)
    dst_p = jnp.concatenate([dst, pad_dst]).reshape(NW, K, CHUNK)

    ones_c = jnp.ones((CHUNK,), _f32)
    zeros_s = jnp.zeros((STRIPE,), _f32)
    zeros64 = jnp.zeros((CHUNK, 64), _f32)
    zeros32 = jnp.zeros((CHUNK, 32), _f32)

    deg_part = _deg_call(dst_p, ones_c, zeros_s)
    u1, dinv = _tc_pre(x, W1, jnp.transpose(deg_part))
    s1 = _agg_call(u1, src_p, dst_p, zeros64, 64)
    u2 = _tc_mid(s1, u1, dinv, b1.reshape(1, -1), g1.reshape(1, -1),
                 be1.reshape(1, -1), W2, 64)
    s2 = _agg_call(u2, src_p, dst_p, zeros64, 64)
    u3 = _tc_mid(s2, u2, dinv, b2.reshape(1, -1), g2.reshape(1, -1),
                 be2.reshape(1, -1), W3, 32)
    s3 = _agg_call(u3, src_p, dst_p, zeros32, 32)
    out = _tc_fin(s3, u3, dinv, b3.reshape(1, -1), W4, b4.reshape(1, 1))
    return out[:N]

# --- scband reference (transcript-rebuilt; emitter-appended) ---
"""Pipeline reference for scband-improved-gnn-25821343383964 (READ-ONLY COPY).

The authoritative reference and input builder live on the scoring server;
editing this copy changes nothing except your own understanding.
"""

import jax, jax.numpy as jnp
import numpy as np

N = 10000
E = 320000
D = 128
H = 64


def gcn_conv(x, edge_index, W, b):
    # PyG GCNConv: add self-loops, symmetric normalization, scatter-add aggregation
    n = x.shape[0]
    loop = jnp.arange(n, dtype=edge_index.dtype)
    src = jnp.concatenate([edge_index[0], loop])
    dst = jnp.concatenate([edge_index[1], loop])
    deg = jnp.zeros((n,), dtype=x.dtype).at[dst].add(1.0)
    dinv = jnp.where(deg > 0, jax.lax.rsqrt(deg), 0.0)
    norm = dinv[src] * dinv[dst]
    h = x @ W
    msg = jnp.take(h, src, axis=0) * norm[:, None]
    out = jnp.zeros((n, h.shape[1]), dtype=x.dtype).at[dst].add(msg)
    return out + b


def batch_norm(x, gamma, beta, eps=1e-5):
    mean = jnp.mean(x, axis=0)
    var = jnp.var(x, axis=0)
    return (x - mean) * jax.lax.rsqrt(var + eps) * gamma + beta


def setup_inputs(seed: int = 0):
    key = jax.random.key(seed)
    ks = jax.random.split(key, 16)
    x = jax.random.normal(ks[0], (N, D), dtype=jnp.float32)
    edge_index = jax.random.randint(ks[1], (2, E), 0, N, dtype=jnp.int32)
    W1 = jax.random.normal(ks[2], (D, H), dtype=jnp.float32) * (1.0 / np.sqrt(D))
    b1 = jnp.zeros((H,), dtype=jnp.float32)
    g1 = jnp.ones((H,), dtype=jnp.float32)
    be1 = jnp.zeros((H,), dtype=jnp.float32)
    W2 = jax.random.normal(ks[3], (H, H), dtype=jnp.float32) * (1.0 / np.sqrt(H))
    b2 = jnp.zeros((H,), dtype=jnp.float32)
    g2 = jnp.ones((H,), dtype=jnp.float32)
    be2 = jnp.zeros((H,), dtype=jnp.float32)
    W3 = jax.random.normal(ks[4], (H, H // 2), dtype=jnp.float32) * (1.0 / np.sqrt(H))
    b3 = jnp.zeros((H // 2,), dtype=jnp.float32)
    W4 = jax.random.normal(ks[5], (H // 2, 1), dtype=jnp.float32) * (1.0 / np.sqrt(H // 2))
    b4 = jnp.zeros((1,), dtype=jnp.float32)
    return {"x": x, "edge_index": edge_index, "W1": W1, "b1": b1, "g1": g1, "be1": be1,
            "W2": W2, "b2": b2, "g2": g2, "be2": be2, "W3": W3, "b3": b3, "W4": W4, "b4": b4}


def reference(x, edge_index, W1, b1, g1, be1, W2, b2, g2, be2, W3, b3, W4, b4):
    h = gcn_conv(x, edge_index, W1, b1)
    h = batch_norm(h, g1, be1)
    h = jax.nn.relu(h)
    # dropout p=0.5 is identity in eval mode
    h = gcn_conv(h, edge_index, W2, b2)
    h = batch_norm(h, g2, be2)
    h = jax.nn.relu(h)
    h = gcn_conv(h, edge_index, W3, b3)
    h = jax.nn.relu(h)
    return h @ W4 + b4

if __name__ == "__main__":
    import jax
    _d = setup_inputs()
    print(jax.jit(kernel)(*tuple(_d.values())))

</pallas_src>

<mosaic_0001>
#map = affine_map<(d0, d1) -> (0, 0)>
#map1 = affine_map<(d0, d1) -> (0, 0, 0)>
module attributes {stable_mosaic.version = 14 : i64} {
  func.func @_agg_body(%arg0: i32, %arg1: i32, %arg2: memref<10240x64xf32, #tpu.memory_space<hbm>>, %arg3: memref<32x80x128xi32, #tpu.memory_space<hbm>>, %arg4: memref<32x80x128xi32, #tpu.memory_space<hbm>>, %arg5: memref<128x64xf32, #tpu.memory_space<hbm>>, %arg6: memref<2x10240x64xf32, #tpu.memory_space<hbm>>, %arg7: memref<80x128xi32, #tpu.memory_space<vmem>>, %arg8: memref<80x128xi32, #tpu.memory_space<vmem>>, %arg9: memref<5x128x64xf32, #tpu.memory_space<vmem>>, %arg10: memref<128x64xf32, #tpu.memory_space<vmem>>, %arg11: memref<10240x64xf32, #tpu.memory_space<vmem_shared>>, %arg12: memref<5x!tpu.dma_semaphore, #tpu.memory_space<semaphore_mem>>, %arg13: memref<5x!tpu.dma_semaphore, #tpu.memory_space<semaphore_mem>>, %arg14: memref<10x!tpu.dma_semaphore, #tpu.memory_space<semaphore_mem>>) attributes {dimension_semantics = [#tpu.dimension_semantics<core_parallel>, #tpu.dimension_semantics<subcore_parallel>], iteration_bounds = array<i64: 2, 16>, scalar_prefetch = 0 : i64, scratch_operands = 8 : i64, tpu.core_type = #tpu.core_type<sc_vector_subcore>, window_params = [{transform_indices = #map}, {transform_indices = #map1}, {transform_indices = #map1}, {transform_indices = #map}, {transform_indices = #map1}]} {
    %mul3A = arith.constant 16 : i32
    %mul3A_0 = arith.muli %arg0, %mul3A : i32
    %add3A = arith.addi %mul3A_0, %arg1 : i32
    "tpu.region"() ({
      %run_scoped3A = tpu.sem_alloc : memref<!tpu.dma_semaphore, #tpu.memory_space<semaphore_mem>>
      %dma_start3A_540 = arith.constant 0 : i32
      %dma_start3A_541 = arith.constant 0 : i32
      %dma_start3A_542 = tpu.memref_slice %arg3[%add3A, %dma_start3A_540, %dma_start3A_541] : memref<32x80x128xi32, #tpu.memory_space<hbm>> -> memref<1x80x128xi32, #tpu.memory_space<hbm>>
      %dma_start3A_543 = tpu.memref_squeeze %dma_start3A_542 : memref<1x80x128xi32, #tpu.memory_space<hbm>> -> memref<80x128xi32, #tpu.memory_space<hbm>>
      %dma_start3A_544 = arith.constant 0 : i32
      %dma_start3A_545 = arith.constant 0 : i32
      %dma_start3A_546 = tpu.memref_slice %arg3[%add3A, %dma_start3A_544, %dma_start3A_545] : memref<32x80x128xi32, #tpu.memory_space<hbm>> -> memref<1x80x128xi32, #tpu.memory_space<hbm>>
      %dma_start3A_547 = tpu.memref_squeeze %dma_start3A_546 : memref<1x80x128xi32, #tpu.memory_space<hbm>> -> memref<80x128xi32, #tpu.memory_space<hbm>>
      tpu.enqueue_dma source(%dma_start3A_547 : memref<80x128xi32, #tpu.memory_space<hbm>>) target(%arg7 : memref<80x128xi32, #tpu.memory_space<vmem>>) target_semaphore(%run_scoped3A : memref<!tpu.dma_semaphore, #tpu.memory_space<semaphore_mem>>)
      %dma_wait3A_548 = arith.constant 0 : i32
      %dma_wait3A_549 = arith.constant 0 : i32
      %dma_wait3A_550 = tpu.memref_slice %arg3[%add3A, %dma_wait3A_548, %dma_wait3A_549] : memref<32x80x128xi32, #tpu.memory_space<hbm>> -> memref<1x80x128xi32, #tpu.memory_space<hbm>>
      %dma_wait3A_551 = tpu.memref_squeeze %dma_wait3A_550 : memref<1x80x128xi32, #tpu.memory_space<hbm>> -> memref<80x128xi32, #tpu.memory_space<hbm>>
      %dma_wait3A_552 = arith.constant 0 : i32
      %dma_wait3A_553 = arith.constant 0 : i32
      %dma_wait3A_554 = tpu.memref_slice %arg3[%add3A, %dma_wait3A_552, %dma_wait3A_553] : memref<32x80x128xi32, #tpu.memory_space<hbm>> -> memref<1x80x128xi32, #tpu.memory_space<hbm>>
      %dma_wait3A_555 = tpu.memref_squeeze %dma_wait3A_554 : memref<1x80x128xi32, #tpu.memory_space<hbm>> -> memref<80x128xi32, #tpu.memory_space<hbm>>
      tpu.wait_dma2 semaphore(%run_scoped3A : memref<!tpu.dma_semaphore, #tpu.memory_space<semaphore_mem>>) src(%dma_wait3A_555 : memref<80x128xi32, #tpu.memory_space<hbm>>) dst(%arg7 : memref<80x128xi32, #tpu.memory_space<vmem>>)
      tpu.yield
    }) : () -> ()
    "tpu.region"() ({
      %run_scoped3A = tpu.sem_alloc : memref<!tpu.dma_semaphore, #tpu.memory_space<semaphore_mem>>
      %dma_start3A_540 = arith.constant 0 : i32
      %dma_start3A_541 = arith.constant 0 : i32
      %dma_start3A_542 = tpu.memref_slice %arg4[%add3A, %dma_start3A_540, %dma_start3A_541] : memref<32x80x128xi32, #tpu.memory_space<hbm>> -> memref<1x80x128xi32, #tpu.memory_space<hbm>>
      %dma_start3A_543 = tpu.memref_squeeze %dma_start3A_542 : memref<1x80x128xi32, #tpu.memory_space<hbm>> -> memref<80x128xi32, #tpu.memory_space<hbm>>
      %dma_start3A_544 = arith.constant 0 : i32
      %dma_start3A_545 = arith.constant 0 : i32
      %dma_start3A_546 = tpu.memref_slice %arg4[%add3A, %dma_start3A_544, %dma_start3A_545] : memref<32x80x128xi32, #tpu.memory_space<hbm>> -> memref<1x80x128xi32, #tpu.memory_space<hbm>>
      %dma_start3A_547 = tpu.memref_squeeze %dma_start3A_546 : memref<1x80x128xi32, #tpu.memory_space<hbm>> -> memref<80x128xi32, #tpu.memory_space<hbm>>
      tpu.enqueue_dma source(%dma_start3A_547 : memref<80x128xi32, #tpu.memory_space<hbm>>) target(%arg8 : memref<80x128xi32, #tpu.memory_space<vmem>>) target_semaphore(%run_scoped3A : memref<!tpu.dma_semaphore, #tpu.memory_space<semaphore_mem>>)
      %dma_wait3A_548 = arith.constant 0 : i32
      %dma_wait3A_549 = arith.constant 0 : i32
      %dma_wait3A_550 = tpu.memref_slice %arg4[%add3A, %dma_wait3A_548, %dma_wait3A_549] : memref<32x80x128xi32, #tpu.memory_space<hbm>> -> memref<1x80x128xi32, #tpu.memory_space<hbm>>
      %dma_wait3A_551 = tpu.memref_squeeze %dma_wait3A_550 : memref<1x80x128xi32, #tpu.memory_space<hbm>> -> memref<80x128xi32, #tpu.memory_space<hbm>>
      %dma_wait3A_552 = arith.constant 0 : i32
      %dma_wait3A_553 = arith.constant 0 : i32
      %dma_wait3A_554 = tpu.memref_slice %arg4[%add3A, %dma_wait3A_552, %dma_wait3A_553] : memref<32x80x128xi32, #tpu.memory_space<hbm>> -> memref<1x80x128xi32, #tpu.memory_space<hbm>>
      %dma_wait3A_555 = tpu.memref_squeeze %dma_wait3A_554 : memref<1x80x128xi32, #tpu.memory_space<hbm>> -> memref<80x128xi32, #tpu.memory_space<hbm>>
      tpu.wait_dma2 semaphore(%run_scoped3A : memref<!tpu.dma_semaphore, #tpu.memory_space<semaphore_mem>>) src(%dma_wait3A_555 : memref<80x128xi32, #tpu.memory_space<hbm>>) dst(%arg8 : memref<80x128xi32, #tpu.memory_space<vmem>>)
      tpu.yield
    }) : () -> ()
    "tpu.region"() ({
      %run_scoped3A = tpu.sem_alloc : memref<!tpu.dma_semaphore, #tpu.memory_space<semaphore_mem>>
      tpu.enqueue_dma source(%arg5 : memref<128x64xf32, #tpu.memory_space<hbm>>) target(%arg10 : memref<128x64xf32, #tpu.memory_space<vmem>>) target_semaphore(%run_scoped3A : memref<!tpu.dma_semaphore, #tpu.memory_space<semaphore_mem>>)
      tpu.wait_dma2 semaphore(%run_scoped3A : memref<!tpu.dma_semaphore, #tpu.memory_space<semaphore_mem>>) src(%arg5 : memref<128x64xf32, #tpu.memory_space<hbm>>) dst(%arg10 : memref<128x64xf32, #tpu.memory_space<vmem>>)
      tpu.yield
    }) : () -> ()
    %mul3A_1 = arith.constant 640 : i32
    %mul3A_2 = arith.muli %arg1, %mul3A_1 : i32
    %add3A_3 = arith.constant 0 : i32
    %add3A_4 = arith.addi %mul3A_2, %add3A_3 : i32
    %dma_start3A = arith.constant 0 : i32
    %dma_start3A_5 = arith.constant 0 : i32
    %dma_start3A_6 = tpu.memref_slice %arg11[%add3A_4, %dma_start3A_5] : memref<10240x64xf32, #tpu.memory_space<vmem_shared>> -> memref<128x64xf32, #tpu.memory_space<vmem_shared>>
    %dma_start3A_7 = tpu.memref_slice %arg14[%dma_start3A] : memref<10x!tpu.dma_semaphore, #tpu.memory_space<semaphore_mem>> -> memref<1x!tpu.dma_semaphore, #tpu.memory_space<semaphore_mem>>
    %dma_start3A_8 = tpu.memref_squeeze %dma_start3A_7 : memref<1x!tpu.dma_semaphore, #tpu.memory_space<semaphore_mem>> -> memref<!tpu.dma_semaphore, #tpu.memory_space<semaphore_mem>>
    %dma_start3A_9 = arith.constant 0 : i32
    %dma_start3A_10 = tpu.memref_slice %arg11[%add3A_4, %dma_start3A_9] : memref<10240x64xf32, #tpu.memory_space<vmem_shared>> -> memref<128x64xf32, #tpu.memory_space<vmem_shared>>
    tpu.enqueue_dma source(%arg10 : memref<128x64xf32, #tpu.memory_space<vmem>>) target(%dma_start3A_10 : memref<128x64xf32, #tpu.memory_space<vmem_shared>>) target_semaphore(%dma_start3A_8 : memref<!tpu.dma_semaphore, #tpu.memory_space<semaphore_mem>>)
    %mul3A_11 = arith.constant 640 : i32
    %mul3A_12 = arith.muli %arg1, %mul3A_11 : i32
    %add3A_13 = arith.constant 128 : i32
    %add3A_14 = arith.addi %mul3A_12, %add3A_13 : i32
    %dma_start3A_15 = arith.constant 1 : i32
    %dma_start3A_16 = arith.constant 0 : i32
    %dma_start3A_17 = tpu.memref_slice %arg11[%add3A_14, %dma_start3A_16] : memref<10240x64xf32, #tpu.memory_space<vmem_shared>> -> memref<128x64xf32, #tpu.memory_space<vmem_shared>>
    %dma_start3A_18 = tpu.memref_slice %arg14[%dma_start3A_15] : memref<10x!tpu.dma_semaphore, #tpu.memory_space<semaphore_mem>> -> memref<1x!tpu.dma_semaphore, #tpu.memory_space<semaphore_mem>>
    %dma_start3A_19 = tpu.memref_squeeze %dma_start3A_18 : memref<1x!tpu.dma_semaphore, #tpu.memory_space<semaphore_mem>> -> memref<!tpu.dma_semaphore, #tpu.memory_space<semaphore_mem>>
    %dma_start3A_20 = arith.constant 0 : i32
    %dma_start3A_21 = tpu.memref_slice %arg11[%add3A_14, %dma_start3A_20] : memref<10240x64xf32, #tpu.memory_space<vmem_shared>> -> memref<128x64xf32, #tpu.memory_space<vmem_shared>>
    tpu.enqueue_dma source(%arg10 : memref<128x64xf32, #tpu.memory_space<vmem>>) target(%dma_start3A_21 : memref<128x64xf32, #tpu.memory_space<vmem_shared>>) target_semaphore(%dma_start3A_19 : memref<!tpu.dma_semaphore, #tpu.memory_space<semaphore_mem>>)
    %mul3A_22 = arith.constant 640 : i32
    %mul3A_23 = arith.muli %arg1, %mul3A_22 : i32
    %add3A_24 = arith.constant 256 : i32
    %add3A_25 = arith.addi %mul3A_23, %add3A_24 : i32
    %dma_start3A_26 = arith.constant 2 : i32
    %dma_start3A_27 = arith.constant 0 : i32
    %dma_start3A_28 = tpu.memref_slice %arg11[%add3A_25, %dma_start3A_27] : memref<10240x64xf32, #tpu.memory_space<vmem_shared>> -> memref<128x64xf32, #tpu.memory_space<vmem_shared>>
    %dma_start3A_29 = tpu.memref_slice %arg14[%dma_start3A_26] : memref<10x!tpu.dma_semaphore, #tpu.memory_space<semaphore_mem>> -> memref<1x!tpu.dma_semaphore, #tpu.memory_space<semaphore_mem>>
    %dma_start3A_30 = tpu.memref_squeeze %dma_start3A_29 : memref<1x!tpu.dma_semaphore, #tpu.memory_space<semaphore_mem>> -> memref<!tpu.dma_semaphore, #tpu.memory_space<semaphore_mem>>
    %dma_start3A_31 = arith.constant 0 : i32
    %dma_start3A_32 = tpu.memref_slice %arg11[%add3A_25, %dma_start3A_31] : memref<10240x64xf32, #tpu.memory_space<vmem_shared>> -> memref<128x64xf32, #tpu.memory_space<vmem_shared>>
    tpu.enqueue_dma source(%arg10 : memref<128x64xf32, #tpu.memory_space<vmem>>) target(%dma_start3A_32 : memref<128x64xf32, #tpu.memory_space<vmem_shared>>) target_semaphore(%dma_start3A_30 : memref<!tpu.dma_semaphore, #tpu.memory_space<semaphore_mem>>)
    %mul3A_33 = arith.constant 640 : i32
    %mul3A_34 = arith.muli %arg1, %mul3A_33 : i32
    %add3A_35 = arith.constant 384 : i32
    %add3A_36 = arith.addi %mul3A_34, %add3A_35 : i32
    %dma_start3A_37 = arith.constant 3 : i32
    %dma_start3A_38 = arith.constant 0 : i32
    %dma_start3A_39 = tpu.memref_slice %arg11[%add3A_36, %dma_start3A_38] : memref<10240x64xf32, #tpu.memory_space<vmem_shared>> -> memref<128x64xf32, #tpu.memory_space<vmem_shared>>
    %dma_start3A_40 = tpu.memref_slice %arg14[%dma_start3A_37] : memref<10x!tpu.dma_semaphore, #tpu.memory_space<semaphore_mem>> -> memref<1x!tpu.dma_semaphore, #tpu.memory_space<semaphore_mem>>
    %dma_start3A_41 = tpu.memref_squeeze %dma_start3A_40 : memref<1x!tpu.dma_semaphore, #tpu.memory_space<semaphore_mem>> -> memref<!tpu.dma_semaphore, #tpu.memory_space<semaphore_mem>>
    %dma_start3A_42 = arith.constant 0 : i32
    %dma_start3A_43 = tpu.memref_slice %arg11[%add3A_36, %dma_start3A_42] : memref<10240x64xf32, #tpu.memory_space<vmem_shared>> -> memref<128x64xf32, #tpu.memory_space<vmem_shared>>
    tpu.enqueue_dma source(%arg10 : memref<128x64xf32, #tpu.memory_space<vmem>>) target(%dma_start3A_43 : memref<128x64xf32, #tpu.memory_space<vmem_shared>>) target_semaphore(%dma_start3A_41 : memref<!tpu.dma_semaphore, #tpu.memory_space<semaphore_mem>>)
    %mul3A_44 = arith.constant 640 : i32
    %mul3A_45 = arith.muli %arg1, %mul3A_44 : i32
    %add3A_46 = arith.constant 512 : i32
    %add3A_47 = arith.addi %mul3A_45, %add3A_46 : i32
    %dma_start3A_48 = arith.constant 4 : i32
    %dma_start3A_49 = arith.constant 0 : i32
    %dma_start3A_50 = tpu.memref_slice %arg11[%add3A_47, %dma_start3A_49] : memref<10240x64xf32, #tpu.memory_space<vmem_shared>> -> memref<128x64xf32, #tpu.memory_space<vmem_shared>>
    %dma_start3A_51 = tpu.memref_slice %arg14[%dma_start3A_48] : memref<10x!tpu.dma_semaphore, #tpu.memory_space<semaphore_mem>> -> memref<1x!tpu.dma_semaphore, #tpu.memory_space<semaphore_mem>>
    %dma_start3A_52 = tpu.memref_squeeze %dma_start3A_51 : memref<1x!tpu.dma_semaphore, #tpu.memory_space<semaphore_mem>> -> memref<!tpu.dma_semaphore, #tpu.memory_space<semaphore_mem>>
    %dma_start3A_53 = arith.constant 0 : i32
    %dma_start3A_54 = tpu.memref_slice %arg11[%add3A_47, %dma_start3A_53] : memref<10240x64xf32, #tpu.memory_space<vmem_shared>> -> memref<128x64xf32, #tpu.memory_space<vmem_shared>>
    tpu.enqueue_dma source(%arg10 : memref<128x64xf32, #tpu.memory_space<vmem>>) target(%dma_start3A_54 : memref<128x64xf32, #tpu.memory_space<vmem_shared>>) target_semaphore(%dma_start3A_52 : memref<!tpu.dma_semaphore, #tpu.memory_space<semaphore_mem>>)
    %dma_wait3A = arith.constant 0 : i32
    %dma_wait3A_55 = tpu.memref_slice %arg14[%dma_wait3A] : memref<10x!tpu.dma_semaphore, #tpu.memory_space<semaphore_mem>> -> memref<1x!tpu.dma_semaphore, #tpu.memory_space<semaphore_mem>>
    %dma_wait3A_56 = tpu.memref_squeeze %dma_wait3A_55 : memref<1x!tpu.dma_semaphore, #tpu.memory_space<semaphore_mem>> -> memref<!tpu.dma_semaphore, #tpu.memory_space<semaphore_mem>>
    tpu.wait_dma2 semaphore(%dma_wait3A_56 : memref<!tpu.dma_semaphore, #tpu.memory_space<semaphore_mem>>) src(%arg5 : memref<128x64xf32, #tpu.memory_space<hbm>>) dst(%arg10 : memref<128x64xf32, #tpu.memory_space<vmem>>)
    %dma_wait3A_57 = arith.constant 1 : i32
    %dma_wait3A_58 = tpu.memref_slice %arg14[%dma_wait3A_57] : memref<10x!tpu.dma_semaphore, #tpu.memory_space<semaphore_mem>> -> memref<1x!tpu.dma_semaphore, #tpu.memory_space<semaphore_mem>>
    %dma_wait3A_59 = tpu.memref_squeeze %dma_wait3A_58 : memref<1x!tpu.dma_semaphore, #tpu.memory_space<semaphore_mem>> -> memref<!tpu.dma_semaphore, #tpu.memory_space<semaphore_mem>>
    tpu.wait_dma2 semaphore(%dma_wait3A_59 : memref<!tpu.dma_semaphore, #tpu.memory_space<semaphore_mem>>) src(%arg5 : memref<128x64xf32, #tpu.memory_space<hbm>>) dst(%arg10 : memref<128x64xf32, #tpu.memory_space<vmem>>)
    %dma_wait3A_60 = arith.constant 2 : i32
    %dma_wait3A_61 = tpu.memref_slice %arg14[%dma_wait3A_60] : memref<10x!tpu.dma_semaphore, #tpu.memory_space<semaphore_mem>> -> memref<1x!tpu.dma_semaphore, #tpu.memory_space<semaphore_mem>>
    %dma_wait3A_62 = tpu.memref_squeeze %dma_wait3A_61 : memref<1x!tpu.dma_semaphore, #tpu.memory_space<semaphore_mem>> -> memref<!tpu.dma_semaphore, #tpu.memory_space<semaphore_mem>>
    tpu.wait_dma2 semaphore(%dma_wait3A_62 : memref<!tpu.dma_semaphore, #tpu.memory_space<semaphore_mem>>) src(%arg5 : memref<128x64xf32, #tpu.memory_space<hbm>>) dst(%arg10 : memref<128x64xf32, #tpu.memory_space<vmem>>)
    %dma_wait3A_63 = arith.constant 3 : i32
    %dma_wait3A_64 = tpu.memref_slice %arg14[%dma_wait3A_63] : memref<10x!tpu.dma_semaphore, #tpu.memory_space<semaphore_mem>> -> memref<1x!tpu.dma_semaphore, #tpu.memory_space<semaphore_mem>>
    %dma_wait3A_65 = tpu.memref_squeeze %dma_wait3A_64 : memref<1x!tpu.dma_semaphore, #tpu.memory_space<semaphore_mem>> -> memref<!tpu.dma_semaphore, #tpu.memory_space<semaphore_mem>>
    tpu.wait_dma2 semaphore(%dma_wait3A_65 : memref<!tpu.dma_semaphore, #tpu.memory_space<semaphore_mem>>) src(%arg5 : memref<128x64xf32, #tpu.memory_space<hbm>>) dst(%arg10 : memref<128x64xf32, #tpu.memory_space<vmem>>)
    %dma_wait3A_66 = arith.constant 4 : i32
    %dma_wait3A_67 = tpu.memref_slice %arg14[%dma_wait3A_66] : memref<10x!tpu.dma_semaphore, #tpu.memory_space<semaphore_mem>> -> memref<1x!tpu.dma_semaphore, #tpu.memory_space<semaphore_mem>>
    %dma_wait3A_68 = tpu.memref_squeeze %dma_wait3A_67 : memref<1x!tpu.dma_semaphore, #tpu.memory_space<semaphore_mem>> -> memref<!tpu.dma_semaphore, #tpu.memory_space<semaphore_mem>>
    tpu.wait_dma2 semaphore(%dma_wait3A_68 : memref<!tpu.dma_semaphore, #tpu.memory_space<semaphore_mem>>) src(%arg5 : memref<128x64xf32, #tpu.memory_space<hbm>>) dst(%arg10 : memref<128x64xf32, #tpu.memory_space<vmem>>)
    %barrier3A = arith.constant 0 : index
    tpu.barrier barrier_id(%barrier3A)
    %dma_start3A_69 = arith.constant 0 : i32
    %dma_start3A_70 = arith.constant 0 : i32
    %dma_start3A_71 = arith.constant 0 : i32
    %dma_start3A_72 = arith.constant 0 : i32
    %dma_start3A_73 = arith.constant 0 : i32
    %dma_start3A_74 = tpu.memref_slice %arg9[%dma_start3A_70, %dma_start3A_72, %dma_start3A_73] : memref<5x128x64xf32, #tpu.memory_space<vmem>> -> memref<1x128x64xf32, #tpu.memory_space<vmem>>
    %dma_start3A_75 = tpu.memref_squeeze %dma_start3A_74 : memref<1x128x64xf32, #tpu.memory_space<vmem>> -> memref<128x64xf32, #tpu.memory_space<vmem>>
    %dma_start3A_76 = arith.constant 0 : i32
    %dma_start3A_77 = tpu.memref_slice %arg7[%dma_start3A_69, %dma_start3A_76] : memref<80x128xi32, #tpu.memory_space<vmem>> -> memref<1x128xi32, #tpu.memory_space<vmem>>
    %dma_start3A_78 = tpu.memref_squeeze %dma_start3A_77 : memref<1x128xi32, #tpu.memory_space<vmem>> -> memref<128xi32, #tpu.memory_space<vmem>>
    %dma_start3A_79 = arith.constant 0 : i32
    %dma_start3A_80 = arith.constant 0 : i32
    %dma_start3A_81 = tpu.memref_slice %arg2[%dma_start3A_79, %dma_start3A_80] : memref<10240x64xf32, #tpu.memory_space<hbm>> -> memref<10240x64xf32, #tpu.memory_space<hbm>>
    %dma_start3A_82 = tpu.memref_slice %arg12[%dma_start3A_71] : memref<5x!tpu.dma_semaphore, #tpu.memory_space<semaphore_mem>> -> memref<1x!tpu.dma_semaphore, #tpu.memory_space<semaphore_mem>>
    %dma_start3A_83 = tpu.memref_squeeze %dma_start3A_82 : memref<1x!tpu.dma_semaphore, #tpu.memory_space<semaphore_mem>> -> memref<!tpu.dma_semaphore, #tpu.memory_space<semaphore_mem>>
    tpu.enqueue_indirect_dma source(%dma_start3A_81 : memref<10240x64xf32, #tpu.memory_space<hbm>>) target(%dma_start3A_75 : memref<128x64xf32, #tpu.memory_space<vmem>>) offsets(%dma_start3A_78 : memref<128xi32, #tpu.memory_space<vmem>>) semaphore(%dma_start3A_83 : memref<!tpu.dma_semaphore, #tpu.memory_space<semaphore_mem>>)
    %dma_start3A_84 = arith.constant 1 : i32
    %dma_start3A_85 = arith.constant 1 : i32
    %dma_start3A_86 = arith.constant 1 : i32
    %dma_start3A_87 = arith.constant 0 : i32
    %dma_start3A_88 = arith.constant 0 : i32
    %dma_start3A_89 = tpu.memref_slice %arg9[%dma_start3A_85, %dma_start3A_87, %dma_start3A_88] : memref<5x128x64xf32, #tpu.memory_space<vmem>> -> memref<1x128x64xf32, #tpu.memory_space<vmem>>
    %dma_start3A_90 = tpu.memref_squeeze %dma_start3A_89 : memref<1x128x64xf32, #tpu.memory_space<vmem>> -> memref<128x64xf32, #tpu.memory_space<vmem>>
    %dma_start3A_91 = arith.constant 0 : i32
    %dma_start3A_92 = tpu.memref_slice %arg7[%dma_start3A_84, %dma_start3A_91] : memref<80x128xi32, #tpu.memory_space<vmem>> -> memref<1x128xi32, #tpu.memory_space<vmem>>
    %dma_start3A_93 = tpu.memref_squeeze %dma_start3A_92 : memref<1x128xi32, #tpu.memory_space<vmem>> -> memref<128xi32, #tpu.memory_space<vmem>>
    %dma_start3A_94 = arith.constant 0 : i32
    %dma_start3A_95 = arith.constant 0 : i32
    %dma_start3A_96 = tpu.memref_slice %arg2[%dma_start3A_94, %dma_start3A_95] : memref<10240x64xf32, #tpu.memory_space<hbm>> -> memref<10240x64xf32, #tpu.memory_space<hbm>>
    %dma_start3A_97 = tpu.memref_slice %arg12[%dma_start3A_86] : memref<5x!tpu.dma_semaphore, #tpu.memory_space<semaphore_mem>> -> memref<1x!tpu.dma_semaphore, #tpu.memory_space<semaphore_mem>>
    %dma_start3A_98 = tpu.memref_squeeze %dma_start3A_97 : memref<1x!tpu.dma_semaphore, #tpu.memory_space<semaphore_mem>> -> memref<!tpu.dma_semaphore, #tpu.memory_space<semaphore_mem>>
    tpu.enqueue_indirect_dma source(%dma_start3A_96 : memref<10240x64xf32, #tpu.memory_space<hbm>>) target(%dma_start3A_90 : memref<128x64xf32, #tpu.memory_space<vmem>>) offsets(%dma_start3A_93 : memref<128xi32, #tpu.memory_space<vmem>>) semaphore(%dma_start3A_98 : memref<!tpu.dma_semaphore, #tpu.memory_space<semaphore_mem>>)
    %dma_start3A_99 = arith.constant 2 : i32
    %dma_start3A_100 = arith.constant 2 : i32
    %dma_start3A_101 = arith.constant 2 : i32
    %dma_start3A_102 = arith.constant 0 : i32
    %dma_start3A_103 = arith.constant 0 : i32
    %dma_start3A_104 = tpu.memref_slice %arg9[%dma_start3A_100, %dma_start3A_102, %dma_start3A_103] : memref<5x128x64xf32, #tpu.memory_space<vmem>> -> memref<1x128x64xf32, #tpu.memory_space<vmem>>
    %dma_start3A_105 = tpu.memref_squeeze %dma_start3A_104 : memref<1x128x64xf32, #tpu.memory_space<vmem>> -> memref<128x64xf32, #tpu.memory_space<vmem>>
    %dma_start3A_106 = arith.constant 0 : i32
    %dma_start3A_107 = tpu.memref_slice %arg7[%dma_start3A_99, %dma_start3A_106] : memref<80x128xi32, #tpu.memory_space<vmem>> -> memref<1x128xi32, #tpu.memory_space<vmem>>
    %dma_start3A_108 = tpu.memref_squeeze %dma_start3A_107 : memref<1x128xi32, #tpu.memory_space<vmem>> -> memref<128xi32, #tpu.memory_space<vmem>>
    %dma_start3A_109 = arith.constant 0 : i32
    %dma_start3A_110 = arith.constant 0 : i32
    %dma_start3A_111 = tpu.memref_slice %arg2[%dma_start3A_109, %dma_start3A_110] : memref<10240x64xf32, #tpu.memory_space<hbm>> -> memref<10240x64xf32, #tpu.memory_space<hbm>>
    %dma_start3A_112 = tpu.memref_slice %arg12[%dma_start3A_101] : memref<5x!tpu.dma_semaphore, #tpu.memory_space<semaphore_mem>> -> memref<1x!tpu.dma_semaphore, #tpu.memory_space<semaphore_mem>>
    %dma_start3A_113 = tpu.memref_squeeze %dma_start3A_112 : memref<1x!tpu.dma_semaphore, #tpu.memory_space<semaphore_mem>> -> memref<!tpu.dma_semaphore, #tpu.memory_space<semaphore_mem>>
    tpu.enqueue_indirect_dma source(%dma_start3A_111 : memref<10240x64xf32, #tpu.memory_space<hbm>>) target(%dma_start3A_105 : memref<128x64xf32, #tpu.memory_space<vmem>>) offsets(%dma_start3A_108 : memref<128xi32, #tpu.memory_space<vmem>>) semaphore(%dma_start3A_113 : memref<!tpu.dma_semaphore, #tpu.memory_space<semaphore_mem>>)
    %scan3A = arith.constant 0 : i32
    %scan3A_114 = arith.constant 0 : i32
    %scan3A_115 = arith.constant 16 : i32
    %scan3A_116 = arith.addi %scan3A_114, %scan3A_115 : i32
    %scan3A_117 = arith.constant 1 : i32
    scf.for %scan3A_540 = %scan3A_114 to %scan3A_116 step %scan3A_117  : i32 {
      %mul3A_541 = arith.constant 5 : i32
      %mul3A_542 = arith.muli %scan3A_540, %mul3A_541 : i32
      %add3A_543 = arith.constant 0 : i32
      %add3A_544 = arith.addi %mul3A_542, %add3A_543 : i32
      %dma_wait3A_545 = arith.constant 0 : i32
      %dma_wait3A_546 = arith.constant 0 : i32
      %dma_wait3A_547 = arith.constant 0 : i32
      %dma_wait3A_548 = arith.constant 0 : i32
      %dma_wait3A_549 = tpu.memref_slice %arg9[%dma_wait3A_545, %dma_wait3A_547, %dma_wait3A_548] : memref<5x128x64xf32, #tpu.memory_space<vmem>> -> memref<1x128x64xf32, #tpu.memory_space<vmem>>
      %dma_wait3A_550 = tpu.memref_squeeze %dma_wait3A_549 : memref<1x128x64xf32, #tpu.memory_space<vmem>> -> memref<128x64xf32, #tpu.memory_space<vmem>>
      %dma_wait3A_551 = arith.constant 0 : i32
      %dma_wait3A_552 = arith.constant 0 : i32
      %dma_wait3A_553 = tpu.memref_slice %arg2[%dma_wait3A_551, %dma_wait3A_552] : memref<10240x64xf32, #tpu.memory_space<hbm>> -> memref<128x64xf32, #tpu.memory_space<hbm>>
      %dma_wait3A_554 = tpu.memref_slice %arg12[%dma_wait3A_546] : memref<5x!tpu.dma_semaphore, #tpu.memory_space<semaphore_mem>> -> memref<1x!tpu.dma_semaphore, #tpu.memory_space<semaphore_mem>>
      %dma_wait3A_555 = tpu.memref_squeeze %dma_wait3A_554 : memref<1x!tpu.dma_semaphore, #tpu.memory_space<semaphore_mem>> -> memref<!tpu.dma_semaphore, #tpu.memory_space<semaphore_mem>>
      %dma_wait3A_556 = arith.constant 0 : i32
      %dma_wait3A_557 = arith.constant 0 : i32
      %dma_wait3A_558 = tpu.memref_slice %arg9[%dma_wait3A_545, %dma_wait3A_556, %dma_wait3A_557] : memref<5x128x64xf32, #tpu.memory_space<vmem>> -> memref<1x128x64xf32, #tpu.memory_space<vmem>>
      %dma_wait3A_559 = tpu.memref_squeeze %dma_wait3A_558 : memref<1x128x64xf32, #tpu.memory_space<vmem>> -> memref<128x64xf32, #tpu.memory_space<vmem>>
      %dma_wait3A_560 = arith.constant 0 : i32
      %dma_wait3A_561 = arith.constant 0 : i32
      %dma_wait3A_562 = tpu.memref_slice %arg2[%dma_wait3A_560, %dma_wait3A_561] : memref<10240x64xf32, #tpu.memory_space<hbm>> -> memref<128x64xf32, #tpu.memory_space<hbm>>
      tpu.wait_dma2 semaphore(%dma_wait3A_555 : memref<!tpu.dma_semaphore, #tpu.memory_space<semaphore_mem>>) src(%dma_wait3A_562 : memref<128x64xf32, #tpu.memory_space<hbm>>) dst(%dma_wait3A_559 : memref<128x64xf32, #tpu.memory_space<vmem>>)
      %dma_start3A_563 = arith.constant 0 : i32
      %dma_start3A_564 = arith.constant 0 : i32
      %dma_start3A_565 = arith.constant 0 : i32
      %dma_start3A_566 = arith.constant 0 : i32
      %dma_start3A_567 = tpu.memref_slice %arg9[%dma_start3A_563, %dma_start3A_565, %dma_start3A_566] : memref<5x128x64xf32, #tpu.memory_space<vmem>> -> memref<1x128x64xf32, #tpu.memory_space<vmem>>
      %dma_start3A_568 = tpu.memref_squeeze %dma_start3A_567 : memref<1x128x64xf32, #tpu.memory_space<vmem>> -> memref<128x64xf32, #tpu.memory_space<vmem>>
      %dma_start3A_569 = arith.constant 0 : i32
      %dma_start3A_570 = tpu.memref_slice %arg8[%add3A_544, %dma_start3A_569] : memref<80x128xi32, #tpu.memory_space<vmem>> -> memref<1x128xi32, #tpu.memory_space<vmem>>
      %dma_start3A_571 = tpu.memref_squeeze %dma_start3A_570 : memref<1x128xi32, #tpu.memory_space<vmem>> -> memref<128xi32, #tpu.memory_space<vmem>>
      %dma_start3A_572 = arith.constant 0 : i32
      %dma_start3A_573 = arith.constant 0 : i32
      %dma_start3A_574 = tpu.memref_slice %arg11[%dma_start3A_572, %dma_start3A_573] : memref<10240x64xf32, #tpu.memory_space<vmem_shared>> -> memref<10240x64xf32, #tpu.memory_space<vmem_shared>>
      %dma_start3A_575 = tpu.memref_slice %arg13[%dma_start3A_564] : memref<5x!tpu.dma_semaphore, #tpu.memory_space<semaphore_mem>> -> memref<1x!tpu.dma_semaphore, #tpu.memory_space<semaphore_mem>>
      %dma_start3A_576 = tpu.memref_squeeze %dma_start3A_575 : memref<1x!tpu.dma_semaphore, #tpu.memory_space<semaphore_mem>> -> memref<!tpu.dma_semaphore, #tpu.memory_space<semaphore_mem>>
      tpu.enqueue_indirect_dma source(%dma_start3A_568 : memref<128x64xf32, #tpu.memory_space<vmem>>) target(%dma_start3A_574 : memref<10240x64xf32, #tpu.memory_space<vmem_shared>>) offsets(%dma_start3A_571 : memref<128xi32, #tpu.memory_space<vmem>>) semaphore(%dma_start3A_576 : memref<!tpu.dma_semaphore, #tpu.memory_space<semaphore_mem>>) {add = true}
      %add3A_577 = arith.constant 3 : i32
      %add3A_578 = arith.addi %add3A_544, %add3A_577 : i32
      %lt3A = arith.constant 80 : i32
      %lt3A_579 = arith.cmpi slt, %add3A_578, %lt3A : i32
      %convert_element_type3A = arith.extui %lt3A_579 : i1 to i32
      %cond3A = arith.constant 0 : i32
      %cond3A_580 = arith.cmpi ne, %convert_element_type3A, %cond3A : i32
      scf.if %cond3A_580 {
        %ge3A = arith.constant 5 : i32
        %ge3A_753 = arith.cmpi sge, %add3A_578, %ge3A : i32
        %convert_element_type3A_754 = arith.extui %ge3A_753 : i1 to i32
        %cond3A_755 = arith.constant 0 : i32
        %cond3A_756 = arith.cmpi ne, %convert_element_type3A_754, %cond3A_755 : i32
        scf.if %cond3A_756 {
          %dma_wait3A_771 = arith.constant 3 : i32
          %dma_wait3A_772 = arith.constant 3 : i32
          %dma_wait3A_773 = arith.constant 0 : i32
          %dma_wait3A_774 = arith.constant 0 : i32
          %dma_wait3A_775 = tpu.memref_slice %arg9[%dma_wait3A_771, %dma_wait3A_773, %dma_wait3A_774] : memref<5x128x64xf32, #tpu.memory_space<vmem>> -> memref<1x128x64xf32, #tpu.memory_space<vmem>>
          %dma_wait3A_776 = tpu.memref_squeeze %dma_wait3A_775 : memref<1x128x64xf32, #tpu.memory_space<vmem>> -> memref<128x64xf32, #tpu.memory_space<vmem>>
          %dma_wait3A_777 = arith.constant 0 : i32
          %dma_wait3A_778 = arith.constant 0 : i32
          %dma_wait3A_779 = tpu.memref_slice %arg2[%dma_wait3A_777, %dma_wait3A_778] : memref<10240x64xf32, #tpu.memory_space<hbm>> -> memref<128x64xf32, #tpu.memory_space<hbm>>
          %dma_wait3A_780 = tpu.memref_slice %arg13[%dma_wait3A_772] : memref<5x!tpu.dma_semaphore, #tpu.memory_space<semaphore_mem>> -> memref<1x!tpu.dma_semaphore, #tpu.memory_space<semaphore_mem>>
          %dma_wait3A_781 = tpu.memref_squeeze %dma_wait3A_780 : memref<1x!tpu.dma_semaphore, #tpu.memory_space<semaphore_mem>> -> memref<!tpu.dma_semaphore, #tpu.memory_space<semaphore_mem>>
          %dma_wait3A_782 = arith.constant 0 : i32
          %dma_wait3A_783 = arith.constant 0 : i32
          %dma_wait3A_784 = tpu.memref_slice %arg9[%dma_wait3A_771, %dma_wait3A_782, %dma_wait3A_783] : memref<5x128x64xf32, #tpu.memory_space<vmem>> -> memref<1x128x64xf32, #tpu.memory_space<vmem>>
          %dma_wait3A_785 = tpu.memref_squeeze %dma_wait3A_784 : memref<1x128x64xf32, #tpu.memory_space<vmem>> -> memref<128x64xf32, #tpu.memory_space<vmem>>
          %dma_wait3A_786 = arith.constant 0 : i32
          %dma_wait3A_787 = arith.constant 0 : i32
          %dma_wait3A_788 = tpu.memref_slice %arg2[%dma_wait3A_786, %dma_wait3A_787] : memref<10240x64xf32, #tpu.memory_space<hbm>> -> memref<128x64xf32, #tpu.memory_space<hbm>>
          tpu.wait_dma2 semaphore(%dma_wait3A_781 : memref<!tpu.dma_semaphore, #tpu.memory_space<semaphore_mem>>) src(%dma_wait3A_788 : memref<128x64xf32, #tpu.memory_space<hbm>>) dst(%dma_wait3A_785 : memref<128x64xf32, #tpu.memory_space<vmem>>)
        } else {
        }
        %dma_start3A_757 = arith.constant 3 : i32
        %dma_start3A_758 = arith.constant 3 : i32
        %dma_start3A_759 = arith.constant 0 : i32
        %dma_start3A_760 = arith.constant 0 : i32
        %dma_start3A_761 = tpu.memref_slice %arg9[%dma_start3A_757, %dma_start3A_759, %dma_start3A_760] : memref<5x128x64xf32, #tpu.memory_space<vmem>> -> memref<1x128x64xf32, #tpu.memory_space<vmem>>
        %dma_start3A_762 = tpu.memref_squeeze %dma_start3A_761 : memref<1x128x64xf32, #tpu.memory_space<vmem>> -> memref<128x64xf32, #tpu.memory_space<vmem>>
        %dma_start3A_763 = arith.constant 0 : i32
        %dma_start3A_764 = tpu.memref_slice %arg7[%add3A_578, %dma_start3A_763] : memref<80x128xi32, #tpu.memory_space<vmem>> -> memref<1x128xi32, #tpu.memory_space<vmem>>
        %dma_start3A_765 = tpu.memref_squeeze %dma_start3A_764 : memref<1x128xi32, #tpu.memory_space<vmem>> -> memref<128xi32, #tpu.memory_space<vmem>>
        %dma_start3A_766 = arith.constant 0 : i32
        %dma_start3A_767 = arith.constant 0 : i32
        %dma_start3A_768 = tpu.memref_slice %arg2[%dma_start3A_766, %dma_start3A_767] : memref<10240x64xf32, #tpu.memory_space<hbm>> -> memref<10240x64xf32, #tpu.memory_space<hbm>>
        %dma_start3A_769 = tpu.memref_slice %arg12[%dma_start3A_758] : memref<5x!tpu.dma_semaphore, #tpu.memory_space<semaphore_mem>> -> memref<1x!tpu.dma_semaphore, #tpu.memory_space<semaphore_mem>>
        %dma_start3A_770 = tpu.memref_squeeze %dma_start3A_769 : memref<1x!tpu.dma_semaphore, #tpu.memory_space<semaphore_mem>> -> memref<!tpu.dma_semaphore, #tpu.memory_space<semaphore_mem>>
        tpu.enqueue_indirect_dma source(%dma_start3A_768 : memref<10240x64xf32, #tpu.memory_space<hbm>>) target(%dma_start3A_762 : memref<128x64xf32, #tpu.memory_space<vmem>>) offsets(%dma_start3A_765 : memref<128xi32, #tpu.memory_space<vmem>>) semaphore(%dma_start3A_770 : memref<!tpu.dma_semaphore, #tpu.memory_space<semaphore_mem>>)
      } else {
      }
      %mul3A_581 = arith.constant 5 : i32
      %mul3A_582 = arith.muli %scan3A_540, %mul3A_581 : i32
      %add3A_583 = arith.constant 1 : i32
      %add3A_584 = arith.addi %mul3A_582, %add3A_583 : i32
      %dma_wait3A_585 = arith.constant 1 : i32
      %dma_wait3A_586 = arith.constant 1 : i32
      %dma_wait3A_587 = arith.constant 0 : i32
      %dma_wait3A_588 = arith.constant 0 : i32
      %dma_wait3A_589 = tpu.memref_slice %arg9[%dma_wait3A_585, %dma_wait3A_587, %dma_wait3A_588] : memref<5x128x64xf32, #tpu.memory_space<vmem>> -> memref<1x128x64xf32, #tpu.memory_space<vmem>>
      %dma_wait3A_590 = tpu.memref_squeeze %dma_wait3A_589 : memref<1x128x64xf32, #tpu.memory_space<vmem>> -> memref<128x64xf32, #tpu.memory_space<vmem>>
      %dma_wait3A_591 = arith.constant 0 : i32
      %dma_wait3A_592 = arith.constant 0 : i32
      %dma_wait3A_593 = tpu.memref_slice %arg2[%dma_wait3A_591, %dma_wait3A_592] : memref<10240x64xf32, #tpu.memory_space<hbm>> -> memref<128x64xf32, #tpu.memory_space<hbm>>
      %dma_wait3A_594 = tpu.memref_slice %arg12[%dma_wait3A_586] : memref<5x!tpu.dma_semaphore, #tpu.memory_space<semaphore_mem>> -> memref<1x!tpu.dma_semaphore, #tpu.memory_space<semaphore_mem>>
      %dma_wait3A_595 = tpu.memref_squeeze %dma_wait3A_594 : memref<1x!tpu.dma_semaphore, #tpu.memory_space<semaphore_mem>> -> memref<!tpu.dma_semaphore, #tpu.memory_space<semaphore_mem>>
      %dma_wait3A_596 = arith.constant 0 : i32
      %dma_wait3A_597 = arith.constant 0 : i32
      %dma_wait3A_598 = tpu.memref_slice %arg9[%dma_wait3A_585, %dma_wait3A_596, %dma_wait3A_597] : memref<5x128x64xf32, #tpu.memory_space<vmem>> -> memref<1x128x64xf32, #tpu.memory_space<vmem>>
      %dma_wait3A_599 = tpu.memref_squeeze %dma_wait3A_598 : memref<1x128x64xf32, #tpu.memory_space<vmem>> -> memref<128x64xf32, #tpu.memory_space<vmem>>
      %dma_wait3A_600 = arith.constant 0 : i32
      %dma_wait3A_601 = arith.constant 0 : i32
      %dma_wait3A_602 = tpu.memref_slice %arg2[%dma_wait3A_600, %dma_wait3A_601] : memref<10240x64xf32, #tpu.memory_space<hbm>> -> memref<128x64xf32, #tpu.memory_space<hbm>>
      tpu.wait_dma2 semaphore(%dma_wait3A_595 : memref<!tpu.dma_semaphore, #tpu.memory_space<semaphore_mem>>) src(%dma_wait3A_602 : memref<128x64xf32, #tpu.memory_space<hbm>>) dst(%dma_wait3A_599 : memref<128x64xf32, #tpu.memory_space<vmem>>)
      %dma_start3A_603 = arith.constant 1 : i32
      %dma_start3A_604 = arith.constant 1 : i32
      %dma_start3A_605 = arith.constant 0 : i32
      %dma_start3A_606 = arith.constant 0 : i32
      %dma_start3A_607 = tpu.memref_slice %arg9[%dma_start3A_603, %dma_start3A_605, %dma_start3A_606] : memref<5x128x64xf32, #tpu.memory_space<vmem>> -> memref<1x128x64xf32, #tpu.memory_space<vmem>>
      %dma_start3A_608 = tpu.memref_squeeze %dma_start3A_607 : memref<1x128x64xf32, #tpu.memory_space<vmem>> -> memref<128x64xf32, #tpu.memory_space<vmem>>
      %dma_start3A_609 = arith.constant 0 : i32
      %dma_start3A_610 = tpu.memref_slice %arg8[%add3A_584, %dma_start3A_609] : memref<80x128xi32, #tpu.memory_space<vmem>> -> memref<1x128xi32, #tpu.memory_space<vmem>>
      %dma_start3A_611 = tpu.memref_squeeze %dma_start3A_610 : memref<1x128xi32, #tpu.memory_space<vmem>> -> memref<128xi32, #tpu.memory_space<vmem>>
      %dma_start3A_612 = arith.constant 0 : i32
      %dma_start3A_613 = arith.constant 0 : i32
      %dma_start3A_614 = tpu.memref_slice %arg11[%dma_start3A_612, %dma_start3A_613] : memref<10240x64xf32, #tpu.memory_space<vmem_shared>> -> memref<10240x64xf32, #tpu.memory_space<vmem_shared>>
      %dma_start3A_615 = tpu.memref_slice %arg13[%dma_start3A_604] : memref<5x!tpu.dma_semaphore, #tpu.memory_space<semaphore_mem>> -> memref<1x!tpu.dma_semaphore, #tpu.memory_space<semaphore_mem>>
      %dma_start3A_616 = tpu.memref_squeeze %dma_start3A_615 : memref<1x!tpu.dma_semaphore, #tpu.memory_space<semaphore_mem>> -> memref<!tpu.dma_semaphore, #tpu.memory_space<semaphore_mem>>
      tpu.enqueue_indirect_dma source(%dma_start3A_608 : memref<128x64xf32, #tpu.memory_space<vmem>>) target(%dma_start3A_614 : memref<10240x64xf32, #tpu.memory_space<vmem_shared>>) offsets(%dma_start3A_611 : memref<128xi32, #tpu.memory_space<vmem>>) semaphore(%dma_start3A_616 : memref<!tpu.dma_semaphore, #tpu.memory_space<semaphore_mem>>) {add = true}
      %add3A_617 = arith.constant 3 : i32
      %add3A_618 = arith.addi %add3A_584, %add3A_617 : i32
      %lt3A_619 = arith.constant 80 : i32
      %lt3A_620 = arith.cmpi slt, %add3A_618, %lt3A_619 : i32
      %convert_element_type3A_621 = arith.extui %lt3A_620 : i1 to i32
      %cond3A_622 = arith.constant 0 : i32
      %cond3A_623 = arith.cmpi ne, %convert_element_type3A_621, %cond3A_622 : i32
      scf.if %cond3A_623 {
        %ge3A = arith.constant 5 : i32
        %ge3A_753 = arith.cmpi sge, %add3A_618, %ge3A : i32
        %convert_element_type3A_754 = arith.extui %ge3A_753 : i1 to i32
        %cond3A_755 = arith.constant 0 : i32
        %cond3A_756 = arith.cmpi ne, %convert_element_type3A_754, %cond3A_755 : i32
        scf.if %cond3A_756 {
          %dma_wait3A_771 = arith.constant 4 : i32
          %dma_wait3A_772 = arith.constant 4 : i32
          %dma_wait3A_773 = arith.constant 0 : i32
          %dma_wait3A_774 = arith.constant 0 : i32
          %dma_wait3A_775 = tpu.memref_slice %arg9[%dma_wait3A_771, %dma_wait3A_773, %dma_wait3A_774] : memref<5x128x64xf32, #tpu.memory_space<vmem>> -> memref<1x128x64xf32, #tpu.memory_space<vmem>>
          %dma_wait3A_776 = tpu.memref_squeeze %dma_wait3A_775 : memref<1x128x64xf32, #tpu.memory_space<vmem>> -> memref<128x64xf32, #tpu.memory_space<vmem>>
          %dma_wait3A_777 = arith.constant 0 : i32
          %dma_wait3A_778 = arith.constant 0 : i32
          %dma_wait3A_779 = tpu.memref_slice %arg2[%dma_wait3A_777, %dma_wait3A_778] : memref<10240x64xf32, #tpu.memory_space<hbm>> -> memref<128x64xf32, #tpu.memory_space<hbm>>
          %dma_wait3A_780 = tpu.memref_slice %arg13[%dma_wait3A_772] : memref<5x!tpu.dma_semaphore, #tpu.memory_space<semaphore_mem>> -> memref<1x!tpu.dma_semaphore, #tpu.memory_space<semaphore_mem>>
          %dma_wait3A_781 = tpu.memref_squeeze %dma_wait3A_780 : memref<1x!tpu.dma_semaphore, #tpu.memory_space<semaphore_mem>> -> memref<!tpu.dma_semaphore, #tpu.memory_space<semaphore_mem>>
          %dma_wait3A_782 = arith.constant 0 : i32
          %dma_wait3A_783 = arith.constant 0 : i32
          %dma_wait3A_784 = tpu.memref_slice %arg9[%dma_wait3A_771, %dma_wait3A_782, %dma_wait3A_783] : memref<5x128x64xf32, #tpu.memory_space<vmem>> -> memref<1x128x64xf32, #tpu.memory_space<vmem>>
          %dma_wait3A_785 = tpu.memref_squeeze %dma_wait3A_784 : memref<1x128x64xf32, #tpu.memory_space<vmem>> -> memref<128x64xf32, #tpu.memory_space<vmem>>
          %dma_wait3A_786 = arith.constant 0 : i32
          %dma_wait3A_787 = arith.constant 0 : i32
          %dma_wait3A_788 = tpu.memref_slice %arg2[%dma_wait3A_786, %dma_wait3A_787] : memref<10240x64xf32, #tpu.memory_space<hbm>> -> memref<128x64xf32, #tpu.memory_space<hbm>>
          tpu.wait_dma2 semaphore(%dma_wait3A_781 : memref<!tpu.dma_semaphore, #tpu.memory_space<semaphore_mem>>) src(%dma_wait3A_788 : memref<128x64xf32, #tpu.memory_space<hbm>>) dst(%dma_wait3A_785 : memref<128x64xf32, #tpu.memory_space<vmem>>)
        } else {
        }
        %dma_start3A_757 = arith.constant 4 : i32
        %dma_start3A_758 = arith.constant 4 : i32
        %dma_start3A_759 = arith.constant 0 : i32
        %dma_start3A_760 = arith.constant 0 : i32
        %dma_start3A_761 = tpu.memref_slice %arg9[%dma_start3A_757, %dma_start3A_759, %dma_start3A_760] : memref<5x128x64xf32, #tpu.memory_space<vmem>> -> memref<1x128x64xf32, #tpu.memory_space<vmem>>
        %dma_start3A_762 = tpu.memref_squeeze %dma_start3A_761 : memref<1x128x64xf32, #tpu.memory_space<vmem>> -> memref<128x64xf32, #tpu.memory_space<vmem>>
        %dma_start3A_763 = arith.constant 0 : i32
        %dma_start3A_764 = tpu.memref_slice %arg7[%add3A_618, %dma_start3A_763] : memref<80x128xi32, #tpu.memory_space<vmem>> -> memref<1x128xi32, #tpu.memory_space<vmem>>
        %dma_start3A_765 = tpu.memref_squeeze %dma_start3A_764 : memref<1x128xi32, #tpu.memory_space<vmem>> -> memref<128xi32, #tpu.memory_space<vmem>>
        %dma_start3A_766 = arith.constant 0 : i32
        %dma_start3A_767 = arith.constant 0 : i32
        %dma_start3A_768 = tpu.memref_slice %arg2[%dma_start3A_766, %dma_start3A_767] : memref<10240x64xf32, #tpu.memory_space<hbm>> -> memref<10240x64xf32, #tpu.memory_space<hbm>>
        %dma_start3A_769 = tpu.memref_slice %arg12[%dma_start3A_758] : memref<5x!tpu.dma_semaphore, #tpu.memory_space<semaphore_mem>> -> memref<1x!tpu.dma_semaphore, #tpu.memory_space<semaphore_mem>>
        %dma_start3A_770 = tpu.memref_squeeze %dma_start3A_769 : memref<1x!tpu.dma_semaphore, #tpu.memory_space<semaphore_mem>> -> memref<!tpu.dma_semaphore, #tpu.memory_space<semaphore_mem>>
        tpu.enqueue_indirect_dma source(%dma_start3A_768 : memref<10240x64xf32, #tpu.memory_space<hbm>>) target(%dma_start3A_762 : memref<128x64xf32, #tpu.memory_space<vmem>>) offsets(%dma_start3A_765 : memref<128xi32, #tpu.memory_space<vmem>>) semaphore(%dma_start3A_770 : memref<!tpu.dma_semaphore, #tpu.memory_space<semaphore_mem>>)
      } else {
      }
      %mul3A_624 = arith.constant 5 : i32
      %mul3A_625 = arith.muli %scan3A_540, %mul3A_624 : i32
      %add3A_626 = arith.constant 2 : i32
      %add3A_627 = arith.addi %mul3A_625, %add3A_626 : i32
      %dma_wait3A_628 = arith.constant 2 : i32
      %dma_wait3A_629 = arith.constant 2 : i32
      %dma_wait3A_630 = arith.constant 0 : i32
      %dma_wait3A_631 = arith.constant 0 : i32
      %dma_wait3A_632 = tpu.memref_slice %arg9[%dma_wait3A_628, %dma_wait3A_630, %dma_wait3A_631] : memref<5x128x64xf32, #tpu.memory_space<vmem>> -> memref<1x128x64xf32, #tpu.memory_space<vmem>>
      %dma_wait3A_633 = tpu.memref_squeeze %dma_wait3A_632 : memref<1x128x64xf32, #tpu.memory_space<vmem>> -> memref<128x64xf32, #tpu.memory_space<vmem>>
      %dma_wait3A_634 = arith.constant 0 : i32
      %dma_wait3A_635 = arith.constant 0 : i32
      %dma_wait3A_636 = tpu.memref_slice %arg2[%dma_wait3A_634, %dma_wait3A_635] : memref<10240x64xf32, #tpu.memory_space<hbm>> -> memref<128x64xf32, #tpu.memory_space<hbm>>
      %dma_wait3A_637 = tpu.memref_slice %arg12[%dma_wait3A_629] : memref<5x!tpu.dma_semaphore, #tpu.memory_space<semaphore_mem>> -> memref<1x!tpu.dma_semaphore, #tpu.memory_space<semaphore_mem>>
      %dma_wait3A_638 = tpu.memref_squeeze %dma_wait3A_637 : memref<1x!tpu.dma_semaphore, #tpu.memory_space<semaphore_mem>> -> memref<!tpu.dma_semaphore, #tpu.memory_space<semaphore_mem>>
      %dma_wait3A_639 = arith.constant 0 : i32
      %dma_wait3A_640 = arith.constant 0 : i32
      %dma_wait3A_641 = tpu.memref_slice %arg9[%dma_wait3A_628, %dma_wait3A_639, %dma_wait3A_640] : memref<5x128x64xf32, #tpu.memory_space<vmem>> -> memref<1x128x64xf32, #tpu.memory_space<vmem>>
      %dma_wait3A_642 = tpu.memref_squeeze %dma_wait3A_641 : memref<1x128x64xf32, #tpu.memory_space<vmem>> -> memref<128x64xf32, #tpu.memory_space<vmem>>
      %dma_wait3A_643 = arith.constant 0 : i32
      %dma_wait3A_644 = arith.constant 0 : i32
      %dma_wait3A_645 = tpu.memref_slice %arg2[%dma_wait3A_643, %dma_wait3A_644] : memref<10240x64xf32, #tpu.memory_space<hbm>> -> memref<128x64xf32, #tpu.memory_space<hbm>>
      tpu.wait_dma2 semaphore(%dma_wait3A_638 : memref<!tpu.dma_semaphore, #tpu.memory_space<semaphore_mem>>) src(%dma_wait3A_645 : memref<128x64xf32, #tpu.memory_space<hbm>>) dst(%dma_wait3A_642 : memref<128x64xf32, #tpu.memory_space<vmem>>)
      %dma_start3A_646 = arith.constant 2 : i32
      %dma_start3A_647 = arith.constant 2 : i32
      %dma_start3A_648 = arith.constant 0 : i32
      %dma_start3A_649 = arith.constant 0 : i32
      %dma_start3A_650 = tpu.memref_slice %arg9[%dma_start3A_646, %dma_start3A_648, %dma_start3A_649] : memref<5x128x64xf32, #tpu.memory_space<vmem>> -> memref<1x128x64xf32, #tpu.memory_space<vmem>>
      %dma_start3A_651 = tpu.memref_squeeze %dma_start3A_650 : memref<1x128x64xf32, #tpu.memory_space<vmem>> -> memref<128x64xf32, #tpu.memory_space<vmem>>
      %dma_start3A_652 = arith.constant 0 : i32
      %dma_start3A_653 = tpu.memref_slice %arg8[%add3A_627, %dma_start3A_652] : memref<80x128xi32, #tpu.memory_space<vmem>> -> memref<1x128xi32, #tpu.memory_space<vmem>>
      %dma_start3A_654 = tpu.memref_squeeze %dma_start3A_653 : memref<1x128xi32, #tpu.memory_space<vmem>> -> memref<128xi32, #tpu.memory_space<vmem>>
      %dma_start3A_655 = arith.constant 0 : i32
      %dma_start3A_656 = arith.constant 0 : i32
      %dma_start3A_657 = tpu.memref_slice %arg11[%dma_start3A_655, %dma_start3A_656] : memref<10240x64xf32, #tpu.memory_space<vmem_shared>> -> memref<10240x64xf32, #tpu.memory_space<vmem_shared>>
      %dma_start3A_658 = tpu.memref_slice %arg13[%dma_start3A_647] : memref<5x!tpu.dma_semaphore, #tpu.memory_space<semaphore_mem>> -> memref<1x!tpu.dma_semaphore, #tpu.memory_space<semaphore_mem>>
      %dma_start3A_659 = tpu.memref_squeeze %dma_start3A_658 : memref<1x!tpu.dma_semaphore, #tpu.memory_space<semaphore_mem>> -> memref<!tpu.dma_semaphore, #tpu.memory_space<semaphore_mem>>
      tpu.enqueue_indirect_dma source(%dma_start3A_651 : memref<128x64xf32, #tpu.memory_space<vmem>>) target(%dma_start3A_657 : memref<10240x64xf32, #tpu.memory_space<vmem_shared>>) offsets(%dma_start3A_654 : memref<128xi32, #tpu.memory_space<vmem>>) semaphore(%dma_start3A_659 : memref<!tpu.dma_semaphore, #tpu.memory_space<semaphore_mem>>) {add = true}
      %add3A_660 = arith.constant 3 : i32
      %add3A_661 = arith.addi %add3A_627, %add3A_660 : i32
      %lt3A_662 = arith.constant 80 : i32
      %lt3A_663 = arith.cmpi slt, %add3A_661, %lt3A_662 : i32
      %convert_element_type3A_664 = arith.extui %lt3A_663 : i1 to i32
      %cond3A_665 = arith.constant 0 : i32
      %cond3A_666 = arith.cmpi ne, %convert_element_type3A_664, %cond3A_665 : i32
      scf.if %cond3A_666 {
        %ge3A = arith.constant 5 : i32
        %ge3A_753 = arith.cmpi sge, %add3A_661, %ge3A : i32
        %convert_element_type3A_754 = arith.extui %ge3A_753 : i1 to i32
        %cond3A_755 = arith.constant 0 : i32
        %cond3A_756 = arith.cmpi ne, %convert_element_type3A_754, %cond3A_755 : i32
        scf.if %cond3A_756 {
          %dma_wait3A_771 = arith.constant 0 : i32
          %dma_wait3A_772 = arith.constant 0 : i32
          %dma_wait3A_773 = arith.constant 0 : i32
          %dma_wait3A_774 = arith.constant 0 : i32
          %dma_wait3A_775 = tpu.memref_slice %arg9[%dma_wait3A_771, %dma_wait3A_773, %dma_wait3A_774] : memref<5x128x64xf32, #tpu.memory_space<vmem>> -> memref<1x128x64xf32, #tpu.memory_space<vmem>>
          %dma_wait3A_776 = tpu.memref_squeeze %dma_wait3A_775 : memref<1x128x64xf32, #tpu.memory_space<vmem>> -> memref<128x64xf32, #tpu.memory_space<vmem>>
          %dma_wait3A_777 = arith.constant 0 : i32
          %dma_wait3A_778 = arith.constant 0 : i32
          %dma_wait3A_779 = tpu.memref_slice %arg2[%dma_wait3A_777, %dma_wait3A_778] : memref<10240x64xf32, #tpu.memory_space<hbm>> -> memref<128x64xf32, #tpu.memory_space<hbm>>
          %dma_wait3A_780 = tpu.memref_slice %arg13[%dma_wait3A_772] : memref<5x!tpu.dma_semaphore, #tpu.memory_space<semaphore_mem>> -> memref<1x!tpu.dma_semaphore, #tpu.memory_space<semaphore_mem>>
          %dma_wait3A_781 = tpu.memref_squeeze %dma_wait3A_780 : memref<1x!tpu.dma_semaphore, #tpu.memory_space<semaphore_mem>> -> memref<!tpu.dma_semaphore, #tpu.memory_space<semaphore_mem>>
          %dma_wait3A_782 = arith.constant 0 : i32
          %dma_wait3A_783 = arith.constant 0 : i32
          %dma_wait3A_784 = tpu.memref_slice %arg9[%dma_wait3A_771, %dma_wait3A_782, %dma_wait3A_783] : memref<5x128x64xf32, #tpu.memory_space<vmem>> -> memref<1x128x64xf32, #tpu.memory_space<vmem>>
          %dma_wait3A_785 = tpu.memref_squeeze %dma_wait3A_784 : memref<1x128x64xf32, #tpu.memory_space<vmem>> -> memref<128x64xf32, #tpu.memory_space<vmem>>
          %dma_wait3A_786 = arith.constant 0 : i32
          %dma_wait3A_787 = arith.constant 0 : i32
          %dma_wait3A_788 = tpu.memref_slice %arg2[%dma_wait3A_786, %dma_wait3A_787] : memref<10240x64xf32, #tpu.memory_space<hbm>> -> memref<128x64xf32, #tpu.memory_space<hbm>>
          tpu.wait_dma2 semaphore(%dma_wait3A_781 : memref<!tpu.dma_semaphore, #tpu.memory_space<semaphore_mem>>) src(%dma_wait3A_788 : memref<128x64xf32, #tpu.memory_space<hbm>>) dst(%dma_wait3A_785 : memref<128x64xf32, #tpu.memory_space<vmem>>)
        } else {
        }
        %dma_start3A_757 = arith.constant 0 : i32
        %dma_start3A_758 = arith.constant 0 : i32
        %dma_start3A_759 = arith.constant 0 : i32
        %dma_start3A_760 = arith.constant 0 : i32
        %dma_start3A_761 = tpu.memref_slice %arg9[%dma_start3A_757, %dma_start3A_759, %dma_start3A_760] : memref<5x128x64xf32, #tpu.memory_space<vmem>> -> memref<1x128x64xf32, #tpu.memory_space<vmem>>
        %dma_start3A_762 = tpu.memref_squeeze %dma_start3A_761 : memref<1x128x64xf32, #tpu.memory_space<vmem>> -> memref<128x64xf32, #tpu.memory_space<vmem>>
        %dma_start3A_763 = arith.constant 0 : i32
        %dma_start3A_764 = tpu.memref_slice %arg7[%add3A_661, %dma_start3A_763] : memref<80x128xi32, #tpu.memory_space<vmem>> -> memref<1x128xi32, #tpu.memory_space<vmem>>
        %dma_start3A_765 = tpu.memref_squeeze %dma_start3A_764 : memref<1x128xi32, #tpu.memory_space<vmem>> -> memref<128xi32, #tpu.memory_space<vmem>>
        %dma_start3A_766 = arith.constant 0 : i32
        %dma_start3A_767 = arith.constant 0 : i32
        %dma_start3A_768 = tpu.memref_slice %arg2[%dma_start3A_766, %dma_start3A_767] : memref<10240x64xf32, #tpu.memory_space<hbm>> -> memref<10240x64xf32, #tpu.memory_space<hbm>>
        %dma_start3A_769 = tpu.memref_slice %arg12[%dma_start3A_758] : memref<5x!tpu.dma_semaphore, #tpu.memory_space<semaphore_mem>> -> memref<1x!tpu.dma_semaphore, #tpu.memory_space<semaphore_mem>>
        %dma_start3A_770 = tpu.memref_squeeze %dma_start3A_769 : memref<1x!tpu.dma_semaphore, #tpu.memory_space<semaphore_mem>> -> memref<!tpu.dma_semaphore, #tpu.memory_space<semaphore_mem>>
        tpu.enqueue_indirect_dma source(%dma_start3A_768 : memref<10240x64xf32, #tpu.memory_space<hbm>>) target(%dma_start3A_762 : memref<128x64xf32, #tpu.memory_space<vmem>>) offsets(%dma_start3A_765 : memref<128xi32, #tpu.memory_space<vmem>>) semaphore(%dma_start3A_770 : memref<!tpu.dma_semaphore, #tpu.memory_space<semaphore_mem>>)
      } else {
      }
      %mul3A_667 = arith.constant 5 : i32
      %mul3A_668 = arith.muli %scan3A_540, %mul3A_667 : i32
      %add3A_669 = arith.constant 3 : i32
      %add3A_670 = arith.addi %mul3A_668, %add3A_669 : i32
      %dma_wait3A_671 = arith.constant 3 : i32
      %dma_wait3A_672 = arith.constant 3 : i32
      %dma_wait3A_673 = arith.constant 0 : i32
      %dma_wait3A_674 = arith.constant 0 : i32
      %dma_wait3A_675 = tpu.memref_slice %arg9[%dma_wait3A_671, %dma_wait3A_673, %dma_wait3A_674] : memref<5x128x64xf32, #tpu.memory_space<vmem>> -> memref<1x128x64xf32, #tpu.memory_space<vmem>>
      %dma_wait3A_676 = tpu.memref_squeeze %dma_wait3A_675 : memref<1x128x64xf32, #tpu.memory_space<vmem>> -> memref<128x64xf32, #tpu.memory_space<vmem>>
      %dma_wait3A_677 = arith.constant 0 : i32
      %dma_wait3A_678 = arith.constant 0 : i32
      %dma_wait3A_679 = tpu.memref_slice %arg2[%dma_wait3A_677, %dma_wait3A_678] : memref<10240x64xf32, #tpu.memory_space<hbm>> -> memref<128x64xf32, #tpu.memory_space<hbm>>
      %dma_wait3A_680 = tpu.memref_slice %arg12[%dma_wait3A_672] : memref<5x!tpu.dma_semaphore, #tpu.memory_space<semaphore_mem>> -> memref<1x!tpu.dma_semaphore, #tpu.memory_space<semaphore_mem>>
      %dma_wait3A_681 = tpu.memref_squeeze %dma_wait3A_680 : memref<1x!tpu.dma_semaphore, #tpu.memory_space<semaphore_mem>> -> memref<!tpu.dma_semaphore, #tpu.memory_space<semaphore_mem>>
      %dma_wait3A_682 = arith.constant 0 : i32
      %dma_wait3A_683 = arith.constant 0 : i32
      %dma_wait3A_684 = tpu.memref_slice %arg9[%dma_wait3A_671, %dma_wait3A_682, %dma_wait3A_683] : memref<5x128x64xf32, #tpu.memory_space<vmem>> -> memref<1x128x64xf32, #tpu.memory_space<vmem>>
      %dma_wait3A_685 = tpu.memref_squeeze %dma_wait3A_684 : memref<1x128x64xf32, #tpu.memory_space<vmem>> -> memref<128x64xf32, #tpu.memory_space<vmem>>
      %dma_wait3A_686 = arith.constant 0 : i32
      %dma_wait3A_687 = arith.constant 0 : i32
      %dma_wait3A_688 = tpu.memref_slice %arg2[%dma_wait3A_686, %dma_wait3A_687] : memref<10240x64xf32, #tpu.memory_space<hbm>> -> memref<128x64xf32, #tpu.memory_space<hbm>>
      tpu.wait_dma2 semaphore(%dma_wait3A_681 : memref<!tpu.dma_semaphore, #tpu.memory_space<semaphore_mem>>) src(%dma_wait3A_688 : memref<128x64xf32, #tpu.memory_space<hbm>>) dst(%dma_wait3A_685 : memref<128x64xf32, #tpu.memory_space<vmem>>)
      %dma_start3A_689 = arith.constant 3 : i32
      %dma_start3A_690 = arith.constant 3 : i32
      %dma_start3A_691 = arith.constant 0 : i32
      %dma_start3A_692 = arith.constant 0 : i32
      %dma_start3A_693 = tpu.memref_slice %arg9[%dma_start3A_689, %dma_start3A_691, %dma_start3A_692] : memref<5x128x64xf32, #tpu.memory_space<vmem>> -> memref<1x128x64xf32, #tpu.memory_space<vmem>>
      %dma_start3A_694 = tpu.memref_squeeze %dma_start3A_693 : memref<1x128x64xf32, #tpu.memory_space<vmem>> -> memref<128x64xf32, #tpu.memory_space<vmem>>
      %dma_start3A_695 = arith.constant 0 : i32
      %dma_start3A_696 = tpu.memref_slice %arg8[%add3A_670, %dma_start3A_695] : memref<80x128xi32, #tpu.memory_space<vmem>> -> memref<1x128xi32, #tpu.memory_space<vmem>>
      %dma_start3A_697 = tpu.memref_squeeze %dma_start3A_696 : memref<1x128xi32, #tpu.memory_space<vmem>> -> memref<128xi32, #tpu.memory_space<vmem>>
      %dma_start3A_698 = arith.constant 0 : i32
      %dma_start3A_699 = arith.constant 0 : i32
      %dma_start3A_700 = tpu.memref_slice %arg11[%dma_start3A_698, %dma_start3A_699] : memref<10240x64xf32, #tpu.memory_space<vmem_shared>> -> memref<10240x64xf32, #tpu.memory_space<vmem_shared>>
      %dma_start3A_701 = tpu.memref_slice %arg13[%dma_start3A_690] : memref<5x!tpu.dma_semaphore, #tpu.memory_space<semaphore_mem>> -> memref<1x!tpu.dma_semaphore, #tpu.memory_space<semaphore_mem>>
      %dma_start3A_702 = tpu.memref_squeeze %dma_start3A_701 : memref<1x!tpu.dma_semaphore, #tpu.memory_space<semaphore_mem>> -> memref<!tpu.dma_semaphore, #tpu.memory_space<semaphore_mem>>
      tpu.enqueue_indirect_dma source(%dma_start3A_694 : memref<128x64xf32, #tpu.memory_space<vmem>>) target(%dma_start3A_700 : memref<10240x64xf32, #tpu.memory_space<vmem_shared>>) offsets(%dma_start3A_697 : memref<128xi32, #tpu.memory_space<vmem>>) semaphore(%dma_start3A_702 : memref<!tpu.dma_semaphore, #tpu.memory_space<semaphore_mem>>) {add = true}
      %add3A_703 = arith.constant 3 : i32
      %add3A_704 = arith.addi %add3A_670, %add3A_703 : i32
      %lt3A_705 = arith.constant 80 : i32
      %lt3A_706 = arith.cmpi slt, %add3A_704, %lt3A_705 : i32
      %convert_element_type3A_707 = arith.extui %lt3A_706 : i1 to i32
      %cond3A_708 = arith.constant 0 : i32
      %cond3A_709 = arith.cmpi ne, %convert_element_type3A_707, %cond3A_708 : i32
      scf.if %cond3A_709 {
        %ge3A = arith.constant 5 : i32
        %ge3A_753 = arith.cmpi sge, %add3A_704, %ge3A : i32
        %convert_element_type3A_754 = arith.extui %ge3A_753 : i1 to i32
        %cond3A_755 = arith.constant 0 : i32
        %cond3A_756 = arith.cmpi ne, %convert_element_type3A_754, %cond3A_755 : i32
        scf.if %cond3A_756 {
          %dma_wait3A_771 = arith.constant 1 : i32
          %dma_wait3A_772 = arith.constant 1 : i32
          %dma_wait3A_773 = arith.constant 0 : i32
          %dma_wait3A_774 = arith.constant 0 : i32
          %dma_wait3A_775 = tpu.memref_slice %arg9[%dma_wait3A_771, %dma_wait3A_773, %dma_wait3A_774] : memref<5x128x64xf32, #tpu.memory_space<vmem>> -> memref<1x128x64xf32, #tpu.memory_space<vmem>>
          %dma_wait3A_776 = tpu.memref_squeeze %dma_wait3A_775 : memref<1x128x64xf32, #tpu.memory_space<vmem>> -> memref<128x64xf32, #tpu.memory_space<vmem>>
          %dma_wait3A_777 = arith.constant 0 : i32
          %dma_wait3A_778 = arith.constant 0 : i32
          %dma_wait3A_779 = tpu.memref_slice %arg2[%dma_wait3A_777, %dma_wait3A_778] : memref<10240x64xf32, #tpu.memory_space<hbm>> -> memref<128x64xf32, #tpu.memory_space<hbm>>
          %dma_wait3A_780 = tpu.memref_slice %arg13[%dma_wait3A_772] : memref<5x!tpu.dma_semaphore, #tpu.memory_space<semaphore_mem>> -> memref<1x!tpu.dma_semaphore, #tpu.memory_space<semaphore_mem>>
          %dma_wait3A_781 = tpu.memref_squeeze %dma_wait3A_780 : memref<1x!tpu.dma_semaphore, #tpu.memory_space<semaphore_mem>> -> memref<!tpu.dma_semaphore, #tpu.memory_space<semaphore_mem>>
          %dma_wait3A_782 = arith.constant 0 : i32
          %dma_wait3A_783 = arith.constant 0 : i32
          %dma_wait3A_784 = tpu.memref_slice %arg9[%dma_wait3A_771, %dma_wait3A_782, %dma_wait3A_783] : memref<5x128x64xf32, #tpu.memory_space<vmem>> -> memref<1x128x64xf32, #tpu.memory_space<vmem>>
          %dma_wait3A_785 = tpu.memref_squeeze %dma_wait3A_784 : memref<1x128x64xf32, #tpu.memory_space<vmem>> -> memref<128x64xf32, #tpu.memory_space<vmem>>
          %dma_wait3A_786 = arith.constant 0 : i32
          %dma_wait3A_787 = arith.constant 0 : i32
          %dma_wait3A_788 = tpu.memref_slice %arg2[%dma_wait3A_786, %dma_wait3A_787] : memref<10240x64xf32, #tpu.memory_space<hbm>> -> memref<128x64xf32, #tpu.memory_space<hbm>>
          tpu.wait_dma2 semaphore(%dma_wait3A_781 : memref<!tpu.dma_semaphore, #tpu.memory_space<semaphore_mem>>) src(%dma_wait3A_788 : memref<128x64xf32, #tpu.memory_space<hbm>>) dst(%dma_wait3A_785 : memref<128x64xf32, #tpu.memory_space<vmem>>)
        } else {
        }
        %dma_start3A_757 = arith.constant 1 : i32
        %dma_start3A_758 = arith.constant 1 : i32
        %dma_start3A_759 = arith.constant 0 : i32
        %dma_start3A_760 = arith.constant 0 : i32
        %dma_start3A_761 = tpu.memref_slice %arg9[%dma_start3A_757, %dma_start3A_759, %dma_start3A_760] : memref<5x128x64xf32, #tpu.memory_space<vmem>> -> memref<1x128x64xf32, #tpu.memory_space<vmem>>
        %dma_start3A_762 = tpu.memref_squeeze %dma_start3A_761 : memref<1x128x64xf32, #tpu.memory_space<vmem>> -> memref<128x64xf32, #tpu.memory_space<vmem>>
        %dma_start3A_763 = arith.constant 0 : i32
        %dma_start3A_764 = tpu.memref_slice %arg7[%add3A_704, %dma_start3A_763] : memref<80x128xi32, #tpu.memory_space<vmem>> -> memref<1x128xi32, #tpu.memory_space<vmem>>
        %dma_start3A_765 = tpu.memref_squeeze %dma_start3A_764 : memref<1x128xi32, #tpu.memory_space<vmem>> -> memref<128xi32, #tpu.memory_space<vmem>>
        %dma_start3A_766 = arith.constant 0 : i32
        %dma_start3A_767 = arith.constant 0 : i32
        %dma_start3A_768 = tpu.memref_slice %arg2[%dma_start3A_766, %dma_start3A_767] : memref<10240x64xf32, #tpu.memory_space<hbm>> -> memref<10240x64xf32, #tpu.memory_space<hbm>>
        %dma_start3A_769 = tpu.memref_slice %arg12[%dma_start3A_758] : memref<5x!tpu.dma_semaphore, #tpu.memory_space<semaphore_mem>> -> memref<1x!tpu.dma_semaphore, #tpu.memory_space<semaphore_mem>>
        %dma_start3A_770 = tpu.memref_squeeze %dma_start3A_769 : memref<1x!tpu.dma_semaphore, #tpu.memory_space<semaphore_mem>> -> memref<!tpu.dma_semaphore, #tpu.memory_space<semaphore_mem>>
        tpu.enqueue_indirect_dma source(%dma_start3A_768 : memref<10240x64xf32, #tpu.memory_space<hbm>>) target(%dma_start3A_762 : memref<128x64xf32, #tpu.memory_space<vmem>>) offsets(%dma_start3A_765 : memref<128xi32, #tpu.memory_space<vmem>>) semaphore(%dma_start3A_770 : memref<!tpu.dma_semaphore, #tpu.memory_space<semaphore_mem>>)
      } else {
      }
      %mul3A_710 = arith.constant 5 : i32
      %mul3A_711 = arith.muli %scan3A_540, %mul3A_710 : i32
      %add3A_712 = arith.constant 4 : i32
      %add3A_713 = arith.addi %mul3A_711, %add3A_712 : i32
      %dma_wait3A_714 = arith.constant 4 : i32
      %dma_wait3A_715 = arith.constant 4 : i32
      %dma_wait3A_716 = arith.constant 0 : i32
      %dma_wait3A_717 = arith.constant 0 : i32
      %dma_wait3A_718 = tpu.memref_slice %arg9[%dma_wait3A_714, %dma_wait3A_716, %dma_wait3A_717] : memref<5x128x64xf32, #tpu.memory_space<vmem>> -> memref<1x128x64xf32, #tpu.memory_space<vmem>>
      %dma_wait3A_719 = tpu.memref_squeeze %dma_wait3A_718 : memref<1x128x64xf32, #tpu.memory_space<vmem>> -> memref<128x64xf32, #tpu.memory_space<vmem>>
      %dma_wait3A_720 = arith.constant 0 : i32
      %dma_wait3A_721 = arith.constant 0 : i32
      %dma_wait3A_722 = tpu.memref_slice %arg2[%dma_wait3A_720, %dma_wait3A_721] : memref<10240x64xf32, #tpu.memory_space<hbm>> -> memref<128x64xf32, #tpu.memory_space<hbm>>
      %dma_wait3A_723 = tpu.memref_slice %arg12[%dma_wait3A_715] : memref<5x!tpu.dma_semaphore, #tpu.memory_space<semaphore_mem>> -> memref<1x!tpu.dma_semaphore, #tpu.memory_space<semaphore_mem>>
      %dma_wait3A_724 = tpu.memref_squeeze %dma_wait3A_723 : memref<1x!tpu.dma_semaphore, #tpu.memory_space<semaphore_mem>> -> memref<!tpu.dma_semaphore, #tpu.memory_space<semaphore_mem>>
      %dma_wait3A_725 = arith.constant 0 : i32
      %dma_wait3A_726 = arith.constant 0 : i32
      %dma_wait3A_727 = tpu.memref_slice %arg9[%dma_wait3A_714, %dma_wait3A_725, %dma_wait3A_726] : memref<5x128x64xf32, #tpu.memory_space<vmem>> -> memref<1x128x64xf32, #tpu.memory_space<vmem>>
      %dma_wait3A_728 = tpu.memref_squeeze %dma_wait3A_727 : memref<1x128x64xf32, #tpu.memory_space<vmem>> -> memref<128x64xf32, #tpu.memory_space<vmem>>
      %dma_wait3A_729 = arith.constant 0 : i32
      %dma_wait3A_730 = arith.constant 0 : i32
      %dma_wait3A_731 = tpu.memref_slice %arg2[%dma_wait3A_729, %dma_wait3A_730] : memref<10240x64xf32, #tpu.memory_space<hbm>> -> memref<128x64xf32, #tpu.memory_space<hbm>>
      tpu.wait_dma2 semaphore(%dma_wait3A_724 : memref<!tpu.dma_semaphore, #tpu.memory_space<semaphore_mem>>) src(%dma_wait3A_731 : memref<128x64xf32, #tpu.memory_space<hbm>>) dst(%dma_wait3A_728 : memref<128x64xf32, #tpu.memory_space<vmem>>)
      %dma_start3A_732 = arith.constant 4 : i32
      %dma_start3A_733 = arith.constant 4 : i32
      %dma_start3A_734 = arith.constant 0 : i32
      %dma_start3A_735 = arith.constant 0 : i32
      %dma_start3A_736 = tpu.memref_slice %arg9[%dma_start3A_732, %dma_start3A_734, %dma_start3A_735] : memref<5x128x64xf32, #tpu.memory_space<vmem>> -> memref<1x128x64xf32, #tpu.memory_space<vmem>>
      %dma_start3A_737 = tpu.memref_squeeze %dma_start3A_736 : memref<1x128x64xf32, #tpu.memory_space<vmem>> -> memref<128x64xf32, #tpu.memory_space<vmem>>
      %dma_start3A_738 = arith.constant 0 : i32
      %dma_start3A_739 = tpu.memref_slice %arg8[%add3A_713, %dma_start3A_738] : memref<80x128xi32, #tpu.memory_space<vmem>> -> memref<1x128xi32, #tpu.memory_space<vmem>>
      %dma_start3A_740 = tpu.memref_squeeze %dma_start3A_739 : memref<1x128xi32, #tpu.memory_space<vmem>> -> memref<128xi32, #tpu.memory_space<vmem>>
      %dma_start3A_741 = arith.constant 0 : i32
      %dma_start3A_742 = arith.constant 0 : i32
      %dma_start3A_743 = tpu.memref_slice %arg11[%dma_start3A_741, %dma_start3A_742] : memref<10240x64xf32, #tpu.memory_space<vmem_shared>> -> memref<10240x64xf32, #tpu.memory_space<vmem_shared>>
      %dma_start3A_744 = tpu.memref_slice %arg13[%dma_start3A_733] : memref<5x!tpu.dma_semaphore, #tpu.memory_space<semaphore_mem>> -> memref<1x!tpu.dma_semaphore, #tpu.memory_space<semaphore_mem>>
      %dma_start3A_745 = tpu.memref_squeeze %dma_start3A_744 : memref<1x!tpu.dma_semaphore, #tpu.memory_space<semaphore_mem>> -> memref<!tpu.dma_semaphore, #tpu.memory_space<semaphore_mem>>
      tpu.enqueue_indirect_dma source(%dma_start3A_737 : memref<128x64xf32, #tpu.memory_space<vmem>>) target(%dma_start3A_743 : memref<10240x64xf32, #tpu.memory_space<vmem_shared>>) offsets(%dma_start3A_740 : memref<128xi32, #tpu.memory_space<vmem>>) semaphore(%dma_start3A_745 : memref<!tpu.dma_semaphore, #tpu.memory_space<semaphore_mem>>) {add = true}
      %add3A_746 = arith.constant 3 : i32
      %add3A_747 = arith.addi %add3A_713, %add3A_746 : i32
      %lt3A_748 = arith.constant 80 : i32
      %lt3A_749 = arith.cmpi slt, %add3A_747, %lt3A_748 : i32
      %convert_element_type3A_750 = arith.extui %lt3A_749 : i1 to i32
      %cond3A_751 = arith.constant 0 : i32
      %cond3A_752 = arith.cmpi ne, %convert_element_type3A_750, %cond3A_751 : i32
      scf.if %cond3A_752 {
        %ge3A = arith.constant 5 : i32
        %ge3A_753 = arith.cmpi sge, %add3A_747, %ge3A : i32
        %convert_element_type3A_754 = arith.extui %ge3A_753 : i1 to i32
        %cond3A_755 = arith.constant 0 : i32
        %cond3A_756 = arith.cmpi ne, %convert_element_type3A_754, %cond3A_755 : i32
        scf.if %cond3A_756 {
          %dma_wait3A_771 = arith.constant 2 : i32
          %dma_wait3A_772 = arith.constant 2 : i32
          %dma_wait3A_773 = arith.constant 0 : i32
          %dma_wait3A_774 = arith.constant 0 : i32
          %dma_wait3A_775 = tpu.memref_slice %arg9[%dma_wait3A_771, %dma_wait3A_773, %dma_wait3A_774] : memref<5x128x64xf32, #tpu.memory_space<vmem>> -> memref<1x128x64xf32, #tpu.memory_space<vmem>>
          %dma_wait3A_776 = tpu.memref_squeeze %dma_wait3A_775 : memref<1x128x64xf32, #tpu.memory_space<vmem>> -> memref<128x64xf32, #tpu.memory_space<vmem>>
          %dma_wait3A_777 = arith.constant 0 : i32
          %dma_wait3A_778 = arith.constant 0 : i32
          %dma_wait3A_779 = tpu.memref_slice %arg2[%dma_wait3A_777, %dma_wait3A_778] : memref<10240x64xf32, #tpu.memory_space<hbm>> -> memref<128x64xf32, #tpu.memory_space<hbm>>
          %dma_wait3A_780 = tpu.memref_slice %arg13[%dma_wait3A_772] : memref<5x!tpu.dma_semaphore, #tpu.memory_space<semaphore_mem>> -> memref<1x!tpu.dma_semaphore, #tpu.memory_space<semaphore_mem>>
          %dma_wait3A_781 = tpu.memref_squeeze %dma_wait3A_780 : memref<1x!tpu.dma_semaphore, #tpu.memory_space<semaphore_mem>> -> memref<!tpu.dma_semaphore, #tpu.memory_space<semaphore_mem>>
          %dma_wait3A_782 = arith.constant 0 : i32
          %dma_wait3A_783 = arith.constant 0 : i32
          %dma_wait3A_784 = tpu.memref_slice %arg9[%dma_wait3A_771, %dma_wait3A_782, %dma_wait3A_783] : memref<5x128x64xf32, #tpu.memory_space<vmem>> -> memref<1x128x64xf32, #tpu.memory_space<vmem>>
          %dma_wait3A_785 = tpu.memref_squeeze %dma_wait3A_784 : memref<1x128x64xf32, #tpu.memory_space<vmem>> -> memref<128x64xf32, #tpu.memory_space<vmem>>
          %dma_wait3A_786 = arith.constant 0 : i32
          %dma_wait3A_787 = arith.constant 0 : i32
          %dma_wait3A_788 = tpu.memref_slice %arg2[%dma_wait3A_786, %dma_wait3A_787] : memref<10240x64xf32, #tpu.memory_space<hbm>> -> memref<128x64xf32, #tpu.memory_space<hbm>>
          tpu.wait_dma2 semaphore(%dma_wait3A_781 : memref<!tpu.dma_semaphore, #tpu.memory_space<semaphore_mem>>) src(%dma_wait3A_788 : memref<128x64xf32, #tpu.memory_space<hbm>>) dst(%dma_wait3A_785 : memref<128x64xf32, #tpu.memory_space<vmem>>)
        } else {
        }
        %dma_start3A_757 = arith.constant 2 : i32
        %dma_start3A_758 = arith.constant 2 : i32
        %dma_start3A_759 = arith.constant 0 : i32
        %dma_start3A_760 = arith.constant 0 : i32
        %dma_start3A_761 = tpu.memref_slice %arg9[%dma_start3A_757, %dma_start3A_759, %dma_start3A_760] : memref<5x128x64xf32, #tpu.memory_space<vmem>> -> memref<1x128x64xf32, #tpu.memory_space<vmem>>
        %dma_start3A_762 = tpu.memref_squeeze %dma_start3A_761 : memref<1x128x64xf32, #tpu.memory_space<vmem>> -> memref<128x64xf32, #tpu.memory_space<vmem>>
        %dma_start3A_763 = arith.constant 0 : i32
        %dma_start3A_764 = tpu.memref_slice %arg7[%add3A_747, %dma_start3A_763] : memref<80x128xi32, #tpu.memory_space<vmem>> -> memref<1x128xi32, #tpu.memory_space<vmem>>
        %dma_start3A_765 = tpu.memref_squeeze %dma_start3A_764 : memref<1x128xi32, #tpu.memory_space<vmem>> -> memref<128xi32, #tpu.memory_space<vmem>>
        %dma_start3A_766 = arith.constant 0 : i32
        %dma_start3A_767 = arith.constant 0 : i32
        %dma_start3A_768 = tpu.memref_slice %arg2[%dma_start3A_766, %dma_start3A_767] : memref<10240x64xf32, #tpu.memory_space<hbm>> -> memref<10240x64xf32, #tpu.memory_space<hbm>>
        %dma_start3A_769 = tpu.memref_slice %arg12[%dma_start3A_758] : memref<5x!tpu.dma_semaphore, #tpu.memory_space<semaphore_mem>> -> memref<1x!tpu.dma_semaphore, #tpu.memory_space<semaphore_mem>>
        %dma_start3A_770 = tpu.memref_squeeze %dma_start3A_769 : memref<1x!tpu.dma_semaphore, #tpu.memory_space<semaphore_mem>> -> memref<!tpu.dma_semaphore, #tpu.memory_space<semaphore_mem>>
        tpu.enqueue_indirect_dma source(%dma_start3A_768 : memref<10240x64xf32, #tpu.memory_space<hbm>>) target(%dma_start3A_762 : memref<128x64xf32, #tpu.memory_space<vmem>>) offsets(%dma_start3A_765 : memref<128xi32, #tpu.memory_space<vmem>>) semaphore(%dma_start3A_770 : memref<!tpu.dma_semaphore, #tpu.memory_space<semaphore_mem>>)
      } else {
      }
    }
    %scan3A_118 = arith.constant 16 : i32
    %dma_wait3A_119 = arith.constant 0 : i32
    %dma_wait3A_120 = arith.constant 0 : i32
    %dma_wait3A_121 = arith.constant 0 : i32
    %dma_wait3A_122 = arith.constant 0 : i32
    %dma_wait3A_123 = tpu.memref_slice %arg9[%dma_wait3A_119, %dma_wait3A_121, %dma_wait3A_122] : memref<5x128x64xf32, #tpu.memory_space<vmem>> -> memref<1x128x64xf32, #tpu.memory_space<vmem>>
    %dma_wait3A_124 = tpu.memref_squeeze %dma_wait3A_123 : memref<1x128x64xf32, #tpu.memory_space<vmem>> -> memref<128x64xf32, #tpu.memory_space<vmem>>
    %dma_wait3A_125 = arith.constant 0 : i32
    %dma_wait3A_126 = arith.constant 0 : i32
    %dma_wait3A_127 = tpu.memref_slice %arg2[%dma_wait3A_125, %dma_wait3A_126] : memref<10240x64xf32, #tpu.memory_space<hbm>> -> memref<128x64xf32, #tpu.memory_space<hbm>>
    %dma_wait3A_128 = tpu.memref_slice %arg13[%dma_wait3A_120] : memref<5x!tpu.dma_semaphore, #tpu.memory_space<semaphore_mem>> -> memref<1x!tpu.dma_semaphore, #tpu.memory_space<semaphore_mem>>
    %dma_wait3A_129 = tpu.memref_squeeze %dma_wait3A_128 : memref<1x!tpu.dma_semaphore, #tpu.memory_space<semaphore_mem>> -> memref<!tpu.dma_semaphore, #tpu.memory_space<semaphore_mem>>
    %dma_wait3A_130 = arith.constant 0 : i32
    %dma_wait3A_131 = arith.constant 0 : i32
    %dma_wait3A_132 = tpu.memref_slice %arg9[%dma_wait3A_119, %dma_wait3A_130, %dma_wait3A_131] : memref<5x128x64xf32, #tpu.memory_space<vmem>> -> memref<1x128x64xf32, #tpu.memory_space<vmem>>
    %dma_wait3A_133 = tpu.memref_squeeze %dma_wait3A_132 : memref<1x128x64xf32, #tpu.memory_space<vmem>> -> memref<128x64xf32, #tpu.memory_space<vmem>>
    %dma_wait3A_134 = arith.constant 0 : i32
    %dma_wait3A_135 = arith.constant 0 : i32
    %dma_wait3A_136 = tpu.memref_slice %arg2[%dma_wait3A_134, %dma_wait3A_135] : memref<10240x64xf32, #tpu.memory_space<hbm>> -> memref<128x64xf32, #tpu.memory_space<hbm>>
    tpu.wait_dma2 semaphore(%dma_wait3A_129 : memref<!tpu.dma_semaphore, #tpu.memory_space<semaphore_mem>>) src(%dma_wait3A_136 : memref<128x64xf32, #tpu.memory_space<hbm>>) dst(%dma_wait3A_133 : memref<128x64xf32, #tpu.memory_space<vmem>>)
    %dma_wait3A_137 = arith.constant 1 : i32
    %dma_wait3A_138 = arith.constant 1 : i32
    %dma_wait3A_139 = arith.constant 0 : i32
    %dma_wait3A_140 = arith.constant 0 : i32
    %dma_wait3A_141 = tpu.memref_slice %arg9[%dma_wait3A_137, %dma_wait3A_139, %dma_wait3A_140] : memref<5x128x64xf32, #tpu.memory_space<vmem>> -> memref<1x128x64xf32, #tpu.memory_space<vmem>>
    %dma_wait3A_142 = tpu.memref_squeeze %dma_wait3A_141 : memref<1x128x64xf32, #tpu.memory_space<vmem>> -> memref<128x64xf32, #tpu.memory_space<vmem>>
    %dma_wait3A_143 = arith.constant 0 : i32
    %dma_wait3A_144 = arith.constant 0 : i32
    %dma_wait3A_145 = tpu.memref_slice %arg2[%dma_wait3A_143, %dma_wait3A_144] : memref<10240x64xf32, #tpu.memory_space<hbm>> -> memref<128x64xf32, #tpu.memory_space<hbm>>
    %dma_wait3A_146 = tpu.memref_slice %arg13[%dma_wait3A_138] : memref<5x!tpu.dma_semaphore, #tpu.memory_space<semaphore_mem>> -> memref<1x!tpu.dma_semaphore, #tpu.memory_space<semaphore_mem>>
    %dma_wait3A_147 = tpu.memref_squeeze %dma_wait3A_146 : memref<1x!tpu.dma_semaphore, #tpu.memory_space<semaphore_mem>> -> memref<!tpu.dma_semaphore, #tpu.memory_space<semaphore_mem>>
    %dma_wait3A_148 = arith.constant 0 : i32
    %dma_wait3A_149 = arith.constant 0 : i32
    %dma_wait3A_150 = tpu.memref_slice %arg9[%dma_wait3A_137, %dma_wait3A_148, %dma_wait3A_149] : memref<5x128x64xf32, #tpu.memory_space<vmem>> -> memref<1x128x64xf32, #tpu.memory_space<vmem>>
    %dma_wait3A_151 = tpu.memref_squeeze %dma_wait3A_150 : memref<1x128x64xf32, #tpu.memory_space<vmem>> -> memref<128x64xf32, #tpu.memory_space<vmem>>
    %dma_wait3A_152 = arith.constant 0 : i32
    %dma_wait3A_153 = arith.constant 0 : i32
    %dma_wait3A_154 = tpu.memref_slice %arg2[%dma_wait3A_152, %dma_wait3A_153] : memref<10240x64xf32, #tpu.memory_space<hbm>> -> memref<128x64xf32, #tpu.memory_space<hbm>>
    tpu.wait_dma2 semaphore(%dma_wait3A_147 : memref<!tpu.dma_semaphore, #tpu.memory_space<semaphore_mem>>) src(%dma_wait3A_154 : memref<128x64xf32, #tpu.memory_space<hbm>>) dst(%dma_wait3A_151 : memref<128x64xf32, #tpu.memory_space<vmem>>)
    %dma_wait3A_155 = arith.constant 2 : i32
    %dma_wait3A_156 = arith.constant 2 : i32
    %dma_wait3A_157 = arith.constant 0 : i32
    %dma_wait3A_158 = arith.constant 0 : i32
    %dma_wait3A_159 = tpu.memref_slice %arg9[%dma_wait3A_155, %dma_wait3A_157, %dma_wait3A_158] : memref<5x128x64xf32, #tpu.memory_space<vmem>> -> memref<1x128x64xf32, #tpu.memory_space<vmem>>
    %dma_wait3A_160 = tpu.memref_squeeze %dma_wait3A_159 : memref<1x128x64xf32, #tpu.memory_space<vmem>> -> memref<128x64xf32, #tpu.memory_space<vmem>>
    %dma_wait3A_161 = arith.constant 0 : i32
    %dma_wait3A_162 = arith.constant 0 : i32
    %dma_wait3A_163 = tpu.memref_slice %arg2[%dma_wait3A_161, %dma_wait3A_162] : memref<10240x64xf32, #tpu.memory_space<hbm>> -> memref<128x64xf32, #tpu.memory_space<hbm>>
    %dma_wait3A_164 = tpu.memref_slice %arg13[%dma_wait3A_156] : memref<5x!tpu.dma_semaphore, #tpu.memory_space<semaphore_mem>> -> memref<1x!tpu.dma_semaphore, #tpu.memory_space<semaphore_mem>>
    %dma_wait3A_165 = tpu.memref_squeeze %dma_wait3A_164 : memref<1x!tpu.dma_semaphore, #tpu.memory_space<semaphore_mem>> -> memref<!tpu.dma_semaphore, #tpu.memory_space<semaphore_mem>>
    %dma_wait3A_166 = arith.constant 0 : i32
    %dma_wait3A_167 = arith.constant 0 : i32
    %dma_wait3A_168 = tpu.memref_slice %arg9[%dma_wait3A_155, %dma_wait3A_166, %dma_wait3A_167] : memref<5x128x64xf32, #tpu.memory_space<vmem>> -> memref<1x128x64xf32, #tpu.memory_space<vmem>>
    %dma_wait3A_169 = tpu.memref_squeeze %dma_wait3A_168 : memref<1x128x64xf32, #tpu.memory_space<vmem>> -> memref<128x64xf32, #tpu.memory_space<vmem>>
    %dma_wait3A_170 = arith.constant 0 : i32
    %dma_wait3A_171 = arith.constant 0 : i32
    %dma_wait3A_172 = tpu.memref_slice %arg2[%dma_wait3A_170, %dma_wait3A_171] : memref<10240x64xf32, #tpu.memory_space<hbm>> -> memref<128x64xf32, #tpu.memory_space<hbm>>
    tpu.wait_dma2 semaphore(%dma_wait3A_165 : memref<!tpu.dma_semaphore, #tpu.memory_space<semaphore_mem>>) src(%dma_wait3A_172 : memref<128x64xf32, #tpu.memory_space<hbm>>) dst(%dma_wait3A_169 : memref<128x64xf32, #tpu.memory_space<vmem>>)
    %dma_wait3A_173 = arith.constant 3 : i32
    %dma_wait3A_174 = arith.constant 3 : i32
    %dma_wait3A_175 = arith.constant 0 : i32
    %dma_wait3A_176 = arith.constant 0 : i32
    %dma_wait3A_177 = tpu.memref_slice %arg9[%dma_wait3A_173, %dma_wait3A_175, %dma_wait3A_176] : memref<5x128x64xf32, #tpu.memory_space<vmem>> -> memref<1x128x64xf32, #tpu.memory_space<vmem>>
    %dma_wait3A_178 = tpu.memref_squeeze %dma_wait3A_177 : memref<1x128x64xf32, #tpu.memory_space<vmem>> -> memref<128x64xf32, #tpu.memory_space<vmem>>
    %dma_wait3A_179 = arith.constant 0 : i32
    %dma_wait3A_180 = arith.constant 0 : i32
    %dma_wait3A_181 = tpu.memref_slice %arg2[%dma_wait3A_179, %dma_wait3A_180] : memref<10240x64xf32, #tpu.memory_space<hbm>> -> memref<128x64xf32, #tpu.memory_space<hbm>>
    %dma_wait3A_182 = tpu.memref_slice %arg13[%dma_wait3A_174] : memref<5x!tpu.dma_semaphore, #tpu.memory_space<semaphore_mem>> -> memref<1x!tpu.dma_semaphore, #tpu.memory_space<semaphore_mem>>
    %dma_wait3A_183 = tpu.memref_squeeze %dma_wait3A_182 : memref<1x!tpu.dma_semaphore, #tpu.memory_space<semaphore_mem>> -> memref<!tpu.dma_semaphore, #tpu.memory_space<semaphore_mem>>
    %dma_wait3A_184 = arith.constant 0 : i32
    %dma_wait3A_185 = arith.constant 0 : i32
    %dma_wait3A_186 = tpu.memref_slice %arg9[%dma_wait3A_173, %dma_wait3A_184, %dma_wait3A_185] : memref<5x128x64xf32, #tpu.memory_space<vmem>> -> memref<1x128x64xf32, #tpu.memory_space<vmem>>
    %dma_wait3A_187 = tpu.memref_squeeze %dma_wait3A_186 : memref<1x128x64xf32, #tpu.memory_space<vmem>> -> memref<128x64xf32, #tpu.memory_space<vmem>>
    %dma_wait3A_188 = arith.constant 0 : i32
    %dma_wait3A_189 = arith.constant 0 : i32
    %dma_wait3A_190 = tpu.memref_slice %arg2[%dma_wait3A_188, %dma_wait3A_189] : memref<10240x64xf32, #tpu.memory_space<hbm>> -> memref<128x64xf32, #tpu.memory_space<hbm>>
    tpu.wait_dma2 semaphore(%dma_wait3A_183 : memref<!tpu.dma_semaphore, #tpu.memory_space<semaphore_mem>>) src(%dma_wait3A_190 : memref<128x64xf32, #tpu.memory_space<hbm>>) dst(%dma_wait3A_187 : memref<128x64xf32, #tpu.memory_space<vmem>>)
    %dma_wait3A_191 = arith.constant 4 : i32
    %dma_wait3A_192 = arith.constant 4 : i32
    %dma_wait3A_193 = arith.constant 0 : i32
    %dma_wait3A_194 = arith.constant 0 : i32
    %dma_wait3A_195 = tpu.memref_slice %arg9[%dma_wait3A_191, %dma_wait3A_193, %dma_wait3A_194] : memref<5x128x64xf32, #tpu.memory_space<vmem>> -> memref<1x128x64xf32, #tpu.memory_space<vmem>>
    %dma_wait3A_196 = tpu.memref_squeeze %dma_wait3A_195 : memref<1x128x64xf32, #tpu.memory_space<vmem>> -> memref<128x64xf32, #tpu.memory_space<vmem>>
    %dma_wait3A_197 = arith.constant 0 : i32
    %dma_wait3A_198 = arith.constant 0 : i32
    %dma_wait3A_199 = tpu.memref_slice %arg2[%dma_wait3A_197, %dma_wait3A_198] : memref<10240x64xf32, #tpu.memory_space<hbm>> -> memref<128x64xf32, #tpu.memory_space<hbm>>
    %dma_wait3A_200 = tpu.memref_slice %arg13[%dma_wait3A_192] : memref<5x!tpu.dma_semaphore, #tpu.memory_space<semaphore_mem>> -> memref<1x!tpu.dma_semaphore, #tpu.memory_space<semaphore_mem>>
    %dma_wait3A_201 = tpu.memref_squeeze %dma_wait3A_200 : memref<1x!tpu.dma_semaphore, #tpu.memory_space<semaphore_mem>> -> memref<!tpu.dma_semaphore, #tpu.memory_space<semaphore_mem>>
    %dma_wait3A_202 = arith.constant 0 : i32
    %dma_wait3A_203 = arith.constant 0 : i32
    %dma_wait3A_204 = tpu.memref_slice %arg9[%dma_wait3A_191, %dma_wait3A_202, %dma_wait3A_203] : memref<5x128x64xf32, #tpu.memory_space<vmem>> -> memref<1x128x64xf32, #tpu.memory_space<vmem>>
    %dma_wait3A_205 = tpu.memref_squeeze %dma_wait3A_204 : memref<1x128x64xf32, #tpu.memory_space<vmem>> -> memref<128x64xf32, #tpu.memory_space<vmem>>
    %dma_wait3A_206 = arith.constant 0 : i32
    %dma_wait3A_207 = arith.constant 0 : i32
    %dma_wait3A_208 = tpu.memref_slice %arg2[%dma_wait3A_206, %dma_wait3A_207] : memref<10240x64xf32, #tpu.memory_space<hbm>> -> memref<128x64xf32, #tpu.memory_space<hbm>>
    tpu.wait_dma2 semaphore(%dma_wait3A_201 : memref<!tpu.dma_semaphore, #tpu.memory_space<semaphore_mem>>) src(%dma_wait3A_208 : memref<128x64xf32, #tpu.memory_space<hbm>>) dst(%dma_wait3A_205 : memref<128x64xf32, #tpu.memory_space<vmem>>)
    %barrier3A_209 = arith.constant 0 : index
    tpu.barrier barrier_id(%barrier3A_209)
    %mul3A_210 = arith.constant 640 : i32
    %mul3A_211 = arith.muli %arg1, %mul3A_210 : i32
    %add3A_212 = arith.constant 0 : i32
    %add3A_213 = arith.addi %mul3A_211, %add3A_212 : i32
    %dma_start3A_214 = arith.constant 0 : i32
    %dma_start3A_215 = arith.constant 0 : i32
    %dma_start3A_216 = arith.constant 0 : i32
    %dma_start3A_217 = arith.constant 0 : i32
    %dma_start3A_218 = tpu.memref_slice %arg9[%dma_start3A_214, %dma_start3A_216, %dma_start3A_217] : memref<5x128x64xf32, #tpu.memory_space<vmem>> -> memref<1x128x64xf32, #tpu.memory_space<vmem>>
    %dma_start3A_219 = tpu.memref_squeeze %dma_start3A_218 : memref<1x128x64xf32, #tpu.memory_space<vmem>> -> memref<128x64xf32, #tpu.memory_space<vmem>>
    %dma_start3A_220 = arith.constant 0 : i32
    %dma_start3A_221 = tpu.memref_slice %arg11[%add3A_213, %dma_start3A_220] : memref<10240x64xf32, #tpu.memory_space<vmem_shared>> -> memref<128x64xf32, #tpu.memory_space<vmem_shared>>
    %dma_start3A_222 = tpu.memref_slice %arg14[%dma_start3A_215] : memref<10x!tpu.dma_semaphore, #tpu.memory_space<semaphore_mem>> -> memref<1x!tpu.dma_semaphore, #tpu.memory_space<semaphore_mem>>
    %dma_start3A_223 = tpu.memref_squeeze %dma_start3A_222 : memref<1x!tpu.dma_semaphore, #tpu.memory_space<semaphore_mem>> -> memref<!tpu.dma_semaphore, #tpu.memory_space<semaphore_mem>>
    %dma_start3A_224 = arith.constant 0 : i32
    %dma_start3A_225 = arith.constant 0 : i32
    %dma_start3A_226 = tpu.memref_slice %arg9[%dma_start3A_214, %dma_start3A_224, %dma_start3A_225] : memref<5x128x64xf32, #tpu.memory_space<vmem>> -> memref<1x128x64xf32, #tpu.memory_space<vmem>>
    %dma_start3A_227 = tpu.memref_squeeze %dma_start3A_226 : memref<1x128x64xf32, #tpu.memory_space<vmem>> -> memref<128x64xf32, #tpu.memory_space<vmem>>
    %dma_start3A_228 = arith.constant 0 : i32
    %dma_start3A_229 = tpu.memref_slice %arg11[%add3A_213, %dma_start3A_228] : memref<10240x64xf32, #tpu.memory_space<vmem_shared>> -> memref<128x64xf32, #tpu.memory_space<vmem_shared>>
    tpu.enqueue_dma source(%dma_start3A_229 : memref<128x64xf32, #tpu.memory_space<vmem_shared>>) target(%dma_start3A_227 : memref<128x64xf32, #tpu.memory_space<vmem>>) target_semaphore(%dma_start3A_223 : memref<!tpu.dma_semaphore, #tpu.memory_space<semaphore_mem>>)
    %mul3A_230 = arith.constant 640 : i32
    %mul3A_231 = arith.muli %arg1, %mul3A_230 : i32
    %add3A_232 = arith.constant 128 : i32
    %add3A_233 = arith.addi %mul3A_231, %add3A_232 : i32
    %dma_start3A_234 = arith.constant 1 : i32
    %dma_start3A_235 = arith.constant 1 : i32
    %dma_start3A_236 = arith.constant 0 : i32
    %dma_start3A_237 = arith.constant 0 : i32
    %dma_start3A_238 = tpu.memref_slice %arg9[%dma_start3A_234, %dma_start3A_236, %dma_start3A_237] : memref<5x128x64xf32, #tpu.memory_space<vmem>> -> memref<1x128x64xf32, #tpu.memory_space<vmem>>
    %dma_start3A_239 = tpu.memref_squeeze %dma_start3A_238 : memref<1x128x64xf32, #tpu.memory_space<vmem>> -> memref<128x64xf32, #tpu.memory_space<vmem>>
    %dma_start3A_240 = arith.constant 0 : i32
    %dma_start3A_241 = tpu.memref_slice %arg11[%add3A_233, %dma_start3A_240] : memref<10240x64xf32, #tpu.memory_space<vmem_shared>> -> memref<128x64xf32, #tpu.memory_space<vmem_shared>>
    %dma_start3A_242 = tpu.memref_slice %arg14[%dma_start3A_235] : memref<10x!tpu.dma_semaphore, #tpu.memory_space<semaphore_mem>> -> memref<1x!tpu.dma_semaphore, #tpu.memory_space<semaphore_mem>>
    %dma_start3A_243 = tpu.memref_squeeze %dma_start3A_242 : memref<1x!tpu.dma_semaphore, #tpu.memory_space<semaphore_mem>> -> memref<!tpu.dma_semaphore, #tpu.memory_space<semaphore_mem>>
    %dma_start3A_244 = arith.constant 0 : i32
    %dma_start3A_245 = arith.constant 0 : i32
    %dma_start3A_246 = tpu.memref_slice %arg9[%dma_start3A_234, %dma_start3A_244, %dma_start3A_245] : memref<5x128x64xf32, #tpu.memory_space<vmem>> -> memref<1x128x64xf32, #tpu.memory_space<vmem>>
    %dma_start3A_247 = tpu.memref_squeeze %dma_start3A_246 : memref<1x128x64xf32, #tpu.memory_space<vmem>> -> memref<128x64xf32, #tpu.memory_space<vmem>>
    %dma_start3A_248 = arith.constant 0 : i32
    %dma_start3A_249 = tpu.memref_slice %arg11[%add3A_233, %dma_start3A_248] : memref<10240x64xf32, #tpu.memory_space<vmem_shared>> -> memref<128x64xf32, #tpu.memory_space<vmem_shared>>
    tpu.enqueue_dma source(%dma_start3A_249 : memref<128x64xf32, #tpu.memory_space<vmem_shared>>) target(%dma_start3A_247 : memref<128x64xf32, #tpu.memory_space<vmem>>) target_semaphore(%dma_start3A_243 : memref<!tpu.dma_semaphore, #tpu.memory_space<semaphore_mem>>)
    %mul3A_250 = arith.constant 640 : i32
    %mul3A_251 = arith.muli %arg1, %mul3A_250 : i32
    %add3A_252 = arith.constant 256 : i32
    %add3A_253 = arith.addi %mul3A_251, %add3A_252 : i32
    %dma_start3A_254 = arith.constant 2 : i32
    %dma_start3A_255 = arith.constant 2 : i32
    %dma_start3A_256 = arith.constant 0 : i32
    %dma_start3A_257 = arith.constant 0 : i32
    %dma_start3A_258 = tpu.memref_slice %arg9[%dma_start3A_254, %dma_start3A_256, %dma_start3A_257] : memref<5x128x64xf32, #tpu.memory_space<vmem>> -> memref<1x128x64xf32, #tpu.memory_space<vmem>>
    %dma_start3A_259 = tpu.memref_squeeze %dma_start3A_258 : memref<1x128x64xf32, #tpu.memory_space<vmem>> -> memref<128x64xf32, #tpu.memory_space<vmem>>
    %dma_start3A_260 = arith.constant 0 : i32
    %dma_start3A_261 = tpu.memref_slice %arg11[%add3A_253, %dma_start3A_260] : memref<10240x64xf32, #tpu.memory_space<vmem_shared>> -> memref<128x64xf32, #tpu.memory_space<vmem_shared>>
    %dma_start3A_262 = tpu.memref_slice %arg14[%dma_start3A_255] : memref<10x!tpu.dma_semaphore, #tpu.memory_space<semaphore_mem>> -> memref<1x!tpu.dma_semaphore, #tpu.memory_space<semaphore_mem>>
    %dma_start3A_263 = tpu.memref_squeeze %dma_start3A_262 : memref<1x!tpu.dma_semaphore, #tpu.memory_space<semaphore_mem>> -> memref<!tpu.dma_semaphore, #tpu.memory_space<semaphore_mem>>
    %dma_start3A_264 = arith.constant 0 : i32
    %dma_start3A_265 = arith.constant 0 : i32
    %dma_start3A_266 = tpu.memref_slice %arg9[%dma_start3A_254, %dma_start3A_264, %dma_start3A_265] : memref<5x128x64xf32, #tpu.memory_space<vmem>> -> memref<1x128x64xf32, #tpu.memory_space<vmem>>
    %dma_start3A_267 = tpu.memref_squeeze %dma_start3A_266 : memref<1x128x64xf32, #tpu.memory_space<vmem>> -> memref<128x64xf32, #tpu.memory_space<vmem>>
    %dma_start3A_268 = arith.constant 0 : i32
    %dma_start3A_269 = tpu.memref_slice %arg11[%add3A_253, %dma_start3A_268] : memref<10240x64xf32, #tpu.memory_space<vmem_shared>> -> memref<128x64xf32, #tpu.memory_space<vmem_shared>>
    tpu.enqueue_dma source(%dma_start3A_269 : memref<128x64xf32, #tpu.memory_space<vmem_shared>>) target(%dma_start3A_267 : memref<128x64xf32, #tpu.memory_space<vmem>>) target_semaphore(%dma_start3A_263 : memref<!tpu.dma_semaphore, #tpu.memory_space<semaphore_mem>>)
    %mul3A_270 = arith.constant 640 : i32
    %mul3A_271 = arith.muli %arg1, %mul3A_270 : i32
    %add3A_272 = arith.constant 384 : i32
    %add3A_273 = arith.addi %mul3A_271, %add3A_272 : i32
    %dma_start3A_274 = arith.constant 3 : i32
    %dma_start3A_275 = arith.constant 3 : i32
    %dma_start3A_276 = arith.constant 0 : i32
    %dma_start3A_277 = arith.constant 0 : i32
    %dma_start3A_278 = tpu.memref_slice %arg9[%dma_start3A_274, %dma_start3A_276, %dma_start3A_277] : memref<5x128x64xf32, #tpu.memory_space<vmem>> -> memref<1x128x64xf32, #tpu.memory_space<vmem>>
    %dma_start3A_279 = tpu.memref_squeeze %dma_start3A_278 : memref<1x128x64xf32, #tpu.memory_space<vmem>> -> memref<128x64xf32, #tpu.memory_space<vmem>>
    %dma_start3A_280 = arith.constant 0 : i32
    %dma_start3A_281 = tpu.memref_slice %arg11[%add3A_273, %dma_start3A_280] : memref<10240x64xf32, #tpu.memory_space<vmem_shared>> -> memref<128x64xf32, #tpu.memory_space<vmem_shared>>
    %dma_start3A_282 = tpu.memref_slice %arg14[%dma_start3A_275] : memref<10x!tpu.dma_semaphore, #tpu.memory_space<semaphore_mem>> -> memref<1x!tpu.dma_semaphore, #tpu.memory_space<semaphore_mem>>
    %dma_start3A_283 = tpu.memref_squeeze %dma_start3A_282 : memref<1x!tpu.dma_semaphore, #tpu.memory_space<semaphore_mem>> -> memref<!tpu.dma_semaphore, #tpu.memory_space<semaphore_mem>>
    %dma_start3A_284 = arith.constant 0 : i32
    %dma_start3A_285 = arith.constant 0 : i32
    %dma_start3A_286 = tpu.memref_slice %arg9[%dma_start3A_274, %dma_start3A_284, %dma_start3A_285] : memref<5x128x64xf32, #tpu.memory_space<vmem>> -> memref<1x128x64xf32, #tpu.memory_space<vmem>>
    %dma_start3A_287 = tpu.memref_squeeze %dma_start3A_286 : memref<1x128x64xf32, #tpu.memory_space<vmem>> -> memref<128x64xf32, #tpu.memory_space<vmem>>
    %dma_start3A_288 = arith.constant 0 : i32
    %dma_start3A_289 = tpu.memref_slice %arg11[%add3A_273, %dma_start3A_288] : memref<10240x64xf32, #tpu.memory_space<vmem_shared>> -> memref<128x64xf32, #tpu.memory_space<vmem_shared>>
    tpu.enqueue_dma source(%dma_start3A_289 : memref<128x64xf32, #tpu.memory_space<vmem_shared>>) target(%dma_start3A_287 : memref<128x64xf32, #tpu.memory_space<vmem>>) target_semaphore(%dma_start3A_283 : memref<!tpu.dma_semaphore, #tpu.memory_space<semaphore_mem>>)
    %mul3A_290 = arith.constant 640 : i32
    %mul3A_291 = arith.muli %arg1, %mul3A_290 : i32
    %add3A_292 = arith.constant 512 : i32
    %add3A_293 = arith.addi %mul3A_291, %add3A_292 : i32
    %dma_start3A_294 = arith.constant 4 : i32
    %dma_start3A_295 = arith.constant 4 : i32
    %dma_start3A_296 = arith.constant 0 : i32
    %dma_start3A_297 = arith.constant 0 : i32
    %dma_start3A_298 = tpu.memref_slice %arg9[%dma_start3A_294, %dma_start3A_296, %dma_start3A_297] : memref<5x128x64xf32, #tpu.memory_space<vmem>> -> memref<1x128x64xf32, #tpu.memory_space<vmem>>
    %dma_start3A_299 = tpu.memref_squeeze %dma_start3A_298 : memref<1x128x64xf32, #tpu.memory_space<vmem>> -> memref<128x64xf32, #tpu.memory_space<vmem>>
    %dma_start3A_300 = arith.constant 0 : i32
    %dma_start3A_301 = tpu.memref_slice %arg11[%add3A_293, %dma_start3A_300] : memref<10240x64xf32, #tpu.memory_space<vmem_shared>> -> memref<128x64xf32, #tpu.memory_space<vmem_shared>>
    %dma_start3A_302 = tpu.memref_slice %arg14[%dma_start3A_295] : memref<10x!tpu.dma_semaphore, #tpu.memory_space<semaphore_mem>> -> memref<1x!tpu.dma_semaphore, #tpu.memory_space<semaphore_mem>>
    %dma_start3A_303 = tpu.memref_squeeze %dma_start3A_302 : memref<1x!tpu.dma_semaphore, #tpu.memory_space<semaphore_mem>> -> memref<!tpu.dma_semaphore, #tpu.memory_space<semaphore_mem>>
    %dma_start3A_304 = arith.constant 0 : i32
    %dma_start3A_305 = arith.constant 0 : i32
    %dma_start3A_306 = tpu.memref_slice %arg9[%dma_start3A_294, %dma_start3A_304, %dma_start3A_305] : memref<5x128x64xf32, #tpu.memory_space<vmem>> -> memref<1x128x64xf32, #tpu.memory_space<vmem>>
    %dma_start3A_307 = tpu.memref_squeeze %dma_start3A_306 : memref<1x128x64xf32, #tpu.memory_space<vmem>> -> memref<128x64xf32, #tpu.memory_space<vmem>>
    %dma_start3A_308 = arith.constant 0 : i32
    %dma_start3A_309 = tpu.memref_slice %arg11[%add3A_293, %dma_start3A_308] : memref<10240x64xf32, #tpu.memory_space<vmem_shared>> -> memref<128x64xf32, #tpu.memory_space<vmem_shared>>
    tpu.enqueue_dma source(%dma_start3A_309 : memref<128x64xf32, #tpu.memory_space<vmem_shared>>) target(%dma_start3A_307 : memref<128x64xf32, #tpu.memory_space<vmem>>) target_semaphore(%dma_start3A_303 : memref<!tpu.dma_semaphore, #tpu.memory_space<semaphore_mem>>)
    %dma_wait3A_310 = arith.constant 0 : i32
    %dma_wait3A_311 = arith.constant 0 : i32
    %dma_wait3A_312 = arith.constant 0 : i32
    %dma_wait3A_313 = arith.constant 0 : i32
    %dma_wait3A_314 = tpu.memref_slice %arg9[%dma_wait3A_310, %dma_wait3A_312, %dma_wait3A_313] : memref<5x128x64xf32, #tpu.memory_space<vmem>> -> memref<1x128x64xf32, #tpu.memory_space<vmem>>
    %dma_wait3A_315 = tpu.memref_squeeze %dma_wait3A_314 : memref<1x128x64xf32, #tpu.memory_space<vmem>> -> memref<128x64xf32, #tpu.memory_space<vmem>>
    %dma_wait3A_316 = tpu.memref_slice %arg14[%dma_wait3A_311] : memref<10x!tpu.dma_semaphore, #tpu.memory_space<semaphore_mem>> -> memref<1x!tpu.dma_semaphore, #tpu.memory_space<semaphore_mem>>
    %dma_wait3A_317 = tpu.memref_squeeze %dma_wait3A_316 : memref<1x!tpu.dma_semaphore, #tpu.memory_space<semaphore_mem>> -> memref<!tpu.dma_semaphore, #tpu.memory_space<semaphore_mem>>
    %dma_wait3A_318 = arith.constant 0 : i32
    %dma_wait3A_319 = arith.constant 0 : i32
    %dma_wait3A_320 = tpu.memref_slice %arg9[%dma_wait3A_310, %dma_wait3A_318, %dma_wait3A_319] : memref<5x128x64xf32, #tpu.memory_space<vmem>> -> memref<1x128x64xf32, #tpu.memory_space<vmem>>
    %dma_wait3A_321 = tpu.memref_squeeze %dma_wait3A_320 : memref<1x128x64xf32, #tpu.memory_space<vmem>> -> memref<128x64xf32, #tpu.memory_space<vmem>>
    tpu.wait_dma2 semaphore(%dma_wait3A_317 : memref<!tpu.dma_semaphore, #tpu.memory_space<semaphore_mem>>) src(%arg5 : memref<128x64xf32, #tpu.memory_space<hbm>>) dst(%dma_wait3A_321 : memref<128x64xf32, #tpu.memory_space<vmem>>)
    %mul3A_322 = arith.constant 640 : i32
    %mul3A_323 = arith.muli %arg1, %mul3A_322 : i32
    %add3A_324 = arith.constant 0 : i32
    %add3A_325 = arith.addi %mul3A_323, %add3A_324 : i32
    %dma_start3A_326 = arith.constant 0 : i32
    %dma_start3A_327 = arith.constant 5 : i32
    %dma_start3A_328 = arith.constant 0 : i32
    %dma_start3A_329 = arith.constant 0 : i32
    %dma_start3A_330 = tpu.memref_slice %arg9[%dma_start3A_326, %dma_start3A_328, %dma_start3A_329] : memref<5x128x64xf32, #tpu.memory_space<vmem>> -> memref<1x128x64xf32, #tpu.memory_space<vmem>>
    %dma_start3A_331 = tpu.memref_squeeze %dma_start3A_330 : memref<1x128x64xf32, #tpu.memory_space<vmem>> -> memref<128x64xf32, #tpu.memory_space<vmem>>
    %dma_start3A_332 = arith.constant 0 : i32
    %dma_start3A_333 = tpu.memref_slice %arg6[%arg0, %add3A_325, %dma_start3A_332] : memref<2x10240x64xf32, #tpu.memory_space<hbm>> -> memref<1x128x64xf32, #tpu.memory_space<hbm>>
    %dma_start3A_334 = tpu.memref_squeeze %dma_start3A_333 : memref<1x128x64xf32, #tpu.memory_space<hbm>> -> memref<128x64xf32, #tpu.memory_space<hbm>>
    %dma_start3A_335 = tpu.memref_slice %arg14[%dma_start3A_327] : memref<10x!tpu.dma_semaphore, #tpu.memory_space<semaphore_mem>> -> memref<1x!tpu.dma_semaphore, #tpu.memory_space<semaphore_mem>>
    %dma_start3A_336 = tpu.memref_squeeze %dma_start3A_335 : memref<1x!tpu.dma_semaphore, #tpu.memory_space<semaphore_mem>> -> memref<!tpu.dma_semaphore, #tpu.memory_space<semaphore_mem>>
    %dma_start3A_337 = arith.constant 0 : i32
    %dma_start3A_338 = tpu.memref_slice %arg6[%arg0, %add3A_325, %dma_start3A_337] : memref<2x10240x64xf32, #tpu.memory_space<hbm>> -> memref<1x128x64xf32, #tpu.memory_space<hbm>>
    %dma_start3A_339 = tpu.memref_squeeze %dma_start3A_338 : memref<1x128x64xf32, #tpu.memory_space<hbm>> -> memref<128x64xf32, #tpu.memory_space<hbm>>
    %dma_start3A_340 = arith.constant 0 : i32
    %dma_start3A_341 = arith.constant 0 : i32
    %dma_start3A_342 = tpu.memref_slice %arg9[%dma_start3A_326, %dma_start3A_340, %dma_start3A_341] : memref<5x128x64xf32, #tpu.memory_space<vmem>> -> memref<1x128x64xf32, #tpu.memory_space<vmem>>
    %dma_start3A_343 = tpu.memref_squeeze %dma_start3A_342 : memref<1x128x64xf32, #tpu.memory_space<vmem>> -> memref<128x64xf32, #tpu.memory_space<vmem>>
    tpu.enqueue_dma source(%dma_start3A_343 : memref<128x64xf32, #tpu.memory_space<vmem>>) target(%dma_start3A_339 : memref<128x64xf32, #tpu.memory_space<hbm>>) target_semaphore(%dma_start3A_336 : memref<!tpu.dma_semaphore, #tpu.memory_space<semaphore_mem>>)
    %dma_wait3A_344 = arith.constant 1 : i32
    %dma_wait3A_345 = arith.constant 1 : i32
    %dma_wait3A_346 = arith.constant 0 : i32
    %dma_wait3A_347 = arith.constant 0 : i32
    %dma_wait3A_348 = tpu.memref_slice %arg9[%dma_wait3A_344, %dma_wait3A_346, %dma_wait3A_347] : memref<5x128x64xf32, #tpu.memory_space<vmem>> -> memref<1x128x64xf32, #tpu.memory_space<vmem>>
    %dma_wait3A_349 = tpu.memref_squeeze %dma_wait3A_348 : memref<1x128x64xf32, #tpu.memory_space<vmem>> -> memref<128x64xf32, #tpu.memory_space<vmem>>
    %dma_wait3A_350 = tpu.memref_slice %arg14[%dma_wait3A_345] : memref<10x!tpu.dma_semaphore, #tpu.memory_space<semaphore_mem>> -> memref<1x!tpu.dma_semaphore, #tpu.memory_space<semaphore_mem>>
    %dma_wait3A_351 = tpu.memref_squeeze %dma_wait3A_350 : memref<1x!tpu.dma_semaphore, #tpu.memory_space<semaphore_mem>> -> memref<!tpu.dma_semaphore, #tpu.memory_space<semaphore_mem>>
    %dma_wait3A_352 = arith.constant 0 : i32
    %dma_wait3A_353 = arith.constant 0 : i32
    %dma_wait3A_354 = tpu.memref_slice %arg9[%dma_wait3A_344, %dma_wait3A_352, %dma_wait3A_353] : memref<5x128x64xf32, #tpu.memory_space<vmem>> -> memref<1x128x64xf32, #tpu.memory_space<vmem>>
    %dma_wait3A_355 = tpu.memref_squeeze %dma_wait3A_354 : memref<1x128x64xf32, #tpu.memory_space<vmem>> -> memref<128x64xf32, #tpu.memory_space<vmem>>
    tpu.wait_dma2 semaphore(%dma_wait3A_351 : memref<!tpu.dma_semaphore, #tpu.memory_space<semaphore_mem>>) src(%arg5 : memref<128x64xf32, #tpu.memory_space<hbm>>) dst(%dma_wait3A_355 : memref<128x64xf32, #tpu.memory_space<vmem>>)
    %mul3A_356 = arith.constant 640 : i32
    %mul3A_357 = arith.muli %arg1, %mul3A_356 : i32
    %add3A_358 = arith.constant 128 : i32
    %add3A_359 = arith.addi %mul3A_357, %add3A_358 : i32
    %dma_start3A_360 = arith.constant 1 : i32
    %dma_start3A_361 = arith.constant 6 : i32
    %dma_start3A_362 = arith.constant 0 : i32
    %dma_start3A_363 = arith.constant 0 : i32
    %dma_start3A_364 = tpu.memref_slice %arg9[%dma_start3A_360, %dma_start3A_362, %dma_start3A_363] : memref<5x128x64xf32, #tpu.memory_space<vmem>> -> memref<1x128x64xf32, #tpu.memory_space<vmem>>
    %dma_start3A_365 = tpu.memref_squeeze %dma_start3A_364 : memref<1x128x64xf32, #tpu.memory_space<vmem>> -> memref<128x64xf32, #tpu.memory_space<vmem>>
    %dma_start3A_366 = arith.constant 0 : i32
    %dma_start3A_367 = tpu.memref_slice %arg6[%arg0, %add3A_359, %dma_start3A_366] : memref<2x10240x64xf32, #tpu.memory_space<hbm>> -> memref<1x128x64xf32, #tpu.memory_space<hbm>>
    %dma_start3A_368 = tpu.memref_squeeze %dma_start3A_367 : memref<1x128x64xf32, #tpu.memory_space<hbm>> -> memref<128x64xf32, #tpu.memory_space<hbm>>
    %dma_start3A_369 = tpu.memref_slice %arg14[%dma_start3A_361] : memref<10x!tpu.dma_semaphore, #tpu.memory_space<semaphore_mem>> -> memref<1x!tpu.dma_semaphore, #tpu.memory_space<semaphore_mem>>
    %dma_start3A_370 = tpu.memref_squeeze %dma_start3A_369 : memref<1x!tpu.dma_semaphore, #tpu.memory_space<semaphore_mem>> -> memref<!tpu.dma_semaphore, #tpu.memory_space<semaphore_mem>>
    %dma_start3A_371 = arith.constant 0 : i32
    %dma_start3A_372 = tpu.memref_slice %arg6[%arg0, %add3A_359, %dma_start3A_371] : memref<2x10240x64xf32, #tpu.memory_space<hbm>> -> memref<1x128x64xf32, #tpu.memory_space<hbm>>
    %dma_start3A_373 = tpu.memref_squeeze %dma_start3A_372 : memref<1x128x64xf32, #tpu.memory_space<hbm>> -> memref<128x64xf32, #tpu.memory_space<hbm>>
    %dma_start3A_374 = arith.constant 0 : i32
    %dma_start3A_375 = arith.constant 0 : i32
    %dma_start3A_376 = tpu.memref_slice %arg9[%dma_start3A_360, %dma_start3A_374, %dma_start3A_375] : memref<5x128x64xf32, #tpu.memory_space<vmem>> -> memref<1x128x64xf32, #tpu.memory_space<vmem>>
    %dma_start3A_377 = tpu.memref_squeeze %dma_start3A_376 : memref<1x128x64xf32, #tpu.memory_space<vmem>> -> memref<128x64xf32, #tpu.memory_space<vmem>>
    tpu.enqueue_dma source(%dma_start3A_377 : memref<128x64xf32, #tpu.memory_space<vmem>>) target(%dma_start3A_373 : memref<128x64xf32, #tpu.memory_space<hbm>>) target_semaphore(%dma_start3A_370 : memref<!tpu.dma_semaphore, #tpu.memory_space<semaphore_mem>>)
    %dma_wait3A_378 = arith.constant 2 : i32
    %dma_wait3A_379 = arith.constant 2 : i32
    %dma_wait3A_380 = arith.constant 0 : i32
    %dma_wait3A_381 = arith.constant 0 : i32
    %dma_wait3A_382 = tpu.memref_slice %arg9[%dma_wait3A_378, %dma_wait3A_380, %dma_wait3A_381] : memref<5x128x64xf32, #tpu.memory_space<vmem>> -> memref<1x128x64xf32, #tpu.memory_space<vmem>>
    %dma_wait3A_383 = tpu.memref_squeeze %dma_wait3A_382 : memref<1x128x64xf32, #tpu.memory_space<vmem>> -> memref<128x64xf32, #tpu.memory_space<vmem>>
    %dma_wait3A_384 = tpu.memref_slice %arg14[%dma_wait3A_379] : memref<10x!tpu.dma_semaphore, #tpu.memory_space<semaphore_mem>> -> memref<1x!tpu.dma_semaphore, #tpu.memory_space<semaphore_mem>>
    %dma_wait3A_385 = tpu.memref_squeeze %dma_wait3A_384 : memref<1x!tpu.dma_semaphore, #tpu.memory_space<semaphore_mem>> -> memref<!tpu.dma_semaphore, #tpu.memory_space<semaphore_mem>>
    %dma_wait3A_386 = arith.constant 0 : i32
    %dma_wait3A_387 = arith.constant 0 : i32
    %dma_wait3A_388 = tpu.memref_slice %arg9[%dma_wait3A_378, %dma_wait3A_386, %dma_wait3A_387] : memref<5x128x64xf32, #tpu.memory_space<vmem>> -> memref<1x128x64xf32, #tpu.memory_space<vmem>>
    %dma_wait3A_389 = tpu.memref_squeeze %dma_wait3A_388 : memref<1x128x64xf32, #tpu.memory_space<vmem>> -> memref<128x64xf32, #tpu.memory_space<vmem>>
    tpu.wait_dma2 semaphore(%dma_wait3A_385 : memref<!tpu.dma_semaphore, #tpu.memory_space<semaphore_mem>>) src(%arg5 : memref<128x64xf32, #tpu.memory_space<hbm>>) dst(%dma_wait3A_389 : memref<128x64xf32, #tpu.memory_space<vmem>>)
    %mul3A_390 = arith.constant 640 : i32
    %mul3A_391 = arith.muli %arg1, %mul3A_390 : i32
    %add3A_392 = arith.constant 256 : i32
    %add3A_393 = arith.addi %mul3A_391, %add3A_392 : i32
    %dma_start3A_394 = arith.constant 2 : i32
    %dma_start3A_395 = arith.constant 7 : i32
    %dma_start3A_396 = arith.constant 0 : i32
    %dma_start3A_397 = arith.constant 0 : i32
    %dma_start3A_398 = tpu.memref_slice %arg9[%dma_start3A_394, %dma_start3A_396, %dma_start3A_397] : memref<5x128x64xf32, #tpu.memory_space<vmem>> -> memref<1x128x64xf32, #tpu.memory_space<vmem>>
    %dma_start3A_399 = tpu.memref_squeeze %dma_start3A_398 : memref<1x128x64xf32, #tpu.memory_space<vmem>> -> memref<128x64xf32, #tpu.memory_space<vmem>>
    %dma_start3A_400 = arith.constant 0 : i32
    %dma_start3A_401 = tpu.memref_slice %arg6[%arg0, %add3A_393, %dma_start3A_400] : memref<2x10240x64xf32, #tpu.memory_space<hbm>> -> memref<1x128x64xf32, #tpu.memory_space<hbm>>
    %dma_start3A_402 = tpu.memref_squeeze %dma_start3A_401 : memref<1x128x64xf32, #tpu.memory_space<hbm>> -> memref<128x64xf32, #tpu.memory_space<hbm>>
    %dma_start3A_403 = tpu.memref_slice %arg14[%dma_start3A_395] : memref<10x!tpu.dma_semaphore, #tpu.memory_space<semaphore_mem>> -> memref<1x!tpu.dma_semaphore, #tpu.memory_space<semaphore_mem>>
    %dma_start3A_404 = tpu.memref_squeeze %dma_start3A_403 : memref<1x!tpu.dma_semaphore, #tpu.memory_space<semaphore_mem>> -> memref<!tpu.dma_semaphore, #tpu.memory_space<semaphore_mem>>
    %dma_start3A_405 = arith.constant 0 : i32
    %dma_start3A_406 = tpu.memref_slice %arg6[%arg0, %add3A_393, %dma_start3A_405] : memref<2x10240x64xf32, #tpu.memory_space<hbm>> -> memref<1x128x64xf32, #tpu.memory_space<hbm>>
    %dma_start3A_407 = tpu.memref_squeeze %dma_start3A_406 : memref<1x128x64xf32, #tpu.memory_space<hbm>> -> memref<128x64xf32, #tpu.memory_space<hbm>>
    %dma_start3A_408 = arith.constant 0 : i32
    %dma_start3A_409 = arith.constant 0 : i32
    %dma_start3A_410 = tpu.memref_slice %arg9[%dma_start3A_394, %dma_start3A_408, %dma_start3A_409] : memref<5x128x64xf32, #tpu.memory_space<vmem>> -> memref<1x128x64xf32, #tpu.memory_space<vmem>>
    %dma_start3A_411 = tpu.memref_squeeze %dma_start3A_410 : memref<1x128x64xf32, #tpu.memory_space<vmem>> -> memref<128x64xf32, #tpu.memory_space<vmem>>
    tpu.enqueue_dma source(%dma_start3A_411 : memref<128x64xf32, #tpu.memory_space<vmem>>) target(%dma_start3A_407 : memref<128x64xf32, #tpu.memory_space<hbm>>) target_semaphore(%dma_start3A_404 : memref<!tpu.dma_semaphore, #tpu.memory_space<semaphore_mem>>)
    %dma_wait3A_412 = arith.constant 3 : i32
    %dma_wait3A_413 = arith.constant 3 : i32
    %dma_wait3A_414 = arith.constant 0 : i32
    %dma_wait3A_415 = arith.constant 0 : i32
    %dma_wait3A_416 = tpu.memref_slice %arg9[%dma_wait3A_412, %dma_wait3A_414, %dma_wait3A_415] : memref<5x128x64xf32, #tpu.memory_space<vmem>> -> memref<1x128x64xf32, #tpu.memory_space<vmem>>
    %dma_wait3A_417 = tpu.memref_squeeze %dma_wait3A_416 : memref<1x128x64xf32, #tpu.memory_space<vmem>> -> memref<128x64xf32, #tpu.memory_space<vmem>>
    %dma_wait3A_418 = tpu.memref_slice %arg14[%dma_wait3A_413] : memref<10x!tpu.dma_semaphore, #tpu.memory_space<semaphore_mem>> -> memref<1x!tpu.dma_semaphore, #tpu.memory_space<semaphore_mem>>
    %dma_wait3A_419 = tpu.memref_squeeze %dma_wait3A_418 : memref<1x!tpu.dma_semaphore, #tpu.memory_space<semaphore_mem>> -> memref<!tpu.dma_semaphore, #tpu.memory_space<semaphore_mem>>
    %dma_wait3A_420 = arith.constant 0 : i32
    %dma_wait3A_421 = arith.constant 0 : i32
    %dma_wait3A_422 = tpu.memref_slice %arg9[%dma_wait3A_412, %dma_wait3A_420, %dma_wait3A_421] : memref<5x128x64xf32, #tpu.memory_space<vmem>> -> memref<1x128x64xf32, #tpu.memory_space<vmem>>
    %dma_wait3A_423 = tpu.memref_squeeze %dma_wait3A_422 : memref<1x128x64xf32, #tpu.memory_space<vmem>> -> memref<128x64xf32, #tpu.memory_space<vmem>>
    tpu.wait_dma2 semaphore(%dma_wait3A_419 : memref<!tpu.dma_semaphore, #tpu.memory_space<semaphore_mem>>) src(%arg5 : memref<128x64xf32, #tpu.memory_space<hbm>>) dst(%dma_wait3A_423 : memref<128x64xf32, #tpu.memory_space<vmem>>)
    %mul3A_424 = arith.constant 640 : i32
    %mul3A_425 = arith.muli %arg1, %mul3A_424 : i32
    %add3A_426 = arith.constant 384 : i32
    %add3A_427 = arith.addi %mul3A_425, %add3A_426 : i32
    %dma_start3A_428 = arith.constant 3 : i32
    %dma_start3A_429 = arith.constant 8 : i32
    %dma_start3A_430 = arith.constant 0 : i32
    %dma_start3A_431 = arith.constant 0 : i32
    %dma_start3A_432 = tpu.memref_slice %arg9[%dma_start3A_428, %dma_start3A_430, %dma_start3A_431] : memref<5x128x64xf32, #tpu.memory_space<vmem>> -> memref<1x128x64xf32, #tpu.memory_space<vmem>>
    %dma_start3A_433 = tpu.memref_squeeze %dma_start3A_432 : memref<1x128x64xf32, #tpu.memory_space<vmem>> -> memref<128x64xf32, #tpu.memory_space<vmem>>
    %dma_start3A_434 = arith.constant 0 : i32
    %dma_start3A_435 = tpu.memref_slice %arg6[%arg0, %add3A_427, %dma_start3A_434] : memref<2x10240x64xf32, #tpu.memory_space<hbm>> -> memref<1x128x64xf32, #tpu.memory_space<hbm>>
    %dma_start3A_436 = tpu.memref_squeeze %dma_start3A_435 : memref<1x128x64xf32, #tpu.memory_space<hbm>> -> memref<128x64xf32, #tpu.memory_space<hbm>>
    %dma_start3A_437 = tpu.memref_slice %arg14[%dma_start3A_429] : memref<10x!tpu.dma_semaphore, #tpu.memory_space<semaphore_mem>> -> memref<1x!tpu.dma_semaphore, #tpu.memory_space<semaphore_mem>>
    %dma_start3A_438 = tpu.memref_squeeze %dma_start3A_437 : memref<1x!tpu.dma_semaphore, #tpu.memory_space<semaphore_mem>> -> memref<!tpu.dma_semaphore, #tpu.memory_space<semaphore_mem>>
    %dma_start3A_439 = arith.constant 0 : i32
    %dma_start3A_440 = tpu.memref_slice %arg6[%arg0, %add3A_427, %dma_start3A_439] : memref<2x10240x64xf32, #tpu.memory_space<hbm>> -> memref<1x128x64xf32, #tpu.memory_space<hbm>>
    %dma_start3A_441 = tpu.memref_squeeze %dma_start3A_440 : memref<1x128x64xf32, #tpu.memory_space<hbm>> -> memref<128x64xf32, #tpu.memory_space<hbm>>
    %dma_start3A_442 = arith.constant 0 : i32
    %dma_start3A_443 = arith.constant 0 : i32
    %dma_start3A_444 = tpu.memref_slice %arg9[%dma_start3A_428, %dma_start3A_442, %dma_start3A_443] : memref<5x128x64xf32, #tpu.memory_space<vmem>> -> memref<1x128x64xf32, #tpu.memory_space<vmem>>
    %dma_start3A_445 = tpu.memref_squeeze %dma_start3A_444 : memref<1x128x64xf32, #tpu.memory_space<vmem>> -> memref<128x64xf32, #tpu.memory_space<vmem>>
    tpu.enqueue_dma source(%dma_start3A_445 : memref<128x64xf32, #tpu.memory_space<vmem>>) target(%dma_start3A_441 : memref<128x64xf32, #tpu.memory_space<hbm>>) target_semaphore(%dma_start3A_438 : memref<!tpu.dma_semaphore, #tpu.memory_space<semaphore_mem>>)
    %dma_wait3A_446 = arith.constant 4 : i32
    %dma_wait3A_447 = arith.constant 4 : i32
    %dma_wait3A_448 = arith.constant 0 : i32
    %dma_wait3A_449 = arith.constant 0 : i32
    %dma_wait3A_450 = tpu.memref_slice %arg9[%dma_wait3A_446, %dma_wait3A_448, %dma_wait3A_449] : memref<5x128x64xf32, #tpu.memory_space<vmem>> -> memref<1x128x64xf32, #tpu.memory_space<vmem>>
    %dma_wait3A_451 = tpu.memref_squeeze %dma_wait3A_450 : memref<1x128x64xf32, #tpu.memory_space<vmem>> -> memref<128x64xf32, #tpu.memory_space<vmem>>
    %dma_wait3A_452 = tpu.memref_slice %arg14[%dma_wait3A_447] : memref<10x!tpu.dma_semaphore, #tpu.memory_space<semaphore_mem>> -> memref<1x!tpu.dma_semaphore, #tpu.memory_space<semaphore_mem>>
    %dma_wait3A_453 = tpu.memref_squeeze %dma_wait3A_452 : memref<1x!tpu.dma_semaphore, #tpu.memory_space<semaphore_mem>> -> memref<!tpu.dma_semaphore, #tpu.memory_space<semaphore_mem>>
    %dma_wait3A_454 = arith.constant 0 : i32
    %dma_wait3A_455 = arith.constant 0 : i32
    %dma_wait3A_456 = tpu.memref_slice %arg9[%dma_wait3A_446, %dma_wait3A_454, %dma_wait3A_455] : memref<5x128x64xf32, #tpu.memory_space<vmem>> -> memref<1x128x64xf32, #tpu.memory_space<vmem>>
    %dma_wait3A_457 = tpu.memref_squeeze %dma_wait3A_456 : memref<1x128x64xf32, #tpu.memory_space<vmem>> -> memref<128x64xf32, #tpu.memory_space<vmem>>
    tpu.wait_dma2 semaphore(%dma_wait3A_453 : memref<!tpu.dma_semaphore, #tpu.memory_space<semaphore_mem>>) src(%arg5 : memref<128x64xf32, #tpu.memory_space<hbm>>) dst(%dma_wait3A_457 : memref<128x64xf32, #tpu.memory_space<vmem>>)
    %mul3A_458 = arith.constant 640 : i32
    %mul3A_459 = arith.muli %arg1, %mul3A_458 : i32
    %add3A_460 = arith.constant 512 : i32
    %add3A_461 = arith.addi %mul3A_459, %add3A_460 : i32
    %dma_start3A_462 = arith.constant 4 : i32
    %dma_start3A_463 = arith.constant 9 : i32
    %dma_start3A_464 = arith.constant 0 : i32
    %dma_start3A_465 = arith.constant 0 : i32
    %dma_start3A_466 = tpu.memref_slice %arg9[%dma_start3A_462, %dma_start3A_464, %dma_start3A_465] : memref<5x128x64xf32, #tpu.memory_space<vmem>> -> memref<1x128x64xf32, #tpu.memory_space<vmem>>
    %dma_start3A_467 = tpu.memref_squeeze %dma_start3A_466 : memref<1x128x64xf32, #tpu.memory_space<vmem>> -> memref<128x64xf32, #tpu.memory_space<vmem>>
    %dma_start3A_468 = arith.constant 0 : i32
    %dma_start3A_469 = tpu.memref_slice %arg6[%arg0, %add3A_461, %dma_start3A_468] : memref<2x10240x64xf32, #tpu.memory_space<hbm>> -> memref<1x128x64xf32, #tpu.memory_space<hbm>>
    %dma_start3A_470 = tpu.memref_squeeze %dma_start3A_469 : memref<1x128x64xf32, #tpu.memory_space<hbm>> -> memref<128x64xf32, #tpu.memory_space<hbm>>
    %dma_start3A_471 = tpu.memref_slice %arg14[%dma_start3A_463] : memref<10x!tpu.dma_semaphore, #tpu.memory_space<semaphore_mem>> -> memref<1x!tpu.dma_semaphore, #tpu.memory_space<semaphore_mem>>
    %dma_start3A_472 = tpu.memref_squeeze %dma_start3A_471 : memref<1x!tpu.dma_semaphore, #tpu.memory_space<semaphore_mem>> -> memref<!tpu.dma_semaphore, #tpu.memory_space<semaphore_mem>>
    %dma_start3A_473 = arith.constant 0 : i32
    %dma_start3A_474 = tpu.memref_slice %arg6[%arg0, %add3A_461, %dma_start3A_473] : memref<2x10240x64xf32, #tpu.memory_space<hbm>> -> memref<1x128x64xf32, #tpu.memory_space<hbm>>
    %dma_start3A_475 = tpu.memref_squeeze %dma_start3A_474 : memref<1x128x64xf32, #tpu.memory_space<hbm>> -> memref<128x64xf32, #tpu.memory_space<hbm>>
    %dma_start3A_476 = arith.constant 0 : i32
    %dma_start3A_477 = arith.constant 0 : i32
    %dma_start3A_478 = tpu.memref_slice %arg9[%dma_start3A_462, %dma_start3A_476, %dma_start3A_477] : memref<5x128x64xf32, #tpu.memory_space<vmem>> -> memref<1x128x64xf32, #tpu.memory_space<vmem>>
    %dma_start3A_479 = tpu.memref_squeeze %dma_start3A_478 : memref<1x128x64xf32, #tpu.memory_space<vmem>> -> memref<128x64xf32, #tpu.memory_space<vmem>>
    tpu.enqueue_dma source(%dma_start3A_479 : memref<128x64xf32, #tpu.memory_space<vmem>>) target(%dma_start3A_475 : memref<128x64xf32, #tpu.memory_space<hbm>>) target_semaphore(%dma_start3A_472 : memref<!tpu.dma_semaphore, #tpu.memory_space<semaphore_mem>>)
    %dma_wait3A_480 = arith.constant 0 : i32
    %dma_wait3A_481 = arith.constant 5 : i32
    %dma_wait3A_482 = arith.constant 0 : i32
    %dma_wait3A_483 = arith.constant 0 : i32
    %dma_wait3A_484 = tpu.memref_slice %arg9[%dma_wait3A_480, %dma_wait3A_482, %dma_wait3A_483] : memref<5x128x64xf32, #tpu.memory_space<vmem>> -> memref<1x128x64xf32, #tpu.memory_space<vmem>>
    %dma_wait3A_485 = tpu.memref_squeeze %dma_wait3A_484 : memref<1x128x64xf32, #tpu.memory_space<vmem>> -> memref<128x64xf32, #tpu.memory_space<vmem>>
    %dma_wait3A_486 = tpu.memref_slice %arg14[%dma_wait3A_481] : memref<10x!tpu.dma_semaphore, #tpu.memory_space<semaphore_mem>> -> memref<1x!tpu.dma_semaphore, #tpu.memory_space<semaphore_mem>>
    %dma_wait3A_487 = tpu.memref_squeeze %dma_wait3A_486 : memref<1x!tpu.dma_semaphore, #tpu.memory_space<semaphore_mem>> -> memref<!tpu.dma_semaphore, #tpu.memory_space<semaphore_mem>>
    %dma_wait3A_488 = arith.constant 0 : i32
    %dma_wait3A_489 = arith.constant 0 : i32
    %dma_wait3A_490 = tpu.memref_slice %arg9[%dma_wait3A_480, %dma_wait3A_488, %dma_wait3A_489] : memref<5x128x64xf32, #tpu.memory_space<vmem>> -> memref<1x128x64xf32, #tpu.memory_space<vmem>>
    %dma_wait3A_491 = tpu.memref_squeeze %dma_wait3A_490 : memref<1x128x64xf32, #tpu.memory_space<vmem>> -> memref<128x64xf32, #tpu.memory_space<vmem>>
    tpu.wait_dma2 semaphore(%dma_wait3A_487 : memref<!tpu.dma_semaphore, #tpu.memory_space<semaphore_mem>>) src(%arg5 : memref<128x64xf32, #tpu.memory_space<hbm>>) dst(%dma_wait3A_491 : memref<128x64xf32, #tpu.memory_space<vmem>>)
    %dma_wait3A_492 = arith.constant 1 : i32
    %dma_wait3A_493 = arith.constant 6 : i32
    %dma_wait3A_494 = arith.constant 0 : i32
    %dma_wait3A_495 = arith.constant 0 : i32
    %dma_wait3A_496 = tpu.memref_slice %arg9[%dma_wait3A_492, %dma_wait3A_494, %dma_wait3A_495] : memref<5x128x64xf32, #tpu.memory_space<vmem>> -> memref<1x128x64xf32, #tpu.memory_space<vmem>>
    %dma_wait3A_497 = tpu.memref_squeeze %dma_wait3A_496 : memref<1x128x64xf32, #tpu.memory_space<vmem>> -> memref<128x64xf32, #tpu.memory_space<vmem>>
    %dma_wait3A_498 = tpu.memref_slice %arg14[%dma_wait3A_493] : memref<10x!tpu.dma_semaphore, #tpu.memory_space<semaphore_mem>> -> memref<1x!tpu.dma_semaphore, #tpu.memory_space<semaphore_mem>>
    %dma_wait3A_499 = tpu.memref_squeeze %dma_wait3A_498 : memref<1x!tpu.dma_semaphore, #tpu.memory_space<semaphore_mem>> -> memref<!tpu.dma_semaphore, #tpu.memory_space<semaphore_mem>>
    %dma_wait3A_500 = arith.constant 0 : i32
    %dma_wait3A_501 = arith.constant 0 : i32
    %dma_wait3A_502 = tpu.memref_slice %arg9[%dma_wait3A_492, %dma_wait3A_500, %dma_wait3A_501] : memref<5x128x64xf32, #tpu.memory_space<vmem>> -> memref<1x128x64xf32, #tpu.memory_space<vmem>>
    %dma_wait3A_503 = tpu.memref_squeeze %dma_wait3A_502 : memref<1x128x64xf32, #tpu.memory_space<vmem>> -> memref<128x64xf32, #tpu.memory_space<vmem>>
    tpu.wait_dma2 semaphore(%dma_wait3A_499 : memref<!tpu.dma_semaphore, #tpu.memory_space<semaphore_mem>>) src(%arg5 : memref<128x64xf32, #tpu.memory_space<hbm>>) dst(%dma_wait3A_503 : memref<128x64xf32, #tpu.memory_space<vmem>>)
    %dma_wait3A_504 = arith.constant 2 : i32
    %dma_wait3A_505 = arith.constant 7 : i32
    %dma_wait3A_506 = arith.constant 0 : i32
    %dma_wait3A_507 = arith.constant 0 : i32
    %dma_wait3A_508 = tpu.memref_slice %arg9[%dma_wait3A_504, %dma_wait3A_506, %dma_wait3A_507] : memref<5x128x64xf32, #tpu.memory_space<vmem>> -> memref<1x128x64xf32, #tpu.memory_space<vmem>>
    %dma_wait3A_509 = tpu.memref_squeeze %dma_wait3A_508 : memref<1x128x64xf32, #tpu.memory_space<vmem>> -> memref<128x64xf32, #tpu.memory_space<vmem>>
    %dma_wait3A_510 = tpu.memref_slice %arg14[%dma_wait3A_505] : memref<10x!tpu.dma_semaphore, #tpu.memory_space<semaphore_mem>> -> memref<1x!tpu.dma_semaphore, #tpu.memory_space<semaphore_mem>>
    %dma_wait3A_511 = tpu.memref_squeeze %dma_wait3A_510 : memref<1x!tpu.dma_semaphore, #tpu.memory_space<semaphore_mem>> -> memref<!tpu.dma_semaphore, #tpu.memory_space<semaphore_mem>>
    %dma_wait3A_512 = arith.constant 0 : i32
    %dma_wait3A_513 = arith.constant 0 : i32
    %dma_wait3A_514 = tpu.memref_slice %arg9[%dma_wait3A_504, %dma_wait3A_512, %dma_wait3A_513] : memref<5x128x64xf32, #tpu.memory_space<vmem>> -> memref<1x128x64xf32, #tpu.memory_space<vmem>>
    %dma_wait3A_515 = tpu.memref_squeeze %dma_wait3A_514 : memref<1x128x64xf32, #tpu.memory_space<vmem>> -> memref<128x64xf32, #tpu.memory_space<vmem>>
    tpu.wait_dma2 semaphore(%dma_wait3A_511 : memref<!tpu.dma_semaphore, #tpu.memory_space<semaphore_mem>>) src(%arg5 : memref<128x64xf32, #tpu.memory_space<hbm>>) dst(%dma_wait3A_515 : memref<128x64xf32, #tpu.memory_space<vmem>>)
    %dma_wait3A_516 = arith.constant 3 : i32
    %dma_wait3A_517 = arith.constant 8 : i32
    %dma_wait3A_518 = arith.constant 0 : i32
    %dma_wait3A_519 = arith.constant 0 : i32
    %dma_wait3A_520 = tpu.memref_slice %arg9[%dma_wait3A_516, %dma_wait3A_518, %dma_wait3A_519] : memref<5x128x64xf32, #tpu.memory_space<vmem>> -> memref<1x128x64xf32, #tpu.memory_space<vmem>>
    %dma_wait3A_521 = tpu.memref_squeeze %dma_wait3A_520 : memref<1x128x64xf32, #tpu.memory_space<vmem>> -> memref<128x64xf32, #tpu.memory_space<vmem>>
    %dma_wait3A_522 = tpu.memref_slice %arg14[%dma_wait3A_517] : memref<10x!tpu.dma_semaphore, #tpu.memory_space<semaphore_mem>> -> memref<1x!tpu.dma_semaphore, #tpu.memory_space<semaphore_mem>>
    %dma_wait3A_523 = tpu.memref_squeeze %dma_wait3A_522 : memref<1x!tpu.dma_semaphore, #tpu.memory_space<semaphore_mem>> -> memref<!tpu.dma_semaphore, #tpu.memory_space<semaphore_mem>>
    %dma_wait3A_524 = arith.constant 0 : i32
    %dma_wait3A_525 = arith.constant 0 : i32
    %dma_wait3A_526 = tpu.memref_slice %arg9[%dma_wait3A_516, %dma_wait3A_524, %dma_wait3A_525] : memref<5x128x64xf32, #tpu.memory_space<vmem>> -> memref<1x128x64xf32, #tpu.memory_space<vmem>>
    %dma_wait3A_527 = tpu.memref_squeeze %dma_wait3A_526 : memref<1x128x64xf32, #tpu.memory_space<vmem>> -> memref<128x64xf32, #tpu.memory_space<vmem>>
    tpu.wait_dma2 semaphore(%dma_wait3A_523 : memref<!tpu.dma_semaphore, #tpu.memory_space<semaphore_mem>>) src(%arg5 : memref<128x64xf32, #tpu.memory_space<hbm>>) dst(%dma_wait3A_527 : memref<128x64xf32, #tpu.memory_space<vmem>>)
    %dma_wait3A_528 = arith.constant 4 : i32
    %dma_wait3A_529 = arith.constant 9 : i32
    %dma_wait3A_530 = arith.constant 0 : i32
    %dma_wait3A_531 = arith.constant 0 : i32
    %dma_wait3A_532 = tpu.memref_slice %arg9[%dma_wait3A_528, %dma_wait3A_530, %dma_wait3A_531] : memref<5x128x64xf32, #tpu.memory_space<vmem>> -> memref<1x128x64xf32, #tpu.memory_space<vmem>>
    %dma_wait3A_533 = tpu.memref_squeeze %dma_wait3A_532 : memref<1x128x64xf32, #tpu.memory_space<vmem>> -> memref<128x64xf32, #tpu.memory_space<vmem>>
    %dma_wait3A_534 = tpu.memref_slice %arg14[%dma_wait3A_529] : memref<10x!tpu.dma_semaphore, #tpu.memory_space<semaphore_mem>> -> memref<1x!tpu.dma_semaphore, #tpu.memory_space<semaphore_mem>>
    %dma_wait3A_535 = tpu.memref_squeeze %dma_wait3A_534 : memref<1x!tpu.dma_semaphore, #tpu.memory_space<semaphore_mem>> -> memref<!tpu.dma_semaphore, #tpu.memory_space<semaphore_mem>>
    %dma_wait3A_536 = arith.constant 0 : i32
    %dma_wait3A_537 = arith.constant 0 : i32
    %dma_wait3A_538 = tpu.memref_slice %arg9[%dma_wait3A_528, %dma_wait3A_536, %dma_wait3A_537] : memref<5x128x64xf32, #tpu.memory_space<vmem>> -> memref<1x128x64xf32, #tpu.memory_space<vmem>>
    %dma_wait3A_539 = tpu.memref_squeeze %dma_wait3A_538 : memref<1x128x64xf32, #tpu.memory_space<vmem>> -> memref<128x64xf32, #tpu.memory_space<vmem>>
    tpu.wait_dma2 semaphore(%dma_wait3A_535 : memref<!tpu.dma_semaphore, #tpu.memory_space<semaphore_mem>>) src(%arg5 : memref<128x64xf32, #tpu.memory_space<hbm>>) dst(%dma_wait3A_539 : memref<128x64xf32, #tpu.memory_space<vmem>>)
    return
  }
}

#map = affine_map<(d0, d1) -> (0, 0)>
#map1 = affine_map<(d0, d1) -> (0, 0, 0)>
module attributes {stable_mosaic.version = 14 : i64} {
  func.func @_agg_body(%arg0: i32, %arg1: i32, %arg2: memref<10240x32xf32, #tpu.memory_space<hbm>>, %arg3: memref<32x80x128xi32, #tpu.memory_space<hbm>>, %arg4: memref<32x80x128xi32, #tpu.memory_space<hbm>>, %arg5: memref<128x32xf32, #tpu.memory_space<hbm>>, %arg6: memref<2x10240x32xf32, #tpu.memory_space<hbm>>, %arg7: memref<80x128xi32, #tpu.memory_space<vmem>>, %arg8: memref<80x128xi32, #tpu.memory_space<vmem>>, %arg9: memref<5x128x32xf32, #tpu.memory_space<vmem>>, %arg10: memref<128x32xf32, #tpu.memory_space<vmem>>, %arg11: memref<10240x32xf32, #tpu.memory_space<vmem_shared>>, %arg12: memref<5x!tpu.dma_semaphore, #tpu.memory_space<semaphore_mem>>, %arg13: memref<5x!tpu.dma_semaphore, #tpu.memory_space<semaphore_mem>>, %arg14: memref<10x!tpu.dma_semaphore, #tpu.memory_space<semaphore_mem>>) attributes {dimension_semantics = [#tpu.dimension_semantics<core_parallel>, #tpu.dimension_semantics<subcore_parallel>], iteration_bounds = array<i64: 2, 16>, scalar_prefetch = 0 : i64, scratch_operands = 8 : i64, tpu.core_type = #tpu.core_type<sc_vector_subcore>, window_params = [{transform_indices = #map}, {transform_indices = #map1}, {transform_indices = #map1}, {transform_indices = #map}, {transform_indices = #map1}]} {
    %mul3A = arith.constant 16 : i32
    %mul3A_0 = arith.muli %arg0, %mul3A : i32
    %add3A = arith.addi %mul3A_0, %arg1 : i32
    "tpu.region"() ({
      %run_scoped3A = tpu.sem_alloc : memref<!tpu.dma_semaphore, #tpu.memory_space<semaphore_mem>>
      %dma_start3A_540 = arith.constant 0 : i32
      %dma_start3A_541 = arith.constant 0 : i32
      %dma_start3A_542 = tpu.memref_slice %arg3[%add3A, %dma_start3A_540, %dma_start3A_541] : memref<32x80x128xi32, #tpu.memory_space<hbm>> -> memref<1x80x128xi32, #tpu.memory_space<hbm>>
      %dma_start3A_543 = tpu.memref_squeeze %dma_start3A_542 : memref<1x80x128xi32, #tpu.memory_space<hbm>> -> memref<80x128xi32, #tpu.memory_space<hbm>>
      %dma_start3A_544 = arith.constant 0 : i32
      %dma_start3A_545 = arith.constant 0 : i32
      %dma_start3A_546 = tpu.memref_slice %arg3[%add3A, %dma_start3A_544, %dma_start3A_545] : memref<32x80x128xi32, #tpu.memory_space<hbm>> -> memref<1x80x128xi32, #tpu.memory_space<hbm>>
      %dma_start3A_547 = tpu.memref_squeeze %dma_start3A_546 : memref<1x80x128xi32, #tpu.memory_space<hbm>> -> memref<80x128xi32, #tpu.memory_space<hbm>>
      tpu.enqueue_dma source(%dma_start3A_547 : memref<80x128xi32, #tpu.memory_space<hbm>>) target(%arg7 : memref<80x128xi32, #tpu.memory_space<vmem>>) target_semaphore(%run_scoped3A : memref<!tpu.dma_semaphore, #tpu.memory_space<semaphore_mem>>)
      %dma_wait3A_548 = arith.constant 0 : i32
      %dma_wait3A_549 = arith.constant 0 : i32
      %dma_wait3A_550 = tpu.memref_slice %arg3[%add3A, %dma_wait3A_548, %dma_wait3A_549] : memref<32x80x128xi32, #tpu.memory_space<hbm>> -> memref<1x80x128xi32, #tpu.memory_space<hbm>>
      %dma_wait3A_551 = tpu.memref_squeeze %dma_wait3A_550 : memref<1x80x128xi32, #tpu.memory_space<hbm>> -> memref<80x128xi32, #tpu.memory_space<hbm>>
      %dma_wait3A_552 = arith.constant 0 : i32
      %dma_wait3A_553 = arith.constant 0 : i32
      %dma_wait3A_554 = tpu.memref_slice %arg3[%add3A, %dma_wait3A_552, %dma_wait3A_553] : memref<32x80x128xi32, #tpu.memory_space<hbm>> -> memref<1x80x128xi32, #tpu.memory_space<hbm>>
      %dma_wait3A_555 = tpu.memref_squeeze %dma_wait3A_554 : memref<1x80x128xi32, #tpu.memory_space<hbm>> -> memref<80x128xi32, #tpu.memory_space<hbm>>
      tpu.wait_dma2 semaphore(%run_scoped3A : memref<!tpu.dma_semaphore, #tpu.memory_space<semaphore_mem>>) src(%dma_wait3A_555 : memref<80x128xi32, #tpu.memory_space<hbm>>) dst(%arg7 : memref<80x128xi32, #tpu.memory_space<vmem>>)
      tpu.yield
    }) : () -> ()
    "tpu.region"() ({
      %run_scoped3A = tpu.sem_alloc : memref<!tpu.dma_semaphore, #tpu.memory_space<semaphore_mem>>
      %dma_start3A_540 = arith.constant 0 : i32
      %dma_start3A_541 = arith.constant 0 : i32
      %dma_start3A_542 = tpu.memref_slice %arg4[%add3A, %dma_start3A_540, %dma_start3A_541] : memref<32x80x128xi32, #tpu.memory_space<hbm>> -> memref<1x80x128xi32, #tpu.memory_space<hbm>>
      %dma_start3A_543 = tpu.memref_squeeze %dma_start3A_542 : memref<1x80x128xi32, #tpu.memory_space<hbm>> -> memref<80x128xi32, #tpu.memory_space<hbm>>
      %dma_start3A_544 = arith.constant 0 : i32
      %dma_start3A_545 = arith.constant 0 : i32
      %dma_start3A_546 = tpu.memref_slice %arg4[%add3A, %dma_start3A_544, %dma_start3A_545] : memref<32x80x128xi32, #tpu.memory_space<hbm>> -> memref<1x80x128xi32, #tpu.memory_space<hbm>>
      %dma_start3A_547 = tpu.memref_squeeze %dma_start3A_546 : memref<1x80x128xi32, #tpu.memory_space<hbm>> -> memref<80x128xi32, #tpu.memory_space<hbm>>
      tpu.enqueue_dma source(%dma_start3A_547 : memref<80x128xi32, #tpu.memory_space<hbm>>) target(%arg8 : memref<80x128xi32, #tpu.memory_space<vmem>>) target_semaphore(%run_scoped3A : memref<!tpu.dma_semaphore, #tpu.memory_space<semaphore_mem>>)
      %dma_wait3A_548 = arith.constant 0 : i32
      %dma_wait3A_549 = arith.constant 0 : i32
      %dma_wait3A_550 = tpu.memref_slice %arg4[%add3A, %dma_wait3A_548, %dma_wait3A_549] : memref<32x80x128xi32, #tpu.memory_space<hbm>> -> memref<1x80x128xi32, #tpu.memory_space<hbm>>
      %dma_wait3A_551 = tpu.memref_squeeze %dma_wait3A_550 : memref<1x80x128xi32, #tpu.memory_space<hbm>> -> memref<80x128xi32, #tpu.memory_space<hbm>>
      %dma_wait3A_552 = arith.constant 0 : i32
      %dma_wait3A_553 = arith.constant 0 : i32
      %dma_wait3A_554 = tpu.memref_slice %arg4[%add3A, %dma_wait3A_552, %dma_wait3A_553] : memref<32x80x128xi32, #tpu.memory_space<hbm>> -> memref<1x80x128xi32, #tpu.memory_space<hbm>>
      %dma_wait3A_555 = tpu.memref_squeeze %dma_wait3A_554 : memref<1x80x128xi32, #tpu.memory_space<hbm>> -> memref<80x128xi32, #tpu.memory_space<hbm>>
      tpu.wait_dma2 semaphore(%run_scoped3A : memref<!tpu.dma_semaphore, #tpu.memory_space<semaphore_mem>>) src(%dma_wait3A_555 : memref<80x128xi32, #tpu.memory_space<hbm>>) dst(%arg8 : memref<80x128xi32, #tpu.memory_space<vmem>>)
      tpu.yield
    }) : () -> ()
    "tpu.region"() ({
      %run_scoped3A = tpu.sem_alloc : memref<!tpu.dma_semaphore, #tpu.memory_space<semaphore_mem>>
      tpu.enqueue_dma source(%arg5 : memref<128x32xf32, #tpu.memory_space<hbm>>) target(%arg10 : memref<128x32xf32, #tpu.memory_space<vmem>>) target_semaphore(%run_scoped3A : memref<!tpu.dma_semaphore, #tpu.memory_space<semaphore_mem>>)
      tpu.wait_dma2 semaphore(%run_scoped3A : memref<!tpu.dma_semaphore, #tpu.memory_space<semaphore_mem>>) src(%arg5 : memref<128x32xf32, #tpu.memory_space<hbm>>) dst(%arg10 : memref<128x32xf32, #tpu.memory_space<vmem>>)
      tpu.yield
    }) : () -> ()
    %mul3A_1 = arith.constant 640 : i32
    %mul3A_2 = arith.muli %arg1, %mul3A_1 : i32
    %add3A_3 = arith.constant 0 : i32
    %add3A_4 = arith.addi %mul3A_2, %add3A_3 : i32
    %dma_start3A = arith.constant 0 : i32
    %dma_start3A_5 = arith.constant 0 : i32
    %dma_start3A_6 = tpu.memref_slice %arg11[%add3A_4, %dma_start3A_5] : memref<10240x32xf32, #tpu.memory_space<vmem_shared>> -> memref<128x32xf32, #tpu.memory_space<vmem_shared>>
    %dma_start3A_7 = tpu.memref_slice %arg14[%dma_start3A] : memref<10x!tpu.dma_semaphore, #tpu.memory_space<semaphore_mem>> -> memref<1x!tpu.dma_semaphore, #tpu.memory_space<semaphore_mem>>
    %dma_start3A_8 = tpu.memref_squeeze %dma_start3A_7 : memref<1x!tpu.dma_semaphore, #tpu.memory_space<semaphore_mem>> -> memref<!tpu.dma_semaphore, #tpu.memory_space<semaphore_mem>>
    %dma_start3A_9 = arith.constant 0 : i32
    %dma_start3A_10 = tpu.memref_slice %arg11[%add3A_4, %dma_start3A_9] : memref<10240x32xf32, #tpu.memory_space<vmem_shared>> -> memref<128x32xf32, #tpu.memory_space<vmem_shared>>
    tpu.enqueue_dma source(%arg10 : memref<128x32xf32, #tpu.memory_space<vmem>>) target(%dma_start3A_10 : memref<128x32xf32, #tpu.memory_space<vmem_shared>>) target_semaphore(%dma_start3A_8 : memref<!tpu.dma_semaphore, #tpu.memory_space<semaphore_mem>>)
    %mul3A_11 = arith.constant 640 : i32
    %mul3A_12 = arith.muli %arg1, %mul3A_11 : i32
    %add3A_13 = arith.constant 128 : i32
    %add3A_14 = arith.addi %mul3A_12, %add3A_13 : i32
    %dma_start3A_15 = arith.constant 1 : i32
    %dma_start3A_16 = arith.constant 0 : i32
    %dma_start3A_17 = tpu.memref_slice %arg11[%add3A_14, %dma_start3A_16] : memref<10240x32xf32, #tpu.memory_space<vmem_shared>> -> memref<128x32xf32, #tpu.memory_space<vmem_shared>>
    %dma_start3A_18 = tpu.memref_slice %arg14[%dma_start3A_15] : memref<10x!tpu.dma_semaphore, #tpu.memory_space<semaphore_mem>> -> memref<1x!tpu.dma_semaphore, #tpu.memory_space<semaphore_mem>>
    %dma_start3A_19 = tpu.memref_squeeze %dma_start3A_18 : memref<1x!tpu.dma_semaphore, #tpu.memory_space<semaphore_mem>> -> memref<!tpu.dma_semaphore, #tpu.memory_space<semaphore_mem>>
    %dma_start3A_20 = arith.constant 0 : i32
    %dma_start3A_21 = tpu.memref_slice %arg11[%add3A_14, %dma_start3A_20] : memref<10240x32xf32, #tpu.memory_space<vmem_shared>> -> memref<128x32xf32, #tpu.memory_space<vmem_shared>>
    tpu.enqueue_dma source(%arg10 : memref<128x32xf32, #tpu.memory_space<vmem>>) target(%dma_start3A_21 : memref<128x32xf32, #tpu.memory_space<vmem_shared>>) target_semaphore(%dma_start3A_19 : memref<!tpu.dma_semaphore, #tpu.memory_space<semaphore_mem>>)
    %mul3A_22 = arith.constant 640 : i32
    %mul3A_23 = arith.muli %arg1, %mul3A_22 : i32
    %add3A_24 = arith.constant 256 : i32
    %add3A_25 = arith.addi %mul3A_23, %add3A_24 : i32
    %dma_start3A_26 = arith.constant 2 : i32
    %dma_start3A_27 = arith.constant 0 : i32
    %dma_start3A_28 = tpu.memref_slice %arg11[%add3A_25, %dma_start3A_27] : memref<10240x32xf32, #tpu.memory_space<vmem_shared>> -> memref<128x32xf32, #tpu.memory_space<vmem_shared>>
    %dma_start3A_29 = tpu.memref_slice %arg14[%dma_start3A_26] : memref<10x!tpu.dma_semaphore, #tpu.memory_space<semaphore_mem>> -> memref<1x!tpu.dma_semaphore, #tpu.memory_space<semaphore_mem>>
    %dma_start3A_30 = tpu.memref_squeeze %dma_start3A_29 : memref<1x!tpu.dma_semaphore, #tpu.memory_space<semaphore_mem>> -> memref<!tpu.dma_semaphore, #tpu.memory_space<semaphore_mem>>
    %dma_start3A_31 = arith.constant 0 : i32
    %dma_start3A_32 = tpu.memref_slice %arg11[%add3A_25, %dma_start3A_31] : memref<10240x32xf32, #tpu.memory_space<vmem_shared>> -> memref<128x32xf32, #tpu.memory_space<vmem_shared>>
    tpu.enqueue_dma source(%arg10 : memref<128x32xf32, #tpu.memory_space<vmem>>) target(%dma_start3A_32 : memref<128x32xf32, #tpu.memory_space<vmem_shared>>) target_semaphore(%dma_start3A_30 : memref<!tpu.dma_semaphore, #tpu.memory_space<semaphore_mem>>)
    %mul3A_33 = arith.constant 640 : i32
    %mul3A_34 = arith.muli %arg1, %mul3A_33 : i32
    %add3A_35 = arith.constant 384 : i32
    %add3A_36 = arith.addi %mul3A_34, %add3A_35 : i32
    %dma_start3A_37 = arith.constant 3 : i32
    %dma_start3A_38 = arith.constant 0 : i32
    %dma_start3A_39 = tpu.memref_slice %arg11[%add3A_36, %dma_start3A_38] : memref<10240x32xf32, #tpu.memory_space<vmem_shared>> -> memref<128x32xf32, #tpu.memory_space<vmem_shared>>
    %dma_start3A_40 = tpu.memref_slice %arg14[%dma_start3A_37] : memref<10x!tpu.dma_semaphore, #tpu.memory_space<semaphore_mem>> -> memref<1x!tpu.dma_semaphore, #tpu.memory_space<semaphore_mem>>
    %dma_start3A_41 = tpu.memref_squeeze %dma_start3A_40 : memref<1x!tpu.dma_semaphore, #tpu.memory_space<semaphore_mem>> -> memref<!tpu.dma_semaphore, #tpu.memory_space<semaphore_mem>>
    %dma_start3A_42 = arith.constant 0 : i32
    %dma_start3A_43 = tpu.memref_slice %arg11[%add3A_36, %dma_start3A_42] : memref<10240x32xf32, #tpu.memory_space<vmem_shared>> -> memref<128x32xf32, #tpu.memory_space<vmem_shared>>
    tpu.enqueue_dma source(%arg10 : memref<128x32xf32, #tpu.memory_space<vmem>>) target(%dma_start3A_43 : memref<128x32xf32, #tpu.memory_space<vmem_shared>>) target_semaphore(%dma_start3A_41 : memref<!tpu.dma_semaphore, #tpu.memory_space<semaphore_mem>>)
    %mul3A_44 = arith.constant 640 : i32
    %mul3A_45 = arith.muli %arg1, %mul3A_44 : i32
    %add3A_46 = arith.constant 512 : i32
    %add3A_47 = arith.addi %mul3A_45, %add3A_46 : i32
    %dma_start3A_48 = arith.constant 4 : i32
    %dma_start3A_49 = arith.constant 0 : i32
    %dma_start3A_50 = tpu.memref_slice %arg11[%add3A_47, %dma_start3A_49] : memref<10240x32xf32, #tpu.memory_space<vmem_shared>> -> memref<128x32xf32, #tpu.memory_space<vmem_shared>>
    %dma_start3A_51 = tpu.memref_slice %arg14[%dma_start3A_48] : memref<10x!tpu.dma_semaphore, #tpu.memory_space<semaphore_mem>> -> memref<1x!tpu.dma_semaphore, #tpu.memory_space<semaphore_mem>>
    %dma_start3A_52 = tpu.memref_squeeze %dma_start3A_51 : memref<1x!tpu.dma_semaphore, #tpu.memory_space<semaphore_mem>> -> memref<!tpu.dma_semaphore, #tpu.memory_space<semaphore_mem>>
    %dma_start3A_53 = arith.constant 0 : i32
    %dma_start3A_54 = tpu.memref_slice %arg11[%add3A_47, %dma_start3A_53] : memref<10240x32xf32, #tpu.memory_space<vmem_shared>> -> memref<128x32xf32, #tpu.memory_space<vmem_shared>>
    tpu.enqueue_dma source(%arg10 : memref<128x32xf32, #tpu.memory_space<vmem>>) target(%dma_start3A_54 : memref<128x32xf32, #tpu.memory_space<vmem_shared>>) target_semaphore(%dma_start3A_52 : memref<!tpu.dma_semaphore, #tpu.memory_space<semaphore_mem>>)
    %dma_wait3A = arith.constant 0 : i32
    %dma_wait3A_55 = tpu.memref_slice %arg14[%dma_wait3A] : memref<10x!tpu.dma_semaphore, #tpu.memory_space<semaphore_mem>> -> memref<1x!tpu.dma_semaphore, #tpu.memory_space<semaphore_mem>>
    %dma_wait3A_56 = tpu.memref_squeeze %dma_wait3A_55 : memref<1x!tpu.dma_semaphore, #tpu.memory_space<semaphore_mem>> -> memref<!tpu.dma_semaphore, #tpu.memory_space<semaphore_mem>>
    tpu.wait_dma2 semaphore(%dma_wait3A_56 : memref<!tpu.dma_semaphore, #tpu.memory_space<semaphore_mem>>) src(%arg5 : memref<128x32xf32, #tpu.memory_space<hbm>>) dst(%arg10 : memref<128x32xf32, #tpu.memory_space<vmem>>)
    %dma_wait3A_57 = arith.constant 1 : i32
    %dma_wait3A_58 = tpu.memref_slice %arg14[%dma_wait3A_57] : memref<10x!tpu.dma_semaphore, #tpu.memory_space<semaphore_mem>> -> memref<1x!tpu.dma_semaphore, #tpu.memory_space<semaphore_mem>>
    %dma_wait3A_59 = tpu.memref_squeeze %dma_wait3A_58 : memref<1x!tpu.dma_semaphore, #tpu.memory_space<semaphore_mem>> -> memref<!tpu.dma_semaphore, #tpu.memory_space<semaphore_mem>>
    tpu.wait_dma2 semaphore(%dma_wait3A_59 : memref<!tpu.dma_semaphore, #tpu.memory_space<semaphore_mem>>) src(%arg5 : memref<128x32xf32, #tpu.memory_space<hbm>>) dst(%arg10 : memref<128x32xf32, #tpu.memory_space<vmem>>)
    %dma_wait3A_60 = arith.constant 2 : i32
    %dma_wait3A_61 = tpu.memref_slice %arg14[%dma_wait3A_60] : memref<10x!tpu.dma_semaphore, #tpu.memory_space<semaphore_mem>> -> memref<1x!tpu.dma_semaphore, #tpu.memory_space<semaphore_mem>>
    %dma_wait3A_62 = tpu.memref_squeeze %dma_wait3A_61 : memref<1x!tpu.dma_semaphore, #tpu.memory_space<semaphore_mem>> -> memref<!tpu.dma_semaphore, #tpu.memory_space<semaphore_mem>>
    tpu.wait_dma2 semaphore(%dma_wait3A_62 : memref<!tpu.dma_semaphore, #tpu.memory_space<semaphore_mem>>) src(%arg5 : memref<128x32xf32, #tpu.memory_space<hbm>>) dst(%arg10 : memref<128x32xf32, #tpu.memory_space<vmem>>)
    %dma_wait3A_63 = arith.constant 3 : i32
    %dma_wait3A_64 = tpu.memref_slice %arg14[%dma_wait3A_63] : memref<10x!tpu.dma_semaphore, #tpu.memory_space<semaphore_mem>> -> memref<1x!tpu.dma_semaphore, #tpu.memory_space<semaphore_mem>>
    %dma_wait3A_65 = tpu.memref_squeeze %dma_wait3A_64 : memref<1x!tpu.dma_semaphore, #tpu.memory_space<semaphore_mem>> -> memref<!tpu.dma_semaphore, #tpu.memory_space<semaphore_mem>>
    tpu.wait_dma2 semaphore(%dma_wait3A_65 : memref<!tpu.dma_semaphore, #tpu.memory_space<semaphore_mem>>) src(%arg5 : memref<128x32xf32, #tpu.memory_space<hbm>>) dst(%arg10 : memref<128x32xf32, #tpu.memory_space<vmem>>)
    %dma_wait3A_66 = arith.constant 4 : i32
    %dma_wait3A_67 = tpu.memref_slice %arg14[%dma_wait3A_66] : memref<10x!tpu.dma_semaphore, #tpu.memory_space<semaphore_mem>> -> memref<1x!tpu.dma_semaphore, #tpu.memory_space<semaphore_mem>>
    %dma_wait3A_68 = tpu.memref_squeeze %dma_wait3A_67 : memref<1x!tpu.dma_semaphore, #tpu.memory_space<semaphore_mem>> -> memref<!tpu.dma_semaphore, #tpu.memory_space<semaphore_mem>>
    tpu.wait_dma2 semaphore(%dma_wait3A_68 : memref<!tpu.dma_semaphore, #tpu.memory_space<semaphore_mem>>) src(%arg5 : memref<128x32xf32, #tpu.memory_space<hbm>>) dst(%arg10 : memref<128x32xf32, #tpu.memory_space<vmem>>)
    %barrier3A = arith.constant 0 : index
    tpu.barrier barrier_id(%barrier3A)
    %dma_start3A_69 = arith.constant 0 : i32
    %dma_start3A_70 = arith.constant 0 : i32
    %dma_start3A_71 = arith.constant 0 : i32
    %dma_start3A_72 = arith.constant 0 : i32
    %dma_start3A_73 = arith.constant 0 : i32
    %dma_start3A_74 = tpu.memref_slice %arg9[%dma_start3A_70, %dma_start3A_72, %dma_start3A_73] : memref<5x128x32xf32, #tpu.memory_space<vmem>> -> memref<1x128x32xf32, #tpu.memory_space<vmem>>
    %dma_start3A_75 = tpu.memref_squeeze %dma_start3A_74 : memref<1x128x32xf32, #tpu.memory_space<vmem>> -> memref<128x32xf32, #tpu.memory_space<vmem>>
    %dma_start3A_76 = arith.constant 0 : i32
    %dma_start3A_77 = tpu.memref_slice %arg7[%dma_start3A_69, %dma_start3A_76] : memref<80x128xi32, #tpu.memory_space<vmem>> -> memref<1x128xi32, #tpu.memory_space<vmem>>
    %dma_start3A_78 = tpu.memref_squeeze %dma_start3A_77 : memref<1x128xi32, #tpu.memory_space<vmem>> -> memref<128xi32, #tpu.memory_space<vmem>>
    %dma_start3A_79 = arith.constant 0 : i32
    %dma_start3A_80 = arith.constant 0 : i32
    %dma_start3A_81 = tpu.memref_slice %arg2[%dma_start3A_79, %dma_start3A_80] : memref<10240x32xf32, #tpu.memory_space<hbm>> -> memref<10240x32xf32, #tpu.memory_space<hbm>>
    %dma_start3A_82 = tpu.memref_slice %arg12[%dma_start3A_71] : memref<5x!tpu.dma_semaphore, #tpu.memory_space<semaphore_mem>> -> memref<1x!tpu.dma_semaphore, #tpu.memory_space<semaphore_mem>>
    %dma_start3A_83 = tpu.memref_squeeze %dma_start3A_82 : memref<1x!tpu.dma_semaphore, #tpu.memory_space<semaphore_mem>> -> memref<!tpu.dma_semaphore, #tpu.memory_space<semaphore_mem>>
    tpu.enqueue_indirect_dma source(%dma_start3A_81 : memref<10240x32xf32, #tpu.memory_space<hbm>>) target(%dma_start3A_75 : memref<128x32xf32, #tpu.memory_space<vmem>>) offsets(%dma_start3A_78 : memref<128xi32, #tpu.memory_space<vmem>>) semaphore(%dma_start3A_83 : memref<!tpu.dma_semaphore, #tpu.memory_space<semaphore_mem>>)
    %dma_start3A_84 = arith.constant 1 : i32
    %dma_start3A_85 = arith.constant 1 : i32
    %dma_start3A_86 = arith.constant 1 : i32
    %dma_start3A_87 = arith.constant 0 : i32
    %dma_start3A_88 = arith.constant 0 : i32
    %dma_start3A_89 = tpu.memref_slice %arg9[%dma_start3A_85, %dma_start3A_87, %dma_start3A_88] : memref<5x128x32xf32, #tpu.memory_space<vmem>> -> memref<1x128x32xf32, #tpu.memory_space<vmem>>
    %dma_start3A_90 = tpu.memref_squeeze %dma_start3A_89 : memref<1x128x32xf32, #tpu.memory_space<vmem>> -> memref<128x32xf32, #tpu.memory_space<vmem>>
    %dma_start3A_91 = arith.constant 0 : i32
    %dma_start3A_92 = tpu.memref_slice %arg7[%dma_start3A_84, %dma_start3A_91] : memref<80x128xi32, #tpu.memory_space<vmem>> -> memref<1x128xi32, #tpu.memory_space<vmem>>
    %dma_start3A_93 = tpu.memref_squeeze %dma_start3A_92 : memref<1x128xi32, #tpu.memory_space<vmem>> -> memref<128xi32, #tpu.memory_space<vmem>>
    %dma_start3A_94 = arith.constant 0 : i32
    %dma_start3A_95 = arith.constant 0 : i32
    %dma_start3A_96 = tpu.memref_slice %arg2[%dma_start3A_94, %dma_start3A_95] : memref<10240x32xf32, #tpu.memory_space<hbm>> -> memref<10240x32xf32, #tpu.memory_space<hbm>>
    %dma_start3A_97 = tpu.memref_slice %arg12[%dma_start3A_86] : memref<5x!tpu.dma_semaphore, #tpu.memory_space<semaphore_mem>> -> memref<1x!tpu.dma_semaphore, #tpu.memory_space<semaphore_mem>>
    %dma_start3A_98 = tpu.memref_squeeze %dma_start3A_97 : memref<1x!tpu.dma_semaphore, #tpu.memory_space<semaphore_mem>> -> memref<!tpu.dma_semaphore, #tpu.memory_space<semaphore_mem>>
    tpu.enqueue_indirect_dma source(%dma_start3A_96 : memref<10240x32xf32, #tpu.memory_space<hbm>>) target(%dma_start3A_90 : memref<128x32xf32, #tpu.memory_space<vmem>>) offsets(%dma_start3A_93 : memref<128xi32, #tpu.memory_space<vmem>>) semaphore(%dma_start3A_98 : memref<!tpu.dma_semaphore, #tpu.memory_space<semaphore_mem>>)
    %dma_start3A_99 = arith.constant 2 : i32
    %dma_start3A_100 = arith.constant 2 : i32
    %dma_start3A_101 = arith.constant 2 : i32
    %dma_start3A_102 = arith.constant 0 : i32
    %dma_start3A_103 = arith.constant 0 : i32
    %dma_start3A_104 = tpu.memref_slice %arg9[%dma_start3A_100, %dma_start3A_102, %dma_start3A_103] : memref<5x128x32xf32, #tpu.memory_space<vmem>> -> memref<1x128x32xf32, #tpu.memory_space<vmem>>
    %dma_start3A_105 = tpu.memref_squeeze %dma_start3A_104 : memref<1x128x32xf32, #tpu.memory_space<vmem>> -> memref<128x32xf32, #tpu.memory_space<vmem>>
    %dma_start3A_106 = arith.constant 0 : i32
    %dma_start3A_107 = tpu.memref_slice %arg7[%dma_start3A_99, %dma_start3A_106] : memref<80x128xi32, #tpu.memory_space<vmem>> -> memref<1x128xi32, #tpu.memory_space<vmem>>
    %dma_start3A_108 = tpu.memref_squeeze %dma_start3A_107 : memref<1x128xi32, #tpu.memory_space<vmem>> -> memref<128xi32, #tpu.memory_space<vmem>>
    %dma_start3A_109 = arith.constant 0 : i32
    %dma_start3A_110 = arith.constant 0 : i32
    %dma_start3A_111 = tpu.memref_slice %arg2[%dma_start3A_109, %dma_start3A_110] : memref<10240x32xf32, #tpu.memory_space<hbm>> -> memref<10240x32xf32, #tpu.memory_space<hbm>>
    %dma_start3A_112 = tpu.memref_slice %arg12[%dma_start3A_101] : memref<5x!tpu.dma_semaphore, #tpu.memory_space<semaphore_mem>> -> memref<1x!tpu.dma_semaphore, #tpu.memory_space<semaphore_mem>>
    %dma_start3A_113 = tpu.memref_squeeze %dma_start3A_112 : memref<1x!tpu.dma_semaphore, #tpu.memory_space<semaphore_mem>> -> memref<!tpu.dma_semaphore, #tpu.memory_space<semaphore_mem>>
    tpu.enqueue_indirect_dma source(%dma_start3A_111 : memref<10240x32xf32, #tpu.memory_space<hbm>>) target(%dma_start3A_105 : memref<128x32xf32, #tpu.memory_space<vmem>>) offsets(%dma_start3A_108 : memref<128xi32, #tpu.memory_space<vmem>>) semaphore(%dma_start3A_113 : memref<!tpu.dma_semaphore, #tpu.memory_space<semaphore_mem>>)
    %scan3A = arith.constant 0 : i32
    %scan3A_114 = arith.constant 0 : i32
    %scan3A_115 = arith.constant 16 : i32
    %scan3A_116 = arith.addi %scan3A_114, %scan3A_115 : i32
    %scan3A_117 = arith.constant 1 : i32
    scf.for %scan3A_540 = %scan3A_114 to %scan3A_116 step %scan3A_117  : i32 {
      %mul3A_541 = arith.constant 5 : i32
      %mul3A_542 = arith.muli %scan3A_540, %mul3A_541 : i32
      %add3A_543 = arith.constant 0 : i32
      %add3A_544 = arith.addi %mul3A_542, %add3A_543 : i32
      %dma_wait3A_545 = arith.constant 0 : i32
      %dma_wait3A_546 = arith.constant 0 : i32
      %dma_wait3A_547 = arith.constant 0 : i32
      %dma_wait3A_548 = arith.constant 0 : i32
      %dma_wait3A_549 = tpu.memref_slice %arg9[%dma_wait3A_545, %dma_wait3A_547, %dma_wait3A_548] : memref<5x128x32xf32, #tpu.memory_space<vmem>> -> memref<1x128x32xf32, #tpu.memory_space<vmem>>
      %dma_wait3A_550 = tpu.memref_squeeze %dma_wait3A_549 : memref<1x128x32xf32, #tpu.memory_space<vmem>> -> memref<128x32xf32, #tpu.memory_space<vmem>>
      %dma_wait3A_551 = arith.constant 0 : i32
      %dma_wait3A_552 = arith.constant 0 : i32
      %dma_wait3A_553 = tpu.memref_slice %arg2[%dma_wait3A_551, %dma_wait3A_552] : memref<10240x32xf32, #tpu.memory_space<hbm>> -> memref<128x32xf32, #tpu.memory_space<hbm>>
      %dma_wait3A_554 = tpu.memref_slice %arg12[%dma_wait3A_546] : memref<5x!tpu.dma_semaphore, #tpu.memory_space<semaphore_mem>> -> memref<1x!tpu.dma_semaphore, #tpu.memory_space<semaphore_mem>>
      %dma_wait3A_555 = tpu.memref_squeeze %dma_wait3A_554 : memref<1x!tpu.dma_semaphore, #tpu.memory_space<semaphore_mem>> -> memref<!tpu.dma_semaphore, #tpu.memory_space<semaphore_mem>>
      %dma_wait3A_556 = arith.constant 0 : i32
      %dma_wait3A_557 = arith.constant 0 : i32
      %dma_wait3A_558 = tpu.memref_slice %arg9[%dma_wait3A_545, %dma_wait3A_556, %dma_wait3A_557] : memref<5x128x32xf32, #tpu.memory_space<vmem>> -> memref<1x128x32xf32, #tpu.memory_space<vmem>>
      %dma_wait3A_559 = tpu.memref_squeeze %dma_wait3A_558 : memref<1x128x32xf32, #tpu.memory_space<vmem>> -> memref<128x32xf32, #tpu.memory_space<vmem>>
      %dma_wait3A_560 = arith.constant 0 : i32
      %dma_wait3A_561 = arith.constant 0 : i32
      %dma_wait3A_562 = tpu.memref_slice %arg2[%dma_wait3A_560, %dma_wait3A_561] : memref<10240x32xf32, #tpu.memory_space<hbm>> -> memref<128x32xf32, #tpu.memory_space<hbm>>
      tpu.wait_dma2 semaphore(%dma_wait3A_555 : memref<!tpu.dma_semaphore, #tpu.memory_space<semaphore_mem>>) src(%dma_wait3A_562 : memref<128x32xf32, #tpu.memory_space<hbm>>) dst(%dma_wait3A_559 : memref<128x32xf32, #tpu.memory_space<vmem>>)
      %dma_start3A_563 = arith.constant 0 : i32
      %dma_start3A_564 = arith.constant 0 : i32
      %dma_start3A_565 = arith.constant 0 : i32
      %dma_start3A_566 = arith.constant 0 : i32
      %dma_start3A_567 = tpu.memref_slice %arg9[%dma_start3A_563, %dma_start3A_565, %dma_start3A_566] : memref<5x128x32xf32, #tpu.memory_space<vmem>> -> memref<1x128x32xf32, #tpu.memory_space<vmem>>
      %dma_start3A_568 = tpu.memref_squeeze %dma_start3A_567 : memref<1x128x32xf32, #tpu.memory_space<vmem>> -> memref<128x32xf32, #tpu.memory_space<vmem>>
      %dma_start3A_569 = arith.constant 0 : i32
      %dma_start3A_570 = tpu.memref_slice %arg8[%add3A_544, %dma_start3A_569] : memref<80x128xi32, #tpu.memory_space<vmem>> -> memref<1x128xi32, #tpu.memory_space<vmem>>
      %dma_start3A_571 = tpu.memref_squeeze %dma_start3A_570 : memref<1x128xi32, #tpu.memory_space<vmem>> -> memref<128xi32, #tpu.memory_space<vmem>>
      %dma_start3A_572 = arith.constant 0 : i32
      %dma_start3A_573 = arith.constant 0 : i32
      %dma_start3A_574 = tpu.memref_slice %arg11[%dma_start3A_572, %dma_start3A_573] : memref<10240x32xf32, #tpu.memory_space<vmem_shared>> -> memref<10240x32xf32, #tpu.memory_space<vmem_shared>>
      %dma_start3A_575 = tpu.memref_slice %arg13[%dma_start3A_564] : memref<5x!tpu.dma_semaphore, #tpu.memory_space<semaphore_mem>> -> memref<1x!tpu.dma_semaphore, #tpu.memory_space<semaphore_mem>>
      %dma_start3A_576 = tpu.memref_squeeze %dma_start3A_575 : memref<1x!tpu.dma_semaphore, #tpu.memory_space<semaphore_mem>> -> memref<!tpu.dma_semaphore, #tpu.memory_space<semaphore_mem>>
      tpu.enqueue_indirect_dma source(%dma_start3A_568 : memref<128x32xf32, #tpu.memory_space<vmem>>) target(%dma_start3A_574 : memref<10240x32xf32, #tpu.memory_space<vmem_shared>>) offsets(%dma_start3A_571 : memref<128xi32, #tpu.memory_space<vmem>>) semaphore(%dma_start3A_576 : memref<!tpu.dma_semaphore, #tpu.memory_space<semaphore_mem>>) {add = true}
      %add3A_577 = arith.constant 3 : i32
      %add3A_578 = arith.addi %add3A_544, %add3A_577 : i32
      %lt3A = arith.constant 80 : i32
      %lt3A_579 = arith.cmpi slt, %add3A_578, %lt3A : i32
      %convert_element_type3A = arith.extui %lt3A_579 : i1 to i32
      %cond3A = arith.constant 0 : i32
      %cond3A_580 = arith.cmpi ne, %convert_element_type3A, %cond3A : i32
      scf.if %cond3A_580 {
        %ge3A = arith.constant 5 : i32
        %ge3A_753 = arith.cmpi sge, %add3A_578, %ge3A : i32
        %convert_element_type3A_754 = arith.extui %ge3A_753 : i1 to i32
        %cond3A_755 = arith.constant 0 : i32
        %cond3A_756 = arith.cmpi ne, %convert_element_type3A_754, %cond3A_755 : i32
        scf.if %cond3A_756 {
          %dma_wait3A_771 = arith.constant 3 : i32
          %dma_wait3A_772 = arith.constant 3 : i32
          %dma_wait3A_773 = arith.constant 0 : i32
          %dma_wait3A_774 = arith.constant 0 : i32
          %dma_wait3A_775 = tpu.memref_slice %arg9[%dma_wait3A_771, %dma_wait3A_773, %dma_wait3A_774] : memref<5x128x32xf32, #tpu.memory_space<vmem>> -> memref<1x128x32xf32, #tpu.memory_space<vmem>>
          %dma_wait3A_776 = tpu.memref_squeeze %dma_wait3A_775 : memref<1x128x32xf32, #tpu.memory_space<vmem>> -> memref<128x32xf32, #tpu.memory_space<vmem>>
          %dma_wait3A_777 = arith.constant 0 : i32
          %dma_wait3A_778 = arith.constant 0 : i32
          %dma_wait3A_779 = tpu.memref_slice %arg2[%dma_wait3A_777, %dma_wait3A_778] : memref<10240x32xf32, #tpu.memory_space<hbm>> -> memref<128x32xf32, #tpu.memory_space<hbm>>
          %dma_wait3A_780 = tpu.memref_slice %arg13[%dma_wait3A_772] : memref<5x!tpu.dma_semaphore, #tpu.memory_space<semaphore_mem>> -> memref<1x!tpu.dma_semaphore, #tpu.memory_space<semaphore_mem>>
          %dma_wait3A_781 = tpu.memref_squeeze %dma_wait3A_780 : memref<1x!tpu.dma_semaphore, #tpu.memory_space<semaphore_mem>> -> memref<!tpu.dma_semaphore, #tpu.memory_space<semaphore_mem>>
          %dma_wait3A_782 = arith.constant 0 : i32
          %dma_wait3A_783 = arith.constant 0 : i32
          %dma_wait3A_784 = tpu.memref_slice %arg9[%dma_wait3A_771, %dma_wait3A_782, %dma_wait3A_783] : memref<5x128x32xf32, #tpu.memory_space<vmem>> -> memref<1x128x32xf32, #tpu.memory_space<vmem>>
          %dma_wait3A_785 = tpu.memref_squeeze %dma_wait3A_784 : memref<1x128x32xf32, #tpu.memory_space<vmem>> -> memref<128x32xf32, #tpu.memory_space<vmem>>
          %dma_wait3A_786 = arith.constant 0 : i32
          %dma_wait3A_787 = arith.constant 0 : i32
          %dma_wait3A_788 = tpu.memref_slice %arg2[%dma_wait3A_786, %dma_wait3A_787] : memref<10240x32xf32, #tpu.memory_space<hbm>> -> memref<128x32xf32, #tpu.memory_space<hbm>>
          tpu.wait_dma2 semaphore(%dma_wait3A_781 : memref<!tpu.dma_semaphore, #tpu.memory_space<semaphore_mem>>) src(%dma_wait3A_788 : memref<128x32xf32, #tpu.memory_space<hbm>>) dst(%dma_wait3A_785 : memref<128x32xf32, #tpu.memory_space<vmem>>)
        } else {
        }
        %dma_start3A_757 = arith.constant 3 : i32
        %dma_start3A_758 = arith.constant 3 : i32
        %dma_start3A_759 = arith.constant 0 : i32
        %dma_start3A_760 = arith.constant 0 : i32
        %dma_start3A_761 = tpu.memref_slice %arg9[%dma_start3A_757, %dma_start3A_759, %dma_start3A_760] : memref<5x128x32xf32, #tpu.memory_space<vmem>> -> memref<1x128x32xf32, #tpu.memory_space<vmem>>
        %dma_start3A_762 = tpu.memref_squeeze %dma_start3A_761 : memref<1x128x32xf32, #tpu.memory_space<vmem>> -> memref<128x32xf32, #tpu.memory_space<vmem>>
        %dma_start3A_763 = arith.constant 0 : i32
        %dma_start3A_764 = tpu.memref_slice %arg7[%add3A_578, %dma_start3A_763] : memref<80x128xi32, #tpu.memory_space<vmem>> -> memref<1x128xi32, #tpu.memory_space<vmem>>
        %dma_start3A_765 = tpu.memref_squeeze %dma_start3A_764 : memref<1x128xi32, #tpu.memory_space<vmem>> -> memref<128xi32, #tpu.memory_space<vmem>>
        %dma_start3A_766 = arith.constant 0 : i32
        %dma_start3A_767 = arith.constant 0 : i32
        %dma_start3A_768 = tpu.memref_slice %arg2[%dma_start3A_766, %dma_start3A_767] : memref<10240x32xf32, #tpu.memory_space<hbm>> -> memref<10240x32xf32, #tpu.memory_space<hbm>>
        %dma_start3A_769 = tpu.memref_slice %arg12[%dma_start3A_758] : memref<5x!tpu.dma_semaphore, #tpu.memory_space<semaphore_mem>> -> memref<1x!tpu.dma_semaphore, #tpu.memory_space<semaphore_mem>>
        %dma_start3A_770 = tpu.memref_squeeze %dma_start3A_769 : memref<1x!tpu.dma_semaphore, #tpu.memory_space<semaphore_mem>> -> memref<!tpu.dma_semaphore, #tpu.memory_space<semaphore_mem>>
        tpu.enqueue_indirect_dma source(%dma_start3A_768 : memref<10240x32xf32, #tpu.memory_space<hbm>>) target(%dma_start3A_762 : memref<128x32xf32, #tpu.memory_space<vmem>>) offsets(%dma_start3A_765 : memref<128xi32, #tpu.memory_space<vmem>>) semaphore(%dma_start3A_770 : memref<!tpu.dma_semaphore, #tpu.memory_space<semaphore_mem>>)
      } else {
      }
      %mul3A_581 = arith.constant 5 : i32
      %mul3A_582 = arith.muli %scan3A_540, %mul3A_581 : i32
      %add3A_583 = arith.constant 1 : i32
      %add3A_584 = arith.addi %mul3A_582, %add3A_583 : i32
      %dma_wait3A_585 = arith.constant 1 : i32
      %dma_wait3A_586 = arith.constant 1 : i32
      %dma_wait3A_587 = arith.constant 0 : i32
      %dma_wait3A_588 = arith.constant 0 : i32
      %dma_wait3A_589 = tpu.memref_slice %arg9[%dma_wait3A_585, %dma_wait3A_587, %dma_wait3A_588] : memref<5x128x32xf32, #tpu.memory_space<vmem>> -> memref<1x128x32xf32, #tpu.memory_space<vmem>>
      %dma_wait3A_590 = tpu.memref_squeeze %dma_wait3A_589 : memref<1x128x32xf32, #tpu.memory_space<vmem>> -> memref<128x32xf32, #tpu.memory_space<vmem>>
      %dma_wait3A_591 = arith.constant 0 : i32
      %dma_wait3A_592 = arith.constant 0 : i32
      %dma_wait3A_593 = tpu.memref_slice %arg2[%dma_wait3A_591, %dma_wait3A_592] : memref<10240x32xf32, #tpu.memory_space<hbm>> -> memref<128x32xf32, #tpu.memory_space<hbm>>
      %dma_wait3A_594 = tpu.memref_slice %arg12[%dma_wait3A_586] : memref<5x!tpu.dma_semaphore, #tpu.memory_space<semaphore_mem>> -> memref<1x!tpu.dma_semaphore, #tpu.memory_space<semaphore_mem>>
      %dma_wait3A_595 = tpu.memref_squeeze %dma_wait3A_594 : memref<1x!tpu.dma_semaphore, #tpu.memory_space<semaphore_mem>> -> memref<!tpu.dma_semaphore, #tpu.memory_space<semaphore_mem>>
      %dma_wait3A_596 = arith.constant 0 : i32
      %dma_wait3A_597 = arith.constant 0 : i32
      %dma_wait3A_598 = tpu.memref_slice %arg9[%dma_wait3A_585, %dma_wait3A_596, %dma_wait3A_597] : memref<5x128x32xf32, #tpu.memory_space<vmem>> -> memref<1x128x32xf32, #tpu.memory_space<vmem>>
      %dma_wait3A_599 = tpu.memref_squeeze %dma_wait3A_598 : memref<1x128x32xf32, #tpu.memory_space<vmem>> -> memref<128x32xf32, #tpu.memory_space<vmem>>
      %dma_wait3A_600 = arith.constant 0 : i32
      %dma_wait3A_601 = arith.constant 0 : i32
      %dma_wait3A_602 = tpu.memref_slice %arg2[%dma_wait3A_600, %dma_wait3A_601] : memref<10240x32xf32, #tpu.memory_space<hbm>> -> memref<128x32xf32, #tpu.memory_space<hbm>>
      tpu.wait_dma2 semaphore(%dma_wait3A_595 : memref<!tpu.dma_semaphore, #tpu.memory_space<semaphore_mem>>) src(%dma_wait3A_602 : memref<128x32xf32, #tpu.memory_space<hbm>>) dst(%dma_wait3A_599 : memref<128x32xf32, #tpu.memory_space<vmem>>)
      %dma_start3A_603 = arith.constant 1 : i32
      %dma_start3A_604 = arith.constant 1 : i32
      %dma_start3A_605 = arith.constant 0 : i32
      %dma_start3A_606 = arith.constant 0 : i32
      %dma_start3A_607 = tpu.memref_slice %arg9[%dma_start3A_603, %dma_start3A_605, %dma_start3A_606] : memref<5x128x32xf32, #tpu.memory_space<vmem>> -> memref<1x128x32xf32, #tpu.memory_space<vmem>>
      %dma_start3A_608 = tpu.memref_squeeze %dma_start3A_607 : memref<1x128x32xf32, #tpu.memory_space<vmem>> -> memref<128x32xf32, #tpu.memory_space<vmem>>
      %dma_start3A_609 = arith.constant 0 : i32
      %dma_start3A_610 = tpu.memref_slice %arg8[%add3A_584, %dma_start3A_609] : memref<80x128xi32, #tpu.memory_space<vmem>> -> memref<1x128xi32, #tpu.memory_space<vmem>>
      %dma_start3A_611 = tpu.memref_squeeze %dma_start3A_610 : memref<1x128xi32, #tpu.memory_space<vmem>> -> memref<128xi32, #tpu.memory_space<vmem>>
      %dma_start3A_612 = arith.constant 0 : i32
      %dma_start3A_613 = arith.constant 0 : i32
      %dma_start3A_614 = tpu.memref_slice %arg11[%dma_start3A_612, %dma_start3A_613] : memref<10240x32xf32, #tpu.memory_space<vmem_shared>> -> memref<10240x32xf32, #tpu.memory_space<vmem_shared>>
      %dma_start3A_615 = tpu.memref_slice %arg13[%dma_start3A_604] : memref<5x!tpu.dma_semaphore, #tpu.memory_space<semaphore_mem>> -> memref<1x!tpu.dma_semaphore, #tpu.memory_space<semaphore_mem>>
      %dma_start3A_616 = tpu.memref_squeeze %dma_start3A_615 : memref<1x!tpu.dma_semaphore, #tpu.memory_space<semaphore_mem>> -> memref<!tpu.dma_semaphore, #tpu.memory_space<semaphore_mem>>
      tpu.enqueue_indirect_dma source(%dma_start3A_608 : memref<128x32xf32, #tpu.memory_space<vmem>>) target(%dma_start3A_614 : memref<10240x32xf32, #tpu.memory_space<vmem_shared>>) offsets(%dma_start3A_611 : memref<128xi32, #tpu.memory_space<vmem>>) semaphore(%dma_start3A_616 : memref<!tpu.dma_semaphore, #tpu.memory_space<semaphore_mem>>) {add = true}
      %add3A_617 = arith.constant 3 : i32
      %add3A_618 = arith.addi %add3A_584, %add3A_617 : i32
      %lt3A_619 = arith.constant 80 : i32
      %lt3A_620 = arith.cmpi slt, %add3A_618, %lt3A_619 : i32
      %convert_element_type3A_621 = arith.extui %lt3A_620 : i1 to i32
      %cond3A_622 = arith.constant 0 : i32
      %cond3A_623 = arith.cmpi ne, %convert_element_type3A_621, %cond3A_622 : i32
      scf.if %cond3A_623 {
        %ge3A = arith.constant 5 : i32
        %ge3A_753 = arith.cmpi sge, %add3A_618, %ge3A : i32
        %convert_element_type3A_754 = arith.extui %ge3A_753 : i1 to i32
        %cond3A_755 = arith.constant 0 : i32
        %cond3A_756 = arith.cmpi ne, %convert_element_type3A_754, %cond3A_755 : i32
        scf.if %cond3A_756 {
          %dma_wait3A_771 = arith.constant 4 : i32
          %dma_wait3A_772 = arith.constant 4 : i32
          %dma_wait3A_773 = arith.constant 0 : i32
          %dma_wait3A_774 = arith.constant 0 : i32
          %dma_wait3A_775 = tpu.memref_slice %arg9[%dma_wait3A_771, %dma_wait3A_773, %dma_wait3A_774] : memref<5x128x32xf32, #tpu.memory_space<vmem>> -> memref<1x128x32xf32, #tpu.memory_space<vmem>>
          %dma_wait3A_776 = tpu.memref_squeeze %dma_wait3A_775 : memref<1x128x32xf32, #tpu.memory_space<vmem>> -> memref<128x32xf32, #tpu.memory_space<vmem>>
          %dma_wait3A_777 = arith.constant 0 : i32
          %dma_wait3A_778 = arith.constant 0 : i32
          %dma_wait3A_779 = tpu.memref_slice %arg2[%dma_wait3A_777, %dma_wait3A_778] : memref<10240x32xf32, #tpu.memory_space<hbm>> -> memref<128x32xf32, #tpu.memory_space<hbm>>
          %dma_wait3A_780 = tpu.memref_slice %arg13[%dma_wait3A_772] : memref<5x!tpu.dma_semaphore, #tpu.memory_space<semaphore_mem>> -> memref<1x!tpu.dma_semaphore, #tpu.memory_space<semaphore_mem>>
          %dma_wait3A_781 = tpu.memref_squeeze %dma_wait3A_780 : memref<1x!tpu.dma_semaphore, #tpu.memory_space<semaphore_mem>> -> memref<!tpu.dma_semaphore, #tpu.memory_space<semaphore_mem>>
          %dma_wait3A_782 = arith.constant 0 : i32
          %dma_wait3A_783 = arith.constant 0 : i32
          %dma_wait3A_784 = tpu.memref_slice %arg9[%dma_wait3A_771, %dma_wait3A_782, %dma_wait3A_783] : memref<5x128x32xf32, #tpu.memory_space<vmem>> -> memref<1x128x32xf32, #tpu.memory_space<vmem>>
          %dma_wait3A_785 = tpu.memref_squeeze %dma_wait3A_784 : memref<1x128x32xf32, #tpu.memory_space<vmem>> -> memref<128x32xf32, #tpu.memory_space<vmem>>
          %dma_wait3A_786 = arith.constant 0 : i32
          %dma_wait3A_787 = arith.constant 0 : i32
          %dma_wait3A_788 = tpu.memref_slice %arg2[%dma_wait3A_786, %dma_wait3A_787] : memref<10240x32xf32, #tpu.memory_space<hbm>> -> memref<128x32xf32, #tpu.memory_space<hbm>>
          tpu.wait_dma2 semaphore(%dma_wait3A_781 : memref<!tpu.dma_semaphore, #tpu.memory_space<semaphore_mem>>) src(%dma_wait3A_788 : memref<128x32xf32, #tpu.memory_space<hbm>>) dst(%dma_wait3A_785 : memref<128x32xf32, #tpu.memory_space<vmem>>)
        } else {
        }
        %dma_start3A_757 = arith.constant 4 : i32
        %dma_start3A_758 = arith.constant 4 : i32
        %dma_start3A_759 = arith.constant 0 : i32
        %dma_start3A_760 = arith.constant 0 : i32
        %dma_start3A_761 = tpu.memref_slice %arg9[%dma_start3A_757, %dma_start3A_759, %dma_start3A_760] : memref<5x128x32xf32, #tpu.memory_space<vmem>> -> memref<1x128x32xf32, #tpu.memory_space<vmem>>
        %dma_start3A_762 = tpu.memref_squeeze %dma_start3A_761 : memref<1x128x32xf32, #tpu.memory_space<vmem>> -> memref<128x32xf32, #tpu.memory_space<vmem>>
        %dma_start3A_763 = arith.constant 0 : i32
        %dma_start3A_764 = tpu.memref_slice %arg7[%add3A_618, %dma_start3A_763] : memref<80x128xi32, #tpu.memory_space<vmem>> -> memref<1x128xi32, #tpu.memory_space<vmem>>
        %dma_start3A_765 = tpu.memref_squeeze %dma_start3A_764 : memref<1x128xi32, #tpu.memory_space<vmem>> -> memref<128xi32, #tpu.memory_space<vmem>>
        %dma_start3A_766 = arith.constant 0 : i32
        %dma_start3A_767 = arith.constant 0 : i32
        %dma_start3A_768 = tpu.memref_slice %arg2[%dma_start3A_766, %dma_start3A_767] : memref<10240x32xf32, #tpu.memory_space<hbm>> -> memref<10240x32xf32, #tpu.memory_space<hbm>>
        %dma_start3A_769 = tpu.memref_slice %arg12[%dma_start3A_758] : memref<5x!tpu.dma_semaphore, #tpu.memory_space<semaphore_mem>> -> memref<1x!tpu.dma_semaphore, #tpu.memory_space<semaphore_mem>>
        %dma_start3A_770 = tpu.memref_squeeze %dma_start3A_769 : memref<1x!tpu.dma_semaphore, #tpu.memory_space<semaphore_mem>> -> memref<!tpu.dma_semaphore, #tpu.memory_space<semaphore_mem>>
        tpu.enqueue_indirect_dma source(%dma_start3A_768 : memref<10240x32xf32, #tpu.memory_space<hbm>>) target(%dma_start3A_762 : memref<128x32xf32, #tpu.memory_space<vmem>>) offsets(%dma_start3A_765 : memref<128xi32, #tpu.memory_space<vmem>>) semaphore(%dma_start3A_770 : memref<!tpu.dma_semaphore, #tpu.memory_space<semaphore_mem>>)
      } else {
      }
      %mul3A_624 = arith.constant 5 : i32
      %mul3A_625 = arith.muli %scan3A_540, %mul3A_624 : i32
      %add3A_626 = arith.constant 2 : i32
      %add3A_627 = arith.addi %mul3A_625, %add3A_626 : i32
      %dma_wait3A_628 = arith.constant 2 : i32
      %dma_wait3A_629 = arith.constant 2 : i32
      %dma_wait3A_630 = arith.constant 0 : i32
      %dma_wait3A_631 = arith.constant 0 : i32
      %dma_wait3A_632 = tpu.memref_slice %arg9[%dma_wait3A_628, %dma_wait3A_630, %dma_wait3A_631] : memref<5x128x32xf32, #tpu.memory_space<vmem>> -> memref<1x128x32xf32, #tpu.memory_space<vmem>>
      %dma_wait3A_633 = tpu.memref_squeeze %dma_wait3A_632 : memref<1x128x32xf32, #tpu.memory_space<vmem>> -> memref<128x32xf32, #tpu.memory_space<vmem>>
      %dma_wait3A_634 = arith.constant 0 : i32
      %dma_wait3A_635 = arith.constant 0 : i32
      %dma_wait3A_636 = tpu.memref_slice %arg2[%dma_wait3A_634, %dma_wait3A_635] : memref<10240x32xf32, #tpu.memory_space<hbm>> -> memref<128x32xf32, #tpu.memory_space<hbm>>
      %dma_wait3A_637 = tpu.memref_slice %arg12[%dma_wait3A_629] : memref<5x!tpu.dma_semaphore, #tpu.memory_space<semaphore_mem>> -> memref<1x!tpu.dma_semaphore, #tpu.memory_space<semaphore_mem>>
      %dma_wait3A_638 = tpu.memref_squeeze %dma_wait3A_637 : memref<1x!tpu.dma_semaphore, #tpu.memory_space<semaphore_mem>> -> memref<!tpu.dma_semaphore, #tpu.memory_space<semaphore_mem>>
      %dma_wait3A_639 = arith.constant 0 : i32
      %dma_wait3A_640 = arith.constant 0 : i32
      %dma_wait3A_641 = tpu.memref_slice %arg9[%dma_wait3A_628, %dma_wait3A_639, %dma_wait3A_640] : memref<5x128x32xf32, #tpu.memory_space<vmem>> -> memref<1x128x32xf32, #tpu.memory_space<vmem>>
      %dma_wait3A_642 = tpu.memref_squeeze %dma_wait3A_641 : memref<1x128x32xf32, #tpu.memory_space<vmem>> -> memref<128x32xf32, #tpu.memory_space<vmem>>
      %dma_wait3A_643 = arith.constant 0 : i32
      %dma_wait3A_644 = arith.constant 0 : i32
      %dma_wait3A_645 = tpu.memref_slice %arg2[%dma_wait3A_643, %dma_wait3A_644] : memref<10240x32xf32, #tpu.memory_space<hbm>> -> memref<128x32xf32, #tpu.memory_space<hbm>>
      tpu.wait_dma2 semaphore(%dma_wait3A_638 : memref<!tpu.dma_semaphore, #tpu.memory_space<semaphore_mem>>) src(%dma_wait3A_645 : memref<128x32xf32, #tpu.memory_space<hbm>>) dst(%dma_wait3A_642 : memref<128x32xf32, #tpu.memory_space<vmem>>)
      %dma_start3A_646 = arith.constant 2 : i32
      %dma_start3A_647 = arith.constant 2 : i32
      %dma_start3A_648 = arith.constant 0 : i32
      %dma_start3A_649 = arith.constant 0 : i32
      %dma_start3A_650 = tpu.memref_slice %arg9[%dma_start3A_646, %dma_start3A_648, %dma_start3A_649] : memref<5x128x32xf32, #tpu.memory_space<vmem>> -> memref<1x128x32xf32, #tpu.memory_space<vmem>>
      %dma_start3A_651 = tpu.memref_squeeze %dma_start3A_650 : memref<1x128x32xf32, #tpu.memory_space<vmem>> -> memref<128x32xf32, #tpu.memory_space<vmem>>
      %dma_start3A_652 = arith.constant 0 : i32
      %dma_start3A_653 = tpu.memref_slice %arg8[%add3A_627, %dma_start3A_652] : memref<80x128xi32, #tpu.memory_space<vmem>> -> memref<1x128xi32, #tpu.memory_space<vmem>>
      %dma_start3A_654 = tpu.memref_squeeze %dma_start3A_653 : memref<1x128xi32, #tpu.memory_space<vmem>> -> memref<128xi32, #tpu.memory_space<vmem>>
      %dma_start3A_655 = arith.constant 0 : i32
      %dma_start3A_656 = arith.constant 0 : i32
      %dma_start3A_657 = tpu.memref_slice %arg11[%dma_start3A_655, %dma_start3A_656] : memref<10240x32xf32, #tpu.memory_space<vmem_shared>> -> memref<10240x32xf32, #tpu.memory_space<vmem_shared>>
      %dma_start3A_658 = tpu.memref_slice %arg13[%dma_start3A_647] : memref<5x!tpu.dma_semaphore, #tpu.memory_space<semaphore_mem>> -> memref<1x!tpu.dma_semaphore, #tpu.memory_space<semaphore_mem>>
      %dma_start3A_659 = tpu.memref_squeeze %dma_start3A_658 : memref<1x!tpu.dma_semaphore, #tpu.memory_space<semaphore_mem>> -> memref<!tpu.dma_semaphore, #tpu.memory_space<semaphore_mem>>
      tpu.enqueue_indirect_dma source(%dma_start3A_651 : memref<128x32xf32, #tpu.memory_space<vmem>>) target(%dma_start3A_657 : memref<10240x32xf32, #tpu.memory_space<vmem_shared>>) offsets(%dma_start3A_654 : memref<128xi32, #tpu.memory_space<vmem>>) semaphore(%dma_start3A_659 : memref<!tpu.dma_semaphore, #tpu.memory_space<semaphore_mem>>) {add = true}
      %add3A_660 = arith.constant 3 : i32
      %add3A_661 = arith.addi %add3A_627, %add3A_660 : i32
      %lt3A_662 = arith.constant 80 : i32
      %lt3A_663 = arith.cmpi slt, %add3A_661, %lt3A_662 : i32
      %convert_element_type3A_664 = arith.extui %lt3A_663 : i1 to i32
      %cond3A_665 = arith.constant 0 : i32
      %cond3A_666 = arith.cmpi ne, %convert_element_type3A_664, %cond3A_665 : i32
      scf.if %cond3A_666 {
        %ge3A = arith.constant 5 : i32
        %ge3A_753 = arith.cmpi sge, %add3A_661, %ge3A : i32
        %convert_element_type3A_754 = arith.extui %ge3A_753 : i1 to i32
        %cond3A_755 = arith.constant 0 : i32
        %cond3A_756 = arith.cmpi ne, %convert_element_type3A_754, %cond3A_755 : i32
        scf.if %cond3A_756 {
          %dma_wait3A_771 = arith.constant 0 : i32
          %dma_wait3A_772 = arith.constant 0 : i32
          %dma_wait3A_773 = arith.constant 0 : i32
          %dma_wait3A_774 = arith.constant 0 : i32
          %dma_wait3A_775 = tpu.memref_slice %arg9[%dma_wait3A_771, %dma_wait3A_773, %dma_wait3A_774] : memref<5x128x32xf32, #tpu.memory_space<vmem>> -> memref<1x128x32xf32, #tpu.memory_space<vmem>>
          %dma_wait3A_776 = tpu.memref_squeeze %dma_wait3A_775 : memref<1x128x32xf32, #tpu.memory_space<vmem>> -> memref<128x32xf32, #tpu.memory_space<vmem>>
          %dma_wait3A_777 = arith.constant 0 : i32
          %dma_wait3A_778 = arith.constant 0 : i32
          %dma_wait3A_779 = tpu.memref_slice %arg2[%dma_wait3A_777, %dma_wait3A_778] : memref<10240x32xf32, #tpu.memory_space<hbm>> -> memref<128x32xf32, #tpu.memory_space<hbm>>
          %dma_wait3A_780 = tpu.memref_slice %arg13[%dma_wait3A_772] : memref<5x!tpu.dma_semaphore, #tpu.memory_space<semaphore_mem>> -> memref<1x!tpu.dma_semaphore, #tpu.memory_space<semaphore_mem>>
          %dma_wait3A_781 = tpu.memref_squeeze %dma_wait3A_780 : memref<1x!tpu.dma_semaphore, #tpu.memory_space<semaphore_mem>> -> memref<!tpu.dma_semaphore, #tpu.memory_space<semaphore_mem>>
          %dma_wait3A_782 = arith.constant 0 : i32
          %dma_wait3A_783 = arith.constant 0 : i32
          %dma_wait3A_784 = tpu.memref_slice %arg9[%dma_wait3A_771, %dma_wait3A_782, %dma_wait3A_783] : memref<5x128x32xf32, #tpu.memory_space<vmem>> -> memref<1x128x32xf32, #tpu.memory_space<vmem>>
          %dma_wait3A_785 = tpu.memref_squeeze %dma_wait3A_784 : memref<1x128x32xf32, #tpu.memory_space<vmem>> -> memref<128x32xf32, #tpu.memory_space<vmem>>
          %dma_wait3A_786 = arith.constant 0 : i32
          %dma_wait3A_787 = arith.constant 0 : i32
          %dma_wait3A_788 = tpu.memref_slice %arg2[%dma_wait3A_786, %dma_wait3A_787] : memref<10240x32xf32, #tpu.memory_space<hbm>> -> memref<128x32xf32, #tpu.memory_space<hbm>>
          tpu.wait_dma2 semaphore(%dma_wait3A_781 : memref<!tpu.dma_semaphore, #tpu.memory_space<semaphore_mem>>) src(%dma_wait3A_788 : memref<128x32xf32, #tpu.memory_space<hbm>>) dst(%dma_wait3A_785 : memref<128x32xf32, #tpu.memory_space<vmem>>)
        } else {
        }
        %dma_start3A_757 = arith.constant 0 : i32
        %dma_start3A_758 = arith.constant 0 : i32
        %dma_start3A_759 = arith.constant 0 : i32
        %dma_start3A_760 = arith.constant 0 : i32
        %dma_start3A_761 = tpu.memref_slice %arg9[%dma_start3A_757, %dma_start3A_759, %dma_start3A_760] : memref<5x128x32xf32, #tpu.memory_space<vmem>> -> memref<1x128x32xf32, #tpu.memory_space<vmem>>
        %dma_start3A_762 = tpu.memref_squeeze %dma_start3A_761 : memref<1x128x32xf32, #tpu.memory_space<vmem>> -> memref<128x32xf32, #tpu.memory_space<vmem>>
        %dma_start3A_763 = arith.constant 0 : i32
        %dma_start3A_764 = tpu.memref_slice %arg7[%add3A_661, %dma_start3A_763] : memref<80x128xi32, #tpu.memory_space<vmem>> -> memref<1x128xi32, #tpu.memory_space<vmem>>
        %dma_start3A_765 = tpu.memref_squeeze %dma_start3A_764 : memref<1x128xi32, #tpu.memory_space<vmem>> -> memref<128xi32, #tpu.memory_space<vmem>>
        %dma_start3A_766 = arith.constant 0 : i32
        %dma_start3A_767 = arith.constant 0 : i32
        %dma_start3A_768 = tpu.memref_slice %arg2[%dma_start3A_766, %dma_start3A_767] : memref<10240x32xf32, #tpu.memory_space<hbm>> -> memref<10240x32xf32, #tpu.memory_space<hbm>>
        %dma_start3A_769 = tpu.memref_slice %arg12[%dma_start3A_758] : memref<5x!tpu.dma_semaphore, #tpu.memory_space<semaphore_mem>> -> memref<1x!tpu.dma_semaphore, #tpu.memory_space<semaphore_mem>>
        %dma_start3A_770 = tpu.memref_squeeze %dma_start3A_769 : memref<1x!tpu.dma_semaphore, #tpu.memory_space<semaphore_mem>> -> memref<!tpu.dma_semaphore, #tpu.memory_space<semaphore_mem>>
        tpu.enqueue_indirect_dma source(%dma_start3A_768 : memref<10240x32xf32, #tpu.memory_space<hbm>>) target(%dma_start3A_762 : memref<128x32xf32, #tpu.memory_space<vmem>>) offsets(%dma_start3A_765 : memref<128xi32, #tpu.memory_space<vmem>>) semaphore(%dma_start3A_770 : memref<!tpu.dma_semaphore, #tpu.memory_space<semaphore_mem>>)
      } else {
      }
      %mul3A_667 = arith.constant 5 : i32
      %mul3A_668 = arith.muli %scan3A_540, %mul3A_667 : i32
      %add3A_669 = arith.constant 3 : i32
      %add3A_670 = arith.addi %mul3A_668, %add3A_669 : i32
      %dma_wait3A_671 = arith.constant 3 : i32
      %dma_wait3A_672 = arith.constant 3 : i32
      %dma_wait3A_673 = arith.constant 0 : i32
      %dma_wait3A_674 = arith.constant 0 : i32
      %dma_wait3A_675 = tpu.memref_slice %arg9[%dma_wait3A_671, %dma_wait3A_673, %dma_wait3A_674] : memref<5x128x32xf32, #tpu.memory_space<vmem>> -> memref<1x128x32xf32, #tpu.memory_space<vmem>>
      %dma_wait3A_676 = tpu.memref_squeeze %dma_wait3A_675 : memref<1x128x32xf32, #tpu.memory_space<vmem>> -> memref<128x32xf32, #tpu.memory_space<vmem>>
      %dma_wait3A_677 = arith.constant 0 : i32
      %dma_wait3A_678 = arith.constant 0 : i32
      %dma_wait3A_679 = tpu.memref_slice %arg2[%dma_wait3A_677, %dma_wait3A_678] : memref<10240x32xf32, #tpu.memory_space<hbm>> -> memref<128x32xf32, #tpu.memory_space<hbm>>
      %dma_wait3A_680 = tpu.memref_slice %arg12[%dma_wait3A_672] : memref<5x!tpu.dma_semaphore, #tpu.memory_space<semaphore_mem>> -> memref<1x!tpu.dma_semaphore, #tpu.memory_space<semaphore_mem>>
      %dma_wait3A_681 = tpu.memref_squeeze %dma_wait3A_680 : memref<1x!tpu.dma_semaphore, #tpu.memory_space<semaphore_mem>> -> memref<!tpu.dma_semaphore, #tpu.memory_space<semaphore_mem>>
      %dma_wait3A_682 = arith.constant 0 : i32
      %dma_wait3A_683 = arith.constant 0 : i32
      %dma_wait3A_684 = tpu.memref_slice %arg9[%dma_wait3A_671, %dma_wait3A_682, %dma_wait3A_683] : memref<5x128x32xf32, #tpu.memory_space<vmem>> -> memref<1x128x32xf32, #tpu.memory_space<vmem>>
      %dma_wait3A_685 = tpu.memref_squeeze %dma_wait3A_684 : memref<1x128x32xf32, #tpu.memory_space<vmem>> -> memref<128x32xf32, #tpu.memory_space<vmem>>
      %dma_wait3A_686 = arith.constant 0 : i32
      %dma_wait3A_687 = arith.constant 0 : i32
      %dma_wait3A_688 = tpu.memref_slice %arg2[%dma_wait3A_686, %dma_wait3A_687] : memref<10240x32xf32, #tpu.memory_space<hbm>> -> memref<128x32xf32, #tpu.memory_space<hbm>>
      tpu.wait_dma2 semaphore(%dma_wait3A_681 : memref<!tpu.dma_semaphore, #tpu.memory_space<semaphore_mem>>) src(%dma_wait3A_688 : memref<128x32xf32, #tpu.memory_space<hbm>>) dst(%dma_wait3A_685 : memref<128x32xf32, #tpu.memory_space<vmem>>)
      %dma_start3A_689 = arith.constant 3 : i32
      %dma_start3A_690 = arith.constant 3 : i32
      %dma_start3A_691 = arith.constant 0 : i32
      %dma_start3A_692 = arith.constant 0 : i32
      %dma_start3A_693 = tpu.memref_slice %arg9[%dma_start3A_689, %dma_start3A_691, %dma_start3A_692] : memref<5x128x32xf32, #tpu.memory_space<vmem>> -> memref<1x128x32xf32, #tpu.memory_space<vmem>>
      %dma_start3A_694 = tpu.memref_squeeze %dma_start3A_693 : memref<1x128x32xf32, #tpu.memory_space<vmem>> -> memref<128x32xf32, #tpu.memory_space<vmem>>
      %dma_start3A_695 = arith.constant 0 : i32
      %dma_start3A_696 = tpu.memref_slice %arg8[%add3A_670, %dma_start3A_695] : memref<80x128xi32, #tpu.memory_space<vmem>> -> memref<1x128xi32, #tpu.memory_space<vmem>>
      %dma_start3A_697 = tpu.memref_squeeze %dma_start3A_696 : memref<1x128xi32, #tpu.memory_space<vmem>> -> memref<128xi32, #tpu.memory_space<vmem>>
      %dma_start3A_698 = arith.constant 0 : i32
      %dma_start3A_699 = arith.constant 0 : i32
      %dma_start3A_700 = tpu.memref_slice %arg11[%dma_start3A_698, %dma_start3A_699] : memref<10240x32xf32, #tpu.memory_space<vmem_shared>> -> memref<10240x32xf32, #tpu.memory_space<vmem_shared>>
      %dma_start3A_701 = tpu.memref_slice %arg13[%dma_start3A_690] : memref<5x!tpu.dma_semaphore, #tpu.memory_space<semaphore_mem>> -> memref<1x!tpu.dma_semaphore, #tpu.memory_space<semaphore_mem>>
      %dma_start3A_702 = tpu.memref_squeeze %dma_start3A_701 : memref<1x!tpu.dma_semaphore, #tpu.memory_space<semaphore_mem>> -> memref<!tpu.dma_semaphore, #tpu.memory_space<semaphore_mem>>
      tpu.enqueue_indirect_dma source(%dma_start3A_694 : memref<128x32xf32, #tpu.memory_space<vmem>>) target(%dma_start3A_700 : memref<10240x32xf32, #tpu.memory_space<vmem_shared>>) offsets(%dma_start3A_697 : memref<128xi32, #tpu.memory_space<vmem>>) semaphore(%dma_start3A_702 : memref<!tpu.dma_semaphore, #tpu.memory_space<semaphore_mem>>) {add = true}
      %add3A_703 = arith.constant 3 : i32
      %add3A_704 = arith.addi %add3A_670, %add3A_703 : i32
      %lt3A_705 = arith.constant 80 : i32
      %lt3A_706 = arith.cmpi slt, %add3A_704, %lt3A_705 : i32
      %convert_element_type3A_707 = arith.extui %lt3A_706 : i1 to i32
      %cond3A_708 = arith.constant 0 : i32
      %cond3A_709 = arith.cmpi ne, %convert_element_type3A_707, %cond3A_708 : i32
      scf.if %cond3A_709 {
        %ge3A = arith.constant 5 : i32
        %ge3A_753 = arith.cmpi sge, %add3A_704, %ge3A : i32
        %convert_element_type3A_754 = arith.extui %ge3A_753 : i1 to i32
        %cond3A_755 = arith.constant 0 : i32
        %cond3A_756 = arith.cmpi ne, %convert_element_type3A_754, %cond3A_755 : i32
        scf.if %cond3A_756 {
          %dma_wait3A_771 = arith.constant 1 : i32
          %dma_wait3A_772 = arith.constant 1 : i32
          %dma_wait3A_773 = arith.constant 0 : i32
          %dma_wait3A_774 = arith.constant 0 : i32
          %dma_wait3A_775 = tpu.memref_slice %arg9[%dma_wait3A_771, %dma_wait3A_773, %dma_wait3A_774] : memref<5x128x32xf32, #tpu.memory_space<vmem>> -> memref<1x128x32xf32, #tpu.memory_space<vmem>>
          %dma_wait3A_776 = tpu.memref_squeeze %dma_wait3A_775 : memref<1x128x32xf32, #tpu.memory_space<vmem>> -> memref<128x32xf32, #tpu.memory_space<vmem>>
          %dma_wait3A_777 = arith.constant 0 : i32
          %dma_wait3A_778 = arith.constant 0 : i32
          %dma_wait3A_779 = tpu.memref_slice %arg2[%dma_wait3A_777, %dma_wait3A_778] : memref<10240x32xf32, #tpu.memory_space<hbm>> -> memref<128x32xf32, #tpu.memory_space<hbm>>
          %dma_wait3A_780 = tpu.memref_slice %arg13[%dma_wait3A_772] : memref<5x!tpu.dma_semaphore, #tpu.memory_space<semaphore_mem>> -> memref<1x!tpu.dma_semaphore, #tpu.memory_space<semaphore_mem>>
          %dma_wait3A_781 = tpu.memref_squeeze %dma_wait3A_780 : memref<1x!tpu.dma_semaphore, #tpu.memory_space<semaphore_mem>> -> memref<!tpu.dma_semaphore, #tpu.memory_space<semaphore_mem>>
          %dma_wait3A_782 = arith.constant 0 : i32
          %dma_wait3A_783 = arith.constant 0 : i32
          %dma_wait3A_784 = tpu.memref_slice %arg9[%dma_wait3A_771, %dma_wait3A_782, %dma_wait3A_783] : memref<5x128x32xf32, #tpu.memory_space<vmem>> -> memref<1x128x32xf32, #tpu.memory_space<vmem>>
          %dma_wait3A_785 = tpu.memref_squeeze %dma_wait3A_784 : memref<1x128x32xf32, #tpu.memory_space<vmem>> -> memref<128x32xf32, #tpu.memory_space<vmem>>
          %dma_wait3A_786 = arith.constant 0 : i32
          %dma_wait3A_787 = arith.constant 0 : i32
          %dma_wait3A_788 = tpu.memref_slice %arg2[%dma_wait3A_786, %dma_wait3A_787] : memref<10240x32xf32, #tpu.memory_space<hbm>> -> memref<128x32xf32, #tpu.memory_space<hbm>>
          tpu.wait_dma2 semaphore(%dma_wait3A_781 : memref<!tpu.dma_semaphore, #tpu.memory_space<semaphore_mem>>) src(%dma_wait3A_788 : memref<128x32xf32, #tpu.memory_space<hbm>>) dst(%dma_wait3A_785 : memref<128x32xf32, #tpu.memory_space<vmem>>)
        } else {
        }
        %dma_start3A_757 = arith.constant 1 : i32
        %dma_start3A_758 = arith.constant 1 : i32
        %dma_start3A_759 = arith.constant 0 : i32
        %dma_start3A_760 = arith.constant 0 : i32
        %dma_start3A_761 = tpu.memref_slice %arg9[%dma_start3A_757, %dma_start3A_759, %dma_start3A_760] : memref<5x128x32xf32, #tpu.memory_space<vmem>> -> memref<1x128x32xf32, #tpu.memory_space<vmem>>
        %dma_start3A_762 = tpu.memref_squeeze %dma_start3A_761 : memref<1x128x32xf32, #tpu.memory_space<vmem>> -> memref<128x32xf32, #tpu.memory_space<vmem>>
        %dma_start3A_763 = arith.constant 0 : i32
        %dma_start3A_764 = tpu.memref_slice %arg7[%add3A_704, %dma_start3A_763] : memref<80x128xi32, #tpu.memory_space<vmem>> -> memref<1x128xi32, #tpu.memory_space<vmem>>
        %dma_start3A_765 = tpu.memref_squeeze %dma_start3A_764 : memref<1x128xi32, #tpu.memory_space<vmem>> -> memref<128xi32, #tpu.memory_space<vmem>>
        %dma_start3A_766 = arith.constant 0 : i32
        %dma_start3A_767 = arith.constant 0 : i32
        %dma_start3A_768 = tpu.memref_slice %arg2[%dma_start3A_766, %dma_start3A_767] : memref<10240x32xf32, #tpu.memory_space<hbm>> -> memref<10240x32xf32, #tpu.memory_space<hbm>>
        %dma_start3A_769 = tpu.memref_slice %arg12[%dma_start3A_758] : memref<5x!tpu.dma_semaphore, #tpu.memory_space<semaphore_mem>> -> memref<1x!tpu.dma_semaphore, #tpu.memory_space<semaphore_mem>>
        %dma_start3A_770 = tpu.memref_squeeze %dma_start3A_769 : memref<1x!tpu.dma_semaphore, #tpu.memory_space<semaphore_mem>> -> memref<!tpu.dma_semaphore, #tpu.memory_space<semaphore_mem>>
        tpu.enqueue_indirect_dma source(%dma_start3A_768 : memref<10240x32xf32, #tpu.memory_space<hbm>>) target(%dma_start3A_762 : memref<128x32xf32, #tpu.memory_space<vmem>>) offsets(%dma_start3A_765 : memref<128xi32, #tpu.memory_space<vmem>>) semaphore(%dma_start3A_770 : memref<!tpu.dma_semaphore, #tpu.memory_space<semaphore_mem>>)
      } else {
      }
      %mul3A_710 = arith.constant 5 : i32
      %mul3A_711 = arith.muli %scan3A_540, %mul3A_710 : i32
      %add3A_712 = arith.constant 4 : i32
      %add3A_713 = arith.addi %mul3A_711, %add3A_712 : i32
      %dma_wait3A_714 = arith.constant 4 : i32
      %dma_wait3A_715 = arith.constant 4 : i32
      %dma_wait3A_716 = arith.constant 0 : i32
      %dma_wait3A_717 = arith.constant 0 : i32
      %dma_wait3A_718 = tpu.memref_slice %arg9[%dma_wait3A_714, %dma_wait3A_716, %dma_wait3A_717] : memref<5x128x32xf32, #tpu.memory_space<vmem>> -> memref<1x128x32xf32, #tpu.memory_space<vmem>>
      %dma_wait3A_719 = tpu.memref_squeeze %dma_wait3A_718 : memref<1x128x32xf32, #tpu.memory_space<vmem>> -> memref<128x32xf32, #tpu.memory_space<vmem>>
      %dma_wait3A_720 = arith.constant 0 : i32
      %dma_wait3A_721 = arith.constant 0 : i32
      %dma_wait3A_722 = tpu.memref_slice %arg2[%dma_wait3A_720, %dma_wait3A_721] : memref<10240x32xf32, #tpu.memory_space<hbm>> -> memref<128x32xf32, #tpu.memory_space<hbm>>
      %dma_wait3A_723 = tpu.memref_slice %arg12[%dma_wait3A_715] : memref<5x!tpu.dma_semaphore, #tpu.memory_space<semaphore_mem>> -> memref<1x!tpu.dma_semaphore, #tpu.memory_space<semaphore_mem>>
      %dma_wait3A_724 = tpu.memref_squeeze %dma_wait3A_723 : memref<1x!tpu.dma_semaphore, #tpu.memory_space<semaphore_mem>> -> memref<!tpu.dma_semaphore, #tpu.memory_space<semaphore_mem>>
      %dma_wait3A_725 = arith.constant 0 : i32
      %dma_wait3A_726 = arith.constant 0 : i32
      %dma_wait3A_727 = tpu.memref_slice %arg9[%dma_wait3A_714, %dma_wait3A_725, %dma_wait3A_726] : memref<5x128x32xf32, #tpu.memory_space<vmem>> -> memref<1x128x32xf32, #tpu.memory_space<vmem>>
      %dma_wait3A_728 = tpu.memref_squeeze %dma_wait3A_727 : memref<1x128x32xf32, #tpu.memory_space<vmem>> -> memref<128x32xf32, #tpu.memory_space<vmem>>
      %dma_wait3A_729 = arith.constant 0 : i32
      %dma_wait3A_730 = arith.constant 0 : i32
      %dma_wait3A_731 = tpu.memref_slice %arg2[%dma_wait3A_729, %dma_wait3A_730] : memref<10240x32xf32, #tpu.memory_space<hbm>> -> memref<128x32xf32, #tpu.memory_space<hbm>>
      tpu.wait_dma2 semaphore(%dma_wait3A_724 : memref<!tpu.dma_semaphore, #tpu.memory_space<semaphore_mem>>) src(%dma_wait3A_731 : memref<128x32xf32, #tpu.memory_space<hbm>>) dst(%dma_wait3A_728 : memref<128x32xf32, #tpu.memory_space<vmem>>)
      %dma_start3A_732 = arith.constant 4 : i32
      %dma_start3A_733 = arith.constant 4 : i32
      %dma_start3A_734 = arith.constant 0 : i32
      %dma_start3A_735 = arith.constant 0 : i32
      %dma_start3A_736 = tpu.memref_slice %arg9[%dma_start3A_732, %dma_start3A_734, %dma_start3A_735] : memref<5x128x32xf32, #tpu.memory_space<vmem>> -> memref<1x128x32xf32, #tpu.memory_space<vmem>>
      %dma_start3A_737 = tpu.memref_squeeze %dma_start3A_736 : memref<1x128x32xf32, #tpu.memory_space<vmem>> -> memref<128x32xf32, #tpu.memory_space<vmem>>
      %dma_start3A_738 = arith.constant 0 : i32
      %dma_start3A_739 = tpu.memref_slice %arg8[%add3A_713, %dma_start3A_738] : memref<80x128xi32, #tpu.memory_space<vmem>> -> memref<1x128xi32, #tpu.memory_space<vmem>>
      %dma_start3A_740 = tpu.memref_squeeze %dma_start3A_739 : memref<1x128xi32, #tpu.memory_space<vmem>> -> memref<128xi32, #tpu.memory_space<vmem>>
      %dma_start3A_741 = arith.constant 0 : i32
      %dma_start3A_742 = arith.constant 0 : i32
      %dma_start3A_743 = tpu.memref_slice %arg11[%dma_start3A_741, %dma_start3A_742] : memref<10240x32xf32, #tpu.memory_space<vmem_shared>> -> memref<10240x32xf32, #tpu.memory_space<vmem_shared>>
      %dma_start3A_744 = tpu.memref_slice %arg13[%dma_start3A_733] : memref<5x!tpu.dma_semaphore, #tpu.memory_space<semaphore_mem>> -> memref<1x!tpu.dma_semaphore, #tpu.memory_space<semaphore_mem>>
      %dma_start3A_745 = tpu.memref_squeeze %dma_start3A_744 : memref<1x!tpu.dma_semaphore, #tpu.memory_space<semaphore_mem>> -> memref<!tpu.dma_semaphore, #tpu.memory_space<semaphore_mem>>
      tpu.enqueue_indirect_dma source(%dma_start3A_737 : memref<128x32xf32, #tpu.memory_space<vmem>>) target(%dma_start3A_743 : memref<10240x32xf32, #tpu.memory_space<vmem_shared>>) offsets(%dma_start3A_740 : memref<128xi32, #tpu.memory_space<vmem>>) semaphore(%dma_start3A_745 : memref<!tpu.dma_semaphore, #tpu.memory_space<semaphore_mem>>) {add = true}
      %add3A_746 = arith.constant 3 : i32
      %add3A_747 = arith.addi %add3A_713, %add3A_746 : i32
      %lt3A_748 = arith.constant 80 : i32
      %lt3A_749 = arith.cmpi slt, %add3A_747, %lt3A_748 : i32
      %convert_element_type3A_750 = arith.extui %lt3A_749 : i1 to i32
      %cond3A_751 = arith.constant 0 : i32
      %cond3A_752 = arith.cmpi ne, %convert_element_type3A_750, %cond3A_751 : i32
      scf.if %cond3A_752 {
        %ge3A = arith.constant 5 : i32
        %ge3A_753 = arith.cmpi sge, %add3A_747, %ge3A : i32
        %convert_element_type3A_754 = arith.extui %ge3A_753 : i1 to i32
        %cond3A_755 = arith.constant 0 : i32
        %cond3A_756 = arith.cmpi ne, %convert_element_type3A_754, %cond3A_755 : i32
        scf.if %cond3A_756 {
          %dma_wait3A_771 = arith.constant 2 : i32
          %dma_wait3A_772 = arith.constant 2 : i32
          %dma_wait3A_773 = arith.constant 0 : i32
          %dma_wait3A_774 = arith.constant 0 : i32
          %dma_wait3A_775 = tpu.memref_slice %arg9[%dma_wait3A_771, %dma_wait3A_773, %dma_wait3A_774] : memref<5x128x32xf32, #tpu.memory_space<vmem>> -> memref<1x128x32xf32, #tpu.memory_space<vmem>>
          %dma_wait3A_776 = tpu.memref_squeeze %dma_wait3A_775 : memref<1x128x32xf32, #tpu.memory_space<vmem>> -> memref<128x32xf32, #tpu.memory_space<vmem>>
          %dma_wait3A_777 = arith.constant 0 : i32
          %dma_wait3A_778 = arith.constant 0 : i32
          %dma_wait3A_779 = tpu.memref_slice %arg2[%dma_wait3A_777, %dma_wait3A_778] : memref<10240x32xf32, #tpu.memory_space<hbm>> -> memref<128x32xf32, #tpu.memory_space<hbm>>
          %dma_wait3A_780 = tpu.memref_slice %arg13[%dma_wait3A_772] : memref<5x!tpu.dma_semaphore, #tpu.memory_space<semaphore_mem>> -> memref<1x!tpu.dma_semaphore, #tpu.memory_space<semaphore_mem>>
          %dma_wait3A_781 = tpu.memref_squeeze %dma_wait3A_780 : memref<1x!tpu.dma_semaphore, #tpu.memory_space<semaphore_mem>> -> memref<!tpu.dma_semaphore, #tpu.memory_space<semaphore_mem>>
          %dma_wait3A_782 = arith.constant 0 : i32
          %dma_wait3A_783 = arith.constant 0 : i32
          %dma_wait3A_784 = tpu.memref_slice %arg9[%dma_wait3A_771, %dma_wait3A_782, %dma_wait3A_783] : memref<5x128x32xf32, #tpu.memory_space<vmem>> -> memref<1x128x32xf32, #tpu.memory_space<vmem>>
          %dma_wait3A_785 = tpu.memref_squeeze %dma_wait3A_784 : memref<1x128x32xf32, #tpu.memory_space<vmem>> -> memref<128x32xf32, #tpu.memory_space<vmem>>
          %dma_wait3A_786 = arith.constant 0 : i32
          %dma_wait3A_787 = arith.constant 0 : i32
          %dma_wait3A_788 = tpu.memref_slice %arg2[%dma_wait3A_786, %dma_wait3A_787] : memref<10240x32xf32, #tpu.memory_space<hbm>> -> memref<128x32xf32, #tpu.memory_space<hbm>>
          tpu.wait_dma2 semaphore(%dma_wait3A_781 : memref<!tpu.dma_semaphore, #tpu.memory_space<semaphore_mem>>) src(%dma_wait3A_788 : memref<128x32xf32, #tpu.memory_space<hbm>>) dst(%dma_wait3A_785 : memref<128x32xf32, #tpu.memory_space<vmem>>)
        } else {
        }
        %dma_start3A_757 = arith.constant 2 : i32
        %dma_start3A_758 = arith.constant 2 : i32
        %dma_start3A_759 = arith.constant 0 : i32
        %dma_start3A_760 = arith.constant 0 : i32
        %dma_start3A_761 = tpu.memref_slice %arg9[%dma_start3A_757, %dma_start3A_759, %dma_start3A_760] : memref<5x128x32xf32, #tpu.memory_space<vmem>> -> memref<1x128x32xf32, #tpu.memory_space<vmem>>
        %dma_start3A_762 = tpu.memref_squeeze %dma_start3A_761 : memref<1x128x32xf32, #tpu.memory_space<vmem>> -> memref<128x32xf32, #tpu.memory_space<vmem>>
        %dma_start3A_763 = arith.constant 0 : i32
        %dma_start3A_764 = tpu.memref_slice %arg7[%add3A_747, %dma_start3A_763] : memref<80x128xi32, #tpu.memory_space<vmem>> -> memref<1x128xi32, #tpu.memory_space<vmem>>
        %dma_start3A_765 = tpu.memref_squeeze %dma_start3A_764 : memref<1x128xi32, #tpu.memory_space<vmem>> -> memref<128xi32, #tpu.memory_space<vmem>>
        %dma_start3A_766 = arith.constant 0 : i32
        %dma_start3A_767 = arith.constant 0 : i32
        %dma_start3A_768 = tpu.memref_slice %arg2[%dma_start3A_766, %dma_start3A_767] : memref<10240x32xf32, #tpu.memory_space<hbm>> -> memref<10240x32xf32, #tpu.memory_space<hbm>>
        %dma_start3A_769 = tpu.memref_slice %arg12[%dma_start3A_758] : memref<5x!tpu.dma_semaphore, #tpu.memory_space<semaphore_mem>> -> memref<1x!tpu.dma_semaphore, #tpu.memory_space<semaphore_mem>>
        %dma_start3A_770 = tpu.memref_squeeze %dma_start3A_769 : memref<1x!tpu.dma_semaphore, #tpu.memory_space<semaphore_mem>> -> memref<!tpu.dma_semaphore, #tpu.memory_space<semaphore_mem>>
        tpu.enqueue_indirect_dma source(%dma_start3A_768 : memref<10240x32xf32, #tpu.memory_space<hbm>>) target(%dma_start3A_762 : memref<128x32xf32, #tpu.memory_space<vmem>>) offsets(%dma_start3A_765 : memref<128xi32, #tpu.memory_space<vmem>>) semaphore(%dma_start3A_770 : memref<!tpu.dma_semaphore, #tpu.memory_space<semaphore_mem>>)
      } else {
      }
    }
    %scan3A_118 = arith.constant 16 : i32
    %dma_wait3A_119 = arith.constant 0 : i32
    %dma_wait3A_120 = arith.constant 0 : i32
    %dma_wait3A_121 = arith.constant 0 : i32
    %dma_wait3A_122 = arith.constant 0 : i32
    %dma_wait3A_123 = tpu.memref_slice %arg9[%dma_wait3A_119, %dma_wait3A_121, %dma_wait3A_122] : memref<5x128x32xf32, #tpu.memory_space<vmem>> -> memref<1x128x32xf32, #tpu.memory_space<vmem>>
    %dma_wait3A_124 = tpu.memref_squeeze %dma_wait3A_123 : memref<1x128x32xf32, #tpu.memory_space<vmem>> -> memref<128x32xf32, #tpu.memory_space<vmem>>
    %dma_wait3A_125 = arith.constant 0 : i32
    %dma_wait3A_126 = arith.constant 0 : i32
    %dma_wait3A_127 = tpu.memref_slice %arg2[%dma_wait3A_125, %dma_wait3A_126] : memref<10240x32xf32, #tpu.memory_space<hbm>> -> memref<128x32xf32, #tpu.memory_space<hbm>>
    %dma_wait3A_128 = tpu.memref_slice %arg13[%dma_wait3A_120] : memref<5x!tpu.dma_semaphore, #tpu.memory_space<semaphore_mem>> -> memref<1x!tpu.dma_semaphore, #tpu.memory_space<semaphore_mem>>
    %dma_wait3A_129 = tpu.memref_squeeze %dma_wait3A_128 : memref<1x!tpu.dma_semaphore, #tpu.memory_space<semaphore_mem>> -> memref<!tpu.dma_semaphore, #tpu.memory_space<semaphore_mem>>
    %dma_wait3A_130 = arith.constant 0 : i32
    %dma_wait3A_131 = arith.constant 0 : i32
    %dma_wait3A_132 = tpu.memref_slice %arg9[%dma_wait3A_119, %dma_wait3A_130, %dma_wait3A_131] : memref<5x128x32xf32, #tpu.memory_space<vmem>> -> memref<1x128x32xf32, #tpu.memory_space<vmem>>
    %dma_wait3A_133 = tpu.memref_squeeze %dma_wait3A_132 : memref<1x128x32xf32, #tpu.memory_space<vmem>> -> memref<128x32xf32, #tpu.memory_space<vmem>>
    %dma_wait3A_134 = arith.constant 0 : i32
    %dma_wait3A_135 = arith.constant 0 : i32
    %dma_wait3A_136 = tpu.memref_slice %arg2[%dma_wait3A_134, %dma_wait3A_135] : memref<10240x32xf32, #tpu.memory_space<hbm>> -> memref<128x32xf32, #tpu.memory_space<hbm>>
    tpu.wait_dma2 semaphore(%dma_wait3A_129 : memref<!tpu.dma_semaphore, #tpu.memory_space<semaphore_mem>>) src(%dma_wait3A_136 : memref<128x32xf32, #tpu.memory_space<hbm>>) dst(%dma_wait3A_133 : memref<128x32xf32, #tpu.memory_space<vmem>>)
    %dma_wait3A_137 = arith.constant 1 : i32
    %dma_wait3A_138 = arith.constant 1 : i32
    %dma_wait3A_139 = arith.constant 0 : i32
    %dma_wait3A_140 = arith.constant 0 : i32
    %dma_wait3A_141 = tpu.memref_slice %arg9[%dma_wait3A_137, %dma_wait3A_139, %dma_wait3A_140] : memref<5x128x32xf32, #tpu.memory_space<vmem>> -> memref<1x128x32xf32, #tpu.memory_space<vmem>>
    %dma_wait3A_142 = tpu.memref_squeeze %dma_wait3A_141 : memref<1x128x32xf32, #tpu.memory_space<vmem>> -> memref<128x32xf32, #tpu.memory_space<vmem>>
    %dma_wait3A_143 = arith.constant 0 : i32
    %dma_wait3A_144 = arith.constant 0 : i32
    %dma_wait3A_145 = tpu.memref_slice %arg2[%dma_wait3A_143, %dma_wait3A_144] : memref<10240x32xf32, #tpu.memory_space<hbm>> -> memref<128x32xf32, #tpu.memory_space<hbm>>
    %dma_wait3A_146 = tpu.memref_slice %arg13[%dma_wait3A_138] : memref<5x!tpu.dma_semaphore, #tpu.memory_space<semaphore_mem>> -> memref<1x!tpu.dma_semaphore, #tpu.memory_space<semaphore_mem>>
    %dma_wait3A_147 = tpu.memref_squeeze %dma_wait3A_146 : memref<1x!tpu.dma_semaphore, #tpu.memory_space<semaphore_mem>> -> memref<!tpu.dma_semaphore, #tpu.memory_space<semaphore_mem>>
    %dma_wait3A_148 = arith.constant 0 : i32
    %dma_wait3A_149 = arith.constant 0 : i32
    %dma_wait3A_150 = tpu.memref_slice %arg9[%dma_wait3A_137, %dma_wait3A_148, %dma_wait3A_149] : memref<5x128x32xf32, #tpu.memory_space<vmem>> -> memref<1x128x32xf32, #tpu.memory_space<vmem>>
    %dma_wait3A_151 = tpu.memref_squeeze %dma_wait3A_150 : memref<1x128x32xf32, #tpu.memory_space<vmem>> -> memref<128x32xf32, #tpu.memory_space<vmem>>
    %dma_wait3A_152 = arith.constant 0 : i32
    %dma_wait3A_153 = arith.constant 0 : i32
    %dma_wait3A_154 = tpu.memref_slice %arg2[%dma_wait3A_152, %dma_wait3A_153] : memref<10240x32xf32, #tpu.memory_space<hbm>> -> memref<128x32xf32, #tpu.memory_space<hbm>>
    tpu.wait_dma2 semaphore(%dma_wait3A_147 : memref<!tpu.dma_semaphore, #tpu.memory_space<semaphore_mem>>) src(%dma_wait3A_154 : memref<128x32xf32, #tpu.memory_space<hbm>>) dst(%dma_wait3A_151 : memref<128x32xf32, #tpu.memory_space<vmem>>)
    %dma_wait3A_155 = arith.constant 2 : i32
    %dma_wait3A_156 = arith.constant 2 : i32
    %dma_wait3A_157 = arith.constant 0 : i32
    %dma_wait3A_158 = arith.constant 0 : i32
    %dma_wait3A_159 = tpu.memref_slice %arg9[%dma_wait3A_155, %dma_wait3A_157, %dma_wait3A_158] : memref<5x128x32xf32, #tpu.memory_space<vmem>> -> memref<1x128x32xf32, #tpu.memory_space<vmem>>
    %dma_wait3A_160 = tpu.memref_squeeze %dma_wait3A_159 : memref<1x128x32xf32, #tpu.memory_space<vmem>> -> memref<128x32xf32, #tpu.memory_space<vmem>>
    %dma_wait3A_161 = arith.constant 0 : i32
    %dma_wait3A_162 = arith.constant 0 : i32
    %dma_wait3A_163 = tpu.memref_slice %arg2[%dma_wait3A_161, %dma_wait3A_162] : memref<10240x32xf32, #tpu.memory_space<hbm>> -> memref<128x32xf32, #tpu.memory_space<hbm>>
    %dma_wait3A_164 = tpu.memref_slice %arg13[%dma_wait3A_156] : memref<5x!tpu.dma_semaphore, #tpu.memory_space<semaphore_mem>> -> memref<1x!tpu.dma_semaphore, #tpu.memory_space<semaphore_mem>>
    %dma_wait3A_165 = tpu.memref_squeeze %dma_wait3A_164 : memref<1x!tpu.dma_semaphore, #tpu.memory_space<semaphore_mem>> -> memref<!tpu.dma_semaphore, #tpu.memory_space<semaphore_mem>>
    %dma_wait3A_166 = arith.constant 0 : i32
    %dma_wait3A_167 = arith.constant 0 : i32
    %dma_wait3A_168 = tpu.memref_slice %arg9[%dma_wait3A_155, %dma_wait3A_166, %dma_wait3A_167] : memref<5x128x32xf32, #tpu.memory_space<vmem>> -> memref<1x128x32xf32, #tpu.memory_space<vmem>>
    %dma_wait3A_169 = tpu.memref_squeeze %dma_wait3A_168 : memref<1x128x32xf32, #tpu.memory_space<vmem>> -> memref<128x32xf32, #tpu.memory_space<vmem>>
    %dma_wait3A_170 = arith.constant 0 : i32
    %dma_wait3A_171 = arith.constant 0 : i32
    %dma_wait3A_172 = tpu.memref_slice %arg2[%dma_wait3A_170, %dma_wait3A_171] : memref<10240x32xf32, #tpu.memory_space<hbm>> -> memref<128x32xf32, #tpu.memory_space<hbm>>
    tpu.wait_dma2 semaphore(%dma_wait3A_165 : memref<!tpu.dma_semaphore, #tpu.memory_space<semaphore_mem>>) src(%dma_wait3A_172 : memref<128x32xf32, #tpu.memory_space<hbm>>) dst(%dma_wait3A_169 : memref<128x32xf32, #tpu.memory_space<vmem>>)
    %dma_wait3A_173 = arith.constant 3 : i32
    %dma_wait3A_174 = arith.constant 3 : i32
    %dma_wait3A_175 = arith.constant 0 : i32
    %dma_wait3A_176 = arith.constant 0 : i32
    %dma_wait3A_177 = tpu.memref_slice %arg9[%dma_wait3A_173, %dma_wait3A_175, %dma_wait3A_176] : memref<5x128x32xf32, #tpu.memory_space<vmem>> -> memref<1x128x32xf32, #tpu.memory_space<vmem>>
    %dma_wait3A_178 = tpu.memref_squeeze %dma_wait3A_177 : memref<1x128x32xf32, #tpu.memory_space<vmem>> -> memref<128x32xf32, #tpu.memory_space<vmem>>
    %dma_wait3A_179 = arith.constant 0 : i32
    %dma_wait3A_180 = arith.constant 0 : i32
    %dma_wait3A_181 = tpu.memref_slice %arg2[%dma_wait3A_179, %dma_wait3A_180] : memref<10240x32xf32, #tpu.memory_space<hbm>> -> memref<128x32xf32, #tpu.memory_space<hbm>>
    %dma_wait3A_182 = tpu.memref_slice %arg13[%dma_wait3A_174] : memref<5x!tpu.dma_semaphore, #tpu.memory_space<semaphore_mem>> -> memref<1x!tpu.dma_semaphore, #tpu.memory_space<semaphore_mem>>
    %dma_wait3A_183 = tpu.memref_squeeze %dma_wait3A_182 : memref<1x!tpu.dma_semaphore, #tpu.memory_space<semaphore_mem>> -> memref<!tpu.dma_semaphore, #tpu.memory_space<semaphore_mem>>
    %dma_wait3A_184 = arith.constant 0 : i32
    %dma_wait3A_185 = arith.constant 0 : i32
    %dma_wait3A_186 = tpu.memref_slice %arg9[%dma_wait3A_173, %dma_wait3A_184, %dma_wait3A_185] : memref<5x128x32xf32, #tpu.memory_space<vmem>> -> memref<1x128x32xf32, #tpu.memory_space<vmem>>
    %dma_wait3A_187 = tpu.memref_squeeze %dma_wait3A_186 : memref<1x128x32xf32, #tpu.memory_space<vmem>> -> memref<128x32xf32, #tpu.memory_space<vmem>>
    %dma_wait3A_188 = arith.constant 0 : i32
    %dma_wait3A_189 = arith.constant 0 : i32
    %dma_wait3A_190 = tpu.memref_slice %arg2[%dma_wait3A_188, %dma_wait3A_189] : memref<10240x32xf32, #tpu.memory_space<hbm>> -> memref<128x32xf32, #tpu.memory_space<hbm>>
    tpu.wait_dma2 semaphore(%dma_wait3A_183 : memref<!tpu.dma_semaphore, #tpu.memory_space<semaphore_mem>>) src(%dma_wait3A_190 : memref<128x32xf32, #tpu.memory_space<hbm>>) dst(%dma_wait3A_187 : memref<128x32xf32, #tpu.memory_space<vmem>>)
    %dma_wait3A_191 = arith.constant 4 : i32
    %dma_wait3A_192 = arith.constant 4 : i32
    %dma_wait3A_193 = arith.constant 0 : i32
    %dma_wait3A_194 = arith.constant 0 : i32
    %dma_wait3A_195 = tpu.memref_slice %arg9[%dma_wait3A_191, %dma_wait3A_193, %dma_wait3A_194] : memref<5x128x32xf32, #tpu.memory_space<vmem>> -> memref<1x128x32xf32, #tpu.memory_space<vmem>>
    %dma_wait3A_196 = tpu.memref_squeeze %dma_wait3A_195 : memref<1x128x32xf32, #tpu.memory_space<vmem>> -> memref<128x32xf32, #tpu.memory_space<vmem>>
    %dma_wait3A_197 = arith.constant 0 : i32
    %dma_wait3A_198 = arith.constant 0 : i32
    %dma_wait3A_199 = tpu.memref_slice %arg2[%dma_wait3A_197, %dma_wait3A_198] : memref<10240x32xf32, #tpu.memory_space<hbm>> -> memref<128x32xf32, #tpu.memory_space<hbm>>
    %dma_wait3A_200 = tpu.memref_slice %arg13[%dma_wait3A_192] : memref<5x!tpu.dma_semaphore, #tpu.memory_space<semaphore_mem>> -> memref<1x!tpu.dma_semaphore, #tpu.memory_space<semaphore_mem>>
    %dma_wait3A_201 = tpu.memref_squeeze %dma_wait3A_200 : memref<1x!tpu.dma_semaphore, #tpu.memory_space<semaphore_mem>> -> memref<!tpu.dma_semaphore, #tpu.memory_space<semaphore_mem>>
    %dma_wait3A_202 = arith.constant 0 : i32
    %dma_wait3A_203 = arith.constant 0 : i32
    %dma_wait3A_204 = tpu.memref_slice %arg9[%dma_wait3A_191, %dma_wait3A_202, %dma_wait3A_203] : memref<5x128x32xf32, #tpu.memory_space<vmem>> -> memref<1x128x32xf32, #tpu.memory_space<vmem>>
    %dma_wait3A_205 = tpu.memref_squeeze %dma_wait3A_204 : memref<1x128x32xf32, #tpu.memory_space<vmem>> -> memref<128x32xf32, #tpu.memory_space<vmem>>
    %dma_wait3A_206 = arith.constant 0 : i32
    %dma_wait3A_207 = arith.constant 0 : i32
    %dma_wait3A_208 = tpu.memref_slice %arg2[%dma_wait3A_206, %dma_wait3A_207] : memref<10240x32xf32, #tpu.memory_space<hbm>> -> memref<128x32xf32, #tpu.memory_space<hbm>>
    tpu.wait_dma2 semaphore(%dma_wait3A_201 : memref<!tpu.dma_semaphore, #tpu.memory_space<semaphore_mem>>) src(%dma_wait3A_208 : memref<128x32xf32, #tpu.memory_space<hbm>>) dst(%dma_wait3A_205 : memref<128x32xf32, #tpu.memory_space<vmem>>)
    %barrier3A_209 = arith.constant 0 : index
    tpu.barrier barrier_id(%barrier3A_209)
    %mul3A_210 = arith.constant 640 : i32
    %mul3A_211 = arith.muli %arg1, %mul3A_210 : i32
    %add3A_212 = arith.constant 0 : i32
    %add3A_213 = arith.addi %mul3A_211, %add3A_212 : i32
    %dma_start3A_214 = arith.constant 0 : i32
    %dma_start3A_215 = arith.constant 0 : i32
    %dma_start3A_216 = arith.constant 0 : i32
    %dma_start3A_217 = arith.constant 0 : i32
    %dma_start3A_218 = tpu.memref_slice %arg9[%dma_start3A_214, %dma_start3A_216, %dma_start3A_217] : memref<5x128x32xf32, #tpu.memory_space<vmem>> -> memref<1x128x32xf32, #tpu.memory_space<vmem>>
    %dma_start3A_219 = tpu.memref_squeeze %dma_start3A_218 : memref<1x128x32xf32, #tpu.memory_space<vmem>> -> memref<128x32xf32, #tpu.memory_space<vmem>>
    %dma_start3A_220 = arith.constant 0 : i32
    %dma_start3A_221 = tpu.memref_slice %arg11[%add3A_213, %dma_start3A_220] : memref<10240x32xf32, #tpu.memory_space<vmem_shared>> -> memref<128x32xf32, #tpu.memory_space<vmem_shared>>
    %dma_start3A_222 = tpu.memref_slice %arg14[%dma_start3A_215] : memref<10x!tpu.dma_semaphore, #tpu.memory_space<semaphore_mem>> -> memref<1x!tpu.dma_semaphore, #tpu.memory_space<semaphore_mem>>
    %dma_start3A_223 = tpu.memref_squeeze %dma_start3A_222 : memref<1x!tpu.dma_semaphore, #tpu.memory_space<semaphore_mem>> -> memref<!tpu.dma_semaphore, #tpu.memory_space<semaphore_mem>>
    %dma_start3A_224 = arith.constant 0 : i32
    %dma_start3A_225 = arith.constant 0 : i32
    %dma_start3A_226 = tpu.memref_slice %arg9[%dma_start3A_214, %dma_start3A_224, %dma_start3A_225] : memref<5x128x32xf32, #tpu.memory_space<vmem>> -> memref<1x128x32xf32, #tpu.memory_space<vmem>>
    %dma_start3A_227 = tpu.memref_squeeze %dma_start3A_226 : memref<1x128x32xf32, #tpu.memory_space<vmem>> -> memref<128x32xf32, #tpu.memory_space<vmem>>
    %dma_start3A_228 = arith.constant 0 : i32
    %dma_start3A_229 = tpu.memref_slice %arg11[%add3A_213, %dma_start3A_228] : memref<10240x32xf32, #tpu.memory_space<vmem_shared>> -> memref<128x32xf32, #tpu.memory_space<vmem_shared>>
    tpu.enqueue_dma source(%dma_start3A_229 : memref<128x32xf32, #tpu.memory_space<vmem_shared>>) target(%dma_start3A_227 : memref<128x32xf32, #tpu.memory_space<vmem>>) target_semaphore(%dma_start3A_223 : memref<!tpu.dma_semaphore, #tpu.memory_space<semaphore_mem>>)
    %mul3A_230 = arith.constant 640 : i32
    %mul3A_231 = arith.muli %arg1, %mul3A_230 : i32
    %add3A_232 = arith.constant 128 : i32
    %add3A_233 = arith.addi %mul3A_231, %add3A_232 : i32
    %dma_start3A_234 = arith.constant 1 : i32
    %dma_start3A_235 = arith.constant 1 : i32
    %dma_start3A_236 = arith.constant 0 : i32
    %dma_start3A_237 = arith.constant 0 : i32
    %dma_start3A_238 = tpu.memref_slice %arg9[%dma_start3A_234, %dma_start3A_236, %dma_start3A_237] : memref<5x128x32xf32, #tpu.memory_space<vmem>> -> memref<1x128x32xf32, #tpu.memory_space<vmem>>
    %dma_start3A_239 = tpu.memref_squeeze %dma_start3A_238 : memref<1x128x32xf32, #tpu.memory_space<vmem>> -> memref<128x32xf32, #tpu.memory_space<vmem>>
    %dma_start3A_240 = arith.constant 0 : i32
    %dma_start3A_241 = tpu.memref_slice %arg11[%add3A_233, %dma_start3A_240] : memref<10240x32xf32, #tpu.memory_space<vmem_shared>> -> memref<128x32xf32, #tpu.memory_space<vmem_shared>>
    %dma_start3A_242 = tpu.memref_slice %arg14[%dma_start3A_235] : memref<10x!tpu.dma_semaphore, #tpu.memory_space<semaphore_mem>> -> memref<1x!tpu.dma_semaphore, #tpu.memory_space<semaphore_mem>>
    %dma_start3A_243 = tpu.memref_squeeze %dma_start3A_242 : memref<1x!tpu.dma_semaphore, #tpu.memory_space<semaphore_mem>> -> memref<!tpu.dma_semaphore, #tpu.memory_space<semaphore_mem>>
    %dma_start3A_244 = arith.constant 0 : i32
    %dma_start3A_245 = arith.constant 0 : i32
    %dma_start3A_246 = tpu.memref_slice %arg9[%dma_start3A_234, %dma_start3A_244, %dma_start3A_245] : memref<5x128x32xf32, #tpu.memory_space<vmem>> -> memref<1x128x32xf32, #tpu.memory_space<vmem>>
    %dma_start3A_247 = tpu.memref_squeeze %dma_start3A_246 : memref<1x128x32xf32, #tpu.memory_space<vmem>> -> memref<128x32xf32, #tpu.memory_space<vmem>>
    %dma_start3A_248 = arith.constant 0 : i32
    %dma_start3A_249 = tpu.memref_slice %arg11[%add3A_233, %dma_start3A_248] : memref<10240x32xf32, #tpu.memory_space<vmem_shared>> -> memref<128x32xf32, #tpu.memory_space<vmem_shared>>
    tpu.enqueue_dma source(%dma_start3A_249 : memref<128x32xf32, #tpu.memory_space<vmem_shared>>) target(%dma_start3A_247 : memref<128x32xf32, #tpu.memory_space<vmem>>) target_semaphore(%dma_start3A_243 : memref<!tpu.dma_semaphore, #tpu.memory_space<semaphore_mem>>)
    %mul3A_250 = arith.constant 640 : i32
    %mul3A_251 = arith.muli %arg1, %mul3A_250 : i32
    %add3A_252 = arith.constant 256 : i32
    %add3A_253 = arith.addi %mul3A_251, %add3A_252 : i32
    %dma_start3A_254 = arith.constant 2 : i32
    %dma_start3A_255 = arith.constant 2 : i32
    %dma_start3A_256 = arith.constant 0 : i32
    %dma_start3A_257 = arith.constant 0 : i32
    %dma_start3A_258 = tpu.memref_slice %arg9[%dma_start3A_254, %dma_start3A_256, %dma_start3A_257] : memref<5x128x32xf32, #tpu.memory_space<vmem>> -> memref<1x128x32xf32, #tpu.memory_space<vmem>>
    %dma_start3A_259 = tpu.memref_squeeze %dma_start3A_258 : memref<1x128x32xf32, #tpu.memory_space<vmem>> -> memref<128x32xf32, #tpu.memory_space<vmem>>
    %dma_start3A_260 = arith.constant 0 : i32
    %dma_start3A_261 = tpu.memref_slice %arg11[%add3A_253, %dma_start3A_260] : memref<10240x32xf32, #tpu.memory_space<vmem_shared>> -> memref<128x32xf32, #tpu.memory_space<vmem_shared>>
    %dma_start3A_262 = tpu.memref_slice %arg14[%dma_start3A_255] : memref<10x!tpu.dma_semaphore, #tpu.memory_space<semaphore_mem>> -> memref<1x!tpu.dma_semaphore, #tpu.memory_space<semaphore_mem>>
    %dma_start3A_263 = tpu.memref_squeeze %dma_start3A_262 : memref<1x!tpu.dma_semaphore, #tpu.memory_space<semaphore_mem>> -> memref<!tpu.dma_semaphore, #tpu.memory_space<semaphore_mem>>
    %dma_start3A_264 = arith.constant 0 : i32
    %dma_start3A_265 = arith.constant 0 : i32
    %dma_start3A_266 = tpu.memref_slice %arg9[%dma_start3A_254, %dma_start3A_264, %dma_start3A_265] : memref<5x128x32xf32, #tpu.memory_space<vmem>> -> memref<1x128x32xf32, #tpu.memory_space<vmem>>
    %dma_start3A_267 = tpu.memref_squeeze %dma_start3A_266 : memref<1x128x32xf32, #tpu.memory_space<vmem>> -> memref<128x32xf32, #tpu.memory_space<vmem>>
    %dma_start3A_268 = arith.constant 0 : i32
    %dma_start3A_269 = tpu.memref_slice %arg11[%add3A_253, %dma_start3A_268] : memref<10240x32xf32, #tpu.memory_space<vmem_shared>> -> memref<128x32xf32, #tpu.memory_space<vmem_shared>>
    tpu.enqueue_dma source(%dma_start3A_269 : memref<128x32xf32, #tpu.memory_space<vmem_shared>>) target(%dma_start3A_267 : memref<128x32xf32, #tpu.memory_space<vmem>>) target_semaphore(%dma_start3A_263 : memref<!tpu.dma_semaphore, #tpu.memory_space<semaphore_mem>>)
    %mul3A_270 = arith.constant 640 : i32
    %mul3A_271 = arith.muli %arg1, %mul3A_270 : i32
    %add3A_272 = arith.constant 384 : i32
    %add3A_273 = arith.addi %mul3A_271, %add3A_272 : i32
    %dma_start3A_274 = arith.constant 3 : i32
    %dma_start3A_275 = arith.constant 3 : i32
    %dma_start3A_276 = arith.constant 0 : i32
    %dma_start3A_277 = arith.constant 0 : i32
    %dma_start3A_278 = tpu.memref_slice %arg9[%dma_start3A_274, %dma_start3A_276, %dma_start3A_277] : memref<5x128x32xf32, #tpu.memory_space<vmem>> -> memref<1x128x32xf32, #tpu.memory_space<vmem>>
    %dma_start3A_279 = tpu.memref_squeeze %dma_start3A_278 : memref<1x128x32xf32, #tpu.memory_space<vmem>> -> memref<128x32xf32, #tpu.memory_space<vmem>>
    %dma_start3A_280 = arith.constant 0 : i32
    %dma_start3A_281 = tpu.memref_slice %arg11[%add3A_273, %dma_start3A_280] : memref<10240x32xf32, #tpu.memory_space<vmem_shared>> -> memref<128x32xf32, #tpu.memory_space<vmem_shared>>
    %dma_start3A_282 = tpu.memref_slice %arg14[%dma_start3A_275] : memref<10x!tpu.dma_semaphore, #tpu.memory_space<semaphore_mem>> -> memref<1x!tpu.dma_semaphore, #tpu.memory_space<semaphore_mem>>
    %dma_start3A_283 = tpu.memref_squeeze %dma_start3A_282 : memref<1x!tpu.dma_semaphore, #tpu.memory_space<semaphore_mem>> -> memref<!tpu.dma_semaphore, #tpu.memory_space<semaphore_mem>>
    %dma_start3A_284 = arith.constant 0 : i32
    %dma_start3A_285 = arith.constant 0 : i32
    %dma_start3A_286 = tpu.memref_slice %arg9[%dma_start3A_274, %dma_start3A_284, %dma_start3A_285] : memref<5x128x32xf32, #tpu.memory_space<vmem>> -> memref<1x128x32xf32, #tpu.memory_space<vmem>>
    %dma_start3A_287 = tpu.memref_squeeze %dma_start3A_286 : memref<1x128x32xf32, #tpu.memory_space<vmem>> -> memref<128x32xf32, #tpu.memory_space<vmem>>
    %dma_start3A_288 = arith.constant 0 : i32
    %dma_start3A_289 = tpu.memref_slice %arg11[%add3A_273, %dma_start3A_288] : memref<10240x32xf32, #tpu.memory_space<vmem_shared>> -> memref<128x32xf32, #tpu.memory_space<vmem_shared>>
    tpu.enqueue_dma source(%dma_start3A_289 : memref<128x32xf32, #tpu.memory_space<vmem_shared>>) target(%dma_start3A_287 : memref<128x32xf32, #tpu.memory_space<vmem>>) target_semaphore(%dma_start3A_283 : memref<!tpu.dma_semaphore, #tpu.memory_space<semaphore_mem>>)
    %mul3A_290 = arith.constant 640 : i32
    %mul3A_291 = arith.muli %arg1, %mul3A_290 : i32
    %add3A_292 = arith.constant 512 : i32
    %add3A_293 = arith.addi %mul3A_291, %add3A_292 : i32
    %dma_start3A_294 = arith.constant 4 : i32
    %dma_start3A_295 = arith.constant 4 : i32
    %dma_start3A_296 = arith.constant 0 : i32
    %dma_start3A_297 = arith.constant 0 : i32
    %dma_start3A_298 = tpu.memref_slice %arg9[%dma_start3A_294, %dma_start3A_296, %dma_start3A_297] : memref<5x128x32xf32, #tpu.memory_space<vmem>> -> memref<1x128x32xf32, #tpu.memory_space<vmem>>
    %dma_start3A_299 = tpu.memref_squeeze %dma_start3A_298 : memref<1x128x32xf32, #tpu.memory_space<vmem>> -> memref<128x32xf32, #tpu.memory_space<vmem>>
    %dma_start3A_300 = arith.constant 0 : i32
    %dma_start3A_301 = tpu.memref_slice %arg11[%add3A_293, %dma_start3A_300] : memref<10240x32xf32, #tpu.memory_space<vmem_shared>> -> memref<128x32xf32, #tpu.memory_space<vmem_shared>>
    %dma_start3A_302 = tpu.memref_slice %arg14[%dma_start3A_295] : memref<10x!tpu.dma_semaphore, #tpu.memory_space<semaphore_mem>> -> memref<1x!tpu.dma_semaphore, #tpu.memory_space<semaphore_mem>>
    %dma_start3A_303 = tpu.memref_squeeze %dma_start3A_302 : memref<1x!tpu.dma_semaphore, #tpu.memory_space<semaphore_mem>> -> memref<!tpu.dma_semaphore, #tpu.memory_space<semaphore_mem>>
    %dma_start3A_304 = arith.constant 0 : i32
    %dma_start3A_305 = arith.constant 0 : i32
    %dma_start3A_306 = tpu.memref_slice %arg9[%dma_start3A_294, %dma_start3A_304, %dma_start3A_305] : memref<5x128x32xf32, #tpu.memory_space<vmem>> -> memref<1x128x32xf32, #tpu.memory_space<vmem>>
    %dma_start3A_307 = tpu.memref_squeeze %dma_start3A_306 : memref<1x128x32xf32, #tpu.memory_space<vmem>> -> memref<128x32xf32, #tpu.memory_space<vmem>>
    %dma_start3A_308 = arith.constant 0 : i32
    %dma_start3A_309 = tpu.memref_slice %arg11[%add3A_293, %dma_start3A_308] : memref<10240x32xf32, #tpu.memory_space<vmem_shared>> -> memref<128x32xf32, #tpu.memory_space<vmem_shared>>
    tpu.enqueue_dma source(%dma_start3A_309 : memref<128x32xf32, #tpu.memory_space<vmem_shared>>) target(%dma_start3A_307 : memref<128x32xf32, #tpu.memory_space<vmem>>) target_semaphore(%dma_start3A_303 : memref<!tpu.dma_semaphore, #tpu.memory_space<semaphore_mem>>)
    %dma_wait3A_310 = arith.constant 0 : i32
    %dma_wait3A_311 = arith.constant 0 : i32
    %dma_wait3A_312 = arith.constant 0 : i32
    %dma_wait3A_313 = arith.constant 0 : i32
    %dma_wait3A_314 = tpu.memref_slice %arg9[%dma_wait3A_310, %dma_wait3A_312, %dma_wait3A_313] : memref<5x128x32xf32, #tpu.memory_space<vmem>> -> memref<1x128x32xf32, #tpu.memory_space<vmem>>
    %dma_wait3A_315 = tpu.memref_squeeze %dma_wait3A_314 : memref<1x128x32xf32, #tpu.memory_space<vmem>> -> memref<128x32xf32, #tpu.memory_space<vmem>>
    %dma_wait3A_316 = tpu.memref_slice %arg14[%dma_wait3A_311] : memref<10x!tpu.dma_semaphore, #tpu.memory_space<semaphore_mem>> -> memref<1x!tpu.dma_semaphore, #tpu.memory_space<semaphore_mem>>
    %dma_wait3A_317 = tpu.memref_squeeze %dma_wait3A_316 : memref<1x!tpu.dma_semaphore, #tpu.memory_space<semaphore_mem>> -> memref<!tpu.dma_semaphore, #tpu.memory_space<semaphore_mem>>
    %dma_wait3A_318 = arith.constant 0 : i32
    %dma_wait3A_319 = arith.constant 0 : i32
    %dma_wait3A_320 = tpu.memref_slice %arg9[%dma_wait3A_310, %dma_wait3A_318, %dma_wait3A_319] : memref<5x128x32xf32, #tpu.memory_space<vmem>> -> memref<1x128x32xf32, #tpu.memory_space<vmem>>
    %dma_wait3A_321 = tpu.memref_squeeze %dma_wait3A_320 : memref<1x128x32xf32, #tpu.memory_space<vmem>> -> memref<128x32xf32, #tpu.memory_space<vmem>>
    tpu.wait_dma2 semaphore(%dma_wait3A_317 : memref<!tpu.dma_semaphore, #tpu.memory_space<semaphore_mem>>) src(%arg5 : memref<128x32xf32, #tpu.memory_space<hbm>>) dst(%dma_wait3A_321 : memref<128x32xf32, #tpu.memory_space<vmem>>)
    %mul3A_322 = arith.constant 640 : i32
    %mul3A_323 = arith.muli %arg1, %mul3A_322 : i32
    %add3A_324 = arith.constant 0 : i32
    %add3A_325 = arith.addi %mul3A_323, %add3A_324 : i32
    %dma_start3A_326 = arith.constant 0 : i32
    %dma_start3A_327 = arith.constant 5 : i32
    %dma_start3A_328 = arith.constant 0 : i32
    %dma_start3A_329 = arith.constant 0 : i32
    %dma_start3A_330 = tpu.memref_slice %arg9[%dma_start3A_326, %dma_start3A_328, %dma_start3A_329] : memref<5x128x32xf32, #tpu.memory_space<vmem>> -> memref<1x128x32xf32, #tpu.memory_space<vmem>>
    %dma_start3A_331 = tpu.memref_squeeze %dma_start3A_330 : memref<1x128x32xf32, #tpu.memory_space<vmem>> -> memref<128x32xf32, #tpu.memory_space<vmem>>
    %dma_start3A_332 = arith.constant 0 : i32
    %dma_start3A_333 = tpu.memref_slice %arg6[%arg0, %add3A_325, %dma_start3A_332] : memref<2x10240x32xf32, #tpu.memory_space<hbm>> -> memref<1x128x32xf32, #tpu.memory_space<hbm>>
    %dma_start3A_334 = tpu.memref_squeeze %dma_start3A_333 : memref<1x128x32xf32, #tpu.memory_space<hbm>> -> memref<128x32xf32, #tpu.memory_space<hbm>>
    %dma_start3A_335 = tpu.memref_slice %arg14[%dma_start3A_327] : memref<10x!tpu.dma_semaphore, #tpu.memory_space<semaphore_mem>> -> memref<1x!tpu.dma_semaphore, #tpu.memory_space<semaphore_mem>>
    %dma_start3A_336 = tpu.memref_squeeze %dma_start3A_335 : memref<1x!tpu.dma_semaphore, #tpu.memory_space<semaphore_mem>> -> memref<!tpu.dma_semaphore, #tpu.memory_space<semaphore_mem>>
    %dma_start3A_337 = arith.constant 0 : i32
    %dma_start3A_338 = tpu.memref_slice %arg6[%arg0, %add3A_325, %dma_start3A_337] : memref<2x10240x32xf32, #tpu.memory_space<hbm>> -> memref<1x128x32xf32, #tpu.memory_space<hbm>>
    %dma_start3A_339 = tpu.memref_squeeze %dma_start3A_338 : memref<1x128x32xf32, #tpu.memory_space<hbm>> -> memref<128x32xf32, #tpu.memory_space<hbm>>
    %dma_start3A_340 = arith.constant 0 : i32
    %dma_start3A_341 = arith.constant 0 : i32
    %dma_start3A_342 = tpu.memref_slice %arg9[%dma_start3A_326, %dma_start3A_340, %dma_start3A_341] : memref<5x128x32xf32, #tpu.memory_space<vmem>> -> memref<1x128x32xf32, #tpu.memory_space<vmem>>
    %dma_start3A_343 = tpu.memref_squeeze %dma_start3A_342 : memref<1x128x32xf32, #tpu.memory_space<vmem>> -> memref<128x32xf32, #tpu.memory_space<vmem>>
    tpu.enqueue_dma source(%dma_start3A_343 : memref<128x32xf32, #tpu.memory_space<vmem>>) target(%dma_start3A_339 : memref<128x32xf32, #tpu.memory_space<hbm>>) target_semaphore(%dma_start3A_336 : memref<!tpu.dma_semaphore, #tpu.memory_space<semaphore_mem>>)
    %dma_wait3A_344 = arith.constant 1 : i32
    %dma_wait3A_345 = arith.constant 1 : i32
    %dma_wait3A_346 = arith.constant 0 : i32
    %dma_wait3A_347 = arith.constant 0 : i32
    %dma_wait3A_348 = tpu.memref_slice %arg9[%dma_wait3A_344, %dma_wait3A_346, %dma_wait3A_347] : memref<5x128x32xf32, #tpu.memory_space<vmem>> -> memref<1x128x32xf32, #tpu.memory_space<vmem>>
    %dma_wait3A_349 = tpu.memref_squeeze %dma_wait3A_348 : memref<1x128x32xf32, #tpu.memory_space<vmem>> -> memref<128x32xf32, #tpu.memory_space<vmem>>
    %dma_wait3A_350 = tpu.memref_slice %arg14[%dma_wait3A_345] : memref<10x!tpu.dma_semaphore, #tpu.memory_space<semaphore_mem>> -> memref<1x!tpu.dma_semaphore, #tpu.memory_space<semaphore_mem>>
    %dma_wait3A_351 = tpu.memref_squeeze %dma_wait3A_350 : memref<1x!tpu.dma_semaphore, #tpu.memory_space<semaphore_mem>> -> memref<!tpu.dma_semaphore, #tpu.memory_space<semaphore_mem>>
    %dma_wait3A_352 = arith.constant 0 : i32
    %dma_wait3A_353 = arith.constant 0 : i32
    %dma_wait3A_354 = tpu.memref_slice %arg9[%dma_wait3A_344, %dma_wait3A_352, %dma_wait3A_353] : memref<5x128x32xf32, #tpu.memory_space<vmem>> -> memref<1x128x32xf32, #tpu.memory_space<vmem>>
    %dma_wait3A_355 = tpu.memref_squeeze %dma_wait3A_354 : memref<1x128x32xf32, #tpu.memory_space<vmem>> -> memref<128x32xf32, #tpu.memory_space<vmem>>
    tpu.wait_dma2 semaphore(%dma_wait3A_351 : memref<!tpu.dma_semaphore, #tpu.memory_space<semaphore_mem>>) src(%arg5 : memref<128x32xf32, #tpu.memory_space<hbm>>) dst(%dma_wait3A_355 : memref<128x32xf32, #tpu.memory_space<vmem>>)
    %mul3A_356 = arith.constant 640 : i32
    %mul3A_357 = arith.muli %arg1, %mul3A_356 : i32
    %add3A_358 = arith.constant 128 : i32
    %add3A_359 = arith.addi %mul3A_357, %add3A_358 : i32
    %dma_start3A_360 = arith.constant 1 : i32
    %dma_start3A_361 = arith.constant 6 : i32
    %dma_start3A_362 = arith.constant 0 : i32
    %dma_start3A_363 = arith.constant 0 : i32
    %dma_start3A_364 = tpu.memref_slice %arg9[%dma_start3A_360, %dma_start3A_362, %dma_start3A_363] : memref<5x128x32xf32, #tpu.memory_space<vmem>> -> memref<1x128x32xf32, #tpu.memory_space<vmem>>
    %dma_start3A_365 = tpu.memref_squeeze %dma_start3A_364 : memref<1x128x32xf32, #tpu.memory_space<vmem>> -> memref<128x32xf32, #tpu.memory_space<vmem>>
    %dma_start3A_366 = arith.constant 0 : i32
    %dma_start3A_367 = tpu.memref_slice %arg6[%arg0, %add3A_359, %dma_start3A_366] : memref<2x10240x32xf32, #tpu.memory_space<hbm>> -> memref<1x128x32xf32, #tpu.memory_space<hbm>>
    %dma_start3A_368 = tpu.memref_squeeze %dma_start3A_367 : memref<1x128x32xf32, #tpu.memory_space<hbm>> -> memref<128x32xf32, #tpu.memory_space<hbm>>
    %dma_start3A_369 = tpu.memref_slice %arg14[%dma_start3A_361] : memref<10x!tpu.dma_semaphore, #tpu.memory_space<semaphore_mem>> -> memref<1x!tpu.dma_semaphore, #tpu.memory_space<semaphore_mem>>
    %dma_start3A_370 = tpu.memref_squeeze %dma_start3A_369 : memref<1x!tpu.dma_semaphore, #tpu.memory_space<semaphore_mem>> -> memref<!tpu.dma_semaphore, #tpu.memory_space<semaphore_mem>>
    %dma_start3A_371 = arith.constant 0 : i32
    %dma_start3A_372 = tpu.memref_slice %arg6[%arg0, %add3A_359, %dma_start3A_371] : memref<2x10240x32xf32, #tpu.memory_space<hbm>> -> memref<1x128x32xf32, #tpu.memory_space<hbm>>
    %dma_start3A_373 = tpu.memref_squeeze %dma_start3A_372 : memref<1x128x32xf32, #tpu.memory_space<hbm>> -> memref<128x32xf32, #tpu.memory_space<hbm>>
    %dma_start3A_374 = arith.constant 0 : i32
    %dma_start3A_375 = arith.constant 0 : i32
    %dma_start3A_376 = tpu.memref_slice %arg9[%dma_start3A_360, %dma_start3A_374, %dma_start3A_375] : memref<5x128x32xf32, #tpu.memory_space<vmem>> -> memref<1x128x32xf32, #tpu.memory_space<vmem>>
    %dma_start3A_377 = tpu.memref_squeeze %dma_start3A_376 : memref<1x128x32xf32, #tpu.memory_space<vmem>> -> memref<128x32xf32, #tpu.memory_space<vmem>>
    tpu.enqueue_dma source(%dma_start3A_377 : memref<128x32xf32, #tpu.memory_space<vmem>>) target(%dma_start3A_373 : memref<128x32xf32, #tpu.memory_space<hbm>>) target_semaphore(%dma_start3A_370 : memref<!tpu.dma_semaphore, #tpu.memory_space<semaphore_mem>>)
    %dma_wait3A_378 = arith.constant 2 : i32
    %dma_wait3A_379 = arith.constant 2 : i32
    %dma_wait3A_380 = arith.constant 0 : i32
    %dma_wait3A_381 = arith.constant 0 : i32
    %dma_wait3A_382 = tpu.memref_slice %arg9[%dma_wait3A_378, %dma_wait3A_380, %dma_wait3A_381] : memref<5x128x32xf32, #tpu.memory_space<vmem>> -> memref<1x128x32xf32, #tpu.memory_space<vmem>>
    %dma_wait3A_383 = tpu.memref_squeeze %dma_wait3A_382 : memref<1x128x32xf32, #tpu.memory_space<vmem>> -> memref<128x32xf32, #tpu.memory_space<vmem>>
    %dma_wait3A_384 = tpu.memref_slice %arg14[%dma_wait3A_379] : memref<10x!tpu.dma_semaphore, #tpu.memory_space<semaphore_mem>> -> memref<1x!tpu.dma_semaphore, #tpu.memory_space<semaphore_mem>>
    %dma_wait3A_385 = tpu.memref_squeeze %dma_wait3A_384 : memref<1x!tpu.dma_semaphore, #tpu.memory_space<semaphore_mem>> -> memref<!tpu.dma_semaphore, #tpu.memory_space<semaphore_mem>>
    %dma_wait3A_386 = arith.constant 0 : i32
    %dma_wait3A_387 = arith.constant 0 : i32
    %dma_wait3A_388 = tpu.memref_slice %arg9[%dma_wait3A_378, %dma_wait3A_386, %dma_wait3A_387] : memref<5x128x32xf32, #tpu.memory_space<vmem>> -> memref<1x128x32xf32, #tpu.memory_space<vmem>>
    %dma_wait3A_389 = tpu.memref_squeeze %dma_wait3A_388 : memref<1x128x32xf32, #tpu.memory_space<vmem>> -> memref<128x32xf32, #tpu.memory_space<vmem>>
    tpu.wait_dma2 semaphore(%dma_wait3A_385 : memref<!tpu.dma_semaphore, #tpu.memory_space<semaphore_mem>>) src(%arg5 : memref<128x32xf32, #tpu.memory_space<hbm>>) dst(%dma_wait3A_389 : memref<128x32xf32, #tpu.memory_space<vmem>>)
    %mul3A_390 = arith.constant 640 : i32
    %mul3A_391 = arith.muli %arg1, %mul3A_390 : i32
    %add3A_392 = arith.constant 256 : i32
    %add3A_393 = arith.addi %mul3A_391, %add3A_392 : i32
    %dma_start3A_394 = arith.constant 2 : i32
    %dma_start3A_395 = arith.constant 7 : i32
    %dma_start3A_396 = arith.constant 0 : i32
    %dma_start3A_397 = arith.constant 0 : i32
    %dma_start3A_398 = tpu.memref_slice %arg9[%dma_start3A_394, %dma_start3A_396, %dma_start3A_397] : memref<5x128x32xf32, #tpu.memory_space<vmem>> -> memref<1x128x32xf32, #tpu.memory_space<vmem>>
    %dma_start3A_399 = tpu.memref_squeeze %dma_start3A_398 : memref<1x128x32xf32, #tpu.memory_space<vmem>> -> memref<128x32xf32, #tpu.memory_space<vmem>>
    %dma_start3A_400 = arith.constant 0 : i32
    %dma_start3A_401 = tpu.memref_slice %arg6[%arg0, %add3A_393, %dma_start3A_400] : memref<2x10240x32xf32, #tpu.memory_space<hbm>> -> memref<1x128x32xf32, #tpu.memory_space<hbm>>
    %dma_start3A_402 = tpu.memref_squeeze %dma_start3A_401 : memref<1x128x32xf32, #tpu.memory_space<hbm>> -> memref<128x32xf32, #tpu.memory_space<hbm>>
    %dma_start3A_403 = tpu.memref_slice %arg14[%dma_start3A_395] : memref<10x!tpu.dma_semaphore, #tpu.memory_space<semaphore_mem>> -> memref<1x!tpu.dma_semaphore, #tpu.memory_space<semaphore_mem>>
    %dma_start3A_404 = tpu.memref_squeeze %dma_start3A_403 : memref<1x!tpu.dma_semaphore, #tpu.memory_space<semaphore_mem>> -> memref<!tpu.dma_semaphore, #tpu.memory_space<semaphore_mem>>
    %dma_start3A_405 = arith.constant 0 : i32
    %dma_start3A_406 = tpu.memref_slice %arg6[%arg0, %add3A_393, %dma_start3A_405] : memref<2x10240x32xf32, #tpu.memory_space<hbm>> -> memref<1x128x32xf32, #tpu.memory_space<hbm>>
    %dma_start3A_407 = tpu.memref_squeeze %dma_start3A_406 : memref<1x128x32xf32, #tpu.memory_space<hbm>> -> memref<128x32xf32, #tpu.memory_space<hbm>>
    %dma_start3A_408 = arith.constant 0 : i32
    %dma_start3A_409 = arith.constant 0 : i32
    %dma_start3A_410 = tpu.memref_slice %arg9[%dma_start3A_394, %dma_start3A_408, %dma_start3A_409] : memref<5x128x32xf32, #tpu.memory_space<vmem>> -> memref<1x128x32xf32, #tpu.memory_space<vmem>>
    %dma_start3A_411 = tpu.memref_squeeze %dma_start3A_410 : memref<1x128x32xf32, #tpu.memory_space<vmem>> -> memref<128x32xf32, #tpu.memory_space<vmem>>
    tpu.enqueue_dma source(%dma_start3A_411 : memref<128x32xf32, #tpu.memory_space<vmem>>) target(%dma_start3A_407 : memref<128x32xf32, #tpu.memory_space<hbm>>) target_semaphore(%dma_start3A_404 : memref<!tpu.dma_semaphore, #tpu.memory_space<semaphore_mem>>)
    %dma_wait3A_412 = arith.constant 3 : i32
    %dma_wait3A_413 = arith.constant 3 : i32
    %dma_wait3A_414 = arith.constant 0 : i32
    %dma_wait3A_415 = arith.constant 0 : i32
    %dma_wait3A_416 = tpu.memref_slice %arg9[%dma_wait3A_412, %dma_wait3A_414, %dma_wait3A_415] : memref<5x128x32xf32, #tpu.memory_space<vmem>> -> memref<1x128x32xf32, #tpu.memory_space<vmem>>
    %dma_wait3A_417 = tpu.memref_squeeze %dma_wait3A_416 : memref<1x128x32xf32, #tpu.memory_space<vmem>> -> memref<128x32xf32, #tpu.memory_space<vmem>>
    %dma_wait3A_418 = tpu.memref_slice %arg14[%dma_wait3A_413] : memref<10x!tpu.dma_semaphore, #tpu.memory_space<semaphore_mem>> -> memref<1x!tpu.dma_semaphore, #tpu.memory_space<semaphore_mem>>
    %dma_wait3A_419 = tpu.memref_squeeze %dma_wait3A_418 : memref<1x!tpu.dma_semaphore, #tpu.memory_space<semaphore_mem>> -> memref<!tpu.dma_semaphore, #tpu.memory_space<semaphore_mem>>
    %dma_wait3A_420 = arith.constant 0 : i32
    %dma_wait3A_421 = arith.constant 0 : i32
    %dma_wait3A_422 = tpu.memref_slice %arg9[%dma_wait3A_412, %dma_wait3A_420, %dma_wait3A_421] : memref<5x128x32xf32, #tpu.memory_space<vmem>> -> memref<1x128x32xf32, #tpu.memory_space<vmem>>
    %dma_wait3A_423 = tpu.memref_squeeze %dma_wait3A_422 : memref<1x128x32xf32, #tpu.memory_space<vmem>> -> memref<128x32xf32, #tpu.memory_space<vmem>>
    tpu.wait_dma2 semaphore(%dma_wait3A_419 : memref<!tpu.dma_semaphore, #tpu.memory_space<semaphore_mem>>) src(%arg5 : memref<128x32xf32, #tpu.memory_space<hbm>>) dst(%dma_wait3A_423 : memref<128x32xf32, #tpu.memory_space<vmem>>)
    %mul3A_424 = arith.constant 640 : i32
    %mul3A_425 = arith.muli %arg1, %mul3A_424 : i32
    %add3A_426 = arith.constant 384 : i32
    %add3A_427 = arith.addi %mul3A_425, %add3A_426 : i32
    %dma_start3A_428 = arith.constant 3 : i32
    %dma_start3A_429 = arith.constant 8 : i32
    %dma_start3A_430 = arith.constant 0 : i32
    %dma_start3A_431 = arith.constant 0 : i32
    %dma_start3A_432 = tpu.memref_slice %arg9[%dma_start3A_428, %dma_start3A_430, %dma_start3A_431] : memref<5x128x32xf32, #tpu.memory_space<vmem>> -> memref<1x128x32xf32, #tpu.memory_space<vmem>>
    %dma_start3A_433 = tpu.memref_squeeze %dma_start3A_432 : memref<1x128x32xf32, #tpu.memory_space<vmem>> -> memref<128x32xf32, #tpu.memory_space<vmem>>
    %dma_start3A_434 = arith.constant 0 : i32
    %dma_start3A_435 = tpu.memref_slice %arg6[%arg0, %add3A_427, %dma_start3A_434] : memref<2x10240x32xf32, #tpu.memory_space<hbm>> -> memref<1x128x32xf32, #tpu.memory_space<hbm>>
    %dma_start3A_436 = tpu.memref_squeeze %dma_start3A_435 : memref<1x128x32xf32, #tpu.memory_space<hbm>> -> memref<128x32xf32, #tpu.memory_space<hbm>>
    %dma_start3A_437 = tpu.memref_slice %arg14[%dma_start3A_429] : memref<10x!tpu.dma_semaphore, #tpu.memory_space<semaphore_mem>> -> memref<1x!tpu.dma_semaphore, #tpu.memory_space<semaphore_mem>>
    %dma_start3A_438 = tpu.memref_squeeze %dma_start3A_437 : memref<1x!tpu.dma_semaphore, #tpu.memory_space<semaphore_mem>> -> memref<!tpu.dma_semaphore, #tpu.memory_space<semaphore_mem>>
    %dma_start3A_439 = arith.constant 0 : i32
    %dma_start3A_440 = tpu.memref_slice %arg6[%arg0, %add3A_427, %dma_start3A_439] : memref<2x10240x32xf32, #tpu.memory_space<hbm>> -> memref<1x128x32xf32, #tpu.memory_space<hbm>>
    %dma_start3A_441 = tpu.memref_squeeze %dma_start3A_440 : memref<1x128x32xf32, #tpu.memory_space<hbm>> -> memref<128x32xf32, #tpu.memory_space<hbm>>
    %dma_start3A_442 = arith.constant 0 : i32
    %dma_start3A_443 = arith.constant 0 : i32
    %dma_start3A_444 = tpu.memref_slice %arg9[%dma_start3A_428, %dma_start3A_442, %dma_start3A_443] : memref<5x128x32xf32, #tpu.memory_space<vmem>> -> memref<1x128x32xf32, #tpu.memory_space<vmem>>
    %dma_start3A_445 = tpu.memref_squeeze %dma_start3A_444 : memref<1x128x32xf32, #tpu.memory_space<vmem>> -> memref<128x32xf32, #tpu.memory_space<vmem>>
    tpu.enqueue_dma source(%dma_start3A_445 : memref<128x32xf32, #tpu.memory_space<vmem>>) target(%dma_start3A_441 : memref<128x32xf32, #tpu.memory_space<hbm>>) target_semaphore(%dma_start3A_438 : memref<!tpu.dma_semaphore, #tpu.memory_space<semaphore_mem>>)
    %dma_wait3A_446 = arith.constant 4 : i32
    %dma_wait3A_447 = arith.constant 4 : i32
    %dma_wait3A_448 = arith.constant 0 : i32
    %dma_wait3A_449 = arith.constant 0 : i32
    %dma_wait3A_450 = tpu.memref_slice %arg9[%dma_wait3A_446, %dma_wait3A_448, %dma_wait3A_449] : memref<5x128x32xf32, #tpu.memory_space<vmem>> -> memref<1x128x32xf32, #tpu.memory_space<vmem>>
    %dma_wait3A_451 = tpu.memref_squeeze %dma_wait3A_450 : memref<1x128x32xf32, #tpu.memory_space<vmem>> -> memref<128x32xf32, #tpu.memory_space<vmem>>
    %dma_wait3A_452 = tpu.memref_slice %arg14[%dma_wait3A_447] : memref<10x!tpu.dma_semaphore, #tpu.memory_space<semaphore_mem>> -> memref<1x!tpu.dma_semaphore, #tpu.memory_space<semaphore_mem>>
    %dma_wait3A_453 = tpu.memref_squeeze %dma_wait3A_452 : memref<1x!tpu.dma_semaphore, #tpu.memory_space<semaphore_mem>> -> memref<!tpu.dma_semaphore, #tpu.memory_space<semaphore_mem>>
    %dma_wait3A_454 = arith.constant 0 : i32
    %dma_wait3A_455 = arith.constant 0 : i32
    %dma_wait3A_456 = tpu.memref_slice %arg9[%dma_wait3A_446, %dma_wait3A_454, %dma_wait3A_455] : memref<5x128x32xf32, #tpu.memory_space<vmem>> -> memref<1x128x32xf32, #tpu.memory_space<vmem>>
    %dma_wait3A_457 = tpu.memref_squeeze %dma_wait3A_456 : memref<1x128x32xf32, #tpu.memory_space<vmem>> -> memref<128x32xf32, #tpu.memory_space<vmem>>
    tpu.wait_dma2 semaphore(%dma_wait3A_453 : memref<!tpu.dma_semaphore, #tpu.memory_space<semaphore_mem>>) src(%arg5 : memref<128x32xf32, #tpu.memory_space<hbm>>) dst(%dma_wait3A_457 : memref<128x32xf32, #tpu.memory_space<vmem>>)
    %mul3A_458 = arith.constant 640 : i32
    %mul3A_459 = arith.muli %arg1, %mul3A_458 : i32
    %add3A_460 = arith.constant 512 : i32
    %add3A_461 = arith.addi %mul3A_459, %add3A_460 : i32
    %dma_start3A_462 = arith.constant 4 : i32
    %dma_start3A_463 = arith.constant 9 : i32
    %dma_start3A_464 = arith.constant 0 : i32
    %dma_start3A_465 = arith.constant 0 : i32
    %dma_start3A_466 = tpu.memref_slice %arg9[%dma_start3A_462, %dma_start3A_464, %dma_start3A_465] : memref<5x128x32xf32, #tpu.memory_space<vmem>> -> memref<1x128x32xf32, #tpu.memory_space<vmem>>
    %dma_start3A_467 = tpu.memref_squeeze %dma_start3A_466 : memref<1x128x32xf32, #tpu.memory_space<vmem>> -> memref<128x32xf32, #tpu.memory_space<vmem>>
    %dma_start3A_468 = arith.constant 0 : i32
    %dma_start3A_469 = tpu.memref_slice %arg6[%arg0, %add3A_461, %dma_start3A_468] : memref<2x10240x32xf32, #tpu.memory_space<hbm>> -> memref<1x128x32xf32, #tpu.memory_space<hbm>>
    %dma_start3A_470 = tpu.memref_squeeze %dma_start3A_469 : memref<1x128x32xf32, #tpu.memory_space<hbm>> -> memref<128x32xf32, #tpu.memory_space<hbm>>
    %dma_start3A_471 = tpu.memref_slice %arg14[%dma_start3A_463] : memref<10x!tpu.dma_semaphore, #tpu.memory_space<semaphore_mem>> -> memref<1x!tpu.dma_semaphore, #tpu.memory_space<semaphore_mem>>
    %dma_start3A_472 = tpu.memref_squeeze %dma_start3A_471 : memref<1x!tpu.dma_semaphore, #tpu.memory_space<semaphore_mem>> -> memref<!tpu.dma_semaphore, #tpu.memory_space<semaphore_mem>>
    %dma_start3A_473 = arith.constant 0 : i32
    %dma_start3A_474 = tpu.memref_slice %arg6[%arg0, %add3A_461, %dma_start3A_473] : memref<2x10240x32xf32, #tpu.memory_space<hbm>> -> memref<1x128x32xf32, #tpu.memory_space<hbm>>
    %dma_start3A_475 = tpu.memref_squeeze %dma_start3A_474 : memref<1x128x32xf32, #tpu.memory_space<hbm>> -> memref<128x32xf32, #tpu.memory_space<hbm>>
    %dma_start3A_476 = arith.constant 0 : i32
    %dma_start3A_477 = arith.constant 0 : i32
    %dma_start3A_478 = tpu.memref_slice %arg9[%dma_start3A_462, %dma_start3A_476, %dma_start3A_477] : memref<5x128x32xf32, #tpu.memory_space<vmem>> -> memref<1x128x32xf32, #tpu.memory_space<vmem>>
    %dma_start3A_479 = tpu.memref_squeeze %dma_start3A_478 : memref<1x128x32xf32, #tpu.memory_space<vmem>> -> memref<128x32xf32, #tpu.memory_space<vmem>>
    tpu.enqueue_dma source(%dma_start3A_479 : memref<128x32xf32, #tpu.memory_space<vmem>>) target(%dma_start3A_475 : memref<128x32xf32, #tpu.memory_space<hbm>>) target_semaphore(%dma_start3A_472 : memref<!tpu.dma_semaphore, #tpu.memory_space<semaphore_mem>>)
    %dma_wait3A_480 = arith.constant 0 : i32
    %dma_wait3A_481 = arith.constant 5 : i32
    %dma_wait3A_482 = arith.constant 0 : i32
    %dma_wait3A_483 = arith.constant 0 : i32
    %dma_wait3A_484 = tpu.memref_slice %arg9[%dma_wait3A_480, %dma_wait3A_482, %dma_wait3A_483] : memref<5x128x32xf32, #tpu.memory_space<vmem>> -> memref<1x128x32xf32, #tpu.memory_space<vmem>>
    %dma_wait3A_485 = tpu.memref_squeeze %dma_wait3A_484 : memref<1x128x32xf32, #tpu.memory_space<vmem>> -> memref<128x32xf32, #tpu.memory_space<vmem>>
    %dma_wait3A_486 = tpu.memref_slice %arg14[%dma_wait3A_481] : memref<10x!tpu.dma_semaphore, #tpu.memory_space<semaphore_mem>> -> memref<1x!tpu.dma_semaphore, #tpu.memory_space<semaphore_mem>>
    %dma_wait3A_487 = tpu.memref_squeeze %dma_wait3A_486 : memref<1x!tpu.dma_semaphore, #tpu.memory_space<semaphore_mem>> -> memref<!tpu.dma_semaphore, #tpu.memory_space<semaphore_mem>>
    %dma_wait3A_488 = arith.constant 0 : i32
    %dma_wait3A_489 = arith.constant 0 : i32
    %dma_wait3A_490 = tpu.memref_slice %arg9[%dma_wait3A_480, %dma_wait3A_488, %dma_wait3A_489] : memref<5x128x32xf32, #tpu.memory_space<vmem>> -> memref<1x128x32xf32, #tpu.memory_space<vmem>>
    %dma_wait3A_491 = tpu.memref_squeeze %dma_wait3A_490 : memref<1x128x32xf32, #tpu.memory_space<vmem>> -> memref<128x32xf32, #tpu.memory_space<vmem>>
    tpu.wait_dma2 semaphore(%dma_wait3A_487 : memref<!tpu.dma_semaphore, #tpu.memory_space<semaphore_mem>>) src(%arg5 : memref<128x32xf32, #tpu.memory_space<hbm>>) dst(%dma_wait3A_491 : memref<128x32xf32, #tpu.memory_space<vmem>>)
    %dma_wait3A_492 = arith.constant 1 : i32
    %dma_wait3A_493 = arith.constant 6 : i32
    %dma_wait3A_494 = arith.constant 0 : i32
    %dma_wait3A_495 = arith.constant 0 : i32
    %dma_wait3A_496 = tpu.memref_slice %arg9[%dma_wait3A_492, %dma_wait3A_494, %dma_wait3A_495] : memref<5x128x32xf32, #tpu.memory_space<vmem>> -> memref<1x128x32xf32, #tpu.memory_space<vmem>>
    %dma_wait3A_497 = tpu.memref_squeeze %dma_wait3A_496 : memref<1x128x32xf32, #tpu.memory_space<vmem>> -> memref<128x32xf32, #tpu.memory_space<vmem>>
    %dma_wait3A_498 = tpu.memref_slice %arg14[%dma_wait3A_493] : memref<10x!tpu.dma_semaphore, #tpu.memory_space<semaphore_mem>> -> memref<1x!tpu.dma_semaphore, #tpu.memory_space<semaphore_mem>>
    %dma_wait3A_499 = tpu.memref_squeeze %dma_wait3A_498 : memref<1x!tpu.dma_semaphore, #tpu.memory_space<semaphore_mem>> -> memref<!tpu.dma_semaphore, #tpu.memory_space<semaphore_mem>>
    %dma_wait3A_500 = arith.constant 0 : i32
    %dma_wait3A_501 = arith.constant 0 : i32
    %dma_wait3A_502 = tpu.memref_slice %arg9[%dma_wait3A_492, %dma_wait3A_500, %dma_wait3A_501] : memref<5x128x32xf32, #tpu.memory_space<vmem>> -> memref<1x128x32xf32, #tpu.memory_space<vmem>>
    %dma_wait3A_503 = tpu.memref_squeeze %dma_wait3A_502 : memref<1x128x32xf32, #tpu.memory_space<vmem>> -> memref<128x32xf32, #tpu.memory_space<vmem>>
    tpu.wait_dma2 semaphore(%dma_wait3A_499 : memref<!tpu.dma_semaphore, #tpu.memory_space<semaphore_mem>>) src(%arg5 : memref<128x32xf32, #tpu.memory_space<hbm>>) dst(%dma_wait3A_503 : memref<128x32xf32, #tpu.memory_space<vmem>>)
    %dma_wait3A_504 = arith.constant 2 : i32
    %dma_wait3A_505 = arith.constant 7 : i32
    %dma_wait3A_506 = arith.constant 0 : i32
    %dma_wait3A_507 = arith.constant 0 : i32
    %dma_wait3A_508 = tpu.memref_slice %arg9[%dma_wait3A_504, %dma_wait3A_506, %dma_wait3A_507] : memref<5x128x32xf32, #tpu.memory_space<vmem>> -> memref<1x128x32xf32, #tpu.memory_space<vmem>>
    %dma_wait3A_509 = tpu.memref_squeeze %dma_wait3A_508 : memref<1x128x32xf32, #tpu.memory_space<vmem>> -> memref<128x32xf32, #tpu.memory_space<vmem>>
    %dma_wait3A_510 = tpu.memref_slice %arg14[%dma_wait3A_505] : memref<10x!tpu.dma_semaphore, #tpu.memory_space<semaphore_mem>> -> memref<1x!tpu.dma_semaphore, #tpu.memory_space<semaphore_mem>>
    %dma_wait3A_511 = tpu.memref_squeeze %dma_wait3A_510 : memref<1x!tpu.dma_semaphore, #tpu.memory_space<semaphore_mem>> -> memref<!tpu.dma_semaphore, #tpu.memory_space<semaphore_mem>>
    %dma_wait3A_512 = arith.constant 0 : i32
    %dma_wait3A_513 = arith.constant 0 : i32
    %dma_wait3A_514 = tpu.memref_slice %arg9[%dma_wait3A_504, %dma_wait3A_512, %dma_wait3A_513] : memref<5x128x32xf32, #tpu.memory_space<vmem>> -> memref<1x128x32xf32, #tpu.memory_space<vmem>>
    %dma_wait3A_515 = tpu.memref_squeeze %dma_wait3A_514 : memref<1x128x32xf32, #tpu.memory_space<vmem>> -> memref<128x32xf32, #tpu.memory_space<vmem>>
    tpu.wait_dma2 semaphore(%dma_wait3A_511 : memref<!tpu.dma_semaphore, #tpu.memory_space<semaphore_mem>>) src(%arg5 : memref<128x32xf32, #tpu.memory_space<hbm>>) dst(%dma_wait3A_515 : memref<128x32xf32, #tpu.memory_space<vmem>>)
    %dma_wait3A_516 = arith.constant 3 : i32
    %dma_wait3A_517 = arith.constant 8 : i32
    %dma_wait3A_518 = arith.constant 0 : i32
    %dma_wait3A_519 = arith.constant 0 : i32
    %dma_wait3A_520 = tpu.memref_slice %arg9[%dma_wait3A_516, %dma_wait3A_518, %dma_wait3A_519] : memref<5x128x32xf32, #tpu.memory_space<vmem>> -> memref<1x128x32xf32, #tpu.memory_space<vmem>>
    %dma_wait3A_521 = tpu.memref_squeeze %dma_wait3A_520 : memref<1x128x32xf32, #tpu.memory_space<vmem>> -> memref<128x32xf32, #tpu.memory_space<vmem>>
    %dma_wait3A_522 = tpu.memref_slice %arg14[%dma_wait3A_517] : memref<10x!tpu.dma_semaphore, #tpu.memory_space<semaphore_mem>> -> memref<1x!tpu.dma_semaphore, #tpu.memory_space<semaphore_mem>>
    %dma_wait3A_523 = tpu.memref_squeeze %dma_wait3A_522 : memref<1x!tpu.dma_semaphore, #tpu.memory_space<semaphore_mem>> -> memref<!tpu.dma_semaphore, #tpu.memory_space<semaphore_mem>>
    %dma_wait3A_524 = arith.constant 0 : i32
    %dma_wait3A_525 = arith.constant 0 : i32
    %dma_wait3A_526 = tpu.memref_slice %arg9[%dma_wait3A_516, %dma_wait3A_524, %dma_wait3A_525] : memref<5x128x32xf32, #tpu.memory_space<vmem>> -> memref<1x128x32xf32, #tpu.memory_space<vmem>>
    %dma_wait3A_527 = tpu.memref_squeeze %dma_wait3A_526 : memref<1x128x32xf32, #tpu.memory_space<vmem>> -> memref<128x32xf32, #tpu.memory_space<vmem>>
    tpu.wait_dma2 semaphore(%dma_wait3A_523 : memref<!tpu.dma_semaphore, #tpu.memory_space<semaphore_mem>>) src(%arg5 : memref<128x32xf32, #tpu.memory_space<hbm>>) dst(%dma_wait3A_527 : memref<128x32xf32, #tpu.memory_space<vmem>>)
    %dma_wait3A_528 = arith.constant 4 : i32
    %dma_wait3A_529 = arith.constant 9 : i32
    %dma_wait3A_530 = arith.constant 0 : i32
    %dma_wait3A_531 = arith.constant 0 : i32
    %dma_wait3A_532 = tpu.memref_slice %arg9[%dma_wait3A_528, %dma_wait3A_530, %dma_wait3A_531] : memref<5x128x32xf32, #tpu.memory_space<vmem>> -> memref<1x128x32xf32, #tpu.memory_space<vmem>>
    %dma_wait3A_533 = tpu.memref_squeeze %dma_wait3A_532 : memref<1x128x32xf32, #tpu.memory_space<vmem>> -> memref<128x32xf32, #tpu.memory_space<vmem>>
    %dma_wait3A_534 = tpu.memref_slice %arg14[%dma_wait3A_529] : memref<10x!tpu.dma_semaphore, #tpu.memory_space<semaphore_mem>> -> memref<1x!tpu.dma_semaphore, #tpu.memory_space<semaphore_mem>>
    %dma_wait3A_535 = tpu.memref_squeeze %dma_wait3A_534 : memref<1x!tpu.dma_semaphore, #tpu.memory_space<semaphore_mem>> -> memref<!tpu.dma_semaphore, #tpu.memory_space<semaphore_mem>>
    %dma_wait3A_536 = arith.constant 0 : i32
    %dma_wait3A_537 = arith.constant 0 : i32
    %dma_wait3A_538 = tpu.memref_slice %arg9[%dma_wait3A_528, %dma_wait3A_536, %dma_wait3A_537] : memref<5x128x32xf32, #tpu.memory_space<vmem>> -> memref<1x128x32xf32, #tpu.memory_space<vmem>>
    %dma_wait3A_539 = tpu.memref_squeeze %dma_wait3A_538 : memref<1x128x32xf32, #tpu.memory_space<vmem>> -> memref<128x32xf32, #tpu.memory_space<vmem>>
    tpu.wait_dma2 semaphore(%dma_wait3A_535 : memref<!tpu.dma_semaphore, #tpu.memory_space<semaphore_mem>>) src(%arg5 : memref<128x32xf32, #tpu.memory_space<hbm>>) dst(%dma_wait3A_539 : memref<128x32xf32, #tpu.memory_space<vmem>>)
    return
  }
}

#map = affine_map<(d0, d1) -> (0, 0)>
#map1 = affine_map<(d0, d1) -> (0, 0, 0)>
module attributes {stable_mosaic.version = 14 : i64} {
  func.func @_agg_body(%arg0: i32, %arg1: i32, %arg2: memref<10240x64xf32, #tpu.memory_space<hbm>>, %arg3: memref<32x80x128xi32, #tpu.memory_space<hbm>>, %arg4: memref<32x80x128xi32, #tpu.memory_space<hbm>>, %arg5: memref<128x64xf32, #tpu.memory_space<hbm>>, %arg6: memref<2x10240x64xf32, #tpu.memory_space<hbm>>, %arg7: memref<80x128xi32, #tpu.memory_space<vmem>>, %arg8: memref<80x128xi32, #tpu.memory_space<vmem>>, %arg9: memref<5x128x64xf32, #tpu.memory_space<vmem>>, %arg10: memref<128x64xf32, #tpu.memory_space<vmem>>, %arg11: memref<10240x64xf32, #tpu.memory_space<vmem_shared>>, %arg12: memref<5x!tpu.dma_semaphore, #tpu.memory_space<semaphore_mem>>, %arg13: memref<5x!tpu.dma_semaphore, #tpu.memory_space<semaphore_mem>>, %arg14: memref<10x!tpu.dma_semaphore, #tpu.memory_space<semaphore_mem>>) attributes {dimension_semantics = [#tpu.dimension_semantics<core_parallel>, #tpu.dimension_semantics<subcore_parallel>], iteration_bounds = array<i64: 2, 16>, scalar_prefetch = 0 : i64, scratch_operands = 8 : i64, tpu.core_type = #tpu.core_type<sc_vector_subcore>, window_params = [{transform_indices = #map}, {transform_indices = #map1}, {transform_indices = #map1}, {transform_indices = #map}, {transform_indices = #map1}]} {
    %mul3A = arith.constant 16 : i32
    %mul3A_0 = arith.muli %arg0, %mul3A : i32
    %add3A = arith.addi %mul3A_0, %arg1 : i32
    "tpu.region"() ({
      %run_scoped3A = tpu.sem_alloc : memref<!tpu.dma_semaphore, #tpu.memory_space<semaphore_mem>>
      %dma_start3A_540 = arith.constant 0 : i32
      %dma_start3A_541 = arith.constant 0 : i32
      %dma_start3A_542 = tpu.memref_slice %arg3[%add3A, %dma_start3A_540, %dma_start3A_541] : memref<32x80x128xi32, #tpu.memory_space<hbm>> -> memref<1x80x128xi32, #tpu.memory_space<hbm>>
      %dma_start3A_543 = tpu.memref_squeeze %dma_start3A_542 : memref<1x80x128xi32, #tpu.memory_space<hbm>> -> memref<80x128xi32, #tpu.memory_space<hbm>>
      %dma_start3A_544 = arith.constant 0 : i32
      %dma_start3A_545 = arith.constant 0 : i32
      %dma_start3A_546 = tpu.memref_slice %arg3[%add3A, %dma_start3A_544, %dma_start3A_545] : memref<32x80x128xi32, #tpu.memory_space<hbm>> -> memref<1x80x128xi32, #tpu.memory_space<hbm>>
      %dma_start3A_547 = tpu.memref_squeeze %dma_start3A_546 : memref<1x80x128xi32, #tpu.memory_space<hbm>> -> memref<80x128xi32, #tpu.memory_space<hbm>>
      tpu.enqueue_dma source(%dma_start3A_547 : memref<80x128xi32, #tpu.memory_space<hbm>>) target(%arg7 : memref<80x128xi32, #tpu.memory_space<vmem>>) target_semaphore(%run_scoped3A : memref<!tpu.dma_semaphore, #tpu.memory_space<semaphore_mem>>)
      %dma_wait3A_548 = arith.constant 0 : i32
      %dma_wait3A_549 = arith.constant 0 : i32
      %dma_wait3A_550 = tpu.memref_slice %arg3[%add3A, %dma_wait3A_548, %dma_wait3A_549] : memref<32x80x128xi32, #tpu.memory_space<hbm>> -> memref<1x80x128xi32, #tpu.memory_space<hbm>>
      %dma_wait3A_551 = tpu.memref_squeeze %dma_wait3A_550 : memref<1x80x128xi32, #tpu.memory_space<hbm>> -> memref<80x128xi32, #tpu.memory_space<hbm>>
      %dma_wait3A_552 = arith.constant 0 : i32
      %dma_wait3A_553 = arith.constant 0 : i32
      %dma_wait3A_554 = tpu.memref_slice %arg3[%add3A, %dma_wait3A_552, %dma_wait3A_553] : memref<32x80x128xi32, #tpu.memory_space<hbm>> -> memref<1x80x128xi32, #tpu.memory_space<hbm>>
      %dma_wait3A_555 = tpu.memref_squeeze %dma_wait3A_554 : memref<1x80x128xi32, #tpu.memory_space<hbm>> -> memref<80x128xi32, #tpu.memory_space<hbm>>
      tpu.wait_dma2 semaphore(%run_scoped3A : memref<!tpu.dma_semaphore, #tpu.memory_space<semaphore_mem>>) src(%dma_wait3A_555 : memref<80x128xi32, #tpu.memory_space<hbm>>) dst(%arg7 : memref<80x128xi32, #tpu.memory_space<vmem>>)
      tpu.yield
    }) : () -> ()
    "tpu.region"() ({
      %run_scoped3A = tpu.sem_alloc : memref<!tpu.dma_semaphore, #tpu.memory_space<semaphore_mem>>
      %dma_start3A_540 = arith.constant 0 : i32
      %dma_start3A_541 = arith.constant 0 : i32
      %dma_start3A_542 = tpu.memref_slice %arg4[%add3A, %dma_start3A_540, %dma_start3A_541] : memref<32x80x128xi32, #tpu.memory_space<hbm>> -> memref<1x80x128xi32, #tpu.memory_space<hbm>>
      %dma_start3A_543 = tpu.memref_squeeze %dma_start3A_542 : memref<1x80x128xi32, #tpu.memory_space<hbm>> -> memref<80x128xi32, #tpu.memory_space<hbm>>
      %dma_start3A_544 = arith.constant 0 : i32
      %dma_start3A_545 = arith.constant 0 : i32
      %dma_start3A_546 = tpu.memref_slice %arg4[%add3A, %dma_start3A_544, %dma_start3A_545] : memref<32x80x128xi32, #tpu.memory_space<hbm>> -> memref<1x80x128xi32, #tpu.memory_space<hbm>>
      %dma_start3A_547 = tpu.memref_squeeze %dma_start3A_546 : memref<1x80x128xi32, #tpu.memory_space<hbm>> -> memref<80x128xi32, #tpu.memory_space<hbm>>
      tpu.enqueue_dma source(%dma_start3A_547 : memref<80x128xi32, #tpu.memory_space<hbm>>) target(%arg8 : memref<80x128xi32, #tpu.memory_space<vmem>>) target_semaphore(%run_scoped3A : memref<!tpu.dma_semaphore, #tpu.memory_space<semaphore_mem>>)
      %dma_wait3A_548 = arith.constant 0 : i32
      %dma_wait3A_549 = arith.constant 0 : i32
      %dma_wait3A_550 = tpu.memref_slice %arg4[%add3A, %dma_wait3A_548, %dma_wait3A_549] : memref<32x80x128xi32, #tpu.memory_space<hbm>> -> memref<1x80x128xi32, #tpu.memory_space<hbm>>
      %dma_wait3A_551 = tpu.memref_squeeze %dma_wait3A_550 : memref<1x80x128xi32, #tpu.memory_space<hbm>> -> memref<80x128xi32, #tpu.memory_space<hbm>>
      %dma_wait3A_552 = arith.constant 0 : i32
      %dma_wait3A_553 = arith.constant 0 : i32
      %dma_wait3A_554 = tpu.memref_slice %arg4[%add3A, %dma_wait3A_552, %dma_wait3A_553] : memref<32x80x128xi32, #tpu.memory_space<hbm>> -> memref<1x80x128xi32, #tpu.memory_space<hbm>>
      %dma_wait3A_555 = tpu.memref_squeeze %dma_wait3A_554 : memref<1x80x128xi32, #tpu.memory_space<hbm>> -> memref<80x128xi32, #tpu.memory_space<hbm>>
      tpu.wait_dma2 semaphore(%run_scoped3A : memref<!tpu.dma_semaphore, #tpu.memory_space<semaphore_mem>>) src(%dma_wait3A_555 : memref<80x128xi32, #tpu.memory_space<hbm>>) dst(%arg8 : memref<80x128xi32, #tpu.memory_space<vmem>>)
      tpu.yield
    }) : () -> ()
    "tpu.region"() ({
      %run_scoped3A = tpu.sem_alloc : memref<!tpu.dma_semaphore, #tpu.memory_space<semaphore_mem>>
      tpu.enqueue_dma source(%arg5 : memref<128x64xf32, #tpu.memory_space<hbm>>) target(%arg10 : memref<128x64xf32, #tpu.memory_space<vmem>>) target_semaphore(%run_scoped3A : memref<!tpu.dma_semaphore, #tpu.memory_space<semaphore_mem>>)
      tpu.wait_dma2 semaphore(%run_scoped3A : memref<!tpu.dma_semaphore, #tpu.memory_space<semaphore_mem>>) src(%arg5 : memref<128x64xf32, #tpu.memory_space<hbm>>) dst(%arg10 : memref<128x64xf32, #tpu.memory_space<vmem>>)
      tpu.yield
    }) : () -> ()
    %mul3A_1 = arith.constant 640 : i32
    %mul3A_2 = arith.muli %arg1, %mul3A_1 : i32
    %add3A_3 = arith.constant 0 : i32
    %add3A_4 = arith.addi %mul3A_2, %add3A_3 : i32
    %dma_start3A = arith.constant 0 : i32
    %dma_start3A_5 = arith.constant 0 : i32
    %dma_start3A_6 = tpu.memref_slice %arg11[%add3A_4, %dma_start3A_5] : memref<10240x64xf32, #tpu.memory_space<vmem_shared>> -> memref<128x64xf32, #tpu.memory_space<vmem_shared>>
    %dma_start3A_7 = tpu.memref_slice %arg14[%dma_start3A] : memref<10x!tpu.dma_semaphore, #tpu.memory_space<semaphore_mem>> -> memref<1x!tpu.dma_semaphore, #tpu.memory_space<semaphore_mem>>
    %dma_start3A_8 = tpu.memref_squeeze %dma_start3A_7 : memref<1x!tpu.dma_semaphore, #tpu.memory_space<semaphore_mem>> -> memref<!tpu.dma_semaphore, #tpu.memory_space<semaphore_mem>>
    %dma_start3A_9 = arith.constant 0 : i32
    %dma_start3A_10 = tpu.memref_slice %arg11[%add3A_4, %dma_start3A_9] : memref<10240x64xf32, #tpu.memory_space<vmem_shared>> -> memref<128x64xf32, #tpu.memory_space<vmem_shared>>
    tpu.enqueue_dma source(%arg10 : memref<128x64xf32, #tpu.memory_space<vmem>>) target(%dma_start3A_10 : memref<128x64xf32, #tpu.memory_space<vmem_shared>>) target_semaphore(%dma_start3A_8 : memref<!tpu.dma_semaphore, #tpu.memory_space<semaphore_mem>>)
    %mul3A_11 = arith.constant 640 : i32
    %mul3A_12 = arith.muli %arg1, %mul3A_11 : i32
    %add3A_13 = arith.constant 128 : i32
    %add3A_14 = arith.addi %mul3A_12, %add3A_13 : i32
    %dma_start3A_15 = arith.constant 1 : i32
    %dma_start3A_16 = arith.constant 0 : i32
    %dma_start3A_17 = tpu.memref_slice %arg11[%add3A_14, %dma_start3A_16] : memref<10240x64xf32, #tpu.memory_space<vmem_shared>> -> memref<128x64xf32, #tpu.memory_space<vmem_shared>>
    %dma_start3A_18 = tpu.memref_slice %arg14[%dma_start3A_15] : memref<10x!tpu.dma_semaphore, #tpu.memory_space<semaphore_mem>> -> memref<1x!tpu.dma_semaphore, #tpu.memory_space<semaphore_mem>>
    %dma_start3A_19 = tpu.memref_squeeze %dma_start3A_18 : memref<1x!tpu.dma_semaphore, #tpu.memory_space<semaphore_mem>> -> memref<!tpu.dma_semaphore, #tpu.memory_space<semaphore_mem>>
    %dma_start3A_20 = arith.constant 0 : i32
    %dma_start3A_21 = tpu.memref_slice %arg11[%add3A_14, %dma_start3A_20] : memref<10240x64xf32, #tpu.memory_space<vmem_shared>> -> memref<128x64xf32, #tpu.memory_space<vmem_shared>>
    tpu.enqueue_dma source(%arg10 : memref<128x64xf32, #tpu.memory_space<vmem>>) target(%dma_start3A_21 : memref<128x64xf32, #tpu.memory_space<vmem_shared>>) target_semaphore(%dma_start3A_19 : memref<!tpu.dma_semaphore, #tpu.memory_space<semaphore_mem>>)
    %mul3A_22 = arith.constant 640 : i32
    %mul3A_23 = arith.muli %arg1, %mul3A_22 : i32
    %add3A_24 = arith.constant 256 : i32
    %add3A_25 = arith.addi %mul3A_23, %add3A_24 : i32
    %dma_start3A_26 = arith.constant 2 : i32
    %dma_start3A_27 = arith.constant 0 : i32
    %dma_start3A_28 = tpu.memref_slice %arg11[%add3A_25, %dma_start3A_27] : memref<10240x64xf32, #tpu.memory_space<vmem_shared>> -> memref<128x64xf32, #tpu.memory_space<vmem_shared>>
    %dma_start3A_29 = tpu.memref_slice %arg14[%dma_start3A_26] : memref<10x!tpu.dma_semaphore, #tpu.memory_space<semaphore_mem>> -> memref<1x!tpu.dma_semaphore, #tpu.memory_space<semaphore_mem>>
    %dma_start3A_30 = tpu.memref_squeeze %dma_start3A_29 : memref<1x!tpu.dma_semaphore, #tpu.memory_space<semaphore_mem>> -> memref<!tpu.dma_semaphore, #tpu.memory_space<semaphore_mem>>
    %dma_start3A_31 = arith.constant 0 : i32
    %dma_start3A_32 = tpu.memref_slice %arg11[%add3A_25, %dma_start3A_31] : memref<10240x64xf32, #tpu.memory_space<vmem_shared>> -> memref<128x64xf32, #tpu.memory_space<vmem_shared>>
    tpu.enqueue_dma source(%arg10 : memref<128x64xf32, #tpu.memory_space<vmem>>) target(%dma_start3A_32 : memref<128x64xf32, #tpu.memory_space<vmem_shared>>) target_semaphore(%dma_start3A_30 : memref<!tpu.dma_semaphore, #tpu.memory_space<semaphore_mem>>)
    %mul3A_33 = arith.constant 640 : i32
    %mul3A_34 = arith.muli %arg1, %mul3A_33 : i32
    %add3A_35 = arith.constant 384 : i32
    %add3A_36 = arith.addi %mul3A_34, %add3A_35 : i32
    %dma_start3A_37 = arith.constant 3 : i32
    %dma_start3A_38 = arith.constant 0 : i32
    %dma_start3A_39 = tpu.memref_slice %arg11[%add3A_36, %dma_start3A_38] : memref<10240x64xf32, #tpu.memory_space<vmem_shared>> -> memref<128x64xf32, #tpu.memory_space<vmem_shared>>
    %dma_start3A_40 = tpu.memref_slice %arg14[%dma_start3A_37] : memref<10x!tpu.dma_semaphore, #tpu.memory_space<semaphore_mem>> -> memref<1x!tpu.dma_semaphore, #tpu.memory_space<semaphore_mem>>
    %dma_start3A_41 = tpu.memref_squeeze %dma_start3A_40 : memref<1x!tpu.dma_semaphore, #tpu.memory_space<semaphore_mem>> -> memref<!tpu.dma_semaphore, #tpu.memory_space<semaphore_mem>>
    %dma_start3A_42 = arith.constant 0 : i32
    %dma_start3A_43 = tpu.memref_slice %arg11[%add3A_36, %dma_start3A_42] : memref<10240x64xf32, #tpu.memory_space<vmem_shared>> -> memref<128x64xf32, #tpu.memory_space<vmem_shared>>
    tpu.enqueue_dma source(%arg10 : memref<128x64xf32, #tpu.memory_space<vmem>>) target(%dma_start3A_43 : memref<128x64xf32, #tpu.memory_space<vmem_shared>>) target_semaphore(%dma_start3A_41 : memref<!tpu.dma_semaphore, #tpu.memory_space<semaphore_mem>>)
    %mul3A_44 = arith.constant 640 : i32
    %mul3A_45 = arith.muli %arg1, %mul3A_44 : i32
    %add3A_46 = arith.constant 512 : i32
    %add3A_47 = arith.addi %mul3A_45, %add3A_46 : i32
    %dma_start3A_48 = arith.constant 4 : i32
    %dma_start3A_49 = arith.constant 0 : i32
    %dma_start3A_50 = tpu.memref_slice %arg11[%add3A_47, %dma_start3A_49] : memref<10240x64xf32, #tpu.memory_space<vmem_shared>> -> memref<128x64xf32, #tpu.memory_space<vmem_shared>>
    %dma_start3A_51 = tpu.memref_slice %arg14[%dma_start3A_48] : memref<10x!tpu.dma_semaphore, #tpu.memory_space<semaphore_mem>> -> memref<1x!tpu.dma_semaphore, #tpu.memory_space<semaphore_mem>>
    %dma_start3A_52 = tpu.memref_squeeze %dma_start3A_51 : memref<1x!tpu.dma_semaphore, #tpu.memory_space<semaphore_mem>> -> memref<!tpu.dma_semaphore, #tpu.memory_space<semaphore_mem>>
    %dma_start3A_53 = arith.constant 0 : i32
    %dma_start3A_54 = tpu.memref_slice %arg11[%add3A_47, %dma_start3A_53] : memref<10240x64xf32, #tpu.memory_space<vmem_shared>> -> memref<128x64xf32, #tpu.memory_space<vmem_shared>>
    tpu.enqueue_dma source(%arg10 : memref<128x64xf32, #tpu.memory_space<vmem>>) target(%dma_start3A_54 : memref<128x64xf32, #tpu.memory_space<vmem_shared>>) target_semaphore(%dma_start3A_52 : memref<!tpu.dma_semaphore, #tpu.memory_space<semaphore_mem>>)
    %dma_wait3A = arith.constant 0 : i32
    %dma_wait3A_55 = tpu.memref_slice %arg14[%dma_wait3A] : memref<10x!tpu.dma_semaphore, #tpu.memory_space<semaphore_mem>> -> memref<1x!tpu.dma_semaphore, #tpu.memory_space<semaphore_mem>>
    %dma_wait3A_56 = tpu.memref_squeeze %dma_wait3A_55 : memref<1x!tpu.dma_semaphore, #tpu.memory_space<semaphore_mem>> -> memref<!tpu.dma_semaphore, #tpu.memory_space<semaphore_mem>>
    tpu.wait_dma2 semaphore(%dma_wait3A_56 : memref<!tpu.dma_semaphore, #tpu.memory_space<semaphore_mem>>) src(%arg5 : memref<128x64xf32, #tpu.memory_space<hbm>>) dst(%arg10 : memref<128x64xf32, #tpu.memory_space<vmem>>)
    %dma_wait3A_57 = arith.constant 1 : i32
    %dma_wait3A_58 = tpu.memref_slice %arg14[%dma_wait3A_57] : memref<10x!tpu.dma_semaphore, #tpu.memory_space<semaphore_mem>> -> memref<1x!tpu.dma_semaphore, #tpu.memory_space<semaphore_mem>>
    %dma_wait3A_59 = tpu.memref_squeeze %dma_wait3A_58 : memref<1x!tpu.dma_semaphore, #tpu.memory_space<semaphore_mem>> -> memref<!tpu.dma_semaphore, #tpu.memory_space<semaphore_mem>>
    tpu.wait_dma2 semaphore(%dma_wait3A_59 : memref<!tpu.dma_semaphore, #tpu.memory_space<semaphore_mem>>) src(%arg5 : memref<128x64xf32, #tpu.memory_space<hbm>>) dst(%arg10 : memref<128x64xf32, #tpu.memory_space<vmem>>)
    %dma_wait3A_60 = arith.constant 2 : i32
    %dma_wait3A_61 = tpu.memref_slice %arg14[%dma_wait3A_60] : memref<10x!tpu.dma_semaphore, #tpu.memory_space<semaphore_mem>> -> memref<1x!tpu.dma_semaphore, #tpu.memory_space<semaphore_mem>>
    %dma_wait3A_62 = tpu.memref_squeeze %dma_wait3A_61 : memref<1x!tpu.dma_semaphore, #tpu.memory_space<semaphore_mem>> -> memref<!tpu.dma_semaphore, #tpu.memory_space<semaphore_mem>>
    tpu.wait_dma2 semaphore(%dma_wait3A_62 : memref<!tpu.dma_semaphore, #tpu.memory_space<semaphore_mem>>) src(%arg5 : memref<128x64xf32, #tpu.memory_space<hbm>>) dst(%arg10 : memref<128x64xf32, #tpu.memory_space<vmem>>)
    %dma_wait3A_63 = arith.constant 3 : i32
    %dma_wait3A_64 = tpu.memref_slice %arg14[%dma_wait3A_63] : memref<10x!tpu.dma_semaphore, #tpu.memory_space<semaphore_mem>> -> memref<1x!tpu.dma_semaphore, #tpu.memory_space<semaphore_mem>>
    %dma_wait3A_65 = tpu.memref_squeeze %dma_wait3A_64 : memref<1x!tpu.dma_semaphore, #tpu.memory_space<semaphore_mem>> -> memref<!tpu.dma_semaphore, #tpu.memory_space<semaphore_mem>>
    tpu.wait_dma2 semaphore(%dma_wait3A_65 : memref<!tpu.dma_semaphore, #tpu.memory_space<semaphore_mem>>) src(%arg5 : memref<128x64xf32, #tpu.memory_space<hbm>>) dst(%arg10 : memref<128x64xf32, #tpu.memory_space<vmem>>)
    %dma_wait3A_66 = arith.constant 4 : i32
    %dma_wait3A_67 = tpu.memref_slice %arg14[%dma_wait3A_66] : memref<10x!tpu.dma_semaphore, #tpu.memory_space<semaphore_mem>> -> memref<1x!tpu.dma_semaphore, #tpu.memory_space<semaphore_mem>>
    %dma_wait3A_68 = tpu.memref_squeeze %dma_wait3A_67 : memref<1x!tpu.dma_semaphore, #tpu.memory_space<semaphore_mem>> -> memref<!tpu.dma_semaphore, #tpu.memory_space<semaphore_mem>>
    tpu.wait_dma2 semaphore(%dma_wait3A_68 : memref<!tpu.dma_semaphore, #tpu.memory_space<semaphore_mem>>) src(%arg5 : memref<128x64xf32, #tpu.memory_space<hbm>>) dst(%arg10 : memref<128x64xf32, #tpu.memory_space<vmem>>)
    %barrier3A = arith.constant 0 : index
    tpu.barrier barrier_id(%barrier3A)
    %dma_start3A_69 = arith.constant 0 : i32
    %dma_start3A_70 = arith.constant 0 : i32
    %dma_start3A_71 = arith.constant 0 : i32
    %dma_start3A_72 = arith.constant 0 : i32
    %dma_start3A_73 = arith.constant 0 : i32
    %dma_start3A_74 = tpu.memref_slice %arg9[%dma_start3A_70, %dma_start3A_72, %dma_start3A_73] : memref<5x128x64xf32, #tpu.memory_space<vmem>> -> memref<1x128x64xf32, #tpu.memory_space<vmem>>
    %dma_start3A_75 = tpu.memref_squeeze %dma_start3A_74 : memref<1x128x64xf32, #tpu.memory_space<vmem>> -> memref<128x64xf32, #tpu.memory_space<vmem>>
    %dma_start3A_76 = arith.constant 0 : i32
    %dma_start3A_77 = tpu.memref_slice %arg7[%dma_start3A_69, %dma_start3A_76] : memref<80x128xi32, #tpu.memory_space<vmem>> -> memref<1x128xi32, #tpu.memory_space<vmem>>
    %dma_start3A_78 = tpu.memref_squeeze %dma_start3A_77 : memref<1x128xi32, #tpu.memory_space<vmem>> -> memref<128xi32, #tpu.memory_space<vmem>>
    %dma_start3A_79 = arith.constant 0 : i32
    %dma_start3A_80 = arith.constant 0 : i32
    %dma_start3A_81 = tpu.memref_slice %arg2[%dma_start3A_79, %dma_start3A_80] : memref<10240x64xf32, #tpu.memory_space<hbm>> -> memref<10240x64xf32, #tpu.memory_space<hbm>>
    %dma_start3A_82 = tpu.memref_slice %arg12[%dma_start3A_71] : memref<5x!tpu.dma_semaphore, #tpu.memory_space<semaphore_mem>> -> memref<1x!tpu.dma_semaphore, #tpu.memory_space<semaphore_mem>>
    %dma_start3A_83 = tpu.memref_squeeze %dma_start3A_82 : memref<1x!tpu.dma_semaphore, #tpu.memory_space<semaphore_mem>> -> memref<!tpu.dma_semaphore, #tpu.memory_space<semaphore_mem>>
    tpu.enqueue_indirect_dma source(%dma_start3A_81 : memref<10240x64xf32, #tpu.memory_space<hbm>>) target(%dma_start3A_75 : memref<128x64xf32, #tpu.memory_space<vmem>>) offsets(%dma_start3A_78 : memref<128xi32, #tpu.memory_space<vmem>>) semaphore(%dma_start3A_83 : memref<!tpu.dma_semaphore, #tpu.memory_space<semaphore_mem>>)
    %dma_start3A_84 = arith.constant 1 : i32
    %dma_start3A_85 = arith.constant 1 : i32
    %dma_start3A_86 = arith.constant 1 : i32
    %dma_start3A_87 = arith.constant 0 : i32
    %dma_start3A_88 = arith.constant 0 : i32
    %dma_start3A_89 = tpu.memref_slice %arg9[%dma_start3A_85, %dma_start3A_87, %dma_start3A_88] : memref<5x128x64xf32, #tpu.memory_space<vmem>> -> memref<1x128x64xf32, #tpu.memory_space<vmem>>
    %dma_start3A_90 = tpu.memref_squeeze %dma_start3A_89 : memref<1x128x64xf32, #tpu.memory_space<vmem>> -> memref<128x64xf32, #tpu.memory_space<vmem>>
    %dma_start3A_91 = arith.constant 0 : i32
    %dma_start3A_92 = tpu.memref_slice %arg7[%dma_start3A_84, %dma_start3A_91] : memref<80x128xi32, #tpu.memory_space<vmem>> -> memref<1x128xi32, #tpu.memory_space<vmem>>
    %dma_start3A_93 = tpu.memref_squeeze %dma_start3A_92 : memref<1x128xi32, #tpu.memory_space<vmem>> -> memref<128xi32, #tpu.memory_space<vmem>>
    %dma_start3A_94 = arith.constant 0 : i32
    %dma_start3A_95 = arith.constant 0 : i32
    %dma_start3A_96 = tpu.memref_slice %arg2[%dma_start3A_94, %dma_start3A_95] : memref<10240x64xf32, #tpu.memory_space<hbm>> -> memref<10240x64xf32, #tpu.memory_space<hbm>>
    %dma_start3A_97 = tpu.memref_slice %arg12[%dma_start3A_86] : memref<5x!tpu.dma_semaphore, #tpu.memory_space<semaphore_mem>> -> memref<1x!tpu.dma_semaphore, #tpu.memory_space<semaphore_mem>>
    %dma_start3A_98 = tpu.memref_squeeze %dma_start3A_97 : memref<1x!tpu.dma_semaphore, #tpu.memory_space<semaphore_mem>> -> memref<!tpu.dma_semaphore, #tpu.memory_space<semaphore_mem>>
    tpu.enqueue_indirect_dma source(%dma_start3A_96 : memref<10240x64xf32, #tpu.memory_space<hbm>>) target(%dma_start3A_90 : memref<128x64xf32, #tpu.memory_space<vmem>>) offsets(%dma_start3A_93 : memref<128xi32, #tpu.memory_space<vmem>>) semaphore(%dma_start3A_98 : memref<!tpu.dma_semaphore, #tpu.memory_space<semaphore_mem>>)
    %dma_start3A_99 = arith.constant 2 : i32
    %dma_start3A_100 = arith.constant 2 : i32
    %dma_start3A_101 = arith.constant 2 : i32
    %dma_start3A_102 = arith.constant 0 : i32
    %dma_start3A_103 = arith.constant 0 : i32
    %dma_start3A_104 = tpu.memref_slice %arg9[%dma_start3A_100, %dma_start3A_102, %dma_start3A_103] : memref<5x128x64xf32, #tpu.memory_space<vmem>> -> memref<1x128x64xf32, #tpu.memory_space<vmem>>
    %dma_start3A_105 = tpu.memref_squeeze %dma_start3A_104 : memref<1x128x64xf32, #tpu.memory_space<vmem>> -> memref<128x64xf32, #tpu.memory_space<vmem>>
    %dma_start3A_106 = arith.constant 0 : i32
    %dma_start3A_107 = tpu.memref_slice %arg7[%dma_start3A_99, %dma_start3A_106] : memref<80x128xi32, #tpu.memory_space<vmem>> -> memref<1x128xi32, #tpu.memory_space<vmem>>
    %dma_start3A_108 = tpu.memref_squeeze %dma_start3A_107 : memref<1x128xi32, #tpu.memory_space<vmem>> -> memref<128xi32, #tpu.memory_space<vmem>>
    %dma_start3A_109 = arith.constant 0 : i32
    %dma_start3A_110 = arith.constant 0 : i32
    %dma_start3A_111 = tpu.memref_slice %arg2[%dma_start3A_109, %dma_start3A_110] : memref<10240x64xf32, #tpu.memory_space<hbm>> -> memref<10240x64xf32, #tpu.memory_space<hbm>>
    %dma_start3A_112 = tpu.memref_slice %arg12[%dma_start3A_101] : memref<5x!tpu.dma_semaphore, #tpu.memory_space<semaphore_mem>> -> memref<1x!tpu.dma_semaphore, #tpu.memory_space<semaphore_mem>>
    %dma_start3A_113 = tpu.memref_squeeze %dma_start3A_112 : memref<1x!tpu.dma_semaphore, #tpu.memory_space<semaphore_mem>> -> memref<!tpu.dma_semaphore, #tpu.memory_space<semaphore_mem>>
    tpu.enqueue_indirect_dma source(%dma_start3A_111 : memref<10240x64xf32, #tpu.memory_space<hbm>>) target(%dma_start3A_105 : memref<128x64xf32, #tpu.memory_space<vmem>>) offsets(%dma_start3A_108 : memref<128xi32, #tpu.memory_space<vmem>>) semaphore(%dma_start3A_113 : memref<!tpu.dma_semaphore, #tpu.memory_space<semaphore_mem>>)
    %scan3A = arith.constant 0 : i32
    %scan3A_114 = arith.constant 0 : i32
    %scan3A_115 = arith.constant 16 : i32
    %scan3A_116 = arith.addi %scan3A_114, %scan3A_115 : i32
    %scan3A_117 = arith.constant 1 : i32
    scf.for %scan3A_540 = %scan3A_114 to %scan3A_116 step %scan3A_117  : i32 {
      %mul3A_541 = arith.constant 5 : i32
      %mul3A_542 = arith.muli %scan3A_540, %mul3A_541 : i32
      %add3A_543 = arith.constant 0 : i32
      %add3A_544 = arith.addi %mul3A_542, %add3A_543 : i32
      %dma_wait3A_545 = arith.constant 0 : i32
      %dma_wait3A_546 = arith.constant 0 : i32
      %dma_wait3A_547 = arith.constant 0 : i32
      %dma_wait3A_548 = arith.constant 0 : i32
      %dma_wait3A_549 = tpu.memref_slice %arg9[%dma_wait3A_545, %dma_wait3A_547, %dma_wait3A_548] : memref<5x128x64xf32, #tpu.memory_space<vmem>> -> memref<1x128x64xf32, #tpu.memory_space<vmem>>
      %dma_wait3A_550 = tpu.memref_squeeze %dma_wait3A_549 : memref<1x128x64xf32, #tpu.memory_space<vmem>> -> memref<128x64xf32, #tpu.memory_space<vmem>>
      %dma_wait3A_551 = arith.constant 0 : i32
      %dma_wait3A_552 = arith.constant 0 : i32
      %dma_wait3A_553 = tpu.memref_slice %arg2[%dma_wait3A_551, %dma_wait3A_552] : memref<10240x64xf32, #tpu.memory_space<hbm>> -> memref<128x64xf32, #tpu.memory_space<hbm>>
      %dma_wait3A_554 = tpu.memref_slice %arg12[%dma_wait3A_546] : memref<5x!tpu.dma_semaphore, #tpu.memory_space<semaphore_mem>> -> memref<1x!tpu.dma_semaphore, #tpu.memory_space<semaphore_mem>>
      %dma_wait3A_555 = tpu.memref_squeeze %dma_wait3A_554 : memref<1x!tpu.dma_semaphore, #tpu.memory_space<semaphore_mem>> -> memref<!tpu.dma_semaphore, #tpu.memory_space<semaphore_mem>>
      %dma_wait3A_556 = arith.constant 0 : i32
      %dma_wait3A_557 = arith.constant 0 : i32
      %dma_wait3A_558 = tpu.memref_slice %arg9[%dma_wait3A_545, %dma_wait3A_556, %dma_wait3A_557] : memref<5x128x64xf32, #tpu.memory_space<vmem>> -> memref<1x128x64xf32, #tpu.memory_space<vmem>>
      %dma_wait3A_559 = tpu.memref_squeeze %dma_wait3A_558 : memref<1x128x64xf32, #tpu.memory_space<vmem>> -> memref<128x64xf32, #tpu.memory_space<vmem>>
      %dma_wait3A_560 = arith.constant 0 : i32
      %dma_wait3A_561 = arith.constant 0 : i32
      %dma_wait3A_562 = tpu.memref_slice %arg2[%dma_wait3A_560, %dma_wait3A_561] : memref<10240x64xf32, #tpu.memory_space<hbm>> -> memref<128x64xf32, #tpu.memory_space<hbm>>
      tpu.wait_dma2 semaphore(%dma_wait3A_555 : memref<!tpu.dma_semaphore, #tpu.memory_space<semaphore_mem>>) src(%dma_wait3A_562 : memref<128x64xf32, #tpu.memory_space<hbm>>) dst(%dma_wait3A_559 : memref<128x64xf32, #tpu.memory_space<vmem>>)
      %dma_start3A_563 = arith.constant 0 : i32
      %dma_start3A_564 = arith.constant 0 : i32
      %dma_start3A_565 = arith.constant 0 : i32
      %dma_start3A_566 = arith.constant 0 : i32
      %dma_start3A_567 = tpu.memref_slice %arg9[%dma_start3A_563, %dma_start3A_565, %dma_start3A_566] : memref<5x128x64xf32, #tpu.memory_space<vmem>> -> memref<1x128x64xf32, #tpu.memory_space<vmem>>
      %dma_start3A_568 = tpu.memref_squeeze %dma_start3A_567 : memref<1x128x64xf32, #tpu.memory_space<vmem>> -> memref<128x64xf32, #tpu.memory_space<vmem>>
      %dma_start3A_569 = arith.constant 0 : i32
      %dma_start3A_570 = tpu.memref_slice %arg8[%add3A_544, %dma_start3A_569] : memref<80x128xi32, #tpu.memory_space<vmem>> -> memref<1x128xi32, #tpu.memory_space<vmem>>
      %dma_start3A_571 = tpu.memref_squeeze %dma_start3A_570 : memref<1x128xi32, #tpu.memory_space<vmem>> -> memref<128xi32, #tpu.memory_space<vmem>>
      %dma_start3A_572 = arith.constant 0 : i32
      %dma_start3A_573 = arith.constant 0 : i32
      %dma_start3A_574 = tpu.memref_slice %arg11[%dma_start3A_572, %dma_start3A_573] : memref<10240x64xf32, #tpu.memory_space<vmem_shared>> -> memref<10240x64xf32, #tpu.memory_space<vmem_shared>>
      %dma_start3A_575 = tpu.memref_slice %arg13[%dma_start3A_564] : memref<5x!tpu.dma_semaphore, #tpu.memory_space<semaphore_mem>> -> memref<1x!tpu.dma_semaphore, #tpu.memory_space<semaphore_mem>>
      %dma_start3A_576 = tpu.memref_squeeze %dma_start3A_575 : memref<1x!tpu.dma_semaphore, #tpu.memory_space<semaphore_mem>> -> memref<!tpu.dma_semaphore, #tpu.memory_space<semaphore_mem>>
      tpu.enqueue_indirect_dma source(%dma_start3A_568 : memref<128x64xf32, #tpu.memory_space<vmem>>) target(%dma_start3A_574 : memref<10240x64xf32, #tpu.memory_space<vmem_shared>>) offsets(%dma_start3A_571 : memref<128xi32, #tpu.memory_space<vmem>>) semaphore(%dma_start3A_576 : memref<!tpu.dma_semaphore, #tpu.memory_space<semaphore_mem>>) {add = true}
      %add3A_577 = arith.constant 3 : i32
      %add3A_578 = arith.addi %add3A_544, %add3A_577 : i32
      %lt3A = arith.constant 80 : i32
      %lt3A_579 = arith.cmpi slt, %add3A_578, %lt3A : i32
      %convert_element_type3A = arith.extui %lt3A_579 : i1 to i32
      %cond3A = arith.constant 0 : i32
      %cond3A_580 = arith.cmpi ne, %convert_element_type3A, %cond3A : i32
      scf.if %cond3A_580 {
        %ge3A = arith.constant 5 : i32
        %ge3A_753 = arith.cmpi sge, %add3A_578, %ge3A : i32
        %convert_element_type3A_754 = arith.extui %ge3A_753 : i1 to i32
        %cond3A_755 = arith.constant 0 : i32
        %cond3A_756 = arith.cmpi ne, %convert_element_type3A_754, %cond3A_755 : i32
        scf.if %cond3A_756 {
          %dma_wait3A_771 = arith.constant 3 : i32
          %dma_wait3A_772 = arith.constant 3 : i32
          %dma_wait3A_773 = arith.constant 0 : i32
          %dma_wait3A_774 = arith.constant 0 : i32
          %dma_wait3A_775 = tpu.memref_slice %arg9[%dma_wait3A_771, %dma_wait3A_773, %dma_wait3A_774] : memref<5x128x64xf32, #tpu.memory_space<vmem>> -> memref<1x128x64xf32, #tpu.memory_space<vmem>>
          %dma_wait3A_776 = tpu.memref_squeeze %dma_wait3A_775 : memref<1x128x64xf32, #tpu.memory_space<vmem>> -> memref<128x64xf32, #tpu.memory_space<vmem>>
          %dma_wait3A_777 = arith.constant 0 : i32
          %dma_wait3A_778 = arith.constant 0 : i32
          %dma_wait3A_779 = tpu.memref_slice %arg2[%dma_wait3A_777, %dma_wait3A_778] : memref<10240x64xf32, #tpu.memory_space<hbm>> -> memref<128x64xf32, #tpu.memory_space<hbm>>
          %dma_wait3A_780 = tpu.memref_slice %arg13[%dma_wait3A_772] : memref<5x!tpu.dma_semaphore, #tpu.memory_space<semaphore_mem>> -> memref<1x!tpu.dma_semaphore, #tpu.memory_space<semaphore_mem>>
          %dma_wait3A_781 = tpu.memref_squeeze %dma_wait3A_780 : memref<1x!tpu.dma_semaphore, #tpu.memory_space<semaphore_mem>> -> memref<!tpu.dma_semaphore, #tpu.memory_space<semaphore_mem>>
          %dma_wait3A_782 = arith.constant 0 : i32
          %dma_wait3A_783 = arith.constant 0 : i32
          %dma_wait3A_784 = tpu.memref_slice %arg9[%dma_wait3A_771, %dma_wait3A_782, %dma_wait3A_783] : memref<5x128x64xf32, #tpu.memory_space<vmem>> -> memref<1x128x64xf32, #tpu.memory_space<vmem>>
          %dma_wait3A_785 = tpu.memref_squeeze %dma_wait3A_784 : memref<1x128x64xf32, #tpu.memory_space<vmem>> -> memref<128x64xf32, #tpu.memory_space<vmem>>
          %dma_wait3A_786 = arith.constant 0 : i32
          %dma_wait3A_787 = arith.constant 0 : i32
          %dma_wait3A_788 = tpu.memref_slice %arg2[%dma_wait3A_786, %dma_wait3A_787] : memref<10240x64xf32, #tpu.memory_space<hbm>> -> memref<128x64xf32, #tpu.memory_space<hbm>>
          tpu.wait_dma2 semaphore(%dma_wait3A_781 : memref<!tpu.dma_semaphore, #tpu.memory_space<semaphore_mem>>) src(%dma_wait3A_788 : memref<128x64xf32, #tpu.memory_space<hbm>>) dst(%dma_wait3A_785 : memref<128x64xf32, #tpu.memory_space<vmem>>)
        } else {
        }
        %dma_start3A_757 = arith.constant 3 : i32
        %dma_start3A_758 = arith.constant 3 : i32
        %dma_start3A_759 = arith.constant 0 : i32
        %dma_start3A_760 = arith.constant 0 : i32
        %dma_start3A_761 = tpu.memref_slice %arg9[%dma_start3A_757, %dma_start3A_759, %dma_start3A_760] : memref<5x128x64xf32, #tpu.memory_space<vmem>> -> memref<1x128x64xf32, #tpu.memory_space<vmem>>
        %dma_start3A_762 = tpu.memref_squeeze %dma_start3A_761 : memref<1x128x64xf32, #tpu.memory_space<vmem>> -> memref<128x64xf32, #tpu.memory_space<vmem>>
        %dma_start3A_763 = arith.constant 0 : i32
        %dma_start3A_764 = tpu.memref_slice %arg7[%add3A_578, %dma_start3A_763] : memref<80x128xi32, #tpu.memory_space<vmem>> -> memref<1x128xi32, #tpu.memory_space<vmem>>
        %dma_start3A_765 = tpu.memref_squeeze %dma_start3A_764 : memref<1x128xi32, #tpu.memory_space<vmem>> -> memref<128xi32, #tpu.memory_space<vmem>>
        %dma_start3A_766 = arith.constant 0 : i32
        %dma_start3A_767 = arith.constant 0 : i32
        %dma_start3A_768 = tpu.memref_slice %arg2[%dma_start3A_766, %dma_start3A_767] : memref<10240x64xf32, #tpu.memory_space<hbm>> -> memref<10240x64xf32, #tpu.memory_space<hbm>>
        %dma_start3A_769 = tpu.memref_slice %arg12[%dma_start3A_758] : memref<5x!tpu.dma_semaphore, #tpu.memory_space<semaphore_mem>> -> memref<1x!tpu.dma_semaphore, #tpu.memory_space<semaphore_mem>>
        %dma_start3A_770 = tpu.memref_squeeze %dma_start3A_769 : memref<1x!tpu.dma_semaphore, #tpu.memory_space<semaphore_mem>> -> memref<!tpu.dma_semaphore, #tpu.memory_space<semaphore_mem>>
        tpu.enqueue_indirect_dma source(%dma_start3A_768 : memref<10240x64xf32, #tpu.memory_space<hbm>>) target(%dma_start3A_762 : memref<128x64xf32, #tpu.memory_space<vmem>>) offsets(%dma_start3A_765 : memref<128xi32, #tpu.memory_space<vmem>>) semaphore(%dma_start3A_770 : memref<!tpu.dma_semaphore, #tpu.memory_space<semaphore_mem>>)
      } else {
      }
      %mul3A_581 = arith.constant 5 : i32
      %mul3A_582 = arith.muli %scan3A_540, %mul3A_581 : i32
      %add3A_583 = arith.constant 1 : i32
      %add3A_584 = arith.addi %mul3A_582, %add3A_583 : i32
      %dma_wait3A_585 = arith.constant 1 : i32
      %dma_wait3A_586 = arith.constant 1 : i32
      %dma_wait3A_587 = arith.constant 0 : i32
      %dma_wait3A_588 = arith.constant 0 : i32
      %dma_wait3A_589 = tpu.memref_slice %arg9[%dma_wait3A_585, %dma_wait3A_587, %dma_wait3A_588] : memref<5x128x64xf32, #tpu.memory_space<vmem>> -> memref<1x128x64xf32, #tpu.memory_space<vmem>>
      %dma_wait3A_590 = tpu.memref_squeeze %dma_wait3A_589 : memref<1x128x64xf32, #tpu.memory_space<vmem>> -> memref<128x64xf32, #tpu.memory_space<vmem>>
      %dma_wait3A_591 = arith.constant 0 : i32
      %dma_wait3A_592 = arith.constant 0 : i32
      %dma_wait3A_593 = tpu.memref_slice %arg2[%dma_wait3A_591, %dma_wait3A_592] : memref<10240x64xf32, #tpu.memory_space<hbm>> -> memref<128x64xf32, #tpu.memory_space<hbm>>
      %dma_wait3A_594 = tpu.memref_slice %arg12[%dma_wait3A_586] : memref<5x!tpu.dma_semaphore, #tpu.memory_space<semaphore_mem>> -> memref<1x!tpu.dma_semaphore, #tpu.memory_space<semaphore_mem>>
      %dma_wait3A_595 = tpu.memref_squeeze %dma_wait3A_594 : memref<1x!tpu.dma_semaphore, #tpu.memory_space<semaphore_mem>> -> memref<!tpu.dma_semaphore, #tpu.memory_space<semaphore_mem>>
      %dma_wait3A_596 = arith.constant 0 : i32
      %dma_wait3A_597 = arith.constant 0 : i32
      %dma_wait3A_598 = tpu.memref_slice %arg9[%dma_wait3A_585, %dma_wait3A_596, %dma_wait3A_597] : memref<5x128x64xf32, #tpu.memory_space<vmem>> -> memref<1x128x64xf32, #tpu.memory_space<vmem>>
      %dma_wait3A_599 = tpu.memref_squeeze %dma_wait3A_598 : memref<1x128x64xf32, #tpu.memory_space<vmem>> -> memref<128x64xf32, #tpu.memory_space<vmem>>
      %dma_wait3A_600 = arith.constant 0 : i32
      %dma_wait3A_601 = arith.constant 0 : i32
      %dma_wait3A_602 = tpu.memref_slice %arg2[%dma_wait3A_600, %dma_wait3A_601] : memref<10240x64xf32, #tpu.memory_space<hbm>> -> memref<128x64xf32, #tpu.memory_space<hbm>>
      tpu.wait_dma2 semaphore(%dma_wait3A_595 : memref<!tpu.dma_semaphore, #tpu.memory_space<semaphore_mem>>) src(%dma_wait3A_602 : memref<128x64xf32, #tpu.memory_space<hbm>>) dst(%dma_wait3A_599 : memref<128x64xf32, #tpu.memory_space<vmem>>)
      %dma_start3A_603 = arith.constant 1 : i32
      %dma_start3A_604 = arith.constant 1 : i32
      %dma_start3A_605 = arith.constant 0 : i32
      %dma_start3A_606 = arith.constant 0 : i32
      %dma_start3A_607 = tpu.memref_slice %arg9[%dma_start3A_603, %dma_start3A_605, %dma_start3A_606] : memref<5x128x64xf32, #tpu.memory_space<vmem>> -> memref<1x128x64xf32, #tpu.memory_space<vmem>>
      %dma_start3A_608 = tpu.memref_squeeze %dma_start3A_607 : memref<1x128x64xf32, #tpu.memory_space<vmem>> -> memref<128x64xf32, #tpu.memory_space<vmem>>
      %dma_start3A_609 = arith.constant 0 : i32
      %dma_start3A_610 = tpu.memref_slice %arg8[%add3A_584, %dma_start3A_609] : memref<80x128xi32, #tpu.memory_space<vmem>> -> memref<1x128xi32, #tpu.memory_space<vmem>>
      %dma_start3A_611 = tpu.memref_squeeze %dma_start3A_610 : memref<1x128xi32, #tpu.memory_space<vmem>> -> memref<128xi32, #tpu.memory_space<vmem>>
      %dma_start3A_612 = arith.constant 0 : i32
      %dma_start3A_613 = arith.constant 0 : i32
      %dma_start3A_614 = tpu.memref_slice %arg11[%dma_start3A_612, %dma_start3A_613] : memref<10240x64xf32, #tpu.memory_space<vmem_shared>> -> memref<10240x64xf32, #tpu.memory_space<vmem_shared>>
      %dma_start3A_615 = tpu.memref_slice %arg13[%dma_start3A_604] : memref<5x!tpu.dma_semaphore, #tpu.memory_space<semaphore_mem>> -> memref<1x!tpu.dma_semaphore, #tpu.memory_space<semaphore_mem>>
      %dma_start3A_616 = tpu.memref_squeeze %dma_start3A_615 : memref<1x!tpu.dma_semaphore, #tpu.memory_space<semaphore_mem>> -> memref<!tpu.dma_semaphore, #tpu.memory_space<semaphore_mem>>
      tpu.enqueue_indirect_dma source(%dma_start3A_608 : memref<128x64xf32, #tpu.memory_space<vmem>>) target(%dma_start3A_614 : memref<10240x64xf32, #tpu.memory_space<vmem_shared>>) offsets(%dma_start3A_611 : memref<128xi32, #tpu.memory_space<vmem>>) semaphore(%dma_start3A_616 : memref<!tpu.dma_semaphore, #tpu.memory_space<semaphore_mem>>) {add = true}
      %add3A_617 = arith.constant 3 : i32
      %add3A_618 = arith.addi %add3A_584, %add3A_617 : i32
      %lt3A_619 = arith.constant 80 : i32
      %lt3A_620 = arith.cmpi slt, %add3A_618, %lt3A_619 : i32
      %convert_element_type3A_621 = arith.extui %lt3A_620 : i1 to i32
      %cond3A_622 = arith.constant 0 : i32
      %cond3A_623 = arith.cmpi ne, %convert_element_type3A_621, %cond3A_622 : i32
      scf.if %cond3A_623 {
        %ge3A = arith.constant 5 : i32
        %ge3A_753 = arith.cmpi sge, %add3A_618, %ge3A : i32
        %convert_element_type3A_754 = arith.extui %ge3A_753 : i1 to i32
        %cond3A_755 = arith.constant 0 : i32
        %cond3A_756 = arith.cmpi ne, %convert_element_type3A_754, %cond3A_755 : i32
        scf.if %cond3A_756 {
          %dma_wait3A_771 = arith.constant 4 : i32
          %dma_wait3A_772 = arith.constant 4 : i32
          %dma_wait3A_773 = arith.constant 0 : i32
          %dma_wait3A_774 = arith.constant 0 : i32
          %dma_wait3A_775 = tpu.memref_slice %arg9[%dma_wait3A_771, %dma_wait3A_773, %dma_wait3A_774] : memref<5x128x64xf32, #tpu.memory_space<vmem>> -> memref<1x128x64xf32, #tpu.memory_space<vmem>>
          %dma_wait3A_776 = tpu.memref_squeeze %dma_wait3A_775 : memref<1x128x64xf32, #tpu.memory_space<vmem>> -> memref<128x64xf32, #tpu.memory_space<vmem>>
          %dma_wait3A_777 = arith.constant 0 : i32
          %dma_wait3A_778 = arith.constant 0 : i32
          %dma_wait3A_779 = tpu.memref_slice %arg2[%dma_wait3A_777, %dma_wait3A_778] : memref<10240x64xf32, #tpu.memory_space<hbm>> -> memref<128x64xf32, #tpu.memory_space<hbm>>
          %dma_wait3A_780 = tpu.memref_slice %arg13[%dma_wait3A_772] : memref<5x!tpu.dma_semaphore, #tpu.memory_space<semaphore_mem>> -> memref<1x!tpu.dma_semaphore, #tpu.memory_space<semaphore_mem>>
          %dma_wait3A_781 = tpu.memref_squeeze %dma_wait3A_780 : memref<1x!tpu.dma_semaphore, #tpu.memory_space<semaphore_mem>> -> memref<!tpu.dma_semaphore, #tpu.memory_space<semaphore_mem>>
          %dma_wait3A_782 = arith.constant 0 : i32
          %dma_wait3A_783 = arith.constant 0 : i32
          %dma_wait3A_784 = tpu.memref_slice %arg9[%dma_wait3A_771, %dma_wait3A_782, %dma_wait3A_783] : memref<5x128x64xf32, #tpu.memory_space<vmem>> -> memref<1x128x64xf32, #tpu.memory_space<vmem>>
          %dma_wait3A_785 = tpu.memref_squeeze %dma_wait3A_784 : memref<1x128x64xf32, #tpu.memory_space<vmem>> -> memref<128x64xf32, #tpu.memory_space<vmem>>
          %dma_wait3A_786 = arith.constant 0 : i32
          %dma_wait3A_787 = arith.constant 0 : i32
          %dma_wait3A_788 = tpu.memref_slice %arg2[%dma_wait3A_786, %dma_wait3A_787] : memref<10240x64xf32, #tpu.memory_space<hbm>> -> memref<128x64xf32, #tpu.memory_space<hbm>>
          tpu.wait_dma2 semaphore(%dma_wait3A_781 : memref<!tpu.dma_semaphore, #tpu.memory_space<semaphore_mem>>) src(%dma_wait3A_788 : memref<128x64xf32, #tpu.memory_space<hbm>>) dst(%dma_wait3A_785 : memref<128x64xf32, #tpu.memory_space<vmem>>)
        } else {
        }
        %dma_start3A_757 = arith.constant 4 : i32
        %dma_start3A_758 = arith.constant 4 : i32
        %dma_start3A_759 = arith.constant 0 : i32
        %dma_start3A_760 = arith.constant 0 : i32
        %dma_start3A_761 = tpu.memref_slice %arg9[%dma_start3A_757, %dma_start3A_759, %dma_start3A_760] : memref<5x128x64xf32, #tpu.memory_space<vmem>> -> memref<1x128x64xf32, #tpu.memory_space<vmem>>
        %dma_start3A_762 = tpu.memref_squeeze %dma_start3A_761 : memref<1x128x64xf32, #tpu.memory_space<vmem>> -> memref<128x64xf32, #tpu.memory_space<vmem>>
        %dma_start3A_763 = arith.constant 0 : i32
        %dma_start3A_764 = tpu.memref_slice %arg7[%add3A_618, %dma_start3A_763] : memref<80x128xi32, #tpu.memory_space<vmem>> -> memref<1x128xi32, #tpu.memory_space<vmem>>
        %dma_start3A_765 = tpu.memref_squeeze %dma_start3A_764 : memref<1x128xi32, #tpu.memory_space<vmem>> -> memref<128xi32, #tpu.memory_space<vmem>>
        %dma_start3A_766 = arith.constant 0 : i32
        %dma_start3A_767 = arith.constant 0 : i32
        %dma_start3A_768 = tpu.memref_slice %arg2[%dma_start3A_766, %dma_start3A_767] : memref<10240x64xf32, #tpu.memory_space<hbm>> -> memref<10240x64xf32, #tpu.memory_space<hbm>>
        %dma_start3A_769 = tpu.memref_slice %arg12[%dma_start3A_758] : memref<5x!tpu.dma_semaphore, #tpu.memory_space<semaphore_mem>> -> memref<1x!tpu.dma_semaphore, #tpu.memory_space<semaphore_mem>>
        %dma_start3A_770 = tpu.memref_squeeze %dma_start3A_769 : memref<1x!tpu.dma_semaphore, #tpu.memory_space<semaphore_mem>> -> memref<!tpu.dma_semaphore, #tpu.memory_space<semaphore_mem>>
        tpu.enqueue_indirect_dma source(%dma_start3A_768 : memref<10240x64xf32, #tpu.memory_space<hbm>>) target(%dma_start3A_762 : memref<128x64xf32, #tpu.memory_space<vmem>>) offsets(%dma_start3A_765 : memref<128xi32, #tpu.memory_space<vmem>>) semaphore(%dma_start3A_770 : memref<!tpu.dma_semaphore, #tpu.memory_space<semaphore_mem>>)
      } else {
      }
      %mul3A_624 = arith.constant 5 : i32
      %mul3A_625 = arith.muli %scan3A_540, %mul3A_624 : i32
      %add3A_626 = arith.constant 2 : i32
      %add3A_627 = arith.addi %mul3A_625, %add3A_626 : i32
      %dma_wait3A_628 = arith.constant 2 : i32
      %dma_wait3A_629 = arith.constant 2 : i32
      %dma_wait3A_630 = arith.constant 0 : i32
      %dma_wait3A_631 = arith.constant 0 : i32
      %dma_wait3A_632 = tpu.memref_slice %arg9[%dma_wait3A_628, %dma_wait3A_630, %dma_wait3A_631] : memref<5x128x64xf32, #tpu.memory_space<vmem>> -> memref<1x128x64xf32, #tpu.memory_space<vmem>>
      %dma_wait3A_633 = tpu.memref_squeeze %dma_wait3A_632 : memref<1x128x64xf32, #tpu.memory_space<vmem>> -> memref<128x64xf32, #tpu.memory_space<vmem>>
      %dma_wait3A_634 = arith.constant 0 : i32
      %dma_wait3A_635 = arith.constant 0 : i32
      %dma_wait3A_636 = tpu.memref_slice %arg2[%dma_wait3A_634, %dma_wait3A_635] : memref<10240x64xf32, #tpu.memory_space<hbm>> -> memref<128x64xf32, #tpu.memory_space<hbm>>
      %dma_wait3A_637 = tpu.memref_slice %arg12[%dma_wait3A_629] : memref<5x!tpu.dma_semaphore, #tpu.memory_space<semaphore_mem>> -> memref<1x!tpu.dma_semaphore, #tpu.memory_space<semaphore_mem>>
      %dma_wait3A_638 = tpu.memref_squeeze %dma_wait3A_637 : memref<1x!tpu.dma_semaphore, #tpu.memory_space<semaphore_mem>> -> memref<!tpu.dma_semaphore, #tpu.memory_space<semaphore_mem>>
      %dma_wait3A_639 = arith.constant 0 : i32
      %dma_wait3A_640 = arith.constant 0 : i32
      %dma_wait3A_641 = tpu.memref_slice %arg9[%dma_wait3A_628, %dma_wait3A_639, %dma_wait3A_640] : memref<5x128x64xf32, #tpu.memory_space<vmem>> -> memref<1x128x64xf32, #tpu.memory_space<vmem>>
      %dma_wait3A_642 = tpu.memref_squeeze %dma_wait3A_641 : memref<1x128x64xf32, #tpu.memory_space<vmem>> -> memref<128x64xf32, #tpu.memory_space<vmem>>
      %dma_wait3A_643 = arith.constant 0 : i32
      %dma_wait3A_644 = arith.constant 0 : i32
      %dma_wait3A_645 = tpu.memref_slice %arg2[%dma_wait3A_643, %dma_wait3A_644] : memref<10240x64xf32, #tpu.memory_space<hbm>> -> memref<128x64xf32, #tpu.memory_space<hbm>>
      tpu.wait_dma2 semaphore(%dma_wait3A_638 : memref<!tpu.dma_semaphore, #tpu.memory_space<semaphore_mem>>) src(%dma_wait3A_645 : memref<128x64xf32, #tpu.memory_space<hbm>>) dst(%dma_wait3A_642 : memref<128x64xf32, #tpu.memory_space<vmem>>)
      %dma_start3A_646 = arith.constant 2 : i32
      %dma_start3A_647 = arith.constant 2 : i32
      %dma_start3A_648 = arith.constant 0 : i32
      %dma_start3A_649 = arith.constant 0 : i32
      %dma_start3A_650 = tpu.memref_slice %arg9[%dma_start3A_646, %dma_start3A_648, %dma_start3A_649] : memref<5x128x64xf32, #tpu.memory_space<vmem>> -> memref<1x128x64xf32, #tpu.memory_space<vmem>>
      %dma_start3A_651 = tpu.memref_squeeze %dma_start3A_650 : memref<1x128x64xf32, #tpu.memory_space<vmem>> -> memref<128x64xf32, #tpu.memory_space<vmem>>
      %dma_start3A_652 = arith.constant 0 : i32
      %dma_start3A_653 = tpu.memref_slice %arg8[%add3A_627, %dma_start3A_652] : memref<80x128xi32, #tpu.memory_space<vmem>> -> memref<1x128xi32, #tpu.memory_space<vmem>>
      %dma_start3A_654 = tpu.memref_squeeze %dma_start3A_653 : memref<1x128xi32, #tpu.memory_space<vmem>> -> memref<128xi32, #tpu.memory_space<vmem>>
      %dma_start3A_655 = arith.constant 0 : i32
      %dma_start3A_656 = arith.constant 0 : i32
      %dma_start3A_657 = tpu.memref_slice %arg11[%dma_start3A_655, %dma_start3A_656] : memref<10240x64xf32, #tpu.memory_space<vmem_shared>> -> memref<10240x64xf32, #tpu.memory_space<vmem_shared>>
      %dma_start3A_658 = tpu.memref_slice %arg13[%dma_start3A_647] : memref<5x!tpu.dma_semaphore, #tpu.memory_space<semaphore_mem>> -> memref<1x!tpu.dma_semaphore, #tpu.memory_space<semaphore_mem>>
      %dma_start3A_659 = tpu.memref_squeeze %dma_start3A_658 : memref<1x!tpu.dma_semaphore, #tpu.memory_space<semaphore_mem>> -> memref<!tpu.dma_semaphore, #tpu.memory_space<semaphore_mem>>
      tpu.enqueue_indirect_dma source(%dma_start3A_651 : memref<128x64xf32, #tpu.memory_space<vmem>>) target(%dma_start3A_657 : memref<10240x64xf32, #tpu.memory_space<vmem_shared>>) offsets(%dma_start3A_654 : memref<128xi32, #tpu.memory_space<vmem>>) semaphore(%dma_start3A_659 : memref<!tpu.dma_semaphore, #tpu.memory_space<semaphore_mem>>) {add = true}
      %add3A_660 = arith.constant 3 : i32
      %add3A_661 = arith.addi %add3A_627, %add3A_660 : i32
      %lt3A_662 = arith.constant 80 : i32
      %lt3A_663 = arith.cmpi slt, %add3A_661, %lt3A_662 : i32
      %convert_element_type3A_664 = arith.extui %lt3A_663 : i1 to i32
      %cond3A_665 = arith.constant 0 : i32
      %cond3A_666 = arith.cmpi ne, %convert_element_type3A_664, %cond3A_665 : i32
      scf.if %cond3A_666 {
        %ge3A = arith.constant 5 : i32
        %ge3A_753 = arith.cmpi sge, %add3A_661, %ge3A : i32
        %convert_element_type3A_754 = arith.extui %ge3A_753 : i1 to i32
        %cond3A_755 = arith.constant 0 : i32
        %cond3A_756 = arith.cmpi ne, %convert_element_type3A_754, %cond3A_755 : i32
        scf.if %cond3A_756 {
          %dma_wait3A_771 = arith.constant 0 : i32
          %dma_wait3A_772 = arith.constant 0 : i32
          %dma_wait3A_773 = arith.constant 0 : i32
          %dma_wait3A_774 = arith.constant 0 : i32
          %dma_wait3A_775 = tpu.memref_slice %arg9[%dma_wait3A_771, %dma_wait3A_773, %dma_wait3A_774] : memref<5x128x64xf32, #tpu.memory_space<vmem>> -> memref<1x128x64xf32, #tpu.memory_space<vmem>>
          %dma_wait3A_776 = tpu.memref_squeeze %dma_wait3A_775 : memref<1x128x64xf32, #tpu.memory_space<vmem>> -> memref<128x64xf32, #tpu.memory_space<vmem>>
          %dma_wait3A_777 = arith.constant 0 : i32
          %dma_wait3A_778 = arith.constant 0 : i32
          %dma_wait3A_779 = tpu.memref_slice %arg2[%dma_wait3A_777, %dma_wait3A_778] : memref<10240x64xf32, #tpu.memory_space<hbm>> -> memref<128x64xf32, #tpu.memory_space<hbm>>
          %dma_wait3A_780 = tpu.memref_slice %arg13[%dma_wait3A_772] : memref<5x!tpu.dma_semaphore, #tpu.memory_space<semaphore_mem>> -> memref<1x!tpu.dma_semaphore, #tpu.memory_space<semaphore_mem>>
          %dma_wait3A_781 = tpu.memref_squeeze %dma_wait3A_780 : memref<1x!tpu.dma_semaphore, #tpu.memory_space<semaphore_mem>> -> memref<!tpu.dma_semaphore, #tpu.memory_space<semaphore_mem>>
          %dma_wait3A_782 = arith.constant 0 : i32
          %dma_wait3A_783 = arith.constant 0 : i32
          %dma_wait3A_784 = tpu.memref_slice %arg9[%dma_wait3A_771, %dma_wait3A_782, %dma_wait3A_783] : memref<5x128x64xf32, #tpu.memory_space<vmem>> -> memref<1x128x64xf32, #tpu.memory_space<vmem>>
          %dma_wait3A_785 = tpu.memref_squeeze %dma_wait3A_784 : memref<1x128x64xf32, #tpu.memory_space<vmem>> -> memref<128x64xf32, #tpu.memory_space<vmem>>
          %dma_wait3A_786 = arith.constant 0 : i32
          %dma_wait3A_787 = arith.constant 0 : i32
          %dma_wait3A_788 = tpu.memref_slice %arg2[%dma_wait3A_786, %dma_wait3A_787] : memref<10240x64xf32, #tpu.memory_space<hbm>> -> memref<128x64xf32, #tpu.memory_space<hbm>>
          tpu.wait_dma2 semaphore(%dma_wait3A_781 : memref<!tpu.dma_semaphore, #tpu.memory_space<semaphore_mem>>) src(%dma_wait3A_788 : memref<128x64xf32, #tpu.memory_space<hbm>>) dst(%dma_wait3A_785 : memref<128x64xf32, #tpu.memory_space<vmem>>)
        } else {
        }
        %dma_start3A_757 = arith.constant 0 : i32
        %dma_start3A_758 = arith.constant 0 : i32
        %dma_start3A_759 = arith.constant 0 : i32
        %dma_start3A_760 = arith.constant 0 : i32
        %dma_start3A_761 = tpu.memref_slice %arg9[%dma_start3A_757, %dma_start3A_759, %dma_start3A_760] : memref<5x128x64xf32, #tpu.memory_space<vmem>> -> memref<1x128x64xf32, #tpu.memory_space<vmem>>
        %dma_start3A_762 = tpu.memref_squeeze %dma_start3A_761 : memref<1x128x64xf32, #tpu.memory_space<vmem>> -> memref<128x64xf32, #tpu.memory_space<vmem>>
        %dma_start3A_763 = arith.constant 0 : i32
        %dma_start3A_764 = tpu.memref_slice %arg7[%add3A_661, %dma_start3A_763] : memref<80x128xi32, #tpu.memory_space<vmem>> -> memref<1x128xi32, #tpu.memory_space<vmem>>
        %dma_start3A_765 = tpu.memref_squeeze %dma_start3A_764 : memref<1x128xi32, #tpu.memory_space<vmem>> -> memref<128xi32, #tpu.memory_space<vmem>>
        %dma_start3A_766 = arith.constant 0 : i32
        %dma_start3A_767 = arith.constant 0 : i32
        %dma_start3A_768 = tpu.memref_slice %arg2[%dma_start3A_766, %dma_start3A_767] : memref<10240x64xf32, #tpu.memory_space<hbm>> -> memref<10240x64xf32, #tpu.memory_space<hbm>>
        %dma_start3A_769 = tpu.memref_slice %arg12[%dma_start3A_758] : memref<5x!tpu.dma_semaphore, #tpu.memory_space<semaphore_mem>> -> memref<1x!tpu.dma_semaphore, #tpu.memory_space<semaphore_mem>>
        %dma_start3A_770 = tpu.memref_squeeze %dma_start3A_769 : memref<1x!tpu.dma_semaphore, #tpu.memory_space<semaphore_mem>> -> memref<!tpu.dma_semaphore, #tpu.memory_space<semaphore_mem>>
        tpu.enqueue_indirect_dma source(%dma_start3A_768 : memref<10240x64xf32, #tpu.memory_space<hbm>>) target(%dma_start3A_762 : memref<128x64xf32, #tpu.memory_space<vmem>>) offsets(%dma_start3A_765 : memref<128xi32, #tpu.memory_space<vmem>>) semaphore(%dma_start3A_770 : memref<!tpu.dma_semaphore, #tpu.memory_space<semaphore_mem>>)
      } else {
      }
      %mul3A_667 = arith.constant 5 : i32
      %mul3A_668 = arith.muli %scan3A_540, %mul3A_667 : i32
      %add3A_669 = arith.constant 3 : i32
      %add3A_670 = arith.addi %mul3A_668, %add3A_669 : i32
      %dma_wait3A_671 = arith.constant 3 : i32
      %dma_wait3A_672 = arith.constant 3 : i32
      %dma_wait3A_673 = arith.constant 0 : i32
      %dma_wait3A_674 = arith.constant 0 : i32
      %dma_wait3A_675 = tpu.memref_slice %arg9[%dma_wait3A_671, %dma_wait3A_673, %dma_wait3A_674] : memref<5x128x64xf32, #tpu.memory_space<vmem>> -> memref<1x128x64xf32, #tpu.memory_space<vmem>>
      %dma_wait3A_676 = tpu.memref_squeeze %dma_wait3A_675 : memref<1x128x64xf32, #tpu.memory_space<vmem>> -> memref<128x64xf32, #tpu.memory_space<vmem>>
      %dma_wait3A_677 = arith.constant 0 : i32
      %dma_wait3A_678 = arith.constant 0 : i32
      %dma_wait3A_679 = tpu.memref_slice %arg2[%dma_wait3A_677, %dma_wait3A_678] : memref<10240x64xf32, #tpu.memory_space<hbm>> -> memref<128x64xf32, #tpu.memory_space<hbm>>
      %dma_wait3A_680 = tpu.memref_slice %arg12[%dma_wait3A_672] : memref<5x!tpu.dma_semaphore, #tpu.memory_space<semaphore_mem>> -> memref<1x!tpu.dma_semaphore, #tpu.memory_space<semaphore_mem>>
      %dma_wait3A_681 = tpu.memref_squeeze %dma_wait3A_680 : memref<1x!tpu.dma_semaphore, #tpu.memory_space<semaphore_mem>> -> memref<!tpu.dma_semaphore, #tpu.memory_space<semaphore_mem>>
      %dma_wait3A_682 = arith.constant 0 : i32
      %dma_wait3A_683 = arith.constant 0 : i32
      %dma_wait3A_684 = tpu.memref_slice %arg9[%dma_wait3A_671, %dma_wait3A_682, %dma_wait3A_683] : memref<5x128x64xf32, #tpu.memory_space<vmem>> -> memref<1x128x64xf32, #tpu.memory_space<vmem>>
      %dma_wait3A_685 = tpu.memref_squeeze %dma_wait3A_684 : memref<1x128x64xf32, #tpu.memory_space<vmem>> -> memref<128x64xf32, #tpu.memory_space<vmem>>
      %dma_wait3A_686 = arith.constant 0 : i32
      %dma_wait3A_687 = arith.constant 0 : i32
      %dma_wait3A_688 = tpu.memref_slice %arg2[%dma_wait3A_686, %dma_wait3A_687] : memref<10240x64xf32, #tpu.memory_space<hbm>> -> memref<128x64xf32, #tpu.memory_space<hbm>>
      tpu.wait_dma2 semaphore(%dma_wait3A_681 : memref<!tpu.dma_semaphore, #tpu.memory_space<semaphore_mem>>) src(%dma_wait3A_688 : memref<128x64xf32, #tpu.memory_space<hbm>>) dst(%dma_wait3A_685 : memref<128x64xf32, #tpu.memory_space<vmem>>)
      %dma_start3A_689 = arith.constant 3 : i32
      %dma_start3A_690 = arith.constant 3 : i32
      %dma_start3A_691 = arith.constant 0 : i32
      %dma_start3A_692 = arith.constant 0 : i32
      %dma_start3A_693 = tpu.memref_slice %arg9[%dma_start3A_689, %dma_start3A_691, %dma_start3A_692] : memref<5x128x64xf32, #tpu.memory_space<vmem>> -> memref<1x128x64xf32, #tpu.memory_space<vmem>>
      %dma_start3A_694 = tpu.memref_squeeze %dma_start3A_693 : memref<1x128x64xf32, #tpu.memory_space<vmem>> -> memref<128x64xf32, #tpu.memory_space<vmem>>
      %dma_start3A_695 = arith.constant 0 : i32
      %dma_start3A_696 = tpu.memref_slice %arg8[%add3A_670, %dma_start3A_695] : memref<80x128xi32, #tpu.memory_space<vmem>> -> memref<1x128xi32, #tpu.memory_space<vmem>>
      %dma_start3A_697 = tpu.memref_squeeze %dma_start3A_696 : memref<1x128xi32, #tpu.memory_space<vmem>> -> memref<128xi32, #tpu.memory_space<vmem>>
      %dma_start3A_698 = arith.constant 0 : i32
      %dma_start3A_699 = arith.constant 0 : i32
      %dma_start3A_700 = tpu.memref_slice %arg11[%dma_start3A_698, %dma_start3A_699] : memref<10240x64xf32, #tpu.memory_space<vmem_shared>> -> memref<10240x64xf32, #tpu.memory_space<vmem_shared>>
      %dma_start3A_701 = tpu.memref_slice %arg13[%dma_start3A_690] : memref<5x!tpu.dma_semaphore, #tpu.memory_space<semaphore_mem>> -> memref<1x!tpu.dma_semaphore, #tpu.memory_space<semaphore_mem>>
      %dma_start3A_702 = tpu.memref_squeeze %dma_start3A_701 : memref<1x!tpu.dma_semaphore, #tpu.memory_space<semaphore_mem>> -> memref<!tpu.dma_semaphore, #tpu.memory_space<semaphore_mem>>
      tpu.enqueue_indirect_dma source(%dma_start3A_694 : memref<128x64xf32, #tpu.memory_space<vmem>>) target(%dma_start3A_700 : memref<10240x64xf32, #tpu.memory_space<vmem_shared>>) offsets(%dma_start3A_697 : memref<128xi32, #tpu.memory_space<vmem>>) semaphore(%dma_start3A_702 : memref<!tpu.dma_semaphore, #tpu.memory_space<semaphore_mem>>) {add = true}
      %add3A_703 = arith.constant 3 : i32
      %add3A_704 = arith.addi %add3A_670, %add3A_703 : i32
      %lt3A_705 = arith.constant 80 : i32
      %lt3A_706 = arith.cmpi slt, %add3A_704, %lt3A_705 : i32
      %convert_element_type3A_707 = arith.extui %lt3A_706 : i1 to i32
      %cond3A_708 = arith.constant 0 : i32
      %cond3A_709 = arith.cmpi ne, %convert_element_type3A_707, %cond3A_708 : i32
      scf.if %cond3A_709 {
        %ge3A = arith.constant 5 : i32
        %ge3A_753 = arith.cmpi sge, %add3A_704, %ge3A : i32
        %convert_element_type3A_754 = arith.extui %ge3A_753 : i1 to i32
        %cond3A_755 = arith.constant 0 : i32
        %cond3A_756 = arith.cmpi ne, %convert_element_type3A_754, %cond3A_755 : i32
        scf.if %cond3A_756 {
          %dma_wait3A_771 = arith.constant 1 : i32
          %dma_wait3A_772 = arith.constant 1 : i32
          %dma_wait3A_773 = arith.constant 0 : i32
          %dma_wait3A_774 = arith.constant 0 : i32
          %dma_wait3A_775 = tpu.memref_slice %arg9[%dma_wait3A_771, %dma_wait3A_773, %dma_wait3A_774] : memref<5x128x64xf32, #tpu.memory_space<vmem>> -> memref<1x128x64xf32, #tpu.memory_space<vmem>>
          %dma_wait3A_776 = tpu.memref_squeeze %dma_wait3A_775 : memref<1x128x64xf32, #tpu.memory_space<vmem>> -> memref<128x64xf32, #tpu.memory_space<vmem>>
          %dma_wait3A_777 = arith.constant 0 : i32
          %dma_wait3A_778 = arith.constant 0 : i32
          %dma_wait3A_779 = tpu.memref_slice %arg2[%dma_wait3A_777, %dma_wait3A_778] : memref<10240x64xf32, #tpu.memory_space<hbm>> -> memref<128x64xf32, #tpu.memory_space<hbm>>
          %dma_wait3A_780 = tpu.memref_slice %arg13[%dma_wait3A_772] : memref<5x!tpu.dma_semaphore, #tpu.memory_space<semaphore_mem>> -> memref<1x!tpu.dma_semaphore, #tpu.memory_space<semaphore_mem>>
          %dma_wait3A_781 = tpu.memref_squeeze %dma_wait3A_780 : memref<1x!tpu.dma_semaphore, #tpu.memory_space<semaphore_mem>> -> memref<!tpu.dma_semaphore, #tpu.memory_space<semaphore_mem>>
          %dma_wait3A_782 = arith.constant 0 : i32
          %dma_wait3A_783 = arith.constant 0 : i32
          %dma_wait3A_784 = tpu.memref_slice %arg9[%dma_wait3A_771, %dma_wait3A_782, %dma_wait3A_783] : memref<5x128x64xf32, #tpu.memory_space<vmem>> -> memref<1x128x64xf32, #tpu.memory_space<vmem>>
          %dma_wait3A_785 = tpu.memref_squeeze %dma_wait3A_784 : memref<1x128x64xf32, #tpu.memory_space<vmem>> -> memref<128x64xf32, #tpu.memory_space<vmem>>
          %dma_wait3A_786 = arith.constant 0 : i32
          %dma_wait3A_787 = arith.constant 0 : i32
          %dma_wait3A_788 = tpu.memref_slice %arg2[%dma_wait3A_786, %dma_wait3A_787] : memref<10240x64xf32, #tpu.memory_space<hbm>> -> memref<128x64xf32, #tpu.memory_space<hbm>>
          tpu.wait_dma2 semaphore(%dma_wait3A_781 : memref<!tpu.dma_semaphore, #tpu.memory_space<semaphore_mem>>) src(%dma_wait3A_788 : memref<128x64xf32, #tpu.memory_space<hbm>>) dst(%dma_wait3A_785 : memref<128x64xf32, #tpu.memory_space<vmem>>)
        } else {
        }
        %dma_start3A_757 = arith.constant 1 : i32
        %dma_start3A_758 = arith.constant 1 : i32
        %dma_start3A_759 = arith.constant 0 : i32
        %dma_start3A_760 = arith.constant 0 : i32
        %dma_start3A_761 = tpu.memref_slice %arg9[%dma_start3A_757, %dma_start3A_759, %dma_start3A_760] : memref<5x128x64xf32, #tpu.memory_space<vmem>> -> memref<1x128x64xf32, #tpu.memory_space<vmem>>
        %dma_start3A_762 = tpu.memref_squeeze %dma_start3A_761 : memref<1x128x64xf32, #tpu.memory_space<vmem>> -> memref<128x64xf32, #tpu.memory_space<vmem>>
        %dma_start3A_763 = arith.constant 0 : i32
        %dma_start3A_764 = tpu.memref_slice %arg7[%add3A_704, %dma_start3A_763] : memref<80x128xi32, #tpu.memory_space<vmem>> -> memref<1x128xi32, #tpu.memory_space<vmem>>
        %dma_start3A_765 = tpu.memref_squeeze %dma_start3A_764 : memref<1x128xi32, #tpu.memory_space<vmem>> -> memref<128xi32, #tpu.memory_space<vmem>>
        %dma_start3A_766 = arith.constant 0 : i32
        %dma_start3A_767 = arith.constant 0 : i32
        %dma_start3A_768 = tpu.memref_slice %arg2[%dma_start3A_766, %dma_start3A_767] : memref<10240x64xf32, #tpu.memory_space<hbm>> -> memref<10240x64xf32, #tpu.memory_space<hbm>>
        %dma_start3A_769 = tpu.memref_slice %arg12[%dma_start3A_758] : memref<5x!tpu.dma_semaphore, #tpu.memory_space<semaphore_mem>> -> memref<1x!tpu.dma_semaphore, #tpu.memory_space<semaphore_mem>>
        %dma_start3A_770 = tpu.memref_squeeze %dma_start3A_769 : memref<1x!tpu.dma_semaphore, #tpu.memory_space<semaphore_mem>> -> memref<!tpu.dma_semaphore, #tpu.memory_space<semaphore_mem>>
        tpu.enqueue_indirect_dma source(%dma_start3A_768 : memref<10240x64xf32, #tpu.memory_space<hbm>>) target(%dma_start3A_762 : memref<128x64xf32, #tpu.memory_space<vmem>>) offsets(%dma_start3A_765 : memref<128xi32, #tpu.memory_space<vmem>>) semaphore(%dma_start3A_770 : memref<!tpu.dma_semaphore, #tpu.memory_space<semaphore_mem>>)
      } else {
      }
      %mul3A_710 = arith.constant 5 : i32
      %mul3A_711 = arith.muli %scan3A_540, %mul3A_710 : i32
      %add3A_712 = arith.constant 4 : i32
      %add3A_713 = arith.addi %mul3A_711, %add3A_712 : i32
      %dma_wait3A_714 = arith.constant 4 : i32
      %dma_wait3A_715 = arith.constant 4 : i32
      %dma_wait3A_716 = arith.constant 0 : i32
      %dma_wait3A_717 = arith.constant 0 : i32
      %dma_wait3A_718 = tpu.memref_slice %arg9[%dma_wait3A_714, %dma_wait3A_716, %dma_wait3A_717] : memref<5x128x64xf32, #tpu.memory_space<vmem>> -> memref<1x128x64xf32, #tpu.memory_space<vmem>>
      %dma_wait3A_719 = tpu.memref_squeeze %dma_wait3A_718 : memref<1x128x64xf32, #tpu.memory_space<vmem>> -> memref<128x64xf32, #tpu.memory_space<vmem>>
      %dma_wait3A_720 = arith.constant 0 : i32
      %dma_wait3A_721 = arith.constant 0 : i32
      %dma_wait3A_722 = tpu.memref_slice %arg2[%dma_wait3A_720, %dma_wait3A_721] : memref<10240x64xf32, #tpu.memory_space<hbm>> -> memref<128x64xf32, #tpu.memory_space<hbm>>
      %dma_wait3A_723 = tpu.memref_slice %arg12[%dma_wait3A_715] : memref<5x!tpu.dma_semaphore, #tpu.memory_space<semaphore_mem>> -> memref<1x!tpu.dma_semaphore, #tpu.memory_space<semaphore_mem>>
      %dma_wait3A_724 = tpu.memref_squeeze %dma_wait3A_723 : memref<1x!tpu.dma_semaphore, #tpu.memory_space<semaphore_mem>> -> memref<!tpu.dma_semaphore, #tpu.memory_space<semaphore_mem>>
      %dma_wait3A_725 = arith.constant 0 : i32
      %dma_wait3A_726 = arith.constant 0 : i32
      %dma_wait3A_727 = tpu.memref_slice %arg9[%dma_wait3A_714, %dma_wait3A_725, %dma_wait3A_726] : memref<5x128x64xf32, #tpu.memory_space<vmem>> -> memref<1x128x64xf32, #tpu.memory_space<vmem>>
      %dma_wait3A_728 = tpu.memref_squeeze %dma_wait3A_727 : memref<1x128x64xf32, #tpu.memory_space<vmem>> -> memref<128x64xf32, #tpu.memory_space<vmem>>
      %dma_wait3A_729 = arith.constant 0 : i32
      %dma_wait3A_730 = arith.constant 0 : i32
      %dma_wait3A_731 = tpu.memref_slice %arg2[%dma_wait3A_729, %dma_wait3A_730] : memref<10240x64xf32, #tpu.memory_space<hbm>> -> memref<128x64xf32, #tpu.memory_space<hbm>>
      tpu.wait_dma2 semaphore(%dma_wait3A_724 : memref<!tpu.dma_semaphore, #tpu.memory_space<semaphore_mem>>) src(%dma_wait3A_731 : memref<128x64xf32, #tpu.memory_space<hbm>>) dst(%dma_wait3A_728 : memref<128x64xf32, #tpu.memory_space<vmem>>)
      %dma_start3A_732 = arith.constant 4 : i32
      %dma_start3A_733 = arith.constant 4 : i32
      %dma_start3A_734 = arith.constant 0 : i32
      %dma_start3A_735 = arith.constant 0 : i32
      %dma_start3A_736 = tpu.memref_slice %arg9[%dma_start3A_732, %dma_start3A_734, %dma_start3A_735] : memref<5x128x64xf32, #tpu.memory_space<vmem>> -> memref<1x128x64xf32, #tpu.memory_space<vmem>>
      %dma_start3A_737 = tpu.memref_squeeze %dma_start3A_736 : memref<1x128x64xf32, #tpu.memory_space<vmem>> -> memref<128x64xf32, #tpu.memory_space<vmem>>
      %dma_start3A_738 = arith.constant 0 : i32
      %dma_start3A_739 = tpu.memref_slice %arg8[%add3A_713, %dma_start3A_738] : memref<80x128xi32, #tpu.memory_space<vmem>> -> memref<1x128xi32, #tpu.memory_space<vmem>>
      %dma_start3A_740 = tpu.memref_squeeze %dma_start3A_739 : memref<1x128xi32, #tpu.memory_space<vmem>> -> memref<128xi32, #tpu.memory_space<vmem>>
      %dma_start3A_741 = arith.constant 0 : i32
      %dma_start3A_742 = arith.constant 0 : i32
      %dma_start3A_743 = tpu.memref_slice %arg11[%dma_start3A_741, %dma_start3A_742] : memref<10240x64xf32, #tpu.memory_space<vmem_shared>> -> memref<10240x64xf32, #tpu.memory_space<vmem_shared>>
      %dma_start3A_744 = tpu.memref_slice %arg13[%dma_start3A_733] : memref<5x!tpu.dma_semaphore, #tpu.memory_space<semaphore_mem>> -> memref<1x!tpu.dma_semaphore, #tpu.memory_space<semaphore_mem>>
      %dma_start3A_745 = tpu.memref_squeeze %dma_start3A_744 : memref<1x!tpu.dma_semaphore, #tpu.memory_space<semaphore_mem>> -> memref<!tpu.dma_semaphore, #tpu.memory_space<semaphore_mem>>
      tpu.enqueue_indirect_dma source(%dma_start3A_737 : memref<128x64xf32, #tpu.memory_space<vmem>>) target(%dma_start3A_743 : memref<10240x64xf32, #tpu.memory_space<vmem_shared>>) offsets(%dma_start3A_740 : memref<128xi32, #tpu.memory_space<vmem>>) semaphore(%dma_start3A_745 : memref<!tpu.dma_semaphore, #tpu.memory_space<semaphore_mem>>) {add = true}
      %add3A_746 = arith.constant 3 : i32
      %add3A_747 = arith.addi %add3A_713, %add3A_746 : i32
      %lt3A_748 = arith.constant 80 : i32
      %lt3A_749 = arith.cmpi slt, %add3A_747, %lt3A_748 : i32
      %convert_element_type3A_750 = arith.extui %lt3A_749 : i1 to i32
      %cond3A_751 = arith.constant 0 : i32
      %cond3A_752 = arith.cmpi ne, %convert_element_type3A_750, %cond3A_751 : i32
      scf.if %cond3A_752 {
        %ge3A = arith.constant 5 : i32
        %ge3A_753 = arith.cmpi sge, %add3A_747, %ge3A : i32
        %convert_element_type3A_754 = arith.extui %ge3A_753 : i1 to i32
        %cond3A_755 = arith.constant 0 : i32
        %cond3A_756 = arith.cmpi ne, %convert_element_type3A_754, %cond3A_755 : i32
        scf.if %cond3A_756 {
          %dma_wait3A_771 = arith.constant 2 : i32
          %dma_wait3A_772 = arith.constant 2 : i32
          %dma_wait3A_773 = arith.constant 0 : i32
          %dma_wait3A_774 = arith.constant 0 : i32
          %dma_wait3A_775 = tpu.memref_slice %arg9[%dma_wait3A_771, %dma_wait3A_773, %dma_wait3A_774] : memref<5x128x64xf32, #tpu.memory_space<vmem>> -> memref<1x128x64xf32, #tpu.memory_space<vmem>>
          %dma_wait3A_776 = tpu.memref_squeeze %dma_wait3A_775 : memref<1x128x64xf32, #tpu.memory_space<vmem>> -> memref<128x64xf32, #tpu.memory_space<vmem>>
          %dma_wait3A_777 = arith.constant 0 : i32
          %dma_wait3A_778 = arith.constant 0 : i32
          %dma_wait3A_779 = tpu.memref_slice %arg2[%dma_wait3A_777, %dma_wait3A_778] : memref<10240x64xf32, #tpu.memory_space<hbm>> -> memref<128x64xf32, #tpu.memory_space<hbm>>
          %dma_wait3A_780 = tpu.memref_slice %arg13[%dma_wait3A_772] : memref<5x!tpu.dma_semaphore, #tpu.memory_space<semaphore_mem>> -> memref<1x!tpu.dma_semaphore, #tpu.memory_space<semaphore_mem>>
          %dma_wait3A_781 = tpu.memref_squeeze %dma_wait3A_780 : memref<1x!tpu.dma_semaphore, #tpu.memory_space<semaphore_mem>> -> memref<!tpu.dma_semaphore, #tpu.memory_space<semaphore_mem>>
          %dma_wait3A_782 = arith.constant 0 : i32
          %dma_wait3A_783 = arith.constant 0 : i32
          %dma_wait3A_784 = tpu.memref_slice %arg9[%dma_wait3A_771, %dma_wait3A_782, %dma_wait3A_783] : memref<5x128x64xf32, #tpu.memory_space<vmem>> -> memref<1x128x64xf32, #tpu.memory_space<vmem>>
          %dma_wait3A_785 = tpu.memref_squeeze %dma_wait3A_784 : memref<1x128x64xf32, #tpu.memory_space<vmem>> -> memref<128x64xf32, #tpu.memory_space<vmem>>
          %dma_wait3A_786 = arith.constant 0 : i32
          %dma_wait3A_787 = arith.constant 0 : i32
          %dma_wait3A_788 = tpu.memref_slice %arg2[%dma_wait3A_786, %dma_wait3A_787] : memref<10240x64xf32, #tpu.memory_space<hbm>> -> memref<128x64xf32, #tpu.memory_space<hbm>>
          tpu.wait_dma2 semaphore(%dma_wait3A_781 : memref<!tpu.dma_semaphore, #tpu.memory_space<semaphore_mem>>) src(%dma_wait3A_788 : memref<128x64xf32, #tpu.memory_space<hbm>>) dst(%dma_wait3A_785 : memref<128x64xf32, #tpu.memory_space<vmem>>)
        } else {
        }
        %dma_start3A_757 = arith.constant 2 : i32
        %dma_start3A_758 = arith.constant 2 : i32
        %dma_start3A_759 = arith.constant 0 : i32
        %dma_start3A_760 = arith.constant 0 : i32
        %dma_start3A_761 = tpu.memref_slice %arg9[%dma_start3A_757, %dma_start3A_759, %dma_start3A_760] : memref<5x128x64xf32, #tpu.memory_space<vmem>> -> memref<1x128x64xf32, #tpu.memory_space<vmem>>
        %dma_start3A_762 = tpu.memref_squeeze %dma_start3A_761 : memref<1x128x64xf32, #tpu.memory_space<vmem>> -> memref<128x64xf32, #tpu.memory_space<vmem>>
        %dma_start3A_763 = arith.constant 0 : i32
        %dma_start3A_764 = tpu.memref_slice %arg7[%add3A_747, %dma_start3A_763] : memref<80x128xi32, #tpu.memory_space<vmem>> -> memref<1x128xi32, #tpu.memory_space<vmem>>
        %dma_start3A_765 = tpu.memref_squeeze %dma_start3A_764 : memref<1x128xi32, #tpu.memory_space<vmem>> -> memref<128xi32, #tpu.memory_space<vmem>>
        %dma_start3A_766 = arith.constant 0 : i32
        %dma_start3A_767 = arith.constant 0 : i32
        %dma_start3A_768 = tpu.memref_slice %arg2[%dma_start3A_766, %dma_start3A_767] : memref<10240x64xf32, #tpu.memory_space<hbm>> -> memref<10240x64xf32, #tpu.memory_space<hbm>>
        %dma_start3A_769 = tpu.memref_slice %arg12[%dma_start3A_758] : memref<5x!tpu.dma_semaphore, #tpu.memory_space<semaphore_mem>> -> memref<1x!tpu.dma_semaphore, #tpu.memory_space<semaphore_mem>>
        %dma_start3A_770 = tpu.memref_squeeze %dma_start3A_769 : memref<1x!tpu.dma_semaphore, #tpu.memory_space<semaphore_mem>> -> memref<!tpu.dma_semaphore, #tpu.memory_space<semaphore_mem>>
        tpu.enqueue_indirect_dma source(%dma_start3A_768 : memref<10240x64xf32, #tpu.memory_space<hbm>>) target(%dma_start3A_762 : memref<128x64xf32, #tpu.memory_space<vmem>>) offsets(%dma_start3A_765 : memref<128xi32, #tpu.memory_space<vmem>>) semaphore(%dma_start3A_770 : memref<!tpu.dma_semaphore, #tpu.memory_space<semaphore_mem>>)
      } else {
      }
    }
    %scan3A_118 = arith.constant 16 : i32
    %dma_wait3A_119 = arith.constant 0 : i32
    %dma_wait3A_120 = arith.constant 0 : i32
    %dma_wait3A_121 = arith.constant 0 : i32
    %dma_wait3A_122 = arith.constant 0 : i32
    %dma_wait3A_123 = tpu.memref_slice %arg9[%dma_wait3A_119, %dma_wait3A_121, %dma_wait3A_122] : memref<5x128x64xf32, #tpu.memory_space<vmem>> -> memref<1x128x64xf32, #tpu.memory_space<vmem>>
    %dma_wait3A_124 = tpu.memref_squeeze %dma_wait3A_123 : memref<1x128x64xf32, #tpu.memory_space<vmem>> -> memref<128x64xf32, #tpu.memory_space<vmem>>
    %dma_wait3A_125 = arith.constant 0 : i32
    %dma_wait3A_126 = arith.constant 0 : i32
    %dma_wait3A_127 = tpu.memref_slice %arg2[%dma_wait3A_125, %dma_wait3A_126] : memref<10240x64xf32, #tpu.memory_space<hbm>> -> memref<128x64xf32, #tpu.memory_space<hbm>>
    %dma_wait3A_128 = tpu.memref_slice %arg13[%dma_wait3A_120] : memref<5x!tpu.dma_semaphore, #tpu.memory_space<semaphore_mem>> -> memref<1x!tpu.dma_semaphore, #tpu.memory_space<semaphore_mem>>
    %dma_wait3A_129 = tpu.memref_squeeze %dma_wait3A_128 : memref<1x!tpu.dma_semaphore, #tpu.memory_space<semaphore_mem>> -> memref<!tpu.dma_semaphore, #tpu.memory_space<semaphore_mem>>
    %dma_wait3A_130 = arith.constant 0 : i32
    %dma_wait3A_131 = arith.constant 0 : i32
    %dma_wait3A_132 = tpu.memref_slice %arg9[%dma_wait3A_119, %dma_wait3A_130, %dma_wait3A_131] : memref<5x128x64xf32, #tpu.memory_space<vmem>> -> memref<1x128x64xf32, #tpu.memory_space<vmem>>
    %dma_wait3A_133 = tpu.memref_squeeze %dma_wait3A_132 : memref<1x128x64xf32, #tpu.memory_space<vmem>> -> memref<128x64xf32, #tpu.memory_space<vmem>>
    %dma_wait3A_134 = arith.constant 0 : i32
    %dma_wait3A_135 = arith.constant 0 : i32
    %dma_wait3A_136 = tpu.memref_slice %arg2[%dma_wait3A_134, %dma_wait3A_135] : memref<10240x64xf32, #tpu.memory_space<hbm>> -> memref<128x64xf32, #tpu.memory_space<hbm>>
    tpu.wait_dma2 semaphore(%dma_wait3A_129 : memref<!tpu.dma_semaphore, #tpu.memory_space<semaphore_mem>>) src(%dma_wait3A_136 : memref<128x64xf32, #tpu.memory_space<hbm>>) dst(%dma_wait3A_133 : memref<128x64xf32, #tpu.memory_space<vmem>>)
    %dma_wait3A_137 = arith.constant 1 : i32
    %dma_wait3A_138 = arith.constant 1 : i32
    %dma_wait3A_139 = arith.constant 0 : i32
    %dma_wait3A_140 = arith.constant 0 : i32
    %dma_wait3A_141 = tpu.memref_slice %arg9[%dma_wait3A_137, %dma_wait3A_139, %dma_wait3A_140] : memref<5x128x64xf32, #tpu.memory_space<vmem>> -> memref<1x128x64xf32, #tpu.memory_space<vmem>>
    %dma_wait3A_142 = tpu.memref_squeeze %dma_wait3A_141 : memref<1x128x64xf32, #tpu.memory_space<vmem>> -> memref<128x64xf32, #tpu.memory_space<vmem>>
    %dma_wait3A_143 = arith.constant 0 : i32
    %dma_wait3A_144 = arith.constant 0 : i32
    %dma_wait3A_145 = tpu.memref_slice %arg2[%dma_wait3A_143, %dma_wait3A_144] : memref<10240x64xf32, #tpu.memory_space<hbm>> -> memref<128x64xf32, #tpu.memory_space<hbm>>
    %dma_wait3A_146 = tpu.memref_slice %arg13[%dma_wait3A_138] : memref<5x!tpu.dma_semaphore, #tpu.memory_space<semaphore_mem>> -> memref<1x!tpu.dma_semaphore, #tpu.memory_space<semaphore_mem>>
    %dma_wait3A_147 = tpu.memref_squeeze %dma_wait3A_146 : memref<1x!tpu.dma_semaphore, #tpu.memory_space<semaphore_mem>> -> memref<!tpu.dma_semaphore, #tpu.memory_space<semaphore_mem>>
    %dma_wait3A_148 = arith.constant 0 : i32
    %dma_wait3A_149 = arith.constant 0 : i32
    %dma_wait3A_150 = tpu.memref_slice %arg9[%dma_wait3A_137, %dma_wait3A_148, %dma_wait3A_149] : memref<5x128x64xf32, #tpu.memory_space<vmem>> -> memref<1x128x64xf32, #tpu.memory_space<vmem>>
    %dma_wait3A_151 = tpu.memref_squeeze %dma_wait3A_150 : memref<1x128x64xf32, #tpu.memory_space<vmem>> -> memref<128x64xf32, #tpu.memory_space<vmem>>
    %dma_wait3A_152 = arith.constant 0 : i32
    %dma_wait3A_153 = arith.constant 0 : i32
    %dma_wait3A_154 = tpu.memref_slice %arg2[%dma_wait3A_152, %dma_wait3A_153] : memref<10240x64xf32, #tpu.memory_space<hbm>> -> memref<128x64xf32, #tpu.memory_space<hbm>>
    tpu.wait_dma2 semaphore(%dma_wait3A_147 : memref<!tpu.dma_semaphore, #tpu.memory_space<semaphore_mem>>) src(%dma_wait3A_154 : memref<128x64xf32, #tpu.memory_space<hbm>>) dst(%dma_wait3A_151 : memref<128x64xf32, #tpu.memory_space<vmem>>)
    %dma_wait3A_155 = arith.constant 2 : i32
    %dma_wait3A_156 = arith.constant 2 : i32
    %dma_wait3A_157 = arith.constant 0 : i32
    %dma_wait3A_158 = arith.constant 0 : i32
    %dma_wait3A_159 = tpu.memref_slice %arg9[%dma_wait3A_155, %dma_wait3A_157, %dma_wait3A_158] : memref<5x128x64xf32, #tpu.memory_space<vmem>> -> memref<1x128x64xf32, #tpu.memory_space<vmem>>
    %dma_wait3A_160 = tpu.memref_squeeze %dma_wait3A_159 : memref<1x128x64xf32, #tpu.memory_space<vmem>> -> memref<128x64xf32, #tpu.memory_space<vmem>>
    %dma_wait3A_161 = arith.constant 0 : i32
    %dma_wait3A_162 = arith.constant 0 : i32
    %dma_wait3A_163 = tpu.memref_slice %arg2[%dma_wait3A_161, %dma_wait3A_162] : memref<10240x64xf32, #tpu.memory_space<hbm>> -> memref<128x64xf32, #tpu.memory_space<hbm>>
    %dma_wait3A_164 = tpu.memref_slice %arg13[%dma_wait3A_156] : memref<5x!tpu.dma_semaphore, #tpu.memory_space<semaphore_mem>> -> memref<1x!tpu.dma_semaphore, #tpu.memory_space<semaphore_mem>>
    %dma_wait3A_165 = tpu.memref_squeeze %dma_wait3A_164 : memref<1x!tpu.dma_semaphore, #tpu.memory_space<semaphore_mem>> -> memref<!tpu.dma_semaphore, #tpu.memory_space<semaphore_mem>>
    %dma_wait3A_166 = arith.constant 0 : i32
    %dma_wait3A_167 = arith.constant 0 : i32
    %dma_wait3A_168 = tpu.memref_slice %arg9[%dma_wait3A_155, %dma_wait3A_166, %dma_wait3A_167] : memref<5x128x64xf32, #tpu.memory_space<vmem>> -> memref<1x128x64xf32, #tpu.memory_space<vmem>>
    %dma_wait3A_169 = tpu.memref_squeeze %dma_wait3A_168 : memref<1x128x64xf32, #tpu.memory_space<vmem>> -> memref<128x64xf32, #tpu.memory_space<vmem>>
    %dma_wait3A_170 = arith.constant 0 : i32
    %dma_wait3A_171 = arith.constant 0 : i32
    %dma_wait3A_172 = tpu.memref_slice %arg2[%dma_wait3A_170, %dma_wait3A_171] : memref<10240x64xf32, #tpu.memory_space<hbm>> -> memref<128x64xf32, #tpu.memory_space<hbm>>
    tpu.wait_dma2 semaphore(%dma_wait3A_165 : memref<!tpu.dma_semaphore, #tpu.memory_space<semaphore_mem>>) src(%dma_wait3A_172 : memref<128x64xf32, #tpu.memory_space<hbm>>) dst(%dma_wait3A_169 : memref<128x64xf32, #tpu.memory_space<vmem>>)
    %dma_wait3A_173 = arith.constant 3 : i32
    %dma_wait3A_174 = arith.constant 3 : i32
    %dma_wait3A_175 = arith.constant 0 : i32
    %dma_wait3A_176 = arith.constant 0 : i32
    %dma_wait3A_177 = tpu.memref_slice %arg9[%dma_wait3A_173, %dma_wait3A_175, %dma_wait3A_176] : memref<5x128x64xf32, #tpu.memory_space<vmem>> -> memref<1x128x64xf32, #tpu.memory_space<vmem>>
    %dma_wait3A_178 = tpu.memref_squeeze %dma_wait3A_177 : memref<1x128x64xf32, #tpu.memory_space<vmem>> -> memref<128x64xf32, #tpu.memory_space<vmem>>
    %dma_wait3A_179 = arith.constant 0 : i32
    %dma_wait3A_180 = arith.constant 0 : i32
    %dma_wait3A_181 = tpu.memref_slice %arg2[%dma_wait3A_179, %dma_wait3A_180] : memref<10240x64xf32, #tpu.memory_space<hbm>> -> memref<128x64xf32, #tpu.memory_space<hbm>>
    %dma_wait3A_182 = tpu.memref_slice %arg13[%dma_wait3A_174] : memref<5x!tpu.dma_semaphore, #tpu.memory_space<semaphore_mem>> -> memref<1x!tpu.dma_semaphore, #tpu.memory_space<semaphore_mem>>
    %dma_wait3A_183 = tpu.memref_squeeze %dma_wait3A_182 : memref<1x!tpu.dma_semaphore, #tpu.memory_space<semaphore_mem>> -> memref<!tpu.dma_semaphore, #tpu.memory_space<semaphore_mem>>
    %dma_wait3A_184 = arith.constant 0 : i32
    %dma_wait3A_185 = arith.constant 0 : i32
    %dma_wait3A_186 = tpu.memref_slice %arg9[%dma_wait3A_173, %dma_wait3A_184, %dma_wait3A_185] : memref<5x128x64xf32, #tpu.memory_space<vmem>> -> memref<1x128x64xf32, #tpu.memory_space<vmem>>
    %dma_wait3A_187 = tpu.memref_squeeze %dma_wait3A_186 : memref<1x128x64xf32, #tpu.memory_space<vmem>> -> memref<128x64xf32, #tpu.memory_space<vmem>>
    %dma_wait3A_188 = arith.constant 0 : i32
    %dma_wait3A_189 = arith.constant 0 : i32
    %dma_wait3A_190 = tpu.memref_slice %arg2[%dma_wait3A_188, %dma_wait3A_189] : memref<10240x64xf32, #tpu.memory_space<hbm>> -> memref<128x64xf32, #tpu.memory_space<hbm>>
    tpu.wait_dma2 semaphore(%dma_wait3A_183 : memref<!tpu.dma_semaphore, #tpu.memory_space<semaphore_mem>>) src(%dma_wait3A_190 : memref<128x64xf32, #tpu.memory_space<hbm>>) dst(%dma_wait3A_187 : memref<128x64xf32, #tpu.memory_space<vmem>>)
    %dma_wait3A_191 = arith.constant 4 : i32
    %dma_wait3A_192 = arith.constant 4 : i32
    %dma_wait3A_193 = arith.constant 0 : i32
    %dma_wait3A_194 = arith.constant 0 : i32
    %dma_wait3A_195 = tpu.memref_slice %arg9[%dma_wait3A_191, %dma_wait3A_193, %dma_wait3A_194] : memref<5x128x64xf32, #tpu.memory_space<vmem>> -> memref<1x128x64xf32, #tpu.memory_space<vmem>>
    %dma_wait3A_196 = tpu.memref_squeeze %dma_wait3A_195 : memref<1x128x64xf32, #tpu.memory_space<vmem>> -> memref<128x64xf32, #tpu.memory_space<vmem>>
    %dma_wait3A_197 = arith.constant 0 : i32
    %dma_wait3A_198 = arith.constant 0 : i32
    %dma_wait3A_199 = tpu.memref_slice %arg2[%dma_wait3A_197, %dma_wait3A_198] : memref<10240x64xf32, #tpu.memory_space<hbm>> -> memref<128x64xf32, #tpu.memory_space<hbm>>
    %dma_wait3A_200 = tpu.memref_slice %arg13[%dma_wait3A_192] : memref<5x!tpu.dma_semaphore, #tpu.memory_space<semaphore_mem>> -> memref<1x!tpu.dma_semaphore, #tpu.memory_space<semaphore_mem>>
    %dma_wait3A_201 = tpu.memref_squeeze %dma_wait3A_200 : memref<1x!tpu.dma_semaphore, #tpu.memory_space<semaphore_mem>> -> memref<!tpu.dma_semaphore, #tpu.memory_space<semaphore_mem>>
    %dma_wait3A_202 = arith.constant 0 : i32
    %dma_wait3A_203 = arith.constant 0 : i32
    %dma_wait3A_204 = tpu.memref_slice %arg9[%dma_wait3A_191, %dma_wait3A_202, %dma_wait3A_203] : memref<5x128x64xf32, #tpu.memory_space<vmem>> -> memref<1x128x64xf32, #tpu.memory_space<vmem>>
    %dma_wait3A_205 = tpu.memref_squeeze %dma_wait3A_204 : memref<1x128x64xf32, #tpu.memory_space<vmem>> -> memref<128x64xf32, #tpu.memory_space<vmem>>
    %dma_wait3A_206 = arith.constant 0 : i32
    %dma_wait3A_207 = arith.constant 0 : i32
    %dma_wait3A_208 = tpu.memref_slice %arg2[%dma_wait3A_206, %dma_wait3A_207] : memref<10240x64xf32, #tpu.memory_space<hbm>> -> memref<128x64xf32, #tpu.memory_space<hbm>>
    tpu.wait_dma2 semaphore(%dma_wait3A_201 : memref<!tpu.dma_semaphore, #tpu.memory_space<semaphore_mem>>) src(%dma_wait3A_208 : memref<128x64xf32, #tpu.memory_space<hbm>>) dst(%dma_wait3A_205 : memref<128x64xf32, #tpu.memory_space<vmem>>)
    %barrier3A_209 = arith.constant 0 : index
    tpu.barrier barrier_id(%barrier3A_209)
    %mul3A_210 = arith.constant 640 : i32
    %mul3A_211 = arith.muli %arg1, %mul3A_210 : i32
    %add3A_212 = arith.constant 0 : i32
    %add3A_213 = arith.addi %mul3A_211, %add3A_212 : i32
    %dma_start3A_214 = arith.constant 0 : i32
    %dma_start3A_215 = arith.constant 0 : i32
    %dma_start3A_216 = arith.constant 0 : i32
    %dma_start3A_217 = arith.constant 0 : i32
    %dma_start3A_218 = tpu.memref_slice %arg9[%dma_start3A_214, %dma_start3A_216, %dma_start3A_217] : memref<5x128x64xf32, #tpu.memory_space<vmem>> -> memref<1x128x64xf32, #tpu.memory_space<vmem>>
    %dma_start3A_219 = tpu.memref_squeeze %dma_start3A_218 : memref<1x128x64xf32, #tpu.memory_space<vmem>> -> memref<128x64xf32, #tpu.memory_space<vmem>>
    %dma_start3A_220 = arith.constant 0 : i32
    %dma_start3A_221 = tpu.memref_slice %arg11[%add3A_213, %dma_start3A_220] : memref<10240x64xf32, #tpu.memory_space<vmem_shared>> -> memref<128x64xf32, #tpu.memory_space<vmem_shared>>
    %dma_start3A_222 = tpu.memref_slice %arg14[%dma_start3A_215] : memref<10x!tpu.dma_semaphore, #tpu.memory_space<semaphore_mem>> -> memref<1x!tpu.dma_semaphore, #tpu.memory_space<semaphore_mem>>
    %dma_start3A_223 = tpu.memref_squeeze %dma_start3A_222 : memref<1x!tpu.dma_semaphore, #tpu.memory_space<semaphore_mem>> -> memref<!tpu.dma_semaphore, #tpu.memory_space<semaphore_mem>>
    %dma_start3A_224 = arith.constant 0 : i32
    %dma_start3A_225 = arith.constant 0 : i32
    %dma_start3A_226 = tpu.memref_slice %arg9[%dma_start3A_214, %dma_start3A_224, %dma_start3A_225] : memref<5x128x64xf32, #tpu.memory_space<vmem>> -> memref<1x128x64xf32, #tpu.memory_space<vmem>>
    %dma_start3A_227 = tpu.memref_squeeze %dma_start3A_226 : memref<1x128x64xf32, #tpu.memory_space<vmem>> -> memref<128x64xf32, #tpu.memory_space<vmem>>
    %dma_start3A_228 = arith.constant 0 : i32
    %dma_start3A_229 = tpu.memref_slice %arg11[%add3A_213, %dma_start3A_228] : memref<10240x64xf32, #tpu.memory_space<vmem_shared>> -> memref<128x64xf32, #tpu.memory_space<vmem_shared>>
    tpu.enqueue_dma source(%dma_start3A_229 : memref<128x64xf32, #tpu.memory_space<vmem_shared>>) target(%dma_start3A_227 : memref<128x64xf32, #tpu.memory_space<vmem>>) target_semaphore(%dma_start3A_223 : memref<!tpu.dma_semaphore, #tpu.memory_space<semaphore_mem>>)
    %mul3A_230 = arith.constant 640 : i32
    %mul3A_231 = arith.muli %arg1, %mul3A_230 : i32
    %add3A_232 = arith.constant 128 : i32
    %add3A_233 = arith.addi %mul3A_231, %add3A_232 : i32
    %dma_start3A_234 = arith.constant 1 : i32
    %dma_start3A_235 = arith.constant 1 : i32
    %dma_start3A_236 = arith.constant 0 : i32
    %dma_start3A_237 = arith.constant 0 : i32
    %dma_start3A_238 = tpu.memref_slice %arg9[%dma_start3A_234, %dma_start3A_236, %dma_start3A_237] : memref<5x128x64xf32, #tpu.memory_space<vmem>> -> memref<1x128x64xf32, #tpu.memory_space<vmem>>
    %dma_start3A_239 = tpu.memref_squeeze %dma_start3A_238 : memref<1x128x64xf32, #tpu.memory_space<vmem>> -> memref<128x64xf32, #tpu.memory_space<vmem>>
    %dma_start3A_240 = arith.constant 0 : i32
    %dma_start3A_241 = tpu.memref_slice %arg11[%add3A_233, %dma_start3A_240] : memref<10240x64xf32, #tpu.memory_space<vmem_shared>> -> memref<128x64xf32, #tpu.memory_space<vmem_shared>>
    %dma_start3A_242 = tpu.memref_slice %arg14[%dma_start3A_235] : memref<10x!tpu.dma_semaphore, #tpu.memory_space<semaphore_mem>> -> memref<1x!tpu.dma_semaphore, #tpu.memory_space<semaphore_mem>>
    %dma_start3A_243 = tpu.memref_squeeze %dma_start3A_242 : memref<1x!tpu.dma_semaphore, #tpu.memory_space<semaphore_mem>> -> memref<!tpu.dma_semaphore, #tpu.memory_space<semaphore_mem>>
    %dma_start3A_244 = arith.constant 0 : i32
    %dma_start3A_245 = arith.constant 0 : i32
    %dma_start3A_246 = tpu.memref_slice %arg9[%dma_start3A_234, %dma_start3A_244, %dma_start3A_245] : memref<5x128x64xf32, #tpu.memory_space<vmem>> -> memref<1x128x64xf32, #tpu.memory_space<vmem>>
    %dma_start3A_247 = tpu.memref_squeeze %dma_start3A_246 : memref<1x128x64xf32, #tpu.memory_space<vmem>> -> memref<128x64xf32, #tpu.memory_space<vmem>>
    %dma_start3A_248 = arith.constant 0 : i32
    %dma_start3A_249 = tpu.memref_slice %arg11[%add3A_233, %dma_start3A_248] : memref<10240x64xf32, #tpu.memory_space<vmem_shared>> -> memref<128x64xf32, #tpu.memory_space<vmem_shared>>
    tpu.enqueue_dma source(%dma_start3A_249 : memref<128x64xf32, #tpu.memory_space<vmem_shared>>) target(%dma_start3A_247 : memref<128x64xf32, #tpu.memory_space<vmem>>) target_semaphore(%dma_start3A_243 : memref<!tpu.dma_semaphore, #tpu.memory_space<semaphore_mem>>)
    %mul3A_250 = arith.constant 640 : i32
    %mul3A_251 = arith.muli %arg1, %mul3A_250 : i32
    %add3A_252 = arith.constant 256 : i32
    %add3A_253 = arith.addi %mul3A_251, %add3A_252 : i32
    %dma_start3A_254 = arith.constant 2 : i32
    %dma_start3A_255 = arith.constant 2 : i32
    %dma_start3A_256 = arith.constant 0 : i32
    %dma_start3A_257 = arith.constant 0 : i32
    %dma_start3A_258 = tpu.memref_slice %arg9[%dma_start3A_254, %dma_start3A_256, %dma_start3A_257] : memref<5x128x64xf32, #tpu.memory_space<vmem>> -> memref<1x128x64xf32, #tpu.memory_space<vmem>>
    %dma_start3A_259 = tpu.memref_squeeze %dma_start3A_258 : memref<1x128x64xf32, #tpu.memory_space<vmem>> -> memref<128x64xf32, #tpu.memory_space<vmem>>
    %dma_start3A_260 = arith.constant 0 : i32
    %dma_start3A_261 = tpu.memref_slice %arg11[%add3A_253, %dma_start3A_260] : memref<10240x64xf32, #tpu.memory_space<vmem_shared>> -> memref<128x64xf32, #tpu.memory_space<vmem_shared>>
    %dma_start3A_262 = tpu.memref_slice %arg14[%dma_start3A_255] : memref<10x!tpu.dma_semaphore, #tpu.memory_space<semaphore_mem>> -> memref<1x!tpu.dma_semaphore, #tpu.memory_space<semaphore_mem>>
    %dma_start3A_263 = tpu.memref_squeeze %dma_start3A_262 : memref<1x!tpu.dma_semaphore, #tpu.memory_space<semaphore_mem>> -> memref<!tpu.dma_semaphore, #tpu.memory_space<semaphore_mem>>
    %dma_start3A_264 = arith.constant 0 : i32
    %dma_start3A_265 = arith.constant 0 : i32
    %dma_start3A_266 = tpu.memref_slice %arg9[%dma_start3A_254, %dma_start3A_264, %dma_start3A_265] : memref<5x128x64xf32, #tpu.memory_space<vmem>> -> memref<1x128x64xf32, #tpu.memory_space<vmem>>
    %dma_start3A_267 = tpu.memref_squeeze %dma_start3A_266 : memref<1x128x64xf32, #tpu.memory_space<vmem>> -> memref<128x64xf32, #tpu.memory_space<vmem>>
    %dma_start3A_268 = arith.constant 0 : i32
    %dma_start3A_269 = tpu.memref_slice %arg11[%add3A_253, %dma_start3A_268] : memref<10240x64xf32, #tpu.memory_space<vmem_shared>> -> memref<128x64xf32, #tpu.memory_space<vmem_shared>>
    tpu.enqueue_dma source(%dma_start3A_269 : memref<128x64xf32, #tpu.memory_space<vmem_shared>>) target(%dma_start3A_267 : memref<128x64xf32, #tpu.memory_space<vmem>>) target_semaphore(%dma_start3A_263 : memref<!tpu.dma_semaphore, #tpu.memory_space<semaphore_mem>>)
    %mul3A_270 = arith.constant 640 : i32
    %mul3A_271 = arith.muli %arg1, %mul3A_270 : i32
    %add3A_272 = arith.constant 384 : i32
    %add3A_273 = arith.addi %mul3A_271, %add3A_272 : i32
    %dma_start3A_274 = arith.constant 3 : i32
    %dma_start3A_275 = arith.constant 3 : i32
    %dma_start3A_276 = arith.constant 0 : i32
    %dma_start3A_277 = arith.constant 0 : i32
    %dma_start3A_278 = tpu.memref_slice %arg9[%dma_start3A_274, %dma_start3A_276, %dma_start3A_277] : memref<5x128x64xf32, #tpu.memory_space<vmem>> -> memref<1x128x64xf32, #tpu.memory_space<vmem>>
    %dma_start3A_279 = tpu.memref_squeeze %dma_start3A_278 : memref<1x128x64xf32, #tpu.memory_space<vmem>> -> memref<128x64xf32, #tpu.memory_space<vmem>>
    %dma_start3A_280 = arith.constant 0 : i32
    %dma_start3A_281 = tpu.memref_slice %arg11[%add3A_273, %dma_start3A_280] : memref<10240x64xf32, #tpu.memory_space<vmem_shared>> -> memref<128x64xf32, #tpu.memory_space<vmem_shared>>
    %dma_start3A_282 = tpu.memref_slice %arg14[%dma_start3A_275] : memref<10x!tpu.dma_semaphore, #tpu.memory_space<semaphore_mem>> -> memref<1x!tpu.dma_semaphore, #tpu.memory_space<semaphore_mem>>
    %dma_start3A_283 = tpu.memref_squeeze %dma_start3A_282 : memref<1x!tpu.dma_semaphore, #tpu.memory_space<semaphore_mem>> -> memref<!tpu.dma_semaphore, #tpu.memory_space<semaphore_mem>>
    %dma_start3A_284 = arith.constant 0 : i32
    %dma_start3A_285 = arith.constant 0 : i32
    %dma_start3A_286 = tpu.memref_slice %arg9[%dma_start3A_274, %dma_start3A_284, %dma_start3A_285] : memref<5x128x64xf32, #tpu.memory_space<vmem>> -> memref<1x128x64xf32, #tpu.memory_space<vmem>>
    %dma_start3A_287 = tpu.memref_squeeze %dma_start3A_286 : memref<1x128x64xf32, #tpu.memory_space<vmem>> -> memref<128x64xf32, #tpu.memory_space<vmem>>
    %dma_start3A_288 = arith.constant 0 : i32
    %dma_start3A_289 = tpu.memref_slice %arg11[%add3A_273, %dma_start3A_288] : memref<10240x64xf32, #tpu.memory_space<vmem_shared>> -> memref<128x64xf32, #tpu.memory_space<vmem_shared>>
    tpu.enqueue_dma source(%dma_start3A_289 : memref<128x64xf32, #tpu.memory_space<vmem_shared>>) target(%dma_start3A_287 : memref<128x64xf32, #tpu.memory_space<vmem>>) target_semaphore(%dma_start3A_283 : memref<!tpu.dma_semaphore, #tpu.memory_space<semaphore_mem>>)
    %mul3A_290 = arith.constant 640 : i32
    %mul3A_291 = arith.muli %arg1, %mul3A_290 : i32
    %add3A_292 = arith.constant 512 : i32
    %add3A_293 = arith.addi %mul3A_291, %add3A_292 : i32
    %dma_start3A_294 = arith.constant 4 : i32
    %dma_start3A_295 = arith.constant 4 : i32
    %dma_start3A_296 = arith.constant 0 : i32
    %dma_start3A_297 = arith.constant 0 : i32
    %dma_start3A_298 = tpu.memref_slice %arg9[%dma_start3A_294, %dma_start3A_296, %dma_start3A_297] : memref<5x128x64xf32, #tpu.memory_space<vmem>> -> memref<1x128x64xf32, #tpu.memory_space<vmem>>
    %dma_start3A_299 = tpu.memref_squeeze %dma_start3A_298 : memref<1x128x64xf32, #tpu.memory_space<vmem>> -> memref<128x64xf32, #tpu.memory_space<vmem>>
    %dma_start3A_300 = arith.constant 0 : i32
    %dma_start3A_301 = tpu.memref_slice %arg11[%add3A_293, %dma_start3A_300] : memref<10240x64xf32, #tpu.memory_space<vmem_shared>> -> memref<128x64xf32, #tpu.memory_space<vmem_shared>>
    %dma_start3A_302 = tpu.memref_slice %arg14[%dma_start3A_295] : memref<10x!tpu.dma_semaphore, #tpu.memory_space<semaphore_mem>> -> memref<1x!tpu.dma_semaphore, #tpu.memory_space<semaphore_mem>>
    %dma_start3A_303 = tpu.memref_squeeze %dma_start3A_302 : memref<1x!tpu.dma_semaphore, #tpu.memory_space<semaphore_mem>> -> memref<!tpu.dma_semaphore, #tpu.memory_space<semaphore_mem>>
    %dma_start3A_304 = arith.constant 0 : i32
    %dma_start3A_305 = arith.constant 0 : i32
    %dma_start3A_306 = tpu.memref_slice %arg9[%dma_start3A_294, %dma_start3A_304, %dma_start3A_305] : memref<5x128x64xf32, #tpu.memory_space<vmem>> -> memref<1x128x64xf32, #tpu.memory_space<vmem>>
    %dma_start3A_307 = tpu.memref_squeeze %dma_start3A_306 : memref<1x128x64xf32, #tpu.memory_space<vmem>> -> memref<128x64xf32, #tpu.memory_space<vmem>>
    %dma_start3A_308 = arith.constant 0 : i32
    %dma_start3A_309 = tpu.memref_slice %arg11[%add3A_293, %dma_start3A_308] : memref<10240x64xf32, #tpu.memory_space<vmem_shared>> -> memref<128x64xf32, #tpu.memory_space<vmem_shared>>
    tpu.enqueue_dma source(%dma_start3A_309 : memref<128x64xf32, #tpu.memory_space<vmem_shared>>) target(%dma_start3A_307 : memref<128x64xf32, #tpu.memory_space<vmem>>) target_semaphore(%dma_start3A_303 : memref<!tpu.dma_semaphore, #tpu.memory_space<semaphore_mem>>)
    %dma_wait3A_310 = arith.constant 0 : i32
    %dma_wait3A_311 = arith.constant 0 : i32
    %dma_wait3A_312 = arith.constant 0 : i32
    %dma_wait3A_313 = arith.constant 0 : i32
    %dma_wait3A_314 = tpu.memref_slice %arg9[%dma_wait3A_310, %dma_wait3A_312, %dma_wait3A_313] : memref<5x128x64xf32, #tpu.memory_space<vmem>> -> memref<1x128x64xf32, #tpu.memory_space<vmem>>
    %dma_wait3A_315 = tpu.memref_squeeze %dma_wait3A_314 : memref<1x128x64xf32, #tpu.memory_space<vmem>> -> memref<128x64xf32, #tpu.memory_space<vmem>>
    %dma_wait3A_316 = tpu.memref_slice %arg14[%dma_wait3A_311] : memref<10x!tpu.dma_semaphore, #tpu.memory_space<semaphore_mem>> -> memref<1x!tpu.dma_semaphore, #tpu.memory_space<semaphore_mem>>
    %dma_wait3A_317 = tpu.memref_squeeze %dma_wait3A_316 : memref<1x!tpu.dma_semaphore, #tpu.memory_space<semaphore_mem>> -> memref<!tpu.dma_semaphore, #tpu.memory_space<semaphore_mem>>
    %dma_wait3A_318 = arith.constant 0 : i32
    %dma_wait3A_319 = arith.constant 0 : i32
    %dma_wait3A_320 = tpu.memref_slice %arg9[%dma_wait3A_310, %dma_wait3A_318, %dma_wait3A_319] : memref<5x128x64xf32, #tpu.memory_space<vmem>> -> memref<1x128x64xf32, #tpu.memory_space<vmem>>
    %dma_wait3A_321 = tpu.memref_squeeze %dma_wait3A_320 : memref<1x128x64xf32, #tpu.memory_space<vmem>> -> memref<128x64xf32, #tpu.memory_space<vmem>>
    tpu.wait_dma2 semaphore(%dma_wait3A_317 : memref<!tpu.dma_semaphore, #tpu.memory_space<semaphore_mem>>) src(%arg5 : memref<128x64xf32, #tpu.memory_space<hbm>>) dst(%dma_wait3A_321 : memref<128x64xf32, #tpu.memory_space<vmem>>)
    %mul3A_322 = arith.constant 640 : i32
    %mul3A_323 = arith.muli %arg1, %mul3A_322 : i32
    %add3A_324 = arith.constant 0 : i32
    %add3A_325 = arith.addi %mul3A_323, %add3A_324 : i32
    %dma_start3A_326 = arith.constant 0 : i32
    %dma_start3A_327 = arith.constant 5 : i32
    %dma_start3A_328 = arith.constant 0 : i32
    %dma_start3A_329 = arith.constant 0 : i32
    %dma_start3A_330 = tpu.memref_slice %arg9[%dma_start3A_326, %dma_start3A_328, %dma_start3A_329] : memref<5x128x64xf32, #tpu.memory_space<vmem>> -> memref<1x128x64xf32, #tpu.memory_space<vmem>>
    %dma_start3A_331 = tpu.memref_squeeze %dma_start3A_330 : memref<1x128x64xf32, #tpu.memory_space<vmem>> -> memref<128x64xf32, #tpu.memory_space<vmem>>
    %dma_start3A_332 = arith.constant 0 : i32
    %dma_start3A_333 = tpu.memref_slice %arg6[%arg0, %add3A_325, %dma_start3A_332] : memref<2x10240x64xf32, #tpu.memory_space<hbm>> -> memref<1x128x64xf32, #tpu.memory_space<hbm>>
    %dma_start3A_334 = tpu.memref_squeeze %dma_start3A_333 : memref<1x128x64xf32, #tpu.memory_space<hbm>> -> memref<128x64xf32, #tpu.memory_space<hbm>>
    %dma_start3A_335 = tpu.memref_slice %arg14[%dma_start3A_327] : memref<10x!tpu.dma_semaphore, #tpu.memory_space<semaphore_mem>> -> memref<1x!tpu.dma_semaphore, #tpu.memory_space<semaphore_mem>>
    %dma_start3A_336 = tpu.memref_squeeze %dma_start3A_335 : memref<1x!tpu.dma_semaphore, #tpu.memory_space<semaphore_mem>> -> memref<!tpu.dma_semaphore, #tpu.memory_space<semaphore_mem>>
    %dma_start3A_337 = arith.constant 0 : i32
    %dma_start3A_338 = tpu.memref_slice %arg6[%arg0, %add3A_325, %dma_start3A_337] : memref<2x10240x64xf32, #tpu.memory_space<hbm>> -> memref<1x128x64xf32, #tpu.memory_space<hbm>>
    %dma_start3A_339 = tpu.memref_squeeze %dma_start3A_338 : memref<1x128x64xf32, #tpu.memory_space<hbm>> -> memref<128x64xf32, #tpu.memory_space<hbm>>
    %dma_start3A_340 = arith.constant 0 : i32
    %dma_start3A_341 = arith.constant 0 : i32
    %dma_start3A_342 = tpu.memref_slice %arg9[%dma_start3A_326, %dma_start3A_340, %dma_start3A_341] : memref<5x128x64xf32, #tpu.memory_space<vmem>> -> memref<1x128x64xf32, #tpu.memory_space<vmem>>
    %dma_start3A_343 = tpu.memref_squeeze %dma_start3A_342 : memref<1x128x64xf32, #tpu.memory_space<vmem>> -> memref<128x64xf32, #tpu.memory_space<vmem>>
    tpu.enqueue_dma source(%dma_start3A_343 : memref<128x64xf32, #tpu.memory_space<vmem>>) target(%dma_start3A_339 : memref<128x64xf32, #tpu.memory_space<hbm>>) target_semaphore(%dma_start3A_336 : memref<!tpu.dma_semaphore, #tpu.memory_space<semaphore_mem>>)
    %dma_wait3A_344 = arith.constant 1 : i32
    %dma_wait3A_345 = arith.constant 1 : i32
    %dma_wait3A_346 = arith.constant 0 : i32
    %dma_wait3A_347 = arith.constant 0 : i32
    %dma_wait3A_348 = tpu.memref_slice %arg9[%dma_wait3A_344, %dma_wait3A_346, %dma_wait3A_347] : memref<5x128x64xf32, #tpu.memory_space<vmem>> -> memref<1x128x64xf32, #tpu.memory_space<vmem>>
    %dma_wait3A_349 = tpu.memref_squeeze %dma_wait3A_348 : memref<1x128x64xf32, #tpu.memory_space<vmem>> -> memref<128x64xf32, #tpu.memory_space<vmem>>
    %dma_wait3A_350 = tpu.memref_slice %arg14[%dma_wait3A_345] : memref<10x!tpu.dma_semaphore, #tpu.memory_space<semaphore_mem>> -> memref<1x!tpu.dma_semaphore, #tpu.memory_space<semaphore_mem>>
    %dma_wait3A_351 = tpu.memref_squeeze %dma_wait3A_350 : memref<1x!tpu.dma_semaphore, #tpu.memory_space<semaphore_mem>> -> memref<!tpu.dma_semaphore, #tpu.memory_space<semaphore_mem>>
    %dma_wait3A_352 = arith.constant 0 : i32
    %dma_wait3A_353 = arith.constant 0 : i32
    %dma_wait3A_354 = tpu.memref_slice %arg9[%dma_wait3A_344, %dma_wait3A_352, %dma_wait3A_353] : memref<5x128x64xf32, #tpu.memory_space<vmem>> -> memref<1x128x64xf32, #tpu.memory_space<vmem>>
    %dma_wait3A_355 = tpu.memref_squeeze %dma_wait3A_354 : memref<1x128x64xf32, #tpu.memory_space<vmem>> -> memref<128x64xf32, #tpu.memory_space<vmem>>
    tpu.wait_dma2 semaphore(%dma_wait3A_351 : memref<!tpu.dma_semaphore, #tpu.memory_space<semaphore_mem>>) src(%arg5 : memref<128x64xf32, #tpu.memory_space<hbm>>) dst(%dma_wait3A_355 : memref<128x64xf32, #tpu.memory_space<vmem>>)
    %mul3A_356 = arith.constant 640 : i32
    %mul3A_357 = arith.muli %arg1, %mul3A_356 : i32
    %add3A_358 = arith.constant 128 : i32
    %add3A_359 = arith.addi %mul3A_357, %add3A_358 : i32
    %dma_start3A_360 = arith.constant 1 : i32
    %dma_start3A_361 = arith.constant 6 : i32
    %dma_start3A_362 = arith.constant 0 : i32
    %dma_start3A_363 = arith.constant 0 : i32
    %dma_start3A_364 = tpu.memref_slice %arg9[%dma_start3A_360, %dma_start3A_362, %dma_start3A_363] : memref<5x128x64xf32, #tpu.memory_space<vmem>> -> memref<1x128x64xf32, #tpu.memory_space<vmem>>
    %dma_start3A_365 = tpu.memref_squeeze %dma_start3A_364 : memref<1x128x64xf32, #tpu.memory_space<vmem>> -> memref<128x64xf32, #tpu.memory_space<vmem>>
    %dma_start3A_366 = arith.constant 0 : i32
    %dma_start3A_367 = tpu.memref_slice %arg6[%arg0, %add3A_359, %dma_start3A_366] : memref<2x10240x64xf32, #tpu.memory_space<hbm>> -> memref<1x128x64xf32, #tpu.memory_space<hbm>>
    %dma_start3A_368 = tpu.memref_squeeze %dma_start3A_367 : memref<1x128x64xf32, #tpu.memory_space<hbm>> -> memref<128x64xf32, #tpu.memory_space<hbm>>
    %dma_start3A_369 = tpu.memref_slice %arg14[%dma_start3A_361] : memref<10x!tpu.dma_semaphore, #tpu.memory_space<semaphore_mem>> -> memref<1x!tpu.dma_semaphore, #tpu.memory_space<semaphore_mem>>
    %dma_start3A_370 = tpu.memref_squeeze %dma_start3A_369 : memref<1x!tpu.dma_semaphore, #tpu.memory_space<semaphore_mem>> -> memref<!tpu.dma_semaphore, #tpu.memory_space<semaphore_mem>>
    %dma_start3A_371 = arith.constant 0 : i32
    %dma_start3A_372 = tpu.memref_slice %arg6[%arg0, %add3A_359, %dma_start3A_371] : memref<2x10240x64xf32, #tpu.memory_space<hbm>> -> memref<1x128x64xf32, #tpu.memory_space<hbm>>
    %dma_start3A_373 = tpu.memref_squeeze %dma_start3A_372 : memref<1x128x64xf32, #tpu.memory_space<hbm>> -> memref<128x64xf32, #tpu.memory_space<hbm>>
    %dma_start3A_374 = arith.constant 0 : i32
    %dma_start3A_375 = arith.constant 0 : i32
    %dma_start3A_376 = tpu.memref_slice %arg9[%dma_start3A_360, %dma_start3A_374, %dma_start3A_375] : memref<5x128x64xf32, #tpu.memory_space<vmem>> -> memref<1x128x64xf32, #tpu.memory_space<vmem>>
    %dma_start3A_377 = tpu.memref_squeeze %dma_start3A_376 : memref<1x128x64xf32, #tpu.memory_space<vmem>> -> memref<128x64xf32, #tpu.memory_space<vmem>>
    tpu.enqueue_dma source(%dma_start3A_377 : memref<128x64xf32, #tpu.memory_space<vmem>>) target(%dma_start3A_373 : memref<128x64xf32, #tpu.memory_space<hbm>>) target_semaphore(%dma_start3A_370 : memref<!tpu.dma_semaphore, #tpu.memory_space<semaphore_mem>>)
    %dma_wait3A_378 = arith.constant 2 : i32
    %dma_wait3A_379 = arith.constant 2 : i32
    %dma_wait3A_380 = arith.constant 0 : i32
    %dma_wait3A_381 = arith.constant 0 : i32
    %dma_wait3A_382 = tpu.memref_slice %arg9[%dma_wait3A_378, %dma_wait3A_380, %dma_wait3A_381] : memref<5x128x64xf32, #tpu.memory_space<vmem>> -> memref<1x128x64xf32, #tpu.memory_space<vmem>>
    %dma_wait3A_383 = tpu.memref_squeeze %dma_wait3A_382 : memref<1x128x64xf32, #tpu.memory_space<vmem>> -> memref<128x64xf32, #tpu.memory_space<vmem>>
    %dma_wait3A_384 = tpu.memref_slice %arg14[%dma_wait3A_379] : memref<10x!tpu.dma_semaphore, #tpu.memory_space<semaphore_mem>> -> memref<1x!tpu.dma_semaphore, #tpu.memory_space<semaphore_mem>>
    %dma_wait3A_385 = tpu.memref_squeeze %dma_wait3A_384 : memref<1x!tpu.dma_semaphore, #tpu.memory_space<semaphore_mem>> -> memref<!tpu.dma_semaphore, #tpu.memory_space<semaphore_mem>>
    %dma_wait3A_386 = arith.constant 0 : i32
    %dma_wait3A_387 = arith.constant 0 : i32
    %dma_wait3A_388 = tpu.memref_slice %arg9[%dma_wait3A_378, %dma_wait3A_386, %dma_wait3A_387] : memref<5x128x64xf32, #tpu.memory_space<vmem>> -> memref<1x128x64xf32, #tpu.memory_space<vmem>>
    %dma_wait3A_389 = tpu.memref_squeeze %dma_wait3A_388 : memref<1x128x64xf32, #tpu.memory_space<vmem>> -> memref<128x64xf32, #tpu.memory_space<vmem>>
    tpu.wait_dma2 semaphore(%dma_wait3A_385 : memref<!tpu.dma_semaphore, #tpu.memory_space<semaphore_mem>>) src(%arg5 : memref<128x64xf32, #tpu.memory_space<hbm>>) dst(%dma_wait3A_389 : memref<128x64xf32, #tpu.memory_space<vmem>>)
    %mul3A_390 = arith.constant 640 : i32
    %mul3A_391 = arith.muli %arg1, %mul3A_390 : i32
    %add3A_392 = arith.constant 256 : i32
    %add3A_393 = arith.addi %mul3A_391, %add3A_392 : i32
    %dma_start3A_394 = arith.constant 2 : i32
    %dma_start3A_395 = arith.constant 7 : i32
    %dma_start3A_396 = arith.constant 0 : i32
    %dma_start3A_397 = arith.constant 0 : i32
    %dma_start3A_398 = tpu.memref_slice %arg9[%dma_start3A_394, %dma_start3A_396, %dma_start3A_397] : memref<5x128x64xf32, #tpu.memory_space<vmem>> -> memref<1x128x64xf32, #tpu.memory_space<vmem>>
    %dma_start3A_399 = tpu.memref_squeeze %dma_start3A_398 : memref<1x128x64xf32, #tpu.memory_space<vmem>> -> memref<128x64xf32, #tpu.memory_space<vmem>>
    %dma_start3A_400 = arith.constant 0 : i32
    %dma_start3A_401 = tpu.memref_slice %arg6[%arg0, %add3A_393, %dma_start3A_400] : memref<2x10240x64xf32, #tpu.memory_space<hbm>> -> memref<1x128x64xf32, #tpu.memory_space<hbm>>
    %dma_start3A_402 = tpu.memref_squeeze %dma_start3A_401 : memref<1x128x64xf32, #tpu.memory_space<hbm>> -> memref<128x64xf32, #tpu.memory_space<hbm>>
    %dma_start3A_403 = tpu.memref_slice %arg14[%dma_start3A_395] : memref<10x!tpu.dma_semaphore, #tpu.memory_space<semaphore_mem>> -> memref<1x!tpu.dma_semaphore, #tpu.memory_space<semaphore_mem>>
    %dma_start3A_404 = tpu.memref_squeeze %dma_start3A_403 : memref<1x!tpu.dma_semaphore, #tpu.memory_space<semaphore_mem>> -> memref<!tpu.dma_semaphore, #tpu.memory_space<semaphore_mem>>
    %dma_start3A_405 = arith.constant 0 : i32
    %dma_start3A_406 = tpu.memref_slice %arg6[%arg0, %add3A_393, %dma_start3A_405] : memref<2x10240x64xf32, #tpu.memory_space<hbm>> -> memref<1x128x64xf32, #tpu.memory_space<hbm>>
    %dma_start3A_407 = tpu.memref_squeeze %dma_start3A_406 : memref<1x128x64xf32, #tpu.memory_space<hbm>> -> memref<128x64xf32, #tpu.memory_space<hbm>>
    %dma_start3A_408 = arith.constant 0 : i32
    %dma_start3A_409 = arith.constant 0 : i32
    %dma_start3A_410 = tpu.memref_slice %arg9[%dma_start3A_394, %dma_start3A_408, %dma_start3A_409] : memref<5x128x64xf32, #tpu.memory_space<vmem>> -> memref<1x128x64xf32, #tpu.memory_space<vmem>>
    %dma_start3A_411 = tpu.memref_squeeze %dma_start3A_410 : memref<1x128x64xf32, #tpu.memory_space<vmem>> -> memref<128x64xf32, #tpu.memory_space<vmem>>
    tpu.enqueue_dma source(%dma_start3A_411 : memref<128x64xf32, #tpu.memory_space<vmem>>) target(%dma_start3A_407 : memref<128x64xf32, #tpu.memory_space<hbm>>) target_semaphore(%dma_start3A_404 : memref<!tpu.dma_semaphore, #tpu.memory_space<semaphore_mem>>)
    %dma_wait3A_412 = arith.constant 3 : i32
    %dma_wait3A_413 = arith.constant 3 : i32
    %dma_wait3A_414 = arith.constant 0 : i32
    %dma_wait3A_415 = arith.constant 0 : i32
    %dma_wait3A_416 = tpu.memref_slice %arg9[%dma_wait3A_412, %dma_wait3A_414, %dma_wait3A_415] : memref<5x128x64xf32, #tpu.memory_space<vmem>> -> memref<1x128x64xf32, #tpu.memory_space<vmem>>
    %dma_wait3A_417 = tpu.memref_squeeze %dma_wait3A_416 : memref<1x128x64xf32, #tpu.memory_space<vmem>> -> memref<128x64xf32, #tpu.memory_space<vmem>>
    %dma_wait3A_418 = tpu.memref_slice %arg14[%dma_wait3A_413] : memref<10x!tpu.dma_semaphore, #tpu.memory_space<semaphore_mem>> -> memref<1x!tpu.dma_semaphore, #tpu.memory_space<semaphore_mem>>
    %dma_wait3A_419 = tpu.memref_squeeze %dma_wait3A_418 : memref<1x!tpu.dma_semaphore, #tpu.memory_space<semaphore_mem>> -> memref<!tpu.dma_semaphore, #tpu.memory_space<semaphore_mem>>
    %dma_wait3A_420 = arith.constant 0 : i32
    %dma_wait3A_421 = arith.constant 0 : i32
    %dma_wait3A_422 = tpu.memref_slice %arg9[%dma_wait3A_412, %dma_wait3A_420, %dma_wait3A_421] : memref<5x128x64xf32, #tpu.memory_space<vmem>> -> memref<1x128x64xf32, #tpu.memory_space<vmem>>
    %dma_wait3A_423 = tpu.memref_squeeze %dma_wait3A_422 : memref<1x128x64xf32, #tpu.memory_space<vmem>> -> memref<128x64xf32, #tpu.memory_space<vmem>>
    tpu.wait_dma2 semaphore(%dma_wait3A_419 : memref<!tpu.dma_semaphore, #tpu.memory_space<semaphore_mem>>) src(%arg5 : memref<128x64xf32, #tpu.memory_space<hbm>>) dst(%dma_wait3A_423 : memref<128x64xf32, #tpu.memory_space<vmem>>)
    %mul3A_424 = arith.constant 640 : i32
    %mul3A_425 = arith.muli %arg1, %mul3A_424 : i32
    %add3A_426 = arith.constant 384 : i32
    %add3A_427 = arith.addi %mul3A_425, %add3A_426 : i32
    %dma_start3A_428 = arith.constant 3 : i32
    %dma_start3A_429 = arith.constant 8 : i32
    %dma_start3A_430 = arith.constant 0 : i32
    %dma_start3A_431 = arith.constant 0 : i32
    %dma_start3A_432 = tpu.memref_slice %arg9[%dma_start3A_428, %dma_start3A_430, %dma_start3A_431] : memref<5x128x64xf32, #tpu.memory_space<vmem>> -> memref<1x128x64xf32, #tpu.memory_space<vmem>>
    %dma_start3A_433 = tpu.memref_squeeze %dma_start3A_432 : memref<1x128x64xf32, #tpu.memory_space<vmem>> -> memref<128x64xf32, #tpu.memory_space<vmem>>
    %dma_start3A_434 = arith.constant 0 : i32
    %dma_start3A_435 = tpu.memref_slice %arg6[%arg0, %add3A_427, %dma_start3A_434] : memref<2x10240x64xf32, #tpu.memory_space<hbm>> -> memref<1x128x64xf32, #tpu.memory_space<hbm>>
    %dma_start3A_436 = tpu.memref_squeeze %dma_start3A_435 : memref<1x128x64xf32, #tpu.memory_space<hbm>> -> memref<128x64xf32, #tpu.memory_space<hbm>>
    %dma_start3A_437 = tpu.memref_slice %arg14[%dma_start3A_429] : memref<10x!tpu.dma_semaphore, #tpu.memory_space<semaphore_mem>> -> memref<1x!tpu.dma_semaphore, #tpu.memory_space<semaphore_mem>>
    %dma_start3A_438 = tpu.memref_squeeze %dma_start3A_437 : memref<1x!tpu.dma_semaphore, #tpu.memory_space<semaphore_mem>> -> memref<!tpu.dma_semaphore, #tpu.memory_space<semaphore_mem>>
    %dma_start3A_439 = arith.constant 0 : i32
    %dma_start3A_440 = tpu.memref_slice %arg6[%arg0, %add3A_427, %dma_start3A_439] : memref<2x10240x64xf32, #tpu.memory_space<hbm>> -> memref<1x128x64xf32, #tpu.memory_space<hbm>>
    %dma_start3A_441 = tpu.memref_squeeze %dma_start3A_440 : memref<1x128x64xf32, #tpu.memory_space<hbm>> -> memref<128x64xf32, #tpu.memory_space<hbm>>
    %dma_start3A_442 = arith.constant 0 : i32
    %dma_start3A_443 = arith.constant 0 : i32
    %dma_start3A_444 = tpu.memref_slice %arg9[%dma_start3A_428, %dma_start3A_442, %dma_start3A_443] : memref<5x128x64xf32, #tpu.memory_space<vmem>> -> memref<1x128x64xf32, #tpu.memory_space<vmem>>
    %dma_start3A_445 = tpu.memref_squeeze %dma_start3A_444 : memref<1x128x64xf32, #tpu.memory_space<vmem>> -> memref<128x64xf32, #tpu.memory_space<vmem>>
    tpu.enqueue_dma source(%dma_start3A_445 : memref<128x64xf32, #tpu.memory_space<vmem>>) target(%dma_start3A_441 : memref<128x64xf32, #tpu.memory_space<hbm>>) target_semaphore(%dma_start3A_438 : memref<!tpu.dma_semaphore, #tpu.memory_space<semaphore_mem>>)
    %dma_wait3A_446 = arith.constant 4 : i32
    %dma_wait3A_447 = arith.constant 4 : i32
    %dma_wait3A_448 = arith.constant 0 : i32
    %dma_wait3A_449 = arith.constant 0 : i32
    %dma_wait3A_450 = tpu.memref_slice %arg9[%dma_wait3A_446, %dma_wait3A_448, %dma_wait3A_449] : memref<5x128x64xf32, #tpu.memory_space<vmem>> -> memref<1x128x64xf32, #tpu.memory_space<vmem>>
    %dma_wait3A_451 = tpu.memref_squeeze %dma_wait3A_450 : memref<1x128x64xf32, #tpu.memory_space<vmem>> -> memref<128x64xf32, #tpu.memory_space<vmem>>
    %dma_wait3A_452 = tpu.memref_slice %arg14[%dma_wait3A_447] : memref<10x!tpu.dma_semaphore, #tpu.memory_space<semaphore_mem>> -> memref<1x!tpu.dma_semaphore, #tpu.memory_space<semaphore_mem>>
    %dma_wait3A_453 = tpu.memref_squeeze %dma_wait3A_452 : memref<1x!tpu.dma_semaphore, #tpu.memory_space<semaphore_mem>> -> memref<!tpu.dma_semaphore, #tpu.memory_space<semaphore_mem>>
    %dma_wait3A_454 = arith.constant 0 : i32
    %dma_wait3A_455 = arith.constant 0 : i32
    %dma_wait3A_456 = tpu.memref_slice %arg9[%dma_wait3A_446, %dma_wait3A_454, %dma_wait3A_455] : memref<5x128x64xf32, #tpu.memory_space<vmem>> -> memref<1x128x64xf32, #tpu.memory_space<vmem>>
    %dma_wait3A_457 = tpu.memref_squeeze %dma_wait3A_456 : memref<1x128x64xf32, #tpu.memory_space<vmem>> -> memref<128x64xf32, #tpu.memory_space<vmem>>
    tpu.wait_dma2 semaphore(%dma_wait3A_453 : memref<!tpu.dma_semaphore, #tpu.memory_space<semaphore_mem>>) src(%arg5 : memref<128x64xf32, #tpu.memory_space<hbm>>) dst(%dma_wait3A_457 : memref<128x64xf32, #tpu.memory_space<vmem>>)
    %mul3A_458 = arith.constant 640 : i32
    %mul3A_459 = arith.muli %arg1, %mul3A_458 : i32
    %add3A_460 = arith.constant 512 : i32
    %add3A_461 = arith.addi %mul3A_459, %add3A_460 : i32
    %dma_start3A_462 = arith.constant 4 : i32
    %dma_start3A_463 = arith.constant 9 : i32
    %dma_start3A_464 = arith.constant 0 : i32
    %dma_start3A_465 = arith.constant 0 : i32
    %dma_start3A_466 = tpu.memref_slice %arg9[%dma_start3A_462, %dma_start3A_464, %dma_start3A_465] : memref<5x128x64xf32, #tpu.memory_space<vmem>> -> memref<1x128x64xf32, #tpu.memory_space<vmem>>
    %dma_start3A_467 = tpu.memref_squeeze %dma_start3A_466 : memref<1x128x64xf32, #tpu.memory_space<vmem>> -> memref<128x64xf32, #tpu.memory_space<vmem>>
    %dma_start3A_468 = arith.constant 0 : i32
    %dma_start3A_469 = tpu.memref_slice %arg6[%arg0, %add3A_461, %dma_start3A_468] : memref<2x10240x64xf32, #tpu.memory_space<hbm>> -> memref<1x128x64xf32, #tpu.memory_space<hbm>>
    %dma_start3A_470 = tpu.memref_squeeze %dma_start3A_469 : memref<1x128x64xf32, #tpu.memory_space<hbm>> -> memref<128x64xf32, #tpu.memory_space<hbm>>
    %dma_start3A_471 = tpu.memref_slice %arg14[%dma_start3A_463] : memref<10x!tpu.dma_semaphore, #tpu.memory_space<semaphore_mem>> -> memref<1x!tpu.dma_semaphore, #tpu.memory_space<semaphore_mem>>
    %dma_start3A_472 = tpu.memref_squeeze %dma_start3A_471 : memref<1x!tpu.dma_semaphore, #tpu.memory_space<semaphore_mem>> -> memref<!tpu.dma_semaphore, #tpu.memory_space<semaphore_mem>>
    %dma_start3A_473 = arith.constant 0 : i32
    %dma_start3A_474 = tpu.memref_slice %arg6[%arg0, %add3A_461, %dma_start3A_473] : memref<2x10240x64xf32, #tpu.memory_space<hbm>> -> memref<1x128x64xf32, #tpu.memory_space<hbm>>
    %dma_start3A_475 = tpu.memref_squeeze %dma_start3A_474 : memref<1x128x64xf32, #tpu.memory_space<hbm>> -> memref<128x64xf32, #tpu.memory_space<hbm>>
    %dma_start3A_476 = arith.constant 0 : i32
    %dma_start3A_477 = arith.constant 0 : i32
    %dma_start3A_478 = tpu.memref_slice %arg9[%dma_start3A_462, %dma_start3A_476, %dma_start3A_477] : memref<5x128x64xf32, #tpu.memory_space<vmem>> -> memref<1x128x64xf32, #tpu.memory_space<vmem>>
    %dma_start3A_479 = tpu.memref_squeeze %dma_start3A_478 : memref<1x128x64xf32, #tpu.memory_space<vmem>> -> memref<128x64xf32, #tpu.memory_space<vmem>>
    tpu.enqueue_dma source(%dma_start3A_479 : memref<128x64xf32, #tpu.memory_space<vmem>>) target(%dma_start3A_475 : memref<128x64xf32, #tpu.memory_space<hbm>>) target_semaphore(%dma_start3A_472 : memref<!tpu.dma_semaphore, #tpu.memory_space<semaphore_mem>>)
    %dma_wait3A_480 = arith.constant 0 : i32
    %dma_wait3A_481 = arith.constant 5 : i32
    %dma_wait3A_482 = arith.constant 0 : i32
    %dma_wait3A_483 = arith.constant 0 : i32
    %dma_wait3A_484 = tpu.memref_slice %arg9[%dma_wait3A_480, %dma_wait3A_482, %dma_wait3A_483] : memref<5x128x64xf32, #tpu.memory_space<vmem>> -> memref<1x128x64xf32, #tpu.memory_space<vmem>>
    %dma_wait3A_485 = tpu.memref_squeeze %dma_wait3A_484 : memref<1x128x64xf32, #tpu.memory_space<vmem>> -> memref<128x64xf32, #tpu.memory_space<vmem>>
    %dma_wait3A_486 = tpu.memref_slice %arg14[%dma_wait3A_481] : memref<10x!tpu.dma_semaphore, #tpu.memory_space<semaphore_mem>> -> memref<1x!tpu.dma_semaphore, #tpu.memory_space<semaphore_mem>>
    %dma_wait3A_487 = tpu.memref_squeeze %dma_wait3A_486 : memref<1x!tpu.dma_semaphore, #tpu.memory_space<semaphore_mem>> -> memref<!tpu.dma_semaphore, #tpu.memory_space<semaphore_mem>>
    %dma_wait3A_488 = arith.constant 0 : i32
    %dma_wait3A_489 = arith.constant 0 : i32
    %dma_wait3A_490 = tpu.memref_slice %arg9[%dma_wait3A_480, %dma_wait3A_488, %dma_wait3A_489] : memref<5x128x64xf32, #tpu.memory_space<vmem>> -> memref<1x128x64xf32, #tpu.memory_space<vmem>>
    %dma_wait3A_491 = tpu.memref_squeeze %dma_wait3A_490 : memref<1x128x64xf32, #tpu.memory_space<vmem>> -> memref<128x64xf32, #tpu.memory_space<vmem>>
    tpu.wait_dma2 semaphore(%dma_wait3A_487 : memref<!tpu.dma_semaphore, #tpu.memory_space<semaphore_mem>>) src(%arg5 : memref<128x64xf32, #tpu.memory_space<hbm>>) dst(%dma_wait3A_491 : memref<128x64xf32, #tpu.memory_space<vmem>>)
    %dma_wait3A_492 = arith.constant 1 : i32
    %dma_wait3A_493 = arith.constant 6 : i32
    %dma_wait3A_494 = arith.constant 0 : i32
    %dma_wait3A_495 = arith.constant 0 : i32
    %dma_wait3A_496 = tpu.memref_slice %arg9[%dma_wait3A_492, %dma_wait3A_494, %dma_wait3A_495] : memref<5x128x64xf32, #tpu.memory_space<vmem>> -> memref<1x128x64xf32, #tpu.memory_space<vmem>>
    %dma_wait3A_497 = tpu.memref_squeeze %dma_wait3A_496 : memref<1x128x64xf32, #tpu.memory_space<vmem>> -> memref<128x64xf32, #tpu.memory_space<vmem>>
    %dma_wait3A_498 = tpu.memref_slice %arg14[%dma_wait3A_493] : memref<10x!tpu.dma_semaphore, #tpu.memory_space<semaphore_mem>> -> memref<1x!tpu.dma_semaphore, #tpu.memory_space<semaphore_mem>>
    %dma_wait3A_499 = tpu.memref_squeeze %dma_wait3A_498 : memref<1x!tpu.dma_semaphore, #tpu.memory_space<semaphore_mem>> -> memref<!tpu.dma_semaphore, #tpu.memory_space<semaphore_mem>>
    %dma_wait3A_500 = arith.constant 0 : i32
    %dma_wait3A_501 = arith.constant 0 : i32
    %dma_wait3A_502 = tpu.memref_slice %arg9[%dma_wait3A_492, %dma_wait3A_500, %dma_wait3A_501] : memref<5x128x64xf32, #tpu.memory_space<vmem>> -> memref<1x128x64xf32, #tpu.memory_space<vmem>>
    %dma_wait3A_503 = tpu.memref_squeeze %dma_wait3A_502 : memref<1x128x64xf32, #tpu.memory_space<vmem>> -> memref<128x64xf32, #tpu.memory_space<vmem>>
    tpu.wait_dma2 semaphore(%dma_wait3A_499 : memref<!tpu.dma_semaphore, #tpu.memory_space<semaphore_mem>>) src(%arg5 : memref<128x64xf32, #tpu.memory_space<hbm>>) dst(%dma_wait3A_503 : memref<128x64xf32, #tpu.memory_space<vmem>>)
    %dma_wait3A_504 = arith.constant 2 : i32
    %dma_wait3A_505 = arith.constant 7 : i32
    %dma_wait3A_506 = arith.constant 0 : i32
    %dma_wait3A_507 = arith.constant 0 : i32
    %dma_wait3A_508 = tpu.memref_slice %arg9[%dma_wait3A_504, %dma_wait3A_506, %dma_wait3A_507] : memref<5x128x64xf32, #tpu.memory_space<vmem>> -> memref<1x128x64xf32, #tpu.memory_space<vmem>>
    %dma_wait3A_509 = tpu.memref_squeeze %dma_wait3A_508 : memref<1x128x64xf32, #tpu.memory_space<vmem>> -> memref<128x64xf32, #tpu.memory_space<vmem>>
    %dma_wait3A_510 = tpu.memref_slice %arg14[%dma_wait3A_505] : memref<10x!tpu.dma_semaphore, #tpu.memory_space<semaphore_mem>> -> memref<1x!tpu.dma_semaphore, #tpu.memory_space<semaphore_mem>>
    %dma_wait3A_511 = tpu.memref_squeeze %dma_wait3A_510 : memref<1x!tpu.dma_semaphore, #tpu.memory_space<semaphore_mem>> -> memref<!tpu.dma_semaphore, #tpu.memory_space<semaphore_mem>>
    %dma_wait3A_512 = arith.constant 0 : i32
    %dma_wait3A_513 = arith.constant 0 : i32
    %dma_wait3A_514 = tpu.memref_slice %arg9[%dma_wait3A_504, %dma_wait3A_512, %dma_wait3A_513] : memref<5x128x64xf32, #tpu.memory_space<vmem>> -> memref<1x128x64xf32, #tpu.memory_space<vmem>>
    %dma_wait3A_515 = tpu.memref_squeeze %dma_wait3A_514 : memref<1x128x64xf32, #tpu.memory_space<vmem>> -> memref<128x64xf32, #tpu.memory_space<vmem>>
    tpu.wait_dma2 semaphore(%dma_wait3A_511 : memref<!tpu.dma_semaphore, #tpu.memory_space<semaphore_mem>>) src(%arg5 : memref<128x64xf32, #tpu.memory_space<hbm>>) dst(%dma_wait3A_515 : memref<128x64xf32, #tpu.memory_space<vmem>>)
    %dma_wait3A_516 = arith.constant 3 : i32
    %dma_wait3A_517 = arith.constant 8 : i32
    %dma_wait3A_518 = arith.constant 0 : i32
    %dma_wait3A_519 = arith.constant 0 : i32
    %dma_wait3A_520 = tpu.memref_slice %arg9[%dma_wait3A_516, %dma_wait3A_518, %dma_wait3A_519] : memref<5x128x64xf32, #tpu.memory_space<vmem>> -> memref<1x128x64xf32, #tpu.memory_space<vmem>>
    %dma_wait3A_521 = tpu.memref_squeeze %dma_wait3A_520 : memref<1x128x64xf32, #tpu.memory_space<vmem>> -> memref<128x64xf32, #tpu.memory_space<vmem>>
    %dma_wait3A_522 = tpu.memref_slice %arg14[%dma_wait3A_517] : memref<10x!tpu.dma_semaphore, #tpu.memory_space<semaphore_mem>> -> memref<1x!tpu.dma_semaphore, #tpu.memory_space<semaphore_mem>>
    %dma_wait3A_523 = tpu.memref_squeeze %dma_wait3A_522 : memref<1x!tpu.dma_semaphore, #tpu.memory_space<semaphore_mem>> -> memref<!tpu.dma_semaphore, #tpu.memory_space<semaphore_mem>>
    %dma_wait3A_524 = arith.constant 0 : i32
    %dma_wait3A_525 = arith.constant 0 : i32
    %dma_wait3A_526 = tpu.memref_slice %arg9[%dma_wait3A_516, %dma_wait3A_524, %dma_wait3A_525] : memref<5x128x64xf32, #tpu.memory_space<vmem>> -> memref<1x128x64xf32, #tpu.memory_space<vmem>>
    %dma_wait3A_527 = tpu.memref_squeeze %dma_wait3A_526 : memref<1x128x64xf32, #tpu.memory_space<vmem>> -> memref<128x64xf32, #tpu.memory_space<vmem>>
    tpu.wait_dma2 semaphore(%dma_wait3A_523 : memref<!tpu.dma_semaphore, #tpu.memory_space<semaphore_mem>>) src(%arg5 : memref<128x64xf32, #tpu.memory_space<hbm>>) dst(%dma_wait3A_527 : memref<128x64xf32, #tpu.memory_space<vmem>>)
    %dma_wait3A_528 = arith.constant 4 : i32
    %dma_wait3A_529 = arith.constant 9 : i32
    %dma_wait3A_530 = arith.constant 0 : i32
    %dma_wait3A_531 = arith.constant 0 : i32
    %dma_wait3A_532 = tpu.memref_slice %arg9[%dma_wait3A_528, %dma_wait3A_530, %dma_wait3A_531] : memref<5x128x64xf32, #tpu.memory_space<vmem>> -> memref<1x128x64xf32, #tpu.memory_space<vmem>>
    %dma_wait3A_533 = tpu.memref_squeeze %dma_wait3A_532 : memref<1x128x64xf32, #tpu.memory_space<vmem>> -> memref<128x64xf32, #tpu.memory_space<vmem>>
    %dma_wait3A_534 = tpu.memref_slice %arg14[%dma_wait3A_529] : memref<10x!tpu.dma_semaphore, #tpu.memory_space<semaphore_mem>> -> memref<1x!tpu.dma_semaphore, #tpu.memory_space<semaphore_mem>>
    %dma_wait3A_535 = tpu.memref_squeeze %dma_wait3A_534 : memref<1x!tpu.dma_semaphore, #tpu.memory_space<semaphore_mem>> -> memref<!tpu.dma_semaphore, #tpu.memory_space<semaphore_mem>>
    %dma_wait3A_536 = arith.constant 0 : i32
    %dma_wait3A_537 = arith.constant 0 : i32
    %dma_wait3A_538 = tpu.memref_slice %arg9[%dma_wait3A_528, %dma_wait3A_536, %dma_wait3A_537] : memref<5x128x64xf32, #tpu.memory_space<vmem>> -> memref<1x128x64xf32, #tpu.memory_space<vmem>>
    %dma_wait3A_539 = tpu.memref_squeeze %dma_wait3A_538 : memref<1x128x64xf32, #tpu.memory_space<vmem>> -> memref<128x64xf32, #tpu.memory_space<vmem>>
    tpu.wait_dma2 semaphore(%dma_wait3A_535 : memref<!tpu.dma_semaphore, #tpu.memory_space<semaphore_mem>>) src(%arg5 : memref<128x64xf32, #tpu.memory_space<hbm>>) dst(%dma_wait3A_539 : memref<128x64xf32, #tpu.memory_space<vmem>>)
    return
  }
}

#map = affine_map<(d0, d1) -> (0, 0, 0)>
#map1 = affine_map<(d0, d1) -> (0)>
#map2 = affine_map<(d0, d1) -> (0, 0)>
module attributes {stable_mosaic.version = 14 : i64} {
  func.func @_deg_body(%arg0: i32, %arg1: i32, %arg2: memref<32x80x128xi32, #tpu.memory_space<hbm>>, %arg3: memref<128xf32, #tpu.memory_space<hbm>>, %arg4: memref<640xf32, #tpu.memory_space<hbm>>, %arg5: memref<2x10240xf32, #tpu.memory_space<hbm>>, %arg6: memref<80x128xi32, #tpu.memory_space<vmem>>, %arg7: memref<128xf32, #tpu.memory_space<vmem>>, %arg8: memref<640xf32, #tpu.memory_space<vmem>>, %arg9: memref<10240xf32, #tpu.memory_space<vmem_shared>>, %arg10: memref<!tpu.dma_semaphore, #tpu.memory_space<semaphore_mem>>) attributes {dimension_semantics = [#tpu.dimension_semantics<core_parallel>, #tpu.dimension_semantics<subcore_parallel>], iteration_bounds = array<i64: 2, 16>, scalar_prefetch = 0 : i64, scratch_operands = 5 : i64, tpu.core_type = #tpu.core_type<sc_vector_subcore>, window_params = [{transform_indices = #map}, {transform_indices = #map1}, {transform_indices = #map1}, {transform_indices = #map2}]} {
    %mul3A = arith.constant 16 : i32
    %mul3A_0 = arith.muli %arg0, %mul3A : i32
    %add3A = arith.addi %mul3A_0, %arg1 : i32
    "tpu.region"() ({
      %run_scoped3A = tpu.sem_alloc : memref<!tpu.dma_semaphore, #tpu.memory_space<semaphore_mem>>
      %dma_start3A = arith.constant 0 : i32
      %dma_start3A_19 = arith.constant 0 : i32
      %dma_start3A_20 = tpu.memref_slice %arg2[%add3A, %dma_start3A, %dma_start3A_19] : memref<32x80x128xi32, #tpu.memory_space<hbm>> -> memref<1x80x128xi32, #tpu.memory_space<hbm>>
      %dma_start3A_21 = tpu.memref_squeeze %dma_start3A_20 : memref<1x80x128xi32, #tpu.memory_space<hbm>> -> memref<80x128xi32, #tpu.memory_space<hbm>>
      %dma_start3A_22 = arith.constant 0 : i32
      %dma_start3A_23 = arith.constant 0 : i32
      %dma_start3A_24 = tpu.memref_slice %arg2[%add3A, %dma_start3A_22, %dma_start3A_23] : memref<32x80x128xi32, #tpu.memory_space<hbm>> -> memref<1x80x128xi32, #tpu.memory_space<hbm>>
      %dma_start3A_25 = tpu.memref_squeeze %dma_start3A_24 : memref<1x80x128xi32, #tpu.memory_space<hbm>> -> memref<80x128xi32, #tpu.memory_space<hbm>>
      tpu.enqueue_dma source(%dma_start3A_25 : memref<80x128xi32, #tpu.memory_space<hbm>>) target(%arg6 : memref<80x128xi32, #tpu.memory_space<vmem>>) target_semaphore(%run_scoped3A : memref<!tpu.dma_semaphore, #tpu.memory_space<semaphore_mem>>)
      %dma_wait3A = arith.constant 0 : i32
      %dma_wait3A_26 = arith.constant 0 : i32
      %dma_wait3A_27 = tpu.memref_slice %arg2[%add3A, %dma_wait3A, %dma_wait3A_26] : memref<32x80x128xi32, #tpu.memory_space<hbm>> -> memref<1x80x128xi32, #tpu.memory_space<hbm>>
      %dma_wait3A_28 = tpu.memref_squeeze %dma_wait3A_27 : memref<1x80x128xi32, #tpu.memory_space<hbm>> -> memref<80x128xi32, #tpu.memory_space<hbm>>
      %dma_wait3A_29 = arith.constant 0 : i32
      %dma_wait3A_30 = arith.constant 0 : i32
      %dma_wait3A_31 = tpu.memref_slice %arg2[%add3A, %dma_wait3A_29, %dma_wait3A_30] : memref<32x80x128xi32, #tpu.memory_space<hbm>> -> memref<1x80x128xi32, #tpu.memory_space<hbm>>
      %dma_wait3A_32 = tpu.memref_squeeze %dma_wait3A_31 : memref<1x80x128xi32, #tpu.memory_space<hbm>> -> memref<80x128xi32, #tpu.memory_space<hbm>>
      tpu.wait_dma2 semaphore(%run_scoped3A : memref<!tpu.dma_semaphore, #tpu.memory_space<semaphore_mem>>) src(%dma_wait3A_32 : memref<80x128xi32, #tpu.memory_space<hbm>>) dst(%arg6 : memref<80x128xi32, #tpu.memory_space<vmem>>)
      tpu.yield
    }) : () -> ()
    "tpu.region"() ({
      %run_scoped3A = tpu.sem_alloc : memref<!tpu.dma_semaphore, #tpu.memory_space<semaphore_mem>>
      tpu.enqueue_dma source(%arg3 : memref<128xf32, #tpu.memory_space<hbm>>) target(%arg7 : memref<128xf32, #tpu.memory_space<vmem>>) target_semaphore(%run_scoped3A : memref<!tpu.dma_semaphore, #tpu.memory_space<semaphore_mem>>)
      tpu.wait_dma2 semaphore(%run_scoped3A : memref<!tpu.dma_semaphore, #tpu.memory_space<semaphore_mem>>) src(%arg3 : memref<128xf32, #tpu.memory_space<hbm>>) dst(%arg7 : memref<128xf32, #tpu.memory_space<vmem>>)
      tpu.yield
    }) : () -> ()
    "tpu.region"() ({
      %run_scoped3A = tpu.sem_alloc : memref<!tpu.dma_semaphore, #tpu.memory_space<semaphore_mem>>
      tpu.enqueue_dma source(%arg4 : memref<640xf32, #tpu.memory_space<hbm>>) target(%arg8 : memref<640xf32, #tpu.memory_space<vmem>>) target_semaphore(%run_scoped3A : memref<!tpu.dma_semaphore, #tpu.memory_space<semaphore_mem>>)
      tpu.wait_dma2 semaphore(%run_scoped3A : memref<!tpu.dma_semaphore, #tpu.memory_space<semaphore_mem>>) src(%arg4 : memref<640xf32, #tpu.memory_space<hbm>>) dst(%arg8 : memref<640xf32, #tpu.memory_space<vmem>>)
      tpu.yield
    }) : () -> ()
    %mul3A_1 = arith.constant 640 : i32
    %mul3A_2 = arith.muli %arg1, %mul3A_1 : i32
    "tpu.region"() ({
      %run_scoped3A = tpu.sem_alloc : memref<!tpu.dma_semaphore, #tpu.memory_space<semaphore_mem>>
      %dma_start3A = tpu.memref_slice %arg9[%mul3A_2] : memref<10240xf32, #tpu.memory_space<vmem_shared>> -> memref<640xf32, #tpu.memory_space<vmem_shared>>
      %dma_start3A_19 = tpu.memref_slice %arg9[%mul3A_2] : memref<10240xf32, #tpu.memory_space<vmem_shared>> -> memref<640xf32, #tpu.memory_space<vmem_shared>>
      tpu.enqueue_dma source(%arg8 : memref<640xf32, #tpu.memory_space<vmem>>) target(%dma_start3A_19 : memref<640xf32, #tpu.memory_space<vmem_shared>>) target_semaphore(%run_scoped3A : memref<!tpu.dma_semaphore, #tpu.memory_space<semaphore_mem>>)
      %dma_wait3A = tpu.memref_slice %arg9[%mul3A_2] : memref<10240xf32, #tpu.memory_space<vmem_shared>> -> memref<640xf32, #tpu.memory_space<vmem_shared>>
      %dma_wait3A_20 = tpu.memref_slice %arg9[%mul3A_2] : memref<10240xf32, #tpu.memory_space<vmem_shared>> -> memref<640xf32, #tpu.memory_space<vmem_shared>>
      tpu.wait_dma2 semaphore(%run_scoped3A : memref<!tpu.dma_semaphore, #tpu.memory_space<semaphore_mem>>) src(%arg8 : memref<640xf32, #tpu.memory_space<vmem>>) dst(%dma_wait3A_20 : memref<640xf32, #tpu.memory_space<vmem_shared>>)
      tpu.yield
    }) : () -> ()
    %barrier3A = arith.constant 0 : index
    tpu.barrier barrier_id(%barrier3A)
    %scan3A = arith.constant 0 : i32
    %scan3A_3 = arith.constant 0 : i32
    %scan3A_4 = arith.constant 80 : i32
    %scan3A_5 = arith.addi %scan3A_3, %scan3A_4 : i32
    %scan3A_6 = arith.constant 1 : i32
    scf.for %scan3A_19 = %scan3A_3 to %scan3A_5 step %scan3A_6  : i32 {
      %dma_start3A = arith.constant 0 : i32
      %dma_start3A_20 = tpu.memref_slice %arg6[%scan3A_19, %dma_start3A] : memref<80x128xi32, #tpu.memory_space<vmem>> -> memref<1x128xi32, #tpu.memory_space<vmem>>
      %dma_start3A_21 = tpu.memref_squeeze %dma_start3A_20 : memref<1x128xi32, #tpu.memory_space<vmem>> -> memref<128xi32, #tpu.memory_space<vmem>>
      %dma_start3A_22 = arith.constant 0 : i32
      %dma_start3A_23 = tpu.memref_slice %arg9[%dma_start3A_22] : memref<10240xf32, #tpu.memory_space<vmem_shared>> -> memref<10240xf32, #tpu.memory_space<vmem_shared>>
      tpu.enqueue_indirect_dma source(%arg7 : memref<128xf32, #tpu.memory_space<vmem>>) target(%dma_start3A_23 : memref<10240xf32, #tpu.memory_space<vmem_shared>>) offsets(%dma_start3A_21 : memref<128xi32, #tpu.memory_space<vmem>>) semaphore(%arg10 : memref<!tpu.dma_semaphore, #tpu.memory_space<semaphore_mem>>) {add = true}
    }
    %scan3A_7 = arith.constant 80 : i32
    %scan3A_8 = arith.constant 0 : i32
    %scan3A_9 = arith.constant 0 : i32
    %scan3A_10 = arith.constant 80 : i32
    %scan3A_11 = arith.addi %scan3A_9, %scan3A_10 : i32
    %scan3A_12 = arith.constant 1 : i32
    scf.for %scan3A_19 = %scan3A_9 to %scan3A_11 step %scan3A_12  : i32 {
      tpu.wait_dma2 semaphore(%arg10 : memref<!tpu.dma_semaphore, #tpu.memory_space<semaphore_mem>>) src(%arg3 : memref<128xf32, #tpu.memory_space<hbm>>) dst(%arg7 : memref<128xf32, #tpu.memory_space<vmem>>)
    }
    %scan3A_13 = arith.constant 80 : i32
    %barrier3A_14 = arith.constant 0 : index
    tpu.barrier barrier_id(%barrier3A_14)
    %mul3A_15 = arith.constant 640 : i32
    %mul3A_16 = arith.muli %arg1, %mul3A_15 : i32
    "tpu.region"() ({
      %run_scoped3A = tpu.sem_alloc : memref<!tpu.dma_semaphore, #tpu.memory_space<semaphore_mem>>
      %dma_start3A = tpu.memref_slice %arg9[%mul3A_16] : memref<10240xf32, #tpu.memory_space<vmem_shared>> -> memref<640xf32, #tpu.memory_space<vmem_shared>>
      %dma_start3A_19 = tpu.memref_slice %arg9[%mul3A_16] : memref<10240xf32, #tpu.memory_space<vmem_shared>> -> memref<640xf32, #tpu.memory_space<vmem_shared>>
      tpu.enqueue_dma source(%dma_start3A_19 : memref<640xf32, #tpu.memory_space<vmem_shared>>) target(%arg8 : memref<640xf32, #tpu.memory_space<vmem>>) target_semaphore(%run_scoped3A : memref<!tpu.dma_semaphore, #tpu.memory_space<semaphore_mem>>)
      %dma_wait3A = tpu.memref_slice %arg9[%mul3A_16] : memref<10240xf32, #tpu.memory_space<vmem_shared>> -> memref<640xf32, #tpu.memory_space<vmem_shared>>
      %dma_wait3A_20 = tpu.memref_slice %arg9[%mul3A_16] : memref<10240xf32, #tpu.memory_space<vmem_shared>> -> memref<640xf32, #tpu.memory_space<vmem_shared>>
      tpu.wait_dma2 semaphore(%run_scoped3A : memref<!tpu.dma_semaphore, #tpu.memory_space<semaphore_mem>>) src(%dma_wait3A_20 : memref<640xf32, #tpu.memory_space<vmem_shared>>) dst(%arg8 : memref<640xf32, #tpu.memory_space<vmem>>)
      tpu.yield
    }) : () -> ()
    %mul3A_17 = arith.constant 640 : i32
    %mul3A_18 = arith.muli %arg1, %mul3A_17 : i32
    "tpu.region"() ({
      %run_scoped3A = tpu.sem_alloc : memref<!tpu.dma_semaphore, #tpu.memory_space<semaphore_mem>>
      %dma_start3A = tpu.memref_slice %arg5[%arg0, %mul3A_18] : memref<2x10240xf32, #tpu.memory_space<hbm>> -> memref<1x640xf32, #tpu.memory_space<hbm>>
      %dma_start3A_19 = tpu.memref_squeeze %dma_start3A : memref<1x640xf32, #tpu.memory_space<hbm>> -> memref<640xf32, #tpu.memory_space<hbm>>
      %dma_start3A_20 = tpu.memref_slice %arg5[%arg0, %mul3A_18] : memref<2x10240xf32, #tpu.memory_space<hbm>> -> memref<1x640xf32, #tpu.memory_space<hbm>>
      %dma_start3A_21 = tpu.memref_squeeze %dma_start3A_20 : memref<1x640xf32, #tpu.memory_space<hbm>> -> memref<640xf32, #tpu.memory_space<hbm>>
      tpu.enqueue_dma source(%arg8 : memref<640xf32, #tpu.memory_space<vmem>>) target(%dma_start3A_21 : memref<640xf32, #tpu.memory_space<hbm>>) target_semaphore(%run_scoped3A : memref<!tpu.dma_semaphore, #tpu.memory_space<semaphore_mem>>)
      %dma_wait3A = tpu.memref_slice %arg5[%arg0, %mul3A_18] : memref<2x10240xf32, #tpu.memory_space<hbm>> -> memref<1x640xf32, #tpu.memory_space<hbm>>
      %dma_wait3A_22 = tpu.memref_squeeze %dma_wait3A : memref<1x640xf32, #tpu.memory_space<hbm>> -> memref<640xf32, #tpu.memory_space<hbm>>
      %dma_wait3A_23 = tpu.memref_slice %arg5[%arg0, %mul3A_18] : memref<2x10240xf32, #tpu.memory_space<hbm>> -> memref<1x640xf32, #tpu.memory_space<hbm>>
      %dma_wait3A_24 = tpu.memref_squeeze %dma_wait3A_23 : memref<1x640xf32, #tpu.memory_space<hbm>> -> memref<640xf32, #tpu.memory_space<hbm>>
      tpu.wait_dma2 semaphore(%run_scoped3A : memref<!tpu.dma_semaphore, #tpu.memory_space<semaphore_mem>>) src(%arg8 : memref<640xf32, #tpu.memory_space<vmem>>) dst(%dma_wait3A_24 : memref<640xf32, #tpu.memory_space<hbm>>)
      tpu.yield
    }) : () -> ()
    return
  }
}

module attributes {stable_mosaic.version = 14 : i64} {
  func.func @_tc_pre_body(%arg0: memref<10000x128xf32, #tpu.memory_space<vmem>>, %arg1: memref<128x64xf32, #tpu.memory_space<vmem>>, %arg2: memref<10240x2xf32, #tpu.memory_space<vmem>>, %arg3: memref<10240x64xf32, #tpu.memory_space<vmem>>, %arg4: memref<10240x1xf32, #tpu.memory_space<vmem>>) attributes {dimension_semantics = [], scalar_prefetch = 0 : i64, scratch_operands = 0 : i64, tpu.core_type = #tpu.core_type<tc>} {
    %get3A = arith.constant 0 : index
    %get3A_0 = arith.constant 0 : index
    %get3A_1 = vector.load %arg2[%get3A, %get3A_0] : memref<10240x2xf32, #tpu.memory_space<vmem>>, vector<10240x1xf32>
    %add3A = arith.constant 0.000000e+00 : f32
    %add3A_2 = vector.broadcast %add3A : f32 to vector<10240x1xf32>
    %add3A_3 = arith.addf %add3A_2, %get3A_1 : vector<10240x1xf32>
    %get3A_4 = arith.constant 0 : index
    %get3A_5 = arith.constant 1 : index
    %get3A_6 = vector.load %arg2[%get3A_4, %get3A_5] : memref<10240x2xf32, #tpu.memory_space<vmem>>, vector<10240x1xf32>
    %add3A_7 = arith.addf %add3A_3, %get3A_6 : vector<10240x1xf32>
    %add3A_8 = arith.constant 1.000000e+00 : f32
    %add3A_9 = vector.broadcast %add3A_8 : f32 to vector<10240x1xf32>
    %add3A_10 = arith.addf %add3A_7, %add3A_9 : vector<10240x1xf32>
    %iota3A = tpu.iota {dimensions = array<i32: 0>} : vector<10240x1xi32>
    %lt3A = arith.constant 10000 : i32
    %lt3A_11 = vector.broadcast %lt3A : i32 to vector<10240x1xi32>
    %lt3A_12 = arith.cmpi slt, %iota3A, %lt3A_11 : vector<10240x1xi32>
    %rsqrt3A = math.rsqrt %add3A_10 : vector<10240x1xf32>
    %jit3A = arith.constant 0.000000e+00 : f32
    %broadcast_in_dim3A = vector.broadcast %jit3A : f32 to vector<10240x1xf32>
    %select_n3A = arith.select %lt3A_12, %rsqrt3A, %broadcast_in_dim3A : vector<10240x1xi1>, vector<10240x1xf32>
    %get3A_13 = arith.constant 0 : index
    %get3A_14 = arith.constant 0 : index
    %get3A_15 = vector.load %arg0[%get3A_13, %get3A_14] : memref<10000x128xf32, #tpu.memory_space<vmem>>, vector<10000x128xf32>
    %get3A_16 = arith.constant 0 : index
    %get3A_17 = arith.constant 0 : index
    %get3A_18 = vector.load %arg1[%get3A_16, %get3A_17] : memref<128x64xf32, #tpu.memory_space<vmem>>, vector<128x64xf32>
    %dot_general3A = arith.constant dense<0.000000e+00> : vector<10000x64xf32>
    %dot_general3A_19 = tpu.matmul %get3A_15, %get3A_18, %dot_general3A {dimension_numbers = #tpu.dot_dimension_numbers<[1], [0], [0], [1], [0, 0, 1, 1], [], []>, transpose_lhs_hint = false} : vector<10000x128xf32>, vector<128x64xf32>, vector<10000x64xf32> -> vector<10000x64xf32>
    %slice3A = vector.extract_strided_slice %select_n3A {offsets = [0, 0], sizes = [10000, 1], strides = [1, 1]} : vector<10240x1xf32> to vector<10000x1xf32>
    %mul3A = vector.broadcast %slice3A : vector<10000x1xf32> to vector<10000x64xf32>
    %mul3A_20 = arith.mulf %dot_general3A_19, %mul3A : vector<10000x64xf32>
    %swap3A = arith.constant 0 : index
    %swap3A_21 = arith.constant 0 : index
    %swap3A_22 = vector.load %arg3[%swap3A, %swap3A_21] : memref<10240x64xf32, #tpu.memory_space<vmem>>, vector<10000x64xf32>
    tpu.vector_store %arg3[%swap3A, %swap3A_21], %mul3A_20 {strides = array<i32>} : memref<10240x64xf32, #tpu.memory_space<vmem>>, vector<10000x64xf32>,
    %broadcast_in_dim3A_23 = arith.constant 0.000000e+00 : f32
    %broadcast_in_dim3A_24 = vector.broadcast %broadcast_in_dim3A_23 : f32 to vector<240x64xf32>
    %swap3A_25 = arith.constant 10000 : index
    %swap3A_26 = arith.constant 0 : index
    %swap3A_27 = vector.load %arg3[%swap3A_25, %swap3A_26] : memref<10240x64xf32, #tpu.memory_space<vmem>>, vector<240x64xf32>
    tpu.vector_store %arg3[%swap3A_25, %swap3A_26], %broadcast_in_dim3A_24 {strides = array<i32>} : memref<10240x64xf32, #tpu.memory_space<vmem>>, vector<240x64xf32>,
    %swap3A_28 = arith.constant 0 : index
    %swap3A_29 = arith.constant 0 : index
    %swap3A_30 = vector.load %arg4[%swap3A_28, %swap3A_29] : memref<10240x1xf32, #tpu.memory_space<vmem>>, vector<10240x1xf32>
    tpu.vector_store %arg4[%swap3A_28, %swap3A_29], %select_n3A {strides = array<i32>} : memref<10240x1xf32, #tpu.memory_space<vmem>>, vector<10240x1xf32>,
    return
  }
}

module attributes {stable_mosaic.version = 14 : i64} {
  func.func @_tc_mid_body(%arg0: memref<2x10240x64xf32, #tpu.memory_space<vmem>>, %arg1: memref<10240x64xf32, #tpu.memory_space<vmem>>, %arg2: memref<10240x1xf32, #tpu.memory_space<vmem>>, %arg3: memref<1x64xf32, #tpu.memory_space<vmem>>, %arg4: memref<1x64xf32, #tpu.memory_space<vmem>>, %arg5: memref<1x64xf32, #tpu.memory_space<vmem>>, %arg6: memref<64x64xf32, #tpu.memory_space<vmem>>, %arg7: memref<10240x64xf32, #tpu.memory_space<vmem>>) attributes {dimension_semantics = [], scalar_prefetch = 0 : i64, scratch_operands = 0 : i64, tpu.core_type = #tpu.core_type<tc>} {
    %get3A = arith.constant 0 : index
    %get3A_0 = arith.constant 0 : index
    %get3A_1 = vector.load %arg2[%get3A, %get3A_0] : memref<10240x1xf32, #tpu.memory_space<vmem>>, vector<10240x1xf32>
    %get3A_2 = arith.constant 0 : index
    %get3A_3 = arith.constant 0 : index
    %get3A_4 = arith.constant 0 : index
    %get3A_5 = vector.load %arg0[%get3A_2, %get3A_3, %get3A_4] : memref<2x10240x64xf32, #tpu.memory_space<vmem>>, vector<1x10240x64xf32>
    %get3A_6 = vector.shape_cast %get3A_5 : vector<1x10240x64xf32> to vector<10240x64xf32>
    %add3A = arith.constant 0.000000e+00 : f32
    %add3A_7 = vector.broadcast %add3A : f32 to vector<10240x64xf32>
    %add3A_8 = arith.addf %add3A_7, %get3A_6 : vector<10240x64xf32>
    %get3A_9 = arith.constant 1 : index
    %get3A_10 = arith.constant 0 : index
    %get3A_11 = arith.constant 0 : index
    %get3A_12 = vector.load %arg0[%get3A_9, %get3A_10, %get3A_11] : memref<2x10240x64xf32, #tpu.memory_space<vmem>>, vector<1x10240x64xf32>
    %get3A_13 = vector.shape_cast %get3A_12 : vector<1x10240x64xf32> to vector<10240x64xf32>
    %add3A_14 = arith.addf %add3A_8, %get3A_13 : vector<10240x64xf32>
    %get3A_15 = arith.constant 0 : index
    %get3A_16 = arith.constant 0 : index
    %get3A_17 = vector.load %arg1[%get3A_15, %get3A_16] : memref<10240x64xf32, #tpu.memory_space<vmem>>, vector<10240x64xf32>
    %add3A_18 = arith.addf %add3A_14, %get3A_17 : vector<10240x64xf32>
    %mul3A = vector.broadcast %get3A_1 : vector<10240x1xf32> to vector<10240x64xf32>
    %mul3A_19 = arith.mulf %add3A_18, %mul3A : vector<10240x64xf32>
    %get3A_20 = arith.constant 0 : index
    %get3A_21 = arith.constant 0 : index
    %get3A_22 = vector.load %arg3[%get3A_20, %get3A_21] : memref<1x64xf32, #tpu.memory_space<vmem>>, vector<1x64xf32>
    %add3A_23 = vector.broadcast %get3A_22 : vector<1x64xf32> to vector<10240x64xf32>
    %add3A_24 = arith.addf %mul3A_19, %add3A_23 : vector<10240x64xf32>
    %iota3A = tpu.iota {dimensions = array<i32: 0>} : vector<10240x1xi32>
    %lt3A = arith.constant 10000 : i32
    %lt3A_25 = vector.broadcast %lt3A : i32 to vector<10240x1xi32>
    %lt3A_26 = arith.cmpi slt, %iota3A, %lt3A_25 : vector<10240x1xi32>
    %convert_element_type3A = arith.extui %lt3A_26 : vector<10240x1xi1> to vector<10240x1xi32>
    %convert_element_type3A_27 = arith.sitofp %convert_element_type3A : vector<10240x1xi32> to vector<10240x1xf32>
    %mul3A_28 = vector.broadcast %convert_element_type3A_27 : vector<10240x1xf32> to vector<10240x64xf32>
    %mul3A_29 = arith.mulf %add3A_24, %mul3A_28 : vector<10240x64xf32>
    %reduce_sum3A = arith.constant dense<0.000000e+00> : vector<64xf32>
    %reduce_sum3A_30 = vector.multi_reduction <add>, %mul3A_29, %reduce_sum3A [0] : vector<10240x64xf32> to vector<64xf32>
    %broadcast_in_dim3A = vector.shape_cast %reduce_sum3A_30 : vector<64xf32> to vector<1x64xf32>
    %mul3A_31 = arith.constant 9.99999974E-5 : f32
    %mul3A_32 = vector.broadcast %mul3A_31 : f32 to vector<1x64xf32>
    %mul3A_33 = arith.mulf %broadcast_in_dim3A, %mul3A_32 : vector<1x64xf32>
    %sub3A = vector.broadcast %mul3A_33 : vector<1x64xf32> to vector<10240x64xf32>
    %sub3A_34 = arith.subf %add3A_24, %sub3A : vector<10240x64xf32>
    %mul3A_35 = vector.broadcast %convert_element_type3A_27 : vector<10240x1xf32> to vector<10240x64xf32>
    %mul3A_36 = arith.mulf %sub3A_34, %mul3A_35 : vector<10240x64xf32>
    %mul3A_37 = arith.mulf %mul3A_36, %mul3A_36 : vector<10240x64xf32>
    %reduce_sum3A_38 = arith.constant dense<0.000000e+00> : vector<64xf32>
    %reduce_sum3A_39 = vector.multi_reduction <add>, %mul3A_37, %reduce_sum3A_38 [0] : vector<10240x64xf32> to vector<64xf32>
    %broadcast_in_dim3A_40 = vector.shape_cast %reduce_sum3A_39 : vector<64xf32> to vector<1x64xf32>
    %mul3A_41 = arith.constant 9.99999974E-5 : f32
    %mul3A_42 = vector.broadcast %mul3A_41 : f32 to vector<1x64xf32>
    %mul3A_43 = arith.mulf %broadcast_in_dim3A_40, %mul3A_42 : vector<1x64xf32>
    %sub3A_44 = vector.broadcast %mul3A_33 : vector<1x64xf32> to vector<10240x64xf32>
    %sub3A_45 = arith.subf %add3A_24, %sub3A_44 : vector<10240x64xf32>
    %add3A_46 = arith.constant 9.99999974E-6 : f32
    %add3A_47 = vector.broadcast %add3A_46 : f32 to vector<1x64xf32>
    %add3A_48 = arith.addf %mul3A_43, %add3A_47 : vector<1x64xf32>
    %rsqrt3A = math.rsqrt %add3A_48 : vector<1x64xf32>
    %mul3A_49 = vector.broadcast %rsqrt3A : vector<1x64xf32> to vector<10240x64xf32>
    %mul3A_50 = arith.mulf %sub3A_45, %mul3A_49 : vector<10240x64xf32>
    %get3A_51 = arith.constant 0 : index
    %get3A_52 = arith.constant 0 : index
    %get3A_53 = vector.load %arg4[%get3A_51, %get3A_52] : memref<1x64xf32, #tpu.memory_space<vmem>>, vector<1x64xf32>
    %mul3A_54 = vector.broadcast %get3A_53 : vector<1x64xf32> to vector<10240x64xf32>
    %mul3A_55 = arith.mulf %mul3A_50, %mul3A_54 : vector<10240x64xf32>
    %get3A_56 = arith.constant 0 : index
    %get3A_57 = arith.constant 0 : index
    %get3A_58 = vector.load %arg5[%get3A_56, %get3A_57] : memref<1x64xf32, #tpu.memory_space<vmem>>, vector<1x64xf32>
    %add3A_59 = vector.broadcast %get3A_58 : vector<1x64xf32> to vector<10240x64xf32>
    %add3A_60 = arith.addf %mul3A_55, %add3A_59 : vector<10240x64xf32>
    %max3A = arith.constant 0.000000e+00 : f32
    %max3A_61 = vector.broadcast %max3A : f32 to vector<10240x64xf32>
    %max3A_62 = arith.maximumf %add3A_60, %max3A_61 : vector<10240x64xf32>
    %get3A_63 = arith.constant 0 : index
    %get3A_64 = arith.constant 0 : index
    %get3A_65 = vector.load %arg6[%get3A_63, %get3A_64] : memref<64x64xf32, #tpu.memory_space<vmem>>, vector<64x64xf32>
    %dot_general3A = arith.constant dense<0.000000e+00> : vector<10240x64xf32>
    %dot_general3A_66 = tpu.matmul %max3A_62, %get3A_65, %dot_general3A {dimension_numbers = #tpu.dot_dimension_numbers<[1], [0], [0], [1], [0, 0, 1, 1], [], []>, transpose_lhs_hint = false} : vector<10240x64xf32>, vector<64x64xf32>, vector<10240x64xf32> -> vector<10240x64xf32>
    %mul3A_67 = vector.broadcast %get3A_1 : vector<10240x1xf32> to vector<10240x64xf32>
    %mul3A_68 = arith.mulf %dot_general3A_66, %mul3A_67 : vector<10240x64xf32>
    %swap3A = arith.constant 0 : index
    %swap3A_69 = arith.constant 0 : index
    %swap3A_70 = vector.load %arg7[%swap3A, %swap3A_69] : memref<10240x64xf32, #tpu.memory_space<vmem>>, vector<10240x64xf32>
    tpu.vector_store %arg7[%swap3A, %swap3A_69], %mul3A_68 {strides = array<i32>} : memref<10240x64xf32, #tpu.memory_space<vmem>>, vector<10240x64xf32>,
    return
  }
}

module attributes {stable_mosaic.version = 14 : i64} {
  func.func @_tc_mid_body(%arg0: memref<2x10240x64xf32, #tpu.memory_space<vmem>>, %arg1: memref<10240x64xf32, #tpu.memory_space<vmem>>, %arg2: memref<10240x1xf32, #tpu.memory_space<vmem>>, %arg3: memref<1x64xf32, #tpu.memory_space<vmem>>, %arg4: memref<1x64xf32, #tpu.memory_space<vmem>>, %arg5: memref<1x64xf32, #tpu.memory_space<vmem>>, %arg6: memref<64x32xf32, #tpu.memory_space<vmem>>, %arg7: memref<10240x32xf32, #tpu.memory_space<vmem>>) attributes {dimension_semantics = [], scalar_prefetch = 0 : i64, scratch_operands = 0 : i64, tpu.core_type = #tpu.core_type<tc>} {
    %get3A = arith.constant 0 : index
    %get3A_0 = arith.constant 0 : index
    %get3A_1 = vector.load %arg2[%get3A, %get3A_0] : memref<10240x1xf32, #tpu.memory_space<vmem>>, vector<10240x1xf32>
    %get3A_2 = arith.constant 0 : index
    %get3A_3 = arith.constant 0 : index
    %get3A_4 = arith.constant 0 : index
    %get3A_5 = vector.load %arg0[%get3A_2, %get3A_3, %get3A_4] : memref<2x10240x64xf32, #tpu.memory_space<vmem>>, vector<1x10240x64xf32>
    %get3A_6 = vector.shape_cast %get3A_5 : vector<1x10240x64xf32> to vector<10240x64xf32>
    %add3A = arith.constant 0.000000e+00 : f32
    %add3A_7 = vector.broadcast %add3A : f32 to vector<10240x64xf32>
    %add3A_8 = arith.addf %add3A_7, %get3A_6 : vector<10240x64xf32>
    %get3A_9 = arith.constant 1 : index
    %get3A_10 = arith.constant 0 : index
    %get3A_11 = arith.constant 0 : index
    %get3A_12 = vector.load %arg0[%get3A_9, %get3A_10, %get3A_11] : memref<2x10240x64xf32, #tpu.memory_space<vmem>>, vector<1x10240x64xf32>
    %get3A_13 = vector.shape_cast %get3A_12 : vector<1x10240x64xf32> to vector<10240x64xf32>
    %add3A_14 = arith.addf %add3A_8, %get3A_13 : vector<10240x64xf32>
    %get3A_15 = arith.constant 0 : index
    %get3A_16 = arith.constant 0 : index
    %get3A_17 = vector.load %arg1[%get3A_15, %get3A_16] : memref<10240x64xf32, #tpu.memory_space<vmem>>, vector<10240x64xf32>
    %add3A_18 = arith.addf %add3A_14, %get3A_17 : vector<10240x64xf32>
    %mul3A = vector.broadcast %get3A_1 : vector<10240x1xf32> to vector<10240x64xf32>
    %mul3A_19 = arith.mulf %add3A_18, %mul3A : vector<10240x64xf32>
    %get3A_20 = arith.constant 0 : index
    %get3A_21 = arith.constant 0 : index
    %get3A_22 = vector.load %arg3[%get3A_20, %get3A_21] : memref<1x64xf32, #tpu.memory_space<vmem>>, vector<1x64xf32>
    %add3A_23 = vector.broadcast %get3A_22 : vector<1x64xf32> to vector<10240x64xf32>
    %add3A_24 = arith.addf %mul3A_19, %add3A_23 : vector<10240x64xf32>
    %iota3A = tpu.iota {dimensions = array<i32: 0>} : vector<10240x1xi32>
    %lt3A = arith.constant 10000 : i32
    %lt3A_25 = vector.broadcast %lt3A : i32 to vector<10240x1xi32>
    %lt3A_26 = arith.cmpi slt, %iota3A, %lt3A_25 : vector<10240x1xi32>
    %convert_element_type3A = arith.extui %lt3A_26 : vector<10240x1xi1> to vector<10240x1xi32>
    %convert_element_type3A_27 = arith.sitofp %convert_element_type3A : vector<10240x1xi32> to vector<10240x1xf32>
    %mul3A_28 = vector.broadcast %convert_element_type3A_27 : vector<10240x1xf32> to vector<10240x64xf32>
    %mul3A_29 = arith.mulf %add3A_24, %mul3A_28 : vector<10240x64xf32>
    %reduce_sum3A = arith.constant dense<0.000000e+00> : vector<64xf32>
    %reduce_sum3A_30 = vector.multi_reduction <add>, %mul3A_29, %reduce_sum3A [0] : vector<10240x64xf32> to vector<64xf32>
    %broadcast_in_dim3A = vector.shape_cast %reduce_sum3A_30 : vector<64xf32> to vector<1x64xf32>
    %mul3A_31 = arith.constant 9.99999974E-5 : f32
    %mul3A_32 = vector.broadcast %mul3A_31 : f32 to vector<1x64xf32>
    %mul3A_33 = arith.mulf %broadcast_in_dim3A, %mul3A_32 : vector<1x64xf32>
    %sub3A = vector.broadcast %mul3A_33 : vector<1x64xf32> to vector<10240x64xf32>
    %sub3A_34 = arith.subf %add3A_24, %sub3A : vector<10240x64xf32>
    %mul3A_35 = vector.broadcast %convert_element_type3A_27 : vector<10240x1xf32> to vector<10240x64xf32>
    %mul3A_36 = arith.mulf %sub3A_34, %mul3A_35 : vector<10240x64xf32>
    %mul3A_37 = arith.mulf %mul3A_36, %mul3A_36 : vector<10240x64xf32>
    %reduce_sum3A_38 = arith.constant dense<0.000000e+00> : vector<64xf32>
    %reduce_sum3A_39 = vector.multi_reduction <add>, %mul3A_37, %reduce_sum3A_38 [0] : vector<10240x64xf32> to vector<64xf32>
    %broadcast_in_dim3A_40 = vector.shape_cast %reduce_sum3A_39 : vector<64xf32> to vector<1x64xf32>
    %mul3A_41 = arith.constant 9.99999974E-5 : f32
    %mul3A_42 = vector.broadcast %mul3A_41 : f32 to vector<1x64xf32>
    %mul3A_43 = arith.mulf %broadcast_in_dim3A_40, %mul3A_42 : vector<1x64xf32>
    %sub3A_44 = vector.broadcast %mul3A_33 : vector<1x64xf32> to vector<10240x64xf32>
    %sub3A_45 = arith.subf %add3A_24, %sub3A_44 : vector<10240x64xf32>
    %add3A_46 = arith.constant 9.99999974E-6 : f32
    %add3A_47 = vector.broadcast %add3A_46 : f32 to vector<1x64xf32>
    %add3A_48 = arith.addf %mul3A_43, %add3A_47 : vector<1x64xf32>
    %rsqrt3A = math.rsqrt %add3A_48 : vector<1x64xf32>
    %mul3A_49 = vector.broadcast %rsqrt3A : vector<1x64xf32> to vector<10240x64xf32>
    %mul3A_50 = arith.mulf %sub3A_45, %mul3A_49 : vector<10240x64xf32>
    %get3A_51 = arith.constant 0 : index
    %get3A_52 = arith.constant 0 : index
    %get3A_53 = vector.load %arg4[%get3A_51, %get3A_52] : memref<1x64xf32, #tpu.memory_space<vmem>>, vector<1x64xf32>
    %mul3A_54 = vector.broadcast %get3A_53 : vector<1x64xf32> to vector<10240x64xf32>
    %mul3A_55 = arith.mulf %mul3A_50, %mul3A_54 : vector<10240x64xf32>
    %get3A_56 = arith.constant 0 : index
    %get3A_57 = arith.constant 0 : index
    %get3A_58 = vector.load %arg5[%get3A_56, %get3A_57] : memref<1x64xf32, #tpu.memory_space<vmem>>, vector<1x64xf32>
    %add3A_59 = vector.broadcast %get3A_58 : vector<1x64xf32> to vector<10240x64xf32>
    %add3A_60 = arith.addf %mul3A_55, %add3A_59 : vector<10240x64xf32>
    %max3A = arith.constant 0.000000e+00 : f32
    %max3A_61 = vector.broadcast %max3A : f32 to vector<10240x64xf32>
    %max3A_62 = arith.maximumf %add3A_60, %max3A_61 : vector<10240x64xf32>
    %get3A_63 = arith.constant 0 : index
    %get3A_64 = arith.constant 0 : index
    %get3A_65 = vector.load %arg6[%get3A_63, %get3A_64] : memref<64x32xf32, #tpu.memory_space<vmem>>, vector<64x32xf32>
    %dot_general3A = arith.constant dense<0.000000e+00> : vector<10240x32xf32>
    %dot_general3A_66 = tpu.matmul %max3A_62, %get3A_65, %dot_general3A {dimension_numbers = #tpu.dot_dimension_numbers<[1], [0], [0], [1], [0, 0, 1, 1], [], []>, transpose_lhs_hint = false} : vector<10240x64xf32>, vector<64x32xf32>, vector<10240x32xf32> -> vector<10240x32xf32>
    %mul3A_67 = vector.broadcast %get3A_1 : vector<10240x1xf32> to vector<10240x32xf32>
    %mul3A_68 = arith.mulf %dot_general3A_66, %mul3A_67 : vector<10240x32xf32>
    %swap3A = arith.constant 0 : index
    %swap3A_69 = arith.constant 0 : index
    %swap3A_70 = vector.load %arg7[%swap3A, %swap3A_69] : memref<10240x32xf32, #tpu.memory_space<vmem>>, vector<10240x32xf32>
    tpu.vector_store %arg7[%swap3A, %swap3A_69], %mul3A_68 {strides = array<i32>} : memref<10240x32xf32, #tpu.memory_space<vmem>>, vector<10240x32xf32>,
    return
  }
}

module attributes {stable_mosaic.version = 14 : i64} {
  func.func @_tc_fin_body(%arg0: memref<2x10240x32xf32, #tpu.memory_space<vmem>>, %arg1: memref<10240x32xf32, #tpu.memory_space<vmem>>, %arg2: memref<10240x1xf32, #tpu.memory_space<vmem>>, %arg3: memref<1x32xf32, #tpu.memory_space<vmem>>, %arg4: memref<32x1xf32, #tpu.memory_space<vmem>>, %arg5: memref<1x1xf32, #tpu.memory_space<vmem>>, %arg6: memref<10240x1xf32, #tpu.memory_space<vmem>>) attributes {dimension_semantics = [], scalar_prefetch = 0 : i64, scratch_operands = 0 : i64, tpu.core_type = #tpu.core_type<tc>} {
    %get3A = arith.constant 0 : index
    %get3A_0 = arith.constant 0 : index
    %get3A_1 = arith.constant 0 : index
    %get3A_2 = vector.load %arg0[%get3A, %get3A_0, %get3A_1] : memref<2x10240x32xf32, #tpu.memory_space<vmem>>, vector<1x10240x32xf32>
    %get3A_3 = vector.shape_cast %get3A_2 : vector<1x10240x32xf32> to vector<10240x32xf32>
    %add3A = arith.constant 0.000000e+00 : f32
    %add3A_4 = vector.broadcast %add3A : f32 to vector<10240x32xf32>
    %add3A_5 = arith.addf %add3A_4, %get3A_3 : vector<10240x32xf32>
    %get3A_6 = arith.constant 1 : index
    %get3A_7 = arith.constant 0 : index
    %get3A_8 = arith.constant 0 : index
    %get3A_9 = vector.load %arg0[%get3A_6, %get3A_7, %get3A_8] : memref<2x10240x32xf32, #tpu.memory_space<vmem>>, vector<1x10240x32xf32>
    %get3A_10 = vector.shape_cast %get3A_9 : vector<1x10240x32xf32> to vector<10240x32xf32>
    %add3A_11 = arith.addf %add3A_5, %get3A_10 : vector<10240x32xf32>
    %get3A_12 = arith.constant 0 : index
    %get3A_13 = arith.constant 0 : index
    %get3A_14 = vector.load %arg1[%get3A_12, %get3A_13] : memref<10240x32xf32, #tpu.memory_space<vmem>>, vector<10240x32xf32>
    %add3A_15 = arith.addf %add3A_11, %get3A_14 : vector<10240x32xf32>
    %get3A_16 = arith.constant 0 : index
    %get3A_17 = arith.constant 0 : index
    %get3A_18 = vector.load %arg2[%get3A_16, %get3A_17] : memref<10240x1xf32, #tpu.memory_space<vmem>>, vector<10240x1xf32>
    %mul3A = vector.broadcast %get3A_18 : vector<10240x1xf32> to vector<10240x32xf32>
    %mul3A_19 = arith.mulf %add3A_15, %mul3A : vector<10240x32xf32>
    %get3A_20 = arith.constant 0 : index
    %get3A_21 = arith.constant 0 : index
    %get3A_22 = vector.load %arg3[%get3A_20, %get3A_21] : memref<1x32xf32, #tpu.memory_space<vmem>>, vector<1x32xf32>
    %add3A_23 = vector.broadcast %get3A_22 : vector<1x32xf32> to vector<10240x32xf32>
    %add3A_24 = arith.addf %mul3A_19, %add3A_23 : vector<10240x32xf32>
    %max3A = arith.constant 0.000000e+00 : f32
    %max3A_25 = vector.broadcast %max3A : f32 to vector<10240x32xf32>
    %max3A_26 = arith.maximumf %add3A_24, %max3A_25 : vector<10240x32xf32>
    %get3A_27 = arith.constant 0 : index
    %get3A_28 = arith.constant 0 : index
    %get3A_29 = vector.load %arg4[%get3A_27, %get3A_28] : memref<32x1xf32, #tpu.memory_space<vmem>>, vector<32x1xf32>
    %dot_general3A = arith.constant dense<0.000000e+00> : vector<10240x1xf32>
    %dot_general3A_30 = tpu.matmul %max3A_26, %get3A_29, %dot_general3A {dimension_numbers = #tpu.dot_dimension_numbers<[1], [0], [0], [1], [0, 0, 1, 1], [], []>, transpose_lhs_hint = false} : vector<10240x32xf32>, vector<32x1xf32>, vector<10240x1xf32> -> vector<10240x1xf32>
    %get3A_31 = arith.constant 0 : index
    %get3A_32 = arith.constant 0 : index
    %get3A_33 = vector.load %arg5[%get3A_31, %get3A_32] : memref<1x1xf32, #tpu.memory_space<vmem>>, vector<1x1xf32>
    %add3A_34 = vector.broadcast %get3A_33 : vector<1x1xf32> to vector<10240x1xf32>
    %add3A_35 = arith.addf %dot_general3A_30, %add3A_34 : vector<10240x1xf32>
    %swap3A = arith.constant 0 : index
    %swap3A_36 = arith.constant 0 : index
    %swap3A_37 = vector.load %arg6[%swap3A, %swap3A_36] : memref<10240x1xf32, #tpu.memory_space<vmem>>, vector<10240x1xf32>
    tpu.vector_store %arg6[%swap3A, %swap3A_36], %add3A_35 {strides = array<i32>} : memref<10240x1xf32, #tpu.memory_space<vmem>>, vector<10240x1xf32>,
    return
  }
}

</mosaic_0001>

<sc_bundles>
// kernel: kernel.10.cloned.1.call-start
scs
__scs_entry_jumppad:
0x0: {  	(pc) =	sbr.rel $0x88, $3  }
0x1: {  	(tag) =	ssettag $0x0;
	lr =	simm.s32 $0x1  }
0x2: {  	[smem:$0x3F93] =	sst lr;
	_ =	strace $0xD0000000  }
0x3: {  	_ = 	snop  }
0x4: {  	_ = 	snop  }
0x5: {  	_ = 	snop  }
0x6: {  	_ = 	snop  }
0x7: {  	_ = 	snop  }
__scs_overlays_trampoline_lowered:
0x8: {  	[smem:$0x3FA2] =	sst s0  }
0x9: {  	[smem:$0x3FA3] =	sst s1  }
0xa: {  	[smem:$0x3FA4] =	sst s2  }
0xb: {  	[smem:$0x3FA5] =	sst s3  }
0xc: {  	[smem:$0x3FA6] =	sst s4  }
0xd: {  	[smem:$0x3FA7] =	sst s5  }
0xe: {  	[smem:$0x3FA8] =	sst s6  }
0xf: {  	[smem:$0x3FA9] =	sst s7  }
0x10: {  	[smem:$0x3FAA] =	sst s8  }
0x11: {  	[smem:$0x3FAB] =	sst s9;
	s0 =	simm.s32 @!p0 $0x0  }
0x12: {  	s1 =	sld [smem:$0x3F91];
	s0 =	simm.s32 @p0 $0x1  }
0x13: {  	[smem:$0x3FAC] =	sst s0;
	s0 =	simm.s32 @!p1 $0x0  }
0x14: {  	s2 =	sld [smem:$0x3F90];
	s0 =	simm.s32 @p1 $0x1  }
0x15: {  	[smem:$0x3FAD] =	sst s0;
	s0 =	simm.s32 @!p2 $0x0  }
0x16: {  	s3 =	sld [smem:$0x3FDB];
	s0 =	simm.s32 @p2 $0x1  }
0x17: {  	s4 =	simm.s32 $0x1BF5;
	[smem:$0x3FAF] =	sst s0  }
0x18: {  	s0 =	sld [smem:$0x3F92];
	_ =	swait.ge [sflag:s4], $0x0  }
0x19: {  	s7 =	sld [smem:$0x3F93]  }
0x1a: {  	s8 =	sadd.s32 $0xFFFFE003, lr  }
0x1b: {  	s9 =	sadd.s32 $0xFFFFFEF7, lr;
	s5 =	simm.s32 $0xFFFFFFFF;
	p2 =	slt.u32 s8, $0xFFFFF086  }
0x1c: {  	p1 =	slt.u32 s9, $0xF7A;
	s5 =	simm.s32 @!p2 $0x0  }
0x1d: {  	s5 =	simm.s32 @p1 $0x1;
	p0 =	seq.s32 s7, s2  }
0x1e: {  	s7 =	smul.u32 @!p0 $0xF7A, s2;
	p2 =	seq.s32 @!p0 s5, $0x0  }
0x1f: {  	s9 =	smul.u32 $0xF7A, s1;
	s8 =	simm.s32 @!p0 $0x1BF5;
	p2 =	por !p2, p0  }
0x20: {  	[sflag:s8] =	ssyncset.s32 @!p0 $0xFFFFF086;
	s6 =	sadd.s32 @!p0 s3, s7;
	s7 =	simm.s32 @!p0 $0x108  }
0x21: {  	s3 =	sadd.s32 s3, s9;
	s6 =	sadd.s32 @!p0 $0x88, s6;
	s7 =	simm.s32 @p2 $0x1082  }
0x22: {  	[simem:s7], [sflag:s8] =	dma.local @!p0 [hbm:s6], $0xF7A  }
0x23: {  	s9 =	sor.u32 $0xD0000000, s2;
	s6 =	simm.s32 $0x108;
	_ =	swait.ge @!p0 [sflag:s8], $0x0  }
0x24: {  	s3 =	sadd.s32 $0x88, s3;
	s6 =	simm.s32 @!p1 $0x1082;
	[sflag:s4] =	ssyncset.s32 $0xFFFFF086  }
0x25: {  	[simem:s6], [sflag:s4] =	dma.local [hbm:s3], $0xF7A  }
0x26: {  	[smem:$0x3F93] =	sst s1;
	(tag) =	ssettag s2;
	_ =	strace s9  }
0x27: {  	s1 =	sld [smem:$0x3FA3]  }
0x28: {  	s2 =	sld [smem:$0x3FA4]  }
0x29: {  	s4 =	sld [smem:$0x3FA6]  }
0x2a: {  	p0 =	seq.s32 s5, $0x0;
	s5 =	sld [smem:$0x3FA7]  }
0x2b: {  	s6 =	sld [smem:$0x3FA8]  }
0x2c: {  	s7 =	sld [smem:$0x3FA9]  }
0x2d: {  	s3 =	simm.s32 $0x108;
	s8 =	sld [smem:$0x3FAA]  }
0x2e: {  	s3 =	simm.s32 @!p0 $0x1082;
	s9 =	sld [smem:$0x3FAB]  }
0x2f: {  	lr =	sadd.s32 s0, s3;
	s0 =	sld [smem:$0x3FA2]  }
0x30: {  	s3 =	sld [smem:$0x3FA5]  }
0x31: {  	[smem:$0x3FAE] =	sst s10  }
0x32: {  	s10 =	sld [smem:$0x3FAC];
	_ =	sdelay $0x3  }
0x33: {  	p0 =	seq.s32 s10, $0x1;
	s10 =	sld [smem:$0x3FAE];
	_ =	sdelay $0x3  }
0x34: {  	[smem:$0x3FAE] =	sst s10  }
0x35: {  	s10 =	sld [smem:$0x3FAD];
	_ =	sdelay $0x3  }
0x36: {  	p1 =	seq.s32 s10, $0x1;
	s10 =	sld [smem:$0x3FAE];
	_ =	sdelay $0x3  }
0x37: {  	[smem:$0x3FAE] =	sst s10  }
0x38: {  	s10 =	sld [smem:$0x3FAF]  }
0x39: {  	_ = 	snop;
	(pc) =	sbr.ind lr, $3  }
0x3a: {  	_ = 	snop  }
0x3b: {  	_ = 	snop  }
0x3c: {  	p2 =	seq.s32 s10, $0x1;
	s10 =	sld [smem:$0x3FAE]  }
0x3d: {  	_ =	shalt  }
0x3e: {  	_ =	shalt  }
0x3f: {  	_ =	shalt  }
0x40: {  	_ =	shalt  }
0x41: {  	_ =	shalt  }
0x42: {  	_ =	shalt  }
0x43: {  	_ =	shalt  }
0x44: {  	_ =	shalt  }
0x45: {  	_ =	shalt  }
0x46: {  	_ =	shalt  }
0x47: {  	_ =	shalt  }
0x48: {  	_ =	shalt  }
0x49: {  	_ =	shalt  }
0x4a: {  	_ =	shalt  }
0x4b: {  	_ =	shalt  }
0x4c: {  	_ =	shalt  }
0x4d: {  	_ =	shalt  }
0x4e: {  	_ =	shalt  }
0x4f: {  	_ =	shalt  }
0x50: {  	_ =	shalt  }
0x51: {  	_ =	shalt  }
0x52: {  	_ =	shalt  }
0x53: {  	_ =	shalt  }
0x54: {  	_ =	shalt  }
0x55: {  	_ =	shalt  }
0x56: {  	_ =	shalt  }
0x57: {  	_ =	shalt  }
0x58: {  	_ =	shalt  }
0x59: {  	_ =	shalt  }
0x5a: {  	_ =	shalt  }
0x5b: {  	_ =	shalt  }
0x5c: {  	_ =	shalt  }
0x5d: {  	_ =	shalt  }
0x5e: {  	_ =	shalt  }
0x5f: {  	_ =	shalt  }
0x60: {  	_ =	shalt  }
0x61: {  	_ =	shalt  }
0x62: {  	_ =	shalt  }
0x63: {  	_ =	shalt  }
0x64: {  	_ =	shalt  }
0x65: {  	_ =	shalt  }
0x66: {  	_ =	shalt  }
0x67: {  	_ =	shalt  }
0x68: {  	_ =	shalt  }
0x69: {  	_ =	shalt  }
0x6a: {  	_ =	shalt  }
0x6b: {  	_ =	shalt  }
0x6c: {  	_ =	shalt  }
0x6d: {  	_ =	shalt  }
0x6e: {  	_ =	shalt  }
0x6f: {  	_ =	shalt  }
0x70: {  	_ =	shalt  }
0x71: {  	_ =	shalt  }
0x72: {  	_ =	shalt  }
0x73: {  	_ =	shalt  }
0x74: {  	_ =	shalt  }
0x75: {  	_ =	shalt  }
0x76: {  	_ =	shalt  }
0x77: {  	_ =	shalt  }
0x78: {  	_ =	shalt  }
0x79: {  	_ =	shalt  }
0x7a: {  	_ =	shalt  }
0x7b: {  	_ =	shalt  }
0x7c: {  	_ =	shalt  }
0x7d: {  	_ =	shalt  }
0x7e: {  	_ =	shalt  }
0x7f: {  	_ =	shalt  }
0x80: {  	_ =	shalt  }
0x81: {  	_ =	shalt  }
0x82: {  	_ =	shalt  }
0x83: {  	_ =	shalt  }
0x84: {  	_ =	shalt  }
0x85: {  	_ =	shalt  }
0x86: {  	_ =	shalt  }
0x87: {  	_ =	shalt  }
.Lfunc_end0:
.L_simem_size_0:
called_computation_lowered:
.L_overlay_start_0:
0x88: {  	s2 =	sld [smem:$0x3FD9]  }
0x89: {  	s3 =	sld [smem:$0x3FFE];
	_ =	sdelay $0x1  }
0x8a: {  	s1 =	srdreg.scid  }
0x8b: {  	s0 =	sand.u32 $0x1, s1  }
0x8c: {  	s17 =	sshll.u32 s0, $0xA;
	s2 =	sadd.s32 s3, s2  }
0x8d: {  	s2 =	sadd.s32 s2, s17  }
0x8e: {  	[smem:$0x3FBA] =	sst s2  }
0x8f: {  	_ = 	snop  }
0x90: {  	s2 =	sld [smem:$0x3FD0];
	(tm) =	ssettm $0x1  }
0x91: {  	s18 =	sld [smem:$0x3FFB];
	_ =	sdelay $0x3  }
0x92: {  	_ =	strace s18  }
0x93: {  	s3 =	sld [smem:$0x3FFC];
	_ =	sdelay $0x3  }
0x94: {  	_ =	strace s3  }
0x95: {  	s3 =	sld [smem:$0x3FFD];
	_ =	sdelay $0x3  }
0x96: {  	_ =	strace s3  }
0x97: {  	_ =	strace $0x8FFFFFFF  }
0x98: {  	s19 =	sld [smem:$0x3FDB];
	_ =	sdelay $0x1  }
0x99: {  	s4 =	simm.s32 $_scs_section_size  }
0x9a: {  	s5 =	simm.s32 $_size__tile_overlayer_lowered;
	s6 =	simm.s32 $_tile_overlayer_lowered  }
0x9b: {  	s22 =	simm.s32 $0x1BFF;
	s21 =	sshll.u32 s6, $0x1;
	s3 =	sadd.s32 s4, s19  }
0x9c: {  	s7 =	simm.s32 $0x0;
	s20 =	sshll.u32 s5, $0x1;
	s5 =	sadd.s32 s21, s3  }
0x9d: {  	[timem:s7], [sflag:s22] =	dma.local [hbm:s5], s20  }
0x9e: {  	_ =	swait.ge [sflag:s22], s20  }
0x9f: {  	s4 =	ssub.s32 $0x0, s20;
	[sflag:s22] =	ssyncset.done $0x0  }
0xa0: {  	[sflag:s22] =	ssyncadd.s32 s4;
	_ =	sdelay $0x1  }
0xa1: {  	s23 =	simm.s32 $0x1B8B  }
0xa2: {  	_ =	swait.ge [sflag:s23], $0x1  }
0xa3: {  	[sflag:s23] =	ssyncset.done $0x0  }
0xa4: {  	s25 =	simm.s32 $0x1B8E;
	s24 =	sld [smem:$0x3FFE];
	[sflag:s23] =	ssyncadd.s32 $0xFFFFFFFF  }
0xa5: {  	s26 =	simm.s32 $execute0_lowered;
	[smem:$0x3FD2] =	sst s25  }
0xa6: {  	s5 =	sshll.u32 s26, $0x1;
	_ =	strace $0x80000046;
	[dreg:$0x1] =	wrdreg $0xFFFFFFFF  }
0xa7: {  	s28 =	simm.s32 $_size_execute0_lowered;
	s3 =	sadd.s32 s3, s5;
	[dreg:$0x0] =	wrdreg $0x0  }
0xa8: {  	s5 =	sshll.u32 s28, $0x1;
	[dreg:$0x2] =	wrdreg s3  }
0xa9: {  	[dreg:$0x3] =	wrdreg s5  }
0xaa: {  	[dreg:$0x4] =	wrdreg $0xC0  }
0xab: {  	_ =	task [dreg:s7], $0x5FFFF  }
0xac: {  	[dreg:$0x1] =	wrdreg $0xFFFFFFFF  }
0xad: {  	[dreg:$0x0] =	wrdreg $0x60  }
0xae: {  	[dreg:$0x2] =	wrdreg s24  }
0xaf: {  	[dreg:$0x3] =	wrdreg s2  }
0xb0: {  	[dreg:$0x4] =	wrdreg $0x2B000  }
0xb1: {  	[dreg:$0x5] =	wrdreg $0x9  }
0xb2: {  	_ =	task.clear_ibuf [dreg:s7], $0x6FFFF;
	_ =	strace $0x90000046  }
0xb3: {  	s29 =	simm.s32 $0x9;
	_ =	strace $0x80000048  }
0xb4: {  	_ =	swait.ge [sflag:s29], $0x1  }
0xb5: {  	[sflag:s29] =	ssyncadd.s32 $0xFFFFFFFF  }
0xb6: {  	_ =	strace $0x90000048  }
0xb7: {  	_ =	sfence  }
0xb8: {  	s30 =	sld [smem:$0x0];
	_ =	sdelay $0x2  }
0xb9: {  	s31 =	sshll.u32 s1, $0xD;
	s1 =	sshrl.u32 s1, $0x2  }
0xba: {  	s3 =	sand.u32 $0x4000, s31;
	s1 =	sadd.s32 s1, s30  }
0xbb: {  	s0 =	sor.u32 s3, s0;
	s1 =	sshll.u32 s1, $0x11  }
0xbc: {  	s0 =	sor.u32 s1, s0  }
0xbd: {  	s0 =	sadd.s32 $0x8F2B, s0  }
0xbe: {  	[sflag:s0] =	ssyncadd.remote.s32 $0x1  }
0xbf: {  	_ =	sfence.sel $0xFFFF  }
0xc0: {  	[dreg:$0x0] =	wrdreg $0xFFFFFFFF;
	(pc) =	sbr.abs _section_cstart, $3  }
0xc1: {  	[dreg:$0x1] =	wrdreg $0xFFFFFFFF  }
0xc2: {  	_ =	task.clear_ibuf [dreg:s7], $0x2FFFF;
	_ =	strace $0x9FFFFFFF  }
0xc3: {  	(tm) =	ssettm $0x7FFFFFFF  }
tec
execute0_lowered:
.L_overlay_start_1:
0x0: {  	(tag) =	ssettag $0x1  }
0x1: {  	s6 =	rddreg [dreg:$0x0]  }
0x2: {  	s0 =	srdreg.scid;
	s2 =	rddreg [dreg:$0x1]  }
0x3: {  	s3 =	rddreg [dreg:$0x2];
	s4 =	simm.s32 $0x0;
	s12 =	simm.s32 $0x2880  }
0x4: {  	s13 =	simm.s32 $0x80;
	s5 =	sand.u32 $0x1, s0;
	s0 =	stileid.u32  }
0x5: {  	s14 =	simm.s32 $0x1;
	s15 =	simm.s32 $0x0;
	s8 =	smul.u32 $0x280, s0  }
0x6: {  	[smem:$0x7FF] =	sst s4;
	s1 =	sshll.u32 s5, $0x4;
	s9 =	smul.u32 $0x2800, s5  }
0x7: {  	s10 =	ssub.s32 $0x2, s5;
	s5 =	sadd.s32 $0x16C00, s6;
	s1 =	sor.u32 s0, s1  }
0x8: {  	s11 =	sshrl.u32 s10, $0x1;
	s7 =	smul.u32 $0x500, s1;
	s1 =	rddreg [dreg:$0x3]  }
0x9: {  	_ =	strace $0x80000047;
	s9 =	sadd.s32 s8, s9;
	s10 =	ssub.s32 s10, s11  }
0xa: {  	s11 =	simm.s32 $0x2800;
	s9 =	sshrl.u32 s9, $0x3;
	s7 =	sadd.s32 s7, s6  }
0xb: {  	s9 =	sadd.s32 s9, s6;
	s6 =	sadd.s32 $0x2C00, s7;
	s7 =	sadd.s32 s8, s3  }
0xc: {  	s8 =	sadd.s32 $0x16E00, s9;
	s9 =	smax.u32 s10, $0x1;
	s10 =	simm.s32 $0x2  }
.LBB2_1:
0xd: {  	[tilespmem:s4], [sflag:$0x2] =	stream.linear.gather [hbm4b:s6+s4], $0x2800, $0x38;
	[tilespmem:$0x2D80] =	vst v63  }
0xe: {  	_ =	swait.ge [sflag:s10], $0x2800  }
0xf: {  	[sflag:s10] =	ssyncset.done $0x0  }
0x10: {  	[sflag:s10] =	ssyncadd.s32 $0xFFFFD800  }
0x11: {  	[tilespmem:s11], [sflag:$0x2] =	stream.linear.gather [hbm4b:s5+s4], $0x80, $0x38;
	[tilespmem:$0x2D80] =	vst v63  }
0x12: {  	_ =	swait.ge [sflag:s10], $0x80  }
0x13: {  	[sflag:s10] =	ssyncset.done $0x0  }
0x14: {  	[sflag:s10] =	ssyncadd.s32 $0xFFFFFF80  }
0x15: {  	[tilespmem:s12], [sflag:$0x2] =	stream.linear.gather [hbm4b:s2+s4], $0x280, $0x38;
	[tilespmem:$0x2D80] =	vst v63  }
0x16: {  	_ =	swait.ge [sflag:s10], $0x280  }
0x17: {  	[sflag:s10] =	ssyncset.done $0x0  }
0x18: {  	[sflag:s10] =	ssyncadd.s32 $0xFFFFFD80  }
0x19: {  	[spmem:s7] =	stream.linear.scatter [tilespmem:s12], [sflag:$0x2], $0x280, $0x38;
	[tilespmem:$0x2D80] =	vst v63  }
0x1a: {  	_ =	swait.ge [sflag:s10], $0x280  }
0x1b: {  	[sflag:s10] =	ssyncset.done $0x0  }
0x1c: {  	[sflag:s10] =	ssyncadd.s32 $0xFFFFFD80  }
0x1d: {  	s16 =	simm.s32 $0x0;
	[bflag:$0x0] =	sbarrier.arrive $0xFFFF  }
.LBB2_2:
0x1e: {  	p0 =	sne.s32 s16, $0x9E00  }
.Ltmp0:
0x1f: {  	_ = 	snop;
	(pc) =	sbr.rel @p0 .LBB2_2-.Ltmp0, $3  }
0x20: {  	_ =	sdelay $0x1  }
0x21: {  	s17 =	sshra.s32 s16, $0x2;
	s16 =	sadd.s32 $0x200, s16  }
0x22: {  	[spmem:s3] =	stream.indirect.scatter.add.f32 [tilespmem:s11], [sflag:$0x1], $0x1, s17, s13, $0xb8;
	[tilespmem:$0x2D80] =	vst v63  }
0x23: {  	_ =	swait.ge [sflag:s14], $0x80  }
0x24: {  	s16 =	simm.s32 $0x4F;
	[sflag:s14] =	ssyncset.done $0x0  }
.LBB2_4:
0x25: {  	p0 =	sne.s32 s16, $0x1;
	s16 =	sadd.s32 $0xFFFFFFFF, s16;
	[sflag:s14] =	ssyncadd.s32 $0xFFFFFF80  }
.Ltmp1:
0x26: {  	(pc) =	sbr.rel @p0 .LBB2_4-.Ltmp1, $3  }
0x27: {  	_ =	sdelay $0x1  }
0x28: {  	_ =	swait.ge [sflag:s14], $0x80  }
0x29: {  	[sflag:s14] =	ssyncset.done $0x0  }
0x2a: {  	[sflag:s14] =	ssyncadd.s32 $0xFFFFFF80  }
0x2b: {  	[bflag:$0x0] =	sbarrier.arrive $0xFFFF  }
0x2c: {  	[tilespmem:s12], [sflag:$0x2] =	stream.linear.gather [spmem:s7], $0x280, $0x38;
	[tilespmem:$0x2D80] =	vst v63  }
0x2d: {  	s15 =	sadd.s32 $0x1, s15;
	_ =	swait.ge [sflag:s10], $0x280  }
0x2e: {  	p0 =	sne.s32 s15, s9;
	[sflag:s10] =	ssyncset.done $0x0  }
.Ltmp2:
0x2f: {  	[sflag:s10] =	ssyncadd.s32 $0xFFFFFD80;
	(pc) =	sbr.rel @p0 .LBB2_1-.Ltmp2, $4  }
0x30: {  	[hbm4b:s8+s4] =	stream.linear.scatter [tilespmem:s12], [sflag:$0x2], $0x280, $0x38;
	[tilespmem:$0x2D80] =	vst v63  }
0x31: {  	_ =	swait.ge [sflag:s10], $0x280  }
0x32: {  	[sflag:s10] =	ssyncset.done $0x0  }
0x33: {  	[sflag:s10] =	ssyncadd.s32 $0xFFFFFD80  }
0x34: {  	_ =	sfence.sel $0x180000  }
0x35: {  	[bflag:$0x0] =	sbarrier.arrive $0xFFFF  }
0x36: {  	p0 =	sne.s32 s0, $0x0;
	_ =	strace $0x90000047  }
0x37: {  	s0 =	sadd.s32 @!p0 $0x100000, s1;
	[bflag:$0x2] =	sbarrier.arrive $0xFFFF  }
0x38: {  	[sflag:s0] =	ssyncadd.tile.s32 @!p0 $0x1;
	_ =	shalt  }
.Lfunc_end2:
_tile_overlayer_lowered:
.L_overlay_start_2:
0x39: {  	(tag) =	ssettag $0x2  }
0x3a: {  	s0 =	rddreg [dreg:$0x0];
	s2 =	stileid.u32  }
0x3b: {  	s1 =	rddreg [dreg:$0x1];
	p0 =	sne.s32 s2, $0x0  }
0x3c: {  	s3 =	rddreg [dreg:$0x2];
	[bflag:$0x3] =	sbarrier.arrive $0xFFFF;
	s2 =	simm.s32 @!p0 $0x1C02  }
0x3d: {  	[timem:s3], [sflag:s2] =	dma.local @!p0 [hbm:s0], s1  }
0x3e: {  	s0 =	simm.s32 @!p0 $0x2  }
0x3f: {  	_ =	swait.ge @!p0 [sflag:s0], s1  }
0x40: {  	s1 =	ssub.s32 @!p0 $0x0, s1;
	[sflag:s0] =	ssyncset.done @!p0 $0x0  }
0x41: {  	[sflag:s0] =	ssyncadd.s32 @!p0 s1  }
0x42: {  	[bflag:$0x3] =	sbarrier.arrive $0xFFFF  }
0x43: {  	_ =	shalt  }

// kernel: kernel.13.cloned.1.call-start
scs
__scs_entry_jumppad:
0x0: {  	(pc) =	sbr.rel $0x88, $3  }
0x1: {  	(tag) =	ssettag $0x0;
	lr =	simm.s32 $0x1  }
0x2: {  	[smem:$0x3F93] =	sst lr;
	_ =	strace $0xD0000000  }
0x3: {  	_ = 	snop  }
0x4: {  	_ = 	snop  }
0x5: {  	_ = 	snop  }
0x6: {  	_ = 	snop  }
0x7: {  	_ = 	snop  }
__scs_overlays_trampoline_lowered:
0x8: {  	[smem:$0x3FA2] =	sst s0  }
0x9: {  	[smem:$0x3FA3] =	sst s1  }
0xa: {  	[smem:$0x3FA4] =	sst s2  }
0xb: {  	[smem:$0x3FA5] =	sst s3  }
0xc: {  	[smem:$0x3FA6] =	sst s4  }
0xd: {  	[smem:$0x3FA7] =	sst s5  }
0xe: {  	[smem:$0x3FA8] =	sst s6  }
0xf: {  	[smem:$0x3FA9] =	sst s7  }
0x10: {  	[smem:$0x3FAA] =	sst s8  }
0x11: {  	[smem:$0x3FAB] =	sst s9;
	s0 =	simm.s32 @!p0 $0x0  }
0x12: {  	s1 =	sld [smem:$0x3F91];
	s0 =	simm.s32 @p0 $0x1  }
0x13: {  	[smem:$0x3FAC] =	sst s0;
	s0 =	simm.s32 @!p1 $0x0  }
0x14: {  	s2 =	sld [smem:$0x3F90];
	s0 =	simm.s32 @p1 $0x1  }
0x15: {  	[smem:$0x3FAD] =	sst s0;
	s0 =	simm.s32 @!p2 $0x0  }
0x16: {  	s3 =	sld [smem:$0x3FDB];
	s0 =	simm.s32 @p2 $0x1  }
0x17: {  	s4 =	simm.s32 $0x1BF5;
	[smem:$0x3FAF] =	sst s0  }
0x18: {  	s0 =	sld [smem:$0x3F92];
	_ =	swait.ge [sflag:s4], $0x0  }
0x19: {  	s7 =	sld [smem:$0x3F93]  }
0x1a: {  	s8 =	sadd.s32 $0xFFFFE003, lr  }
0x1b: {  	s9 =	sadd.s32 $0xFFFFFEF7, lr;
	s5 =	simm.s32 $0xFFFFFFFF;
	p2 =	slt.u32 s8, $0xFFFFF086  }
0x1c: {  	p1 =	slt.u32 s9, $0xF7A;
	s5 =	simm.s32 @!p2 $0x0  }
0x1d: {  	s5 =	simm.s32 @p1 $0x1;
	p0 =	seq.s32 s7, s2  }
0x1e: {  	s7 =	smul.u32 @!p0 $0xF7A, s2;
	p2 =	seq.s32 @!p0 s5, $0x0  }
0x1f: {  	s9 =	smul.u32 $0xF7A, s1;
	s8 =	simm.s32 @!p0 $0x1BF5;
	p2 =	por !p2, p0  }
0x20: {  	[sflag:s8] =	ssyncset.s32 @!p0 $0xFFFFF086;
	s6 =	sadd.s32 @!p0 s3, s7;
	s7 =	simm.s32 @!p0 $0x108  }
0x21: {  	s3 =	sadd.s32 s3, s9;
	s6 =	sadd.s32 @!p0 $0x88, s6;
	s7 =	simm.s32 @p2 $0x1082  }
0x22: {  	[simem:s7], [sflag:s8] =	dma.local @!p0 [hbm:s6], $0xF7A  }
0x23: {  	s9 =	sor.u32 $0xD0000000, s2;
	s6 =	simm.s32 $0x108;
	_ =	swait.ge @!p0 [sflag:s8], $0x0  }
0x24: {  	s3 =	sadd.s32 $0x88, s3;
	s6 =	simm.s32 @!p1 $0x1082;
	[sflag:s4] =	ssyncset.s32 $0xFFFFF086  }
0x25: {  	[simem:s6], [sflag:s4] =	dma.local [hbm:s3], $0xF7A  }
0x26: {  	[smem:$0x3F93] =	sst s1;
	(tag) =	ssettag s2;
	_ =	strace s9  }
0x27: {  	s1 =	sld [smem:$0x3FA3]  }
0x28: {  	s2 =	sld [smem:$0x3FA4]  }
0x29: {  	s4 =	sld [smem:$0x3FA6]  }
0x2a: {  	p0 =	seq.s32 s5, $0x0;
	s5 =	sld [smem:$0x3FA7]  }
0x2b: {  	s6 =	sld [smem:$0x3FA8]  }
0x2c: {  	s7 =	sld [smem:$0x3FA9]  }
0x2d: {  	s3 =	simm.s32 $0x108;
	s8 =	sld [smem:$0x3FAA]  }
0x2e: {  	s3 =	simm.s32 @!p0 $0x1082;
	s9 =	sld [smem:$0x3FAB]  }
0x2f: {  	lr =	sadd.s32 s0, s3;
	s0 =	sld [smem:$0x3FA2]  }
0x30: {  	s3 =	sld [smem:$0x3FA5]  }
0x31: {  	[smem:$0x3FAE] =	sst s10  }
0x32: {  	s10 =	sld [smem:$0x3FAC];
	_ =	sdelay $0x3  }
0x33: {  	p0 =	seq.s32 s10, $0x1;
	s10 =	sld [smem:$0x3FAE];
	_ =	sdelay $0x3  }
0x34: {  	[smem:$0x3FAE] =	sst s10  }
0x35: {  	s10 =	sld [smem:$0x3FAD];
	_ =	sdelay $0x3  }
0x36: {  	p1 =	seq.s32 s10, $0x1;
	s10 =	sld [smem:$0x3FAE];
	_ =	sdelay $0x3  }
0x37: {  	[smem:$0x3FAE] =	sst s10  }
0x38: {  	s10 =	sld [smem:$0x3FAF]  }
0x39: {  	_ = 	snop;
	(pc) =	sbr.ind lr, $3  }
0x3a: {  	_ = 	snop  }
0x3b: {  	_ = 	snop  }
0x3c: {  	p2 =	seq.s32 s10, $0x1;
	s10 =	sld [smem:$0x3FAE]  }
0x3d: {  	_ =	shalt  }
0x3e: {  	_ =	shalt  }
0x3f: {  	_ =	shalt  }
0x40: {  	_ =	shalt  }
0x41: {  	_ =	shalt  }
0x42: {  	_ =	shalt  }
0x43: {  	_ =	shalt  }
0x44: {  	_ =	shalt  }
0x45: {  	_ =	shalt  }
0x46: {  	_ =	shalt  }
0x47: {  	_ =	shalt  }
0x48: {  	_ =	shalt  }
0x49: {  	_ =	shalt  }
0x4a: {  	_ =	shalt  }
0x4b: {  	_ =	shalt  }
0x4c: {  	_ =	shalt  }
0x4d: {  	_ =	shalt  }
0x4e: {  	_ =	shalt  }
0x4f: {  	_ =	shalt  }
0x50: {  	_ =	shalt  }
0x51: {  	_ =	shalt  }
0x52: {  	_ =	shalt  }
0x53: {  	_ =	shalt  }
0x54: {  	_ =	shalt  }
0x55: {  	_ =	shalt  }
0x56: {  	_ =	shalt  }
0x57: {  	_ =	shalt  }
0x58: {  	_ =	shalt  }
0x59: {  	_ =	shalt  }
0x5a: {  	_ =	shalt  }
0x5b: {  	_ =	shalt  }
0x5c: {  	_ =	shalt  }
0x5d: {  	_ =	shalt  }
0x5e: {  	_ =	shalt  }
0x5f: {  	_ =	shalt  }
0x60: {  	_ =	shalt  }
0x61: {  	_ =	shalt  }
0x62: {  	_ =	shalt  }
0x63: {  	_ =	shalt  }
0x64: {  	_ =	shalt  }
0x65: {  	_ =	shalt  }
0x66: {  	_ =	shalt  }
0x67: {  	_ =	shalt  }
0x68: {  	_ =	shalt  }
0x69: {  	_ =	shalt  }
0x6a: {  	_ =	shalt  }
0x6b: {  	_ =	shalt  }
0x6c: {  	_ =	shalt  }
0x6d: {  	_ =	shalt  }
0x6e: {  	_ =	shalt  }
0x6f: {  	_ =	shalt  }
0x70: {  	_ =	shalt  }
0x71: {  	_ =	shalt  }
0x72: {  	_ =	shalt  }
0x73: {  	_ =	shalt  }
0x74: {  	_ =	shalt  }
0x75: {  	_ =	shalt  }
0x76: {  	_ =	shalt  }
0x77: {  	_ =	shalt  }
0x78: {  	_ =	shalt  }
0x79: {  	_ =	shalt  }
0x7a: {  	_ =	shalt  }
0x7b: {  	_ =	shalt  }
0x7c: {  	_ =	shalt  }
0x7d: {  	_ =	shalt  }
0x7e: {  	_ =	shalt  }
0x7f: {  	_ =	shalt  }
0x80: {  	_ =	shalt  }
0x81: {  	_ =	shalt  }
0x82: {  	_ =	shalt  }
0x83: {  	_ =	shalt  }
0x84: {  	_ =	shalt  }
0x85: {  	_ =	shalt  }
0x86: {  	_ =	shalt  }
0x87: {  	_ =	shalt  }
.Lfunc_end0:
.L_simem_size_0:
called_computation.1_lowered:
.L_overlay_start_0:
0x88: {  	s2 =	sld [smem:$0x3FD9]  }
0x89: {  	s3 =	sld [smem:$0x3FFE];
	_ =	sdelay $0x1  }
0x8a: {  	s1 =	srdreg.scid  }
0x8b: {  	s0 =	sand.u32 $0x1, s1  }
0x8c: {  	s17 =	sshll.u32 s0, $0xA;
	s2 =	sadd.s32 s3, s2  }
0x8d: {  	s2 =	sadd.s32 s2, s17  }
0x8e: {  	[smem:$0x3FBA] =	sst s2  }
0x8f: {  	_ = 	snop  }
0x90: {  	s2 =	sld [smem:$0x3FD0];
	(tm) =	ssettm $0x1  }
0x91: {  	s18 =	sld [smem:$0x3FFB];
	_ =	sdelay $0x3  }
0x92: {  	_ =	strace s18  }
0x93: {  	s3 =	sld [smem:$0x3FFC];
	_ =	sdelay $0x3  }
0x94: {  	_ =	strace s3  }
0x95: {  	s3 =	sld [smem:$0x3FFD];
	_ =	sdelay $0x3  }
0x96: {  	_ =	strace s3  }
0x97: {  	_ =	strace $0x8FFFFFFF  }
0x98: {  	s19 =	sld [smem:$0x3FDB];
	_ =	sdelay $0x1  }
0x99: {  	s4 =	simm.s32 $_scs_section_size  }
0x9a: {  	s5 =	simm.s32 $_size__tile_overlayer_lowered;
	s6 =	simm.s32 $_tile_overlayer_lowered  }
0x9b: {  	s22 =	simm.s32 $0x1BFF;
	s21 =	sshll.u32 s6, $0x1;
	s3 =	sadd.s32 s4, s19  }
0x9c: {  	s7 =	simm.s32 $0x0;
	s20 =	sshll.u32 s5, $0x1;
	s5 =	sadd.s32 s21, s3  }
0x9d: {  	[timem:s7], [sflag:s22] =	dma.local [hbm:s5], s20  }
0x9e: {  	_ =	swait.ge [sflag:s22], s20  }
0x9f: {  	s4 =	ssub.s32 $0x0, s20;
	[sflag:s22] =	ssyncset.done $0x0  }
0xa0: {  	[sflag:s22] =	ssyncadd.s32 s4;
	_ =	sdelay $0x1  }
0xa1: {  	s23 =	simm.s32 $0x1B8B  }
0xa2: {  	_ =	swait.ge [sflag:s23], $0x1  }
0xa3: {  	[sflag:s23] =	ssyncset.done $0x0  }
0xa4: {  	s25 =	simm.s32 $0x1B8E;
	s24 =	sld [smem:$0x3FFE];
	[sflag:s23] =	ssyncadd.s32 $0xFFFFFFFF  }
0xa5: {  	s26 =	simm.s32 $execute0_lowered;
	[smem:$0x3FD2] =	sst s25  }
0xa6: {  	s5 =	sshll.u32 s26, $0x1;
	_ =	strace $0x80000049;
	[dreg:$0x1] =	wrdreg $0xFFFFFFFF  }
0xa7: {  	s28 =	simm.s32 $_size_execute0_lowered;
	s3 =	sadd.s32 s3, s5;
	[dreg:$0x0] =	wrdreg $0x0  }
0xa8: {  	s5 =	sshll.u32 s28, $0x1;
	[dreg:$0x2] =	wrdreg s3  }
0xa9: {  	[dreg:$0x3] =	wrdreg s5  }
0xaa: {  	[dreg:$0x4] =	wrdreg $0xC0  }
0xab: {  	_ =	task [dreg:s7], $0x5FFFF  }
0xac: {  	[dreg:$0x1] =	wrdreg $0xFFFFFFFF  }
0xad: {  	[dreg:$0x0] =	wrdreg $0x60  }
0xae: {  	[dreg:$0x2] =	wrdreg s24  }
0xaf: {  	[dreg:$0x3] =	wrdreg s2  }
0xb0: {  	[dreg:$0x4] =	wrdreg $0x110000  }
0xb1: {  	[dreg:$0x5] =	wrdreg $0x9  }
0xb2: {  	_ =	task.clear_ibuf [dreg:s7], $0x6FFFF;
	_ =	strace $0x90000049  }
0xb3: {  	s29 =	simm.s32 $0x9;
	_ =	strace $0x8000004B  }
0xb4: {  	_ =	swait.ge [sflag:s29], $0x1  }
0xb5: {  	[sflag:s29] =	ssyncadd.s32 $0xFFFFFFFF  }
0xb6: {  	_ =	strace $0x9000004B  }
0xb7: {  	_ =	sfence  }
0xb8: {  	s30 =	sld [smem:$0x0];
	_ =	sdelay $0x2  }
0xb9: {  	s31 =	sshll.u32 s1, $0xD;
	s1 =	sshrl.u32 s1, $0x2  }
0xba: {  	s3 =	sand.u32 $0x4000, s31;
	s1 =	sadd.s32 s1, s30  }
0xbb: {  	s0 =	sor.u32 s3, s0;
	s1 =	sshll.u32 s1, $0x11  }
0xbc: {  	s0 =	sor.u32 s1, s0  }
0xbd: {  	s0 =	sadd.s32 $0x8F2B, s0  }
0xbe: {  	[sflag:s0] =	ssyncadd.remote.s32 $0x1  }
0xbf: {  	_ =	sfence.sel $0xFFFF  }
0xc0: {  	[dreg:$0x0] =	wrdreg $0xFFFFFFFF;
	(pc) =	sbr.abs _section_cstart, $3  }
0xc1: {  	[dreg:$0x1] =	wrdreg $0xFFFFFFFF  }
0xc2: {  	_ =	task.clear_ibuf [dreg:s7], $0x2FFFF;
	_ =	strace $0x9FFFFFFF  }
0xc3: {  	(tm) =	ssettm $0x7FFFFFFF  }
tec
execute0_lowered:
.L_overlay_start_1:
0x0: {  	(tag) =	ssettag $0x1  }
0x1: {  	s0 =	rddreg [dreg:$0x0];
	s1 =	srdreg.scid  }
0x2: {  	s3 =	rddreg [dreg:$0x2];
	s8 =	stileid.u32;
	s4 =	simm.s32 $0x0  }
0x3: {  	s28 =	simm.s32 $0x80;
	s29 =	simm.s32 $0x5000;
	s30 =	simm.s32 $0x7000  }
0x4: {  	s31 =	simm.s32 $0xB000;
	s15 =	simm.s32 $0x7;
	s16 =	simm.s32 $0x5  }
0x5: {  	s17 =	simm.s32 $0x9;
	s18 =	simm.s32 $0xA;
	s1 =	sand.u32 $0x1, s1  }
0x6: {  	[smem:$0x7FF] =	sst s4;
	s5 =	sadd.s32 $0x16C00, s0;
	s2 =	sshll.u32 s1, $0x4  }
0x7: {  	s6 =	ssub.s32 $0x2, s1;
	s2 =	sor.u32 s8, s2;
	s8 =	smul.u32 $0xA000, s8  }
0x8: {  	_ =	strace $0x8000004A;
	s1 =	smul.u32 $0xA0000, s1;
	s7 =	sshrl.u32 s6, $0x1  }
0x9: {  	s2 =	smul.u32 $0x500, s2;
	s6 =	ssub.s32 s6, s7;
	s10 =	sadd.s32 s8, s3  }
0xa: {  	s20 =	sadd.s32 $0x2000, s8;
	s22 =	sadd.s32 $0x4000, s8;
	s9 =	sadd.s32 $0x6000, s8  }
0xb: {  	s12 =	sadd.s32 s8, s1;
	s8 =	sadd.s32 $0x8000, s8;
	s26 =	smax.u32 s6, $0x1  }
0xc: {  	s6 =	simm.s32 $0xD000;
	s2 =	sadd.s32 s2, s0;
	s0 =	sadd.s32 $0x2AC00, s0  }
0xd: {  	s11 =	sadd.s32 s20, s3;
	s21 =	sadd.s32 s22, s3;
	[dreg:$0xb] =	wrdreg s26  }
0xe: {  	s14 =	sadd.s32 s9, s3;
	s13 =	sshrl.u32 s12, $0x3;
	[dreg:$0xc] =	wrdreg s10  }
0xf: {  	s12 =	sadd.s32 s8, s3;
	s23 =	sadd.s32 s1, s22;
	[dreg:$0xd] =	wrdreg s11  }
0x10: {  	s24 =	sadd.s32 s1, s9;
	s19 =	sadd.s32 $0xCC00, s2;
	[dreg:$0xe] =	wrdreg s21  }
0x11: {  	s2 =	sadd.s32 $0x2C00, s2;
	s13 =	sadd.s32 s0, s13;
	[dreg:$0x4] =	wrdreg s19  }
0x12: {  	s9 =	smov.u32 s14;
	s7 =	sshrl.u32 s24, $0x3;
	[dreg:$0x5] =	wrdreg s2  }
0x13: {  	s14 =	simm.s32 $0x0;
	s2 =	sadd.s32 s1, s20;
	[dreg:$0x6] =	wrdreg s13  }
0x14: {  	s1 =	sadd.s32 s1, s8;
	s25 =	sadd.s32 s0, s7;
	s19 =	simm.s32 $0x15  }
0x15: {  	s7 =	simm.s32 $0x3;
	s13 =	simm.s32 $0x6;
	s2 =	sshrl.u32 s2, $0x3  }
.Ltmp0:
0x16: {  	[dreg:$0xf] =	wrdreg s9;
	s2 =	sadd.s32 s0, s2;
	(pc) =	sbr.rel .LBB2_1-.Ltmp0, $4  }
0x17: {  	s20 =	simm.s32 $0x8;
	[dreg:$0x7] =	wrdreg s2;
	s2 =	sshrl.u32 s23, $0x3  }
0x18: {  	[dreg:$0x9] =	wrdreg s25;
	s1 =	sshrl.u32 s1, $0x3;
	s2 =	sadd.s32 s0, s2  }
0x19: {  	s0 =	sadd.s32 s0, s1;
	s1 =	simm.s32 $0x1;
	[dreg:$0x8] =	wrdreg s2  }
0x1a: {  	[dreg:$0xa] =	wrdreg s0;
	s0 =	simm.s32 $0x9000;
	s2 =	simm.s32 $0x2  }
.LBB2_4:
0x1b: {  	_ =	swait.ge [sflag:s13], $0x2000  }
0x1c: {  	[sflag:s13] =	ssyncset.done $0x0  }
0x1d: {  	[sflag:s13] =	ssyncadd.s32 $0xFFFFE000  }
0x1e: {  	_ =	swait.ge [sflag:s15], $0x2000  }
0x1f: {  	[sflag:s15] =	ssyncset.done $0x0  }
0x20: {  	[sflag:s15] =	ssyncadd.s32 $0xFFFFE000  }
0x21: {  	_ =	swait.ge [sflag:s20], $0x2000  }
0x22: {  	[sflag:s20] =	ssyncset.done $0x0  }
0x23: {  	[sflag:s20] =	ssyncadd.s32 $0xFFFFE000  }
0x24: {  	_ =	swait.ge [sflag:s17], $0x2000  }
0x25: {  	[sflag:s17] =	ssyncset.done $0x0  }
0x26: {  	[sflag:s17] =	ssyncadd.s32 $0xFFFFE000  }
0x27: {  	_ =	swait.ge [sflag:s18], $0x2000  }
0x28: {  	[sflag:s18] =	ssyncset.done $0x0  }
0x29: {  	[sflag:s18] =	ssyncadd.s32 $0xFFFFE000  }
0x2a: {  	[bflag:$0x0] =	sbarrier.arrive $0xFFFF  }
0x2b: {  	s10 =	rddreg [dreg:$0xc]  }
0x2c: {  	[tilespmem:s29], [sflag:$0xB] =	stream.linear.gather [spmem:s10], $0x2000, $0x38;
	[tilespmem:$0x1B000] =	vst v63  }
0x2d: {  	s11 =	rddreg [dreg:$0xd]  }
0x2e: {  	[tilespmem:s30], [sflag:$0xC] =	stream.linear.gather [spmem:s11], $0x2000, $0x38;
	[tilespmem:$0x1B000] =	vst v63  }
0x2f: {  	s21 =	rddreg [dreg:$0xe]  }
0x30: {  	[tilespmem:s0], [sflag:$0xD] =	stream.linear.gather [spmem:s21], $0x2000, $0x38;
	[tilespmem:$0x1B000] =	vst v63  }
0x31: {  	s9 =	rddreg [dreg:$0xf]  }
0x32: {  	[tilespmem:s31], [sflag:$0xE] =	stream.linear.gather [spmem:s9], $0x2000, $0x38;
	[tilespmem:$0x1B000] =	vst v63  }
0x33: {  	_ = 	snop  }
0x34: {  	[tilespmem:s6], [sflag:$0xF] =	stream.linear.gather [spmem:s26], $0x2000, $0x38;
	[tilespmem:$0x1B000] =	vst v63  }
0x35: {  	_ =	swait.ge [sflag:s23], $0x2000  }
0x36: {  	[sflag:s23] =	ssyncset.done $0x0  }
0x37: {  	s8 =	rddreg [dreg:$0x6];
	[sflag:s23] =	ssyncadd.s32 $0xFFFFE000;
	s23 =	simm.s32 $0xC  }
0x38: {  	[hbm4b:s8+s4] =	stream.linear.scatter [tilespmem:s29], [sflag:$0x10], $0x2000, $0x38;
	[tilespmem:$0x1B000] =	vst v63  }
0x39: {  	_ =	swait.ge [sflag:s23], $0x2000  }
0x3a: {  	[sflag:s23] =	ssyncset.done $0x0  }
0x3b: {  	s12 =	smov.u32 s26;
	s26 =	rddreg [dreg:$0x7];
	[sflag:s23] =	ssyncadd.s32 $0xFFFFE000  }
0x3c: {  	[hbm4b:s26+s4] =	stream.linear.scatter [tilespmem:s30], [sflag:$0x11], $0x2000, $0x38;
	[tilespmem:$0x1B000] =	vst v63  }
0x3d: {  	_ =	swait.ge [sflag:s24], $0x2000  }
0x3e: {  	[sflag:s24] =	ssyncset.done $0x0  }
0x3f: {  	s23 =	simm.s32 $0xE;
	s22 =	rddreg [dreg:$0x8];
	[sflag:s24] =	ssyncadd.s32 $0xFFFFE000  }
0x40: {  	[hbm4b:s22+s4] =	stream.linear.scatter [tilespmem:s0], [sflag:$0x12], $0x2000, $0x38;
	[tilespmem:$0x1B000] =	vst v63  }
0x41: {  	_ =	swait.ge [sflag:s23], $0x2000  }
0x42: {  	[sflag:s23] =	ssyncset.done $0x0  }
0x43: {  	s24 =	rddreg [dreg:$0x9];
	[sflag:s23] =	ssyncadd.s32 $0xFFFFE000  }
0x44: {  	[hbm4b:s24+s4] =	stream.linear.scatter [tilespmem:s31], [sflag:$0x13], $0x2000, $0x38;
	[tilespmem:$0x1B000] =	vst v63  }
0x45: {  	_ =	swait.ge [sflag:s25], $0x2000  }
0x46: {  	[sflag:s25] =	ssyncset.done $0x0  }
0x47: {  	s22 =	simm.s32 $0x10;
	s26 =	rddreg [dreg:$0xa];
	[sflag:s25] =	ssyncadd.s32 $0xFFFFE000  }
0x48: {  	[hbm4b:s26+s4] =	stream.linear.scatter [tilespmem:s6], [sflag:$0x14], $0x2000, $0x38;
	[tilespmem:$0x1B000] =	vst v63  }
0x49: {  	_ =	swait.ge [sflag:s22], $0x2000  }
0x4a: {  	[sflag:s22] =	ssyncset.done $0x0  }
0x4b: {  	s23 =	simm.s32 $0x11;
	[sflag:s22] =	ssyncadd.s32 $0xFFFFE000  }
0x4c: {  	_ =	swait.ge [sflag:s23], $0x2000  }
0x4d: {  	[sflag:s23] =	ssyncset.done $0x0  }
0x4e: {  	s24 =	simm.s32 $0x12;
	[sflag:s23] =	ssyncadd.s32 $0xFFFFE000  }
0x4f: {  	_ =	swait.ge [sflag:s24], $0x2000  }
0x50: {  	[sflag:s24] =	ssyncset.done $0x0  }
0x51: {  	s25 =	simm.s32 $0x13;
	[sflag:s24] =	ssyncadd.s32 $0xFFFFE000  }
0x52: {  	_ =	swait.ge [sflag:s25], $0x2000  }
0x53: {  	[sflag:s25] =	ssyncset.done $0x0  }
0x54: {  	s22 =	simm.s32 $0x14;
	[sflag:s25] =	ssyncadd.s32 $0xFFFFE000  }
0x55: {  	_ =	swait.ge [sflag:s22], $0x2000  }
0x56: {  	s14 =	sadd.s32 $0x1, s14;
	s26 =	rddreg [dreg:$0xb]  }
0x57: {  	p0 =	sne.s32 s14, s26  }
.Ltmp1:
0x58: {  	_ = 	snop;
	(pc) =	sbr.rel @!p0 .LBB2_5-.Ltmp1, $3  }
0x59: {  	_ =	sdelay $0x1  }
0x5a: {  	[sflag:s22] =	ssyncset.done $0x0  }
0x5b: {  	[sflag:s22] =	ssyncadd.s32 $0xFFFFE000  }
.LBB2_1:
0x5c: {  	s8 =	rddreg [dreg:$0x4]  }
0x5d: {  	[tilespmem:s4], [sflag:$0x15] =	stream.linear.gather [hbm4b:s8+s4], $0x2800, $0x38;
	[tilespmem:$0x1B000] =	vst v63  }
0x5e: {  	_ =	swait.ge [sflag:s19], $0x2800  }
0x5f: {  	[sflag:s19] =	ssyncset.done $0x0  }
0x60: {  	s22 =	simm.s32 $0x2800;
	s23 =	rddreg [dreg:$0x5];
	[sflag:s19] =	ssyncadd.s32 $0xFFFFD800  }
0x61: {  	[tilespmem:s22], [sflag:$0x15] =	stream.linear.gather [hbm4b:s23+s4], $0x2800, $0x38;
	[tilespmem:$0x1B000] =	vst v63  }
0x62: {  	_ =	swait.ge [sflag:s19], $0x2800  }
0x63: {  	[sflag:s19] =	ssyncset.done $0x0  }
0x64: {  	[sflag:s19] =	ssyncadd.s32 $0xFFFFD800  }
0x65: {  	s23 =	simm.s32 $0xF000;
	s26 =	rddreg [dreg:$0x1]  }
0x66: {  	[tilespmem:s23], [sflag:$0x15] =	stream.linear.gather [hbm4b:s26+s4], $0x2000, $0x38;
	[tilespmem:$0x1B000] =	vst v63  }
0x67: {  	_ =	swait.ge [sflag:s19], $0x2000  }
0x68: {  	[sflag:s19] =	ssyncset.done $0x0  }
0x69: {  	[sflag:s19] =	ssyncadd.s32 $0xFFFFE000  }
0x6a: {  	[spmem:s10] =	stream.linear.scatter [tilespmem:s23], [sflag:$0xB], $0x2000, $0x38;
	[tilespmem:$0x1B000] =	vst v63  }
0x6b: {  	_ = 	snop  }
0x6c: {  	[spmem:s11] =	stream.linear.scatter [tilespmem:s23], [sflag:$0xC], $0x2000, $0x38;
	[tilespmem:$0x1B000] =	vst v63  }
0x6d: {  	_ = 	snop  }
0x6e: {  	[spmem:s21] =	stream.linear.scatter [tilespmem:s23], [sflag:$0xD], $0x2000, $0x38;
	[tilespmem:$0x1B000] =	vst v63  }
0x6f: {  	_ = 	snop  }
0x70: {  	[spmem:s9] =	stream.linear.scatter [tilespmem:s23], [sflag:$0xE], $0x2000, $0x38;
	[tilespmem:$0x1B000] =	vst v63  }
0x71: {  	_ = 	snop  }
0x72: {  	[spmem:s12] =	stream.linear.scatter [tilespmem:s23], [sflag:$0xF], $0x2000, $0x38;
	[tilespmem:$0x1B000] =	vst v63  }
0x73: {  	s23 =	simm.s32 $0xB  }
0x74: {  	_ =	swait.ge [sflag:s23], $0x2000  }
0x75: {  	[sflag:s23] =	ssyncset.done $0x0  }
0x76: {  	s24 =	simm.s32 $0xC;
	[sflag:s23] =	ssyncadd.s32 $0xFFFFE000  }
0x77: {  	_ =	swait.ge [sflag:s24], $0x2000  }
0x78: {  	[sflag:s24] =	ssyncset.done $0x0  }
0x79: {  	[sflag:s24] =	ssyncadd.s32 $0xFFFFE000;
	s24 =	simm.s32 $0xD  }
0x7a: {  	_ =	swait.ge [sflag:s24], $0x2000  }
0x7b: {  	[sflag:s24] =	ssyncset.done $0x0  }
0x7c: {  	s25 =	simm.s32 $0xE;
	[sflag:s24] =	ssyncadd.s32 $0xFFFFE000  }
0x7d: {  	_ =	swait.ge [sflag:s25], $0x2000  }
0x7e: {  	[sflag:s25] =	ssyncset.done $0x0  }
0x7f: {  	[sflag:s25] =	ssyncadd.s32 $0xFFFFE000;
	s25 =	simm.s32 $0xF  }
0x80: {  	_ =	swait.ge [sflag:s25], $0x2000  }
0x81: {  	[sflag:s25] =	ssyncset.done $0x0  }
0x82: {  	[sflag:s25] =	ssyncadd.s32 $0xFFFFE000  }
0x83: {  	[bflag:$0x0] =	sbarrier.arrive $0xFFFF  }
0x84: {  	[tilespmem:s29], [sflag:$0x1] =	stream.indirect.gather [hbm4b:s5+s28], $0x40, s4, s28, $0xb8;
	[tilespmem:$0x1B000] =	vst v63  }
0x85: {  	_ = 	snop  }
0x86: {  	[tilespmem:s30], [sflag:$0x2] =	stream.indirect.gather [hbm4b:s5+s28], $0x40, s28, s28, $0xb8;
	[tilespmem:$0x1B000] =	vst v63  }
0x87: {  	s10 =	simm.s32 $0x100  }
0x88: {  	[tilespmem:s0], [sflag:$0x3] =	stream.indirect.gather [hbm4b:s5+s28], $0x40, s10, s28, $0xb8;
	[tilespmem:$0x1B000] =	vst v63  }
0x89: {  	_ =	swait.ge [sflag:s1], $0x2000  }
0x8a: {  	[sflag:s1] =	ssyncset.done $0x0  }
0x8b: {  	[sflag:s1] =	ssyncadd.s32 $0xFFFFE000  }
0x8c: {  	[spmem:s3] =	stream.indirect.scatter.add.f32 [tilespmem:s29], [sflag:$0x6], $0x40, s22, s28, $0xb8;
	[tilespmem:$0x1B000] =	vst v63  }
0x8d: {  	s11 =	simm.s32 $0x180  }
0x8e: {  	[tilespmem:s31], [sflag:$0x4] =	stream.indirect.gather [hbm4b:s5+s28], $0x40, s11, s28, $0xb8;
	[tilespmem:$0x1B000] =	vst v63  }
0x8f: {  	_ =	swait.ge [sflag:s2], $0x2000  }
0x90: {  	[sflag:s2] =	ssyncset.done $0x0  }
0x91: {  	s26 =	smov.u32 s12;
	s12 =	simm.s32 $0x2880;
	[sflag:s2] =	ssyncadd.s32 $0xFFFFE000  }
0x92: {  	[spmem:s3] =	stream.indirect.scatter.add.f32 [tilespmem:s30], [sflag:$0x7], $0x40, s12, s28, $0xb8;
	[tilespmem:$0x1B000] =	vst v63  }
0x93: {  	s21 =	simm.s32 $0x200  }
0x94: {  	[tilespmem:s6], [sflag:$0x5] =	stream.indirect.gather [hbm4b:s5+s28], $0x40, s21, s28, $0xb8;
	[tilespmem:$0x1B000] =	vst v63  }
0x95: {  	_ =	swait.ge [sflag:s7], $0x2000  }
0x96: {  	[sflag:s7] =	ssyncset.done $0x0  }
0x97: {  	s22 =	simm.s32 $0x2900;
	[sflag:s7] =	ssyncadd.s32 $0xFFFFE000  }
0x98: {  	[spmem:s3] =	stream.indirect.scatter.add.f32 [tilespmem:s0], [sflag:$0x8], $0x40, s22, s28, $0xb8;
	[tilespmem:$0x1B000] =	vst v63  }
0x99: {  	_ =	swait.ge [sflag:s13], $0x2000  }
0x9a: {  	[sflag:s13] =	ssyncset.done $0x0  }
0x9b: {  	s9 =	simm.s32 $0x280;
	s10 =	simm.s32 $0x4;
	[sflag:s13] =	ssyncadd.s32 $0xFFFFE000  }
0x9c: {  	[tilespmem:s29], [sflag:$0x1] =	stream.indirect.gather [hbm4b:s5+s28], $0x40, s9, s28, $0xb8;
	[tilespmem:$0x1B000] =	vst v63  }
0x9d: {  	_ =	swait.ge [sflag:s10], $0x2000  }
0x9e: {  	[sflag:s10] =	ssyncset.done $0x0  }
0x9f: {  	s11 =	simm.s32 $0x2980;
	[sflag:s10] =	ssyncadd.s32 $0xFFFFE000  }
0xa0: {  	[spmem:s3] =	stream.indirect.scatter.add.f32 [tilespmem:s31], [sflag:$0x9], $0x40, s11, s28, $0xb8;
	[tilespmem:$0x1B000] =	vst v63  }
0xa1: {  	_ =	swait.ge [sflag:s15], $0x2000  }
0xa2: {  	[sflag:s15] =	ssyncset.done $0x0  }
0xa3: {  	s12 =	simm.s32 $0x300;
	[sflag:s15] =	ssyncadd.s32 $0xFFFFE000  }
0xa4: {  	[tilespmem:s30], [sflag:$0x2] =	stream.indirect.gather [hbm4b:s5+s28], $0x40, s12, s28, $0xb8;
	[tilespmem:$0x1B000] =	vst v63  }
0xa5: {  	_ =	swait.ge [sflag:s16], $0x2000  }
0xa6: {  	[sflag:s16] =	ssyncset.done $0x0  }
0xa7: {  	s21 =	simm.s32 $0x2A00;
	[sflag:s16] =	ssyncadd.s32 $0xFFFFE000  }
0xa8: {  	[spmem:s3] =	stream.indirect.scatter.add.f32 [tilespmem:s6], [sflag:$0xA], $0x40, s21, s28, $0xb8;
	[tilespmem:$0x1B000] =	vst v63  }
0xa9: {  	_ =	swait.ge [sflag:s20], $0x2000  }
0xaa: {  	[sflag:s20] =	ssyncset.done $0x0  }
0xab: {  	s8 =	simm.s32 $0x0;
	s22 =	simm.s32 $0x380;
	[sflag:s20] =	ssyncadd.s32 $0xFFFFE000  }
0xac: {  	[tilespmem:s0], [sflag:$0x3] =	stream.indirect.gather [hbm4b:s5+s28], $0x40, s22, s28, $0xb8;
	[tilespmem:$0x1B000] =	vst v63  }
.LBB2_2:
0xad: {  	_ =	swait.ge [sflag:s1], $0x2000  }
0xae: {  	s9 =	sshra.s32 s8, $0x2;
	[sflag:s1] =	ssyncset.done $0x0  }
0xaf: {  	s10 =	sadd.s32 $0x2A80, s9;
	[sflag:s1] =	ssyncadd.s32 $0xFFFFE000  }
0xb0: {  	[spmem:s3] =	stream.indirect.scatter.add.f32 [tilespmem:s29], [sflag:$0x6], $0x40, s10, s28, $0xb8;
	[tilespmem:$0x1B000] =	vst v63  }
0xb1: {  	_ =	swait.ge [sflag:s17], $0x2000  }
0xb2: {  	[sflag:s17] =	ssyncset.done $0x0  }
0xb3: {  	s22 =	sadd.s32 $0x400, s9;
	[sflag:s17] =	ssyncadd.s32 $0xFFFFE000  }
0xb4: {  	[tilespmem:s31], [sflag:$0x4] =	stream.indirect.gather [hbm4b:s5+s28], $0x40, s22, s28, $0xb8;
	[tilespmem:$0x1B000] =	vst v63  }
0xb5: {  	_ =	swait.ge [sflag:s2], $0x2000  }
0xb6: {  	[sflag:s2] =	ssyncset.done $0x0  }
0xb7: {  	s11 =	sadd.s32 $0x2B00, s9;
	[sflag:s2] =	ssyncadd.s32 $0xFFFFE000  }
0xb8: {  	[spmem:s3] =	stream.indirect.scatter.add.f32 [tilespmem:s30], [sflag:$0x7], $0x40, s11, s28, $0xb8;
	[tilespmem:$0x1B000] =	vst v63  }
0xb9: {  	_ =	swait.ge [sflag:s18], $0x2000  }
0xba: {  	[sflag:s18] =	ssyncset.done $0x0  }
0xbb: {  	s12 =	sadd.s32 $0x480, s9;
	[sflag:s18] =	ssyncadd.s32 $0xFFFFE000  }
0xbc: {  	[tilespmem:s6], [sflag:$0x5] =	stream.indirect.gather [hbm4b:s5+s28], $0x40, s12, s28, $0xb8;
	[tilespmem:$0x1B000] =	vst v63  }
0xbd: {  	_ =	swait.ge [sflag:s7], $0x2000  }
0xbe: {  	p0 =	seq.s32 s8, $0x8C00;
	[sflag:s7] =	ssyncset.done $0x0  }
0xbf: {  	s21 =	sadd.s32 $0x2B80, s9;
	s10 =	simm.s32 @p0 $0x4;
	[sflag:s7] =	ssyncadd.s32 $0xFFFFE000  }
0xc0: {  	[spmem:s3] =	stream.indirect.scatter.add.f32 [tilespmem:s0], [sflag:$0x8], $0x40, s21, s28, $0xb8;
	[tilespmem:$0x1B000] =	vst v63  }
0xc1: {  	_ =	swait.ge @p0 [sflag:s10], $0x2000  }
0xc2: {  	[sflag:s10] =	ssyncset.done @p0 $0x0  }
0xc3: {  	[sflag:s10] =	ssyncadd.s32 @p0 $0xFFFFE000;
	s10 =	sshra.s32 @p0 s8, $0x2  }
0xc4: {  	s11 =	simm.s32 @p0 $0x80;
	s12 =	simm.s32 @p0 $0xB000;
	s10 =	sadd.s32 @p0 $0x2C00, s10  }
0xc5: {  	[spmem:s3] =	stream.indirect.scatter.add.f32 @p0 [tilespmem:s12], [sflag:$0x9], $0x40, s10, s11, $0xb8;
	[tilespmem:$0x1B000] =	vst v63  }
0xc6: {  	s10 =	simm.s32 @!p0 $0x6  }
0xc7: {  	_ =	swait.ge @!p0 [sflag:s10], $0x2000  }
0xc8: {  	[sflag:s10] =	ssyncset.done @!p0 $0x0  }
0xc9: {  	[sflag:s10] =	ssyncadd.s32 @!p0 $0xFFFFE000;
	s10 =	sshra.s32 @!p0 s8, $0x2  }
0xca: {  	s21 =	simm.s32 @!p0 $0x5000;
	s12 =	simm.s32 @!p0 $0x80;
	s11 =	sadd.s32 @!p0 $0x500, s10  }
0xcb: {  	[tilespmem:s21], [sflag:$0x1] =	stream.indirect.gather @!p0 [hbm4b:s5+s12], $0x40, s11, s12, $0xb8;
	[tilespmem:$0x1B000] =	vst v63  }
0xcc: {  	s11 =	simm.s32 @!p0 $0x4  }
0xcd: {  	_ =	swait.ge @!p0 [sflag:s11], $0x2000  }
0xce: {  	[sflag:s11] =	ssyncset.done @!p0 $0x0  }
0xcf: {  	s21 =	simm.s32 @!p0 $0xB000;
	[sflag:s11] =	ssyncadd.s32 @!p0 $0xFFFFE000;
	s11 =	sadd.s32 @!p0 $0x2C00, s10  }
0xd0: {  	[spmem:s3] =	stream.indirect.scatter.add.f32 @!p0 [tilespmem:s21], [sflag:$0x9], $0x40, s11, s12, $0xb8;
	[tilespmem:$0x1B000] =	vst v63  }
0xd1: {  	s11 =	simm.s32 @!p0 $0x7  }
0xd2: {  	_ =	swait.ge @!p0 [sflag:s11], $0x2000  }
0xd3: {  	[sflag:s11] =	ssyncset.done @!p0 $0x0  }
0xd4: {  	s10 =	sadd.s32 @!p0 $0x580, s10;
	[sflag:s11] =	ssyncadd.s32 @!p0 $0xFFFFE000;
	s11 =	simm.s32 @!p0 $0x7000  }
0xd5: {  	[tilespmem:s11], [sflag:$0x2] =	stream.indirect.gather @!p0 [hbm4b:s5+s12], $0x40, s10, s12, $0xb8;
	[tilespmem:$0x1B000] =	vst v63  }
.Ltmp2:
0xd6: {  	_ = 	snop;
	(pc) =	sbr.rel @p0 .LBB2_4-.Ltmp2, $4  }
0xd7: {  	_ =	swait.ge [sflag:s16], $0x2000  }
0xd8: {  	[sflag:s16] =	ssyncset.done $0x0  }
0xd9: {  	s22 =	sadd.s32 $0x2C80, s9;
	[sflag:s16] =	ssyncadd.s32 $0xFFFFE000  }
0xda: {  	[spmem:s3] =	stream.indirect.scatter.add.f32 [tilespmem:s6], [sflag:$0xA], $0x40, s22, s28, $0xb8;
	[tilespmem:$0x1B000] =	vst v63  }
.Ltmp3:
0xdb: {  	(pc) =	sbr.rel .LBB2_2-.Ltmp3, $4  }
0xdc: {  	_ =	swait.ge [sflag:s20], $0x2000  }
0xdd: {  	[sflag:s20] =	ssyncset.done $0x0  }
0xde: {  	s9 =	sadd.s32 $0x600, s9;
	s8 =	sadd.s32 $0xA00, s8;
	[sflag:s20] =	ssyncadd.s32 $0xFFFFE000  }
0xdf: {  	[tilespmem:s0], [sflag:$0x3] =	stream.indirect.gather [hbm4b:s5+s28], $0x40, s9, s28, $0xb8;
	[tilespmem:$0x1B000] =	vst v63  }
.LBB2_5:
0xe0: {  	_ =	sfence.sel $0x180000  }
0xe1: {  	[bflag:$0x0] =	sbarrier.arrive $0xFFFF  }
0xe2: {  	_ =	strace $0x9000004A  }
0xe3: {  	s0 =	stileid.u32;
	[bflag:$0x2] =	sbarrier.arrive $0xFFFF  }
0xe4: {  	p0 =	sne.s32 s0, $0x0;
	s0 =	rddreg [dreg:$0x3]  }
0xe5: {  	s0 =	sadd.s32 @!p0 $0x100000, s0  }
0xe6: {  	[sflag:s0] =	ssyncadd.tile.s32 @!p0 $0x1;
	_ =	shalt  }
.Lfunc_end2:
_tile_overlayer_lowered:
.L_overlay_start_2:
0xe7: {  	(tag) =	ssettag $0x2  }
0xe8: {  	s0 =	rddreg [dreg:$0x0];
	s2 =	stileid.u32  }
0xe9: {  	s1 =	rddreg [dreg:$0x1];
	p0 =	sne.s32 s2, $0x0  }
0xea: {  	s3 =	rddreg [dreg:$0x2];
	[bflag:$0x3] =	sbarrier.arrive $0xFFFF;
	s2 =	simm.s32 @!p0 $0x1C15  }
0xeb: {  	[timem:s3], [sflag:s2] =	dma.local @!p0 [hbm:s0], s1  }
0xec: {  	s0 =	simm.s32 @!p0 $0x15  }
0xed: {  	_ =	swait.ge @!p0 [sflag:s0], s1  }
0xee: {  	s1 =	ssub.s32 @!p0 $0x0, s1;
	[sflag:s0] =	ssyncset.done @!p0 $0x0  }
0xef: {  	[sflag:s0] =	ssyncadd.s32 @!p0 s1  }
0xf0: {  	[bflag:$0x3] =	sbarrier.arrive $0xFFFF  }
0xf1: {  	_ =	shalt  }

// kernel: kernel.16.cloned.1.call-start
scs
__scs_entry_jumppad:
0x0: {  	(pc) =	sbr.rel $0x88, $3  }
0x1: {  	(tag) =	ssettag $0x0;
	lr =	simm.s32 $0x1  }
0x2: {  	[smem:$0x3F93] =	sst lr;
	_ =	strace $0xD0000000  }
0x3: {  	_ = 	snop  }
0x4: {  	_ = 	snop  }
0x5: {  	_ = 	snop  }
0x6: {  	_ = 	snop  }
0x7: {  	_ = 	snop  }
__scs_overlays_trampoline_lowered:
0x8: {  	[smem:$0x3FA2] =	sst s0  }
0x9: {  	[smem:$0x3FA3] =	sst s1  }
0xa: {  	[smem:$0x3FA4] =	sst s2  }
0xb: {  	[smem:$0x3FA5] =	sst s3  }
0xc: {  	[smem:$0x3FA6] =	sst s4  }
0xd: {  	[smem:$0x3FA7] =	sst s5  }
0xe: {  	[smem:$0x3FA8] =	sst s6  }
0xf: {  	[smem:$0x3FA9] =	sst s7  }
0x10: {  	[smem:$0x3FAA] =	sst s8  }
0x11: {  	[smem:$0x3FAB] =	sst s9;
	s0 =	simm.s32 @!p0 $0x0  }
0x12: {  	s1 =	sld [smem:$0x3F91];
	s0 =	simm.s32 @p0 $0x1  }
0x13: {  	[smem:$0x3FAC] =	sst s0;
	s0 =	simm.s32 @!p1 $0x0  }
0x14: {  	s2 =	sld [smem:$0x3F90];
	s0 =	simm.s32 @p1 $0x1  }
0x15: {  	[smem:$0x3FAD] =	sst s0;
	s0 =	simm.s32 @!p2 $0x0  }
0x16: {  	s3 =	sld [smem:$0x3FDB];
	s0 =	simm.s32 @p2 $0x1  }
0x17: {  	s4 =	simm.s32 $0x1BF5;
	[smem:$0x3FAF] =	sst s0  }
0x18: {  	s0 =	sld [smem:$0x3F92];
	_ =	swait.ge [sflag:s4], $0x0  }
0x19: {  	s7 =	sld [smem:$0x3F93]  }
0x1a: {  	s8 =	sadd.s32 $0xFFFFE003, lr  }
0x1b: {  	s9 =	sadd.s32 $0xFFFFFEF7, lr;
	s5 =	simm.s32 $0xFFFFFFFF;
	p2 =	slt.u32 s8, $0xFFFFF086  }
0x1c: {  	p1 =	slt.u32 s9, $0xF7A;
	s5 =	simm.s32 @!p2 $0x0  }
0x1d: {  	s5 =	simm.s32 @p1 $0x1;
	p0 =	seq.s32 s7, s2  }
0x1e: {  	s7 =	smul.u32 @!p0 $0xF7A, s2;
	p2 =	seq.s32 @!p0 s5, $0x0  }
0x1f: {  	s9 =	smul.u32 $0xF7A, s1;
	s8 =	simm.s32 @!p0 $0x1BF5;
	p2 =	por !p2, p0  }
0x20: {  	[sflag:s8] =	ssyncset.s32 @!p0 $0xFFFFF086;
	s6 =	sadd.s32 @!p0 s3, s7;
	s7 =	simm.s32 @!p0 $0x108  }
0x21: {  	s3 =	sadd.s32 s3, s9;
	s6 =	sadd.s32 @!p0 $0x88, s6;
	s7 =	simm.s32 @p2 $0x1082  }
0x22: {  	[simem:s7], [sflag:s8] =	dma.local @!p0 [hbm:s6], $0xF7A  }
0x23: {  	s9 =	sor.u32 $0xD0000000, s2;
	s6 =	simm.s32 $0x108;
	_ =	swait.ge @!p0 [sflag:s8], $0x0  }
0x24: {  	s3 =	sadd.s32 $0x88, s3;
	s6 =	simm.s32 @!p1 $0x1082;
	[sflag:s4] =	ssyncset.s32 $0xFFFFF086  }
0x25: {  	[simem:s6], [sflag:s4] =	dma.local [hbm:s3], $0xF7A  }
0x26: {  	[smem:$0x3F93] =	sst s1;
	(tag) =	ssettag s2;
	_ =	strace s9  }
0x27: {  	s1 =	sld [smem:$0x3FA3]  }
0x28: {  	s2 =	sld [smem:$0x3FA4]  }
0x29: {  	s4 =	sld [smem:$0x3FA6]  }
0x2a: {  	p0 =	seq.s32 s5, $0x0;
	s5 =	sld [smem:$0x3FA7]  }
0x2b: {  	s6 =	sld [smem:$0x3FA8]  }
0x2c: {  	s7 =	sld [smem:$0x3FA9]  }
0x2d: {  	s3 =	simm.s32 $0x108;
	s8 =	sld [smem:$0x3FAA]  }
0x2e: {  	s3 =	simm.s32 @!p0 $0x1082;
	s9 =	sld [smem:$0x3FAB]  }
0x2f: {  	lr =	sadd.s32 s0, s3;
	s0 =	sld [smem:$0x3FA2]  }
0x30: {  	s3 =	sld [smem:$0x3FA5]  }
0x31: {  	[smem:$0x3FAE] =	sst s10  }
0x32: {  	s10 =	sld [smem:$0x3FAC];
	_ =	sdelay $0x3  }
0x33: {  	p0 =	seq.s32 s10, $0x1;
	s10 =	sld [smem:$0x3FAE];
	_ =	sdelay $0x3  }
0x34: {  	[smem:$0x3FAE] =	sst s10  }
0x35: {  	s10 =	sld [smem:$0x3FAD];
	_ =	sdelay $0x3  }
0x36: {  	p1 =	seq.s32 s10, $0x1;
	s10 =	sld [smem:$0x3FAE];
	_ =	sdelay $0x3  }
0x37: {  	[smem:$0x3FAE] =	sst s10  }
0x38: {  	s10 =	sld [smem:$0x3FAF]  }
0x39: {  	_ = 	snop;
	(pc) =	sbr.ind lr, $3  }
0x3a: {  	_ = 	snop  }
0x3b: {  	_ = 	snop  }
0x3c: {  	p2 =	seq.s32 s10, $0x1;
	s10 =	sld [smem:$0x3FAE]  }
0x3d: {  	_ =	shalt  }
0x3e: {  	_ =	shalt  }
0x3f: {  	_ =	shalt  }
0x40: {  	_ =	shalt  }
0x41: {  	_ =	shalt  }
0x42: {  	_ =	shalt  }
0x43: {  	_ =	shalt  }
0x44: {  	_ =	shalt  }
0x45: {  	_ =	shalt  }
0x46: {  	_ =	shalt  }
0x47: {  	_ =	shalt  }
0x48: {  	_ =	shalt  }
0x49: {  	_ =	shalt  }
0x4a: {  	_ =	shalt  }
0x4b: {  	_ =	shalt  }
0x4c: {  	_ =	shalt  }
0x4d: {  	_ =	shalt  }
0x4e: {  	_ =	shalt  }
0x4f: {  	_ =	shalt  }
0x50: {  	_ =	shalt  }
0x51: {  	_ =	shalt  }
0x52: {  	_ =	shalt  }
0x53: {  	_ =	shalt  }
0x54: {  	_ =	shalt  }
0x55: {  	_ =	shalt  }
0x56: {  	_ =	shalt  }
0x57: {  	_ =	shalt  }
0x58: {  	_ =	shalt  }
0x59: {  	_ =	shalt  }
0x5a: {  	_ =	shalt  }
0x5b: {  	_ =	shalt  }
0x5c: {  	_ =	shalt  }
0x5d: {  	_ =	shalt  }
0x5e: {  	_ =	shalt  }
0x5f: {  	_ =	shalt  }
0x60: {  	_ =	shalt  }
0x61: {  	_ =	shalt  }
0x62: {  	_ =	shalt  }
0x63: {  	_ =	shalt  }
0x64: {  	_ =	shalt  }
0x65: {  	_ =	shalt  }
0x66: {  	_ =	shalt  }
0x67: {  	_ =	shalt  }
0x68: {  	_ =	shalt  }
0x69: {  	_ =	shalt  }
0x6a: {  	_ =	shalt  }
0x6b: {  	_ =	shalt  }
0x6c: {  	_ =	shalt  }
0x6d: {  	_ =	shalt  }
0x6e: {  	_ =	shalt  }
0x6f: {  	_ =	shalt  }
0x70: {  	_ =	shalt  }
0x71: {  	_ =	shalt  }
0x72: {  	_ =	shalt  }
0x73: {  	_ =	shalt  }
0x74: {  	_ =	shalt  }
0x75: {  	_ =	shalt  }
0x76: {  	_ =	shalt  }
0x77: {  	_ =	shalt  }
0x78: {  	_ =	shalt  }
0x79: {  	_ =	shalt  }
0x7a: {  	_ =	shalt  }
0x7b: {  	_ =	shalt  }
0x7c: {  	_ =	shalt  }
0x7d: {  	_ =	shalt  }
0x7e: {  	_ =	shalt  }
0x7f: {  	_ =	shalt  }
0x80: {  	_ =	shalt  }
0x81: {  	_ =	shalt  }
0x82: {  	_ =	shalt  }
0x83: {  	_ =	shalt  }
0x84: {  	_ =	shalt  }
0x85: {  	_ =	shalt  }
0x86: {  	_ =	shalt  }
0x87: {  	_ =	shalt  }
.Lfunc_end0:
.L_simem_size_0:
called_computation.2_lowered:
.L_overlay_start_0:
0x88: {  	s2 =	sld [smem:$0x3FD9]  }
0x89: {  	s3 =	sld [smem:$0x3FFE];
	_ =	sdelay $0x1  }
0x8a: {  	s1 =	srdreg.scid  }
0x8b: {  	s0 =	sand.u32 $0x1, s1  }
0x8c: {  	s17 =	sshll.u32 s0, $0xA;
	s2 =	sadd.s32 s3, s2  }
0x8d: {  	s2 =	sadd.s32 s2, s17  }
0x8e: {  	[smem:$0x3FBA] =	sst s2  }
0x8f: {  	_ = 	snop  }
0x90: {  	s2 =	sld [smem:$0x3FD0];
	(tm) =	ssettm $0x1  }
0x91: {  	s18 =	sld [smem:$0x3FFB];
	_ =	sdelay $0x3  }
0x92: {  	_ =	strace s18  }
0x93: {  	s3 =	sld [smem:$0x3FFC];
	_ =	sdelay $0x3  }
0x94: {  	_ =	strace s3  }
0x95: {  	s3 =	sld [smem:$0x3FFD];
	_ =	sdelay $0x3  }
0x96: {  	_ =	strace s3  }
0x97: {  	_ =	strace $0x8FFFFFFF  }
0x98: {  	s19 =	sld [smem:$0x3FDB];
	_ =	sdelay $0x1  }
0x99: {  	s4 =	simm.s32 $_scs_section_size  }
0x9a: {  	s5 =	simm.s32 $_size__tile_overlayer_lowered;
	s6 =	simm.s32 $_tile_overlayer_lowered  }
0x9b: {  	s22 =	simm.s32 $0x1BFF;
	s21 =	sshll.u32 s6, $0x1;
	s3 =	sadd.s32 s4, s19  }
0x9c: {  	s7 =	simm.s32 $0x0;
	s20 =	sshll.u32 s5, $0x1;
	s5 =	sadd.s32 s21, s3  }
0x9d: {  	[timem:s7], [sflag:s22] =	dma.local [hbm:s5], s20  }
0x9e: {  	_ =	swait.ge [sflag:s22], s20  }
0x9f: {  	s4 =	ssub.s32 $0x0, s20;
	[sflag:s22] =	ssyncset.done $0x0  }
0xa0: {  	[sflag:s22] =	ssyncadd.s32 s4;
	_ =	sdelay $0x1  }
0xa1: {  	s23 =	simm.s32 $0x1B8B  }
0xa2: {  	_ =	swait.ge [sflag:s23], $0x1  }
0xa3: {  	[sflag:s23] =	ssyncset.done $0x0  }
0xa4: {  	s25 =	simm.s32 $0x1B8E;
	s24 =	sld [smem:$0x3FFE];
	[sflag:s23] =	ssyncadd.s32 $0xFFFFFFFF  }
0xa5: {  	s26 =	simm.s32 $execute0_lowered;
	[smem:$0x3FD2] =	sst s25  }
0xa6: {  	s5 =	sshll.u32 s26, $0x1;
	_ =	strace $0x8000004C;
	[dreg:$0x1] =	wrdreg $0xFFFFFFFF  }
0xa7: {  	s28 =	simm.s32 $_size_execute0_lowered;
	s3 =	sadd.s32 s3, s5;
	[dreg:$0x0] =	wrdreg $0x0  }
0xa8: {  	s5 =	sshll.u32 s28, $0x1;
	[dreg:$0x2] =	wrdreg s3  }
0xa9: {  	[dreg:$0x3] =	wrdreg s5  }
0xaa: {  	[dreg:$0x4] =	wrdreg $0xC0  }
0xab: {  	_ =	task [dreg:s7], $0x5FFFF  }
0xac: {  	[dreg:$0x1] =	wrdreg $0xFFFFFFFF  }
0xad: {  	[dreg:$0x0] =	wrdreg $0x60  }
0xae: {  	[dreg:$0x2] =	wrdreg s24  }
0xaf: {  	[dreg:$0x3] =	wrdreg s2  }
0xb0: {  	[dreg:$0x4] =	wrdreg $0x110000  }
0xb1: {  	[dreg:$0x5] =	wrdreg $0x9  }
0xb2: {  	_ =	task.clear_ibuf [dreg:s7], $0x6FFFF;
	_ =	strace $0x9000004C  }
0xb3: {  	s29 =	simm.s32 $0x9;
	_ =	strace $0x8000004E  }
0xb4: {  	_ =	swait.ge [sflag:s29], $0x1  }
0xb5: {  	[sflag:s29] =	ssyncadd.s32 $0xFFFFFFFF  }
0xb6: {  	_ =	strace $0x9000004E  }
0xb7: {  	_ =	sfence  }
0xb8: {  	s30 =	sld [smem:$0x0];
	_ =	sdelay $0x2  }
0xb9: {  	s31 =	sshll.u32 s1, $0xD;
	s1 =	sshrl.u32 s1, $0x2  }
0xba: {  	s3 =	sand.u32 $0x4000, s31;
	s1 =	sadd.s32 s1, s30  }
0xbb: {  	s0 =	sor.u32 s3, s0;
	s1 =	sshll.u32 s1, $0x11  }
0xbc: {  	s0 =	sor.u32 s1, s0  }
0xbd: {  	s0 =	sadd.s32 $0x8F2B, s0  }
0xbe: {  	[sflag:s0] =	ssyncadd.remote.s32 $0x1  }
0xbf: {  	_ =	sfence.sel $0xFFFF  }
0xc0: {  	[dreg:$0x0] =	wrdreg $0xFFFFFFFF;
	(pc) =	sbr.abs _section_cstart, $3  }
0xc1: {  	[dreg:$0x1] =	wrdreg $0xFFFFFFFF  }
0xc2: {  	_ =	task.clear_ibuf [dreg:s7], $0x2FFFF;
	_ =	strace $0x9FFFFFFF  }
0xc3: {  	(tm) =	ssettm $0x7FFFFFFF  }
tec
execute0_lowered:
.L_overlay_start_1:
0x0: {  	(tag) =	ssettag $0x1  }
0x1: {  	s0 =	rddreg [dreg:$0x0];
	s1 =	srdreg.scid  }
0x2: {  	s3 =	rddreg [dreg:$0x2];
	s8 =	stileid.u32;
	s4 =	simm.s32 $0x0  }
0x3: {  	s28 =	simm.s32 $0x80;
	s29 =	simm.s32 $0x5000;
	s30 =	simm.s32 $0x7000  }
0x4: {  	s31 =	simm.s32 $0xB000;
	s15 =	simm.s32 $0x7;
	s16 =	simm.s32 $0x5  }
0x5: {  	s17 =	simm.s32 $0x9;
	s18 =	simm.s32 $0xA;
	s1 =	sand.u32 $0x1, s1  }
0x6: {  	[smem:$0x7FF] =	sst s4;
	s5 =	sadd.s32 $0x16C00, s0;
	s2 =	sshll.u32 s1, $0x4  }
0x7: {  	s6 =	ssub.s32 $0x2, s1;
	s2 =	sor.u32 s8, s2;
	s8 =	smul.u32 $0xA000, s8  }
0x8: {  	_ =	strace $0x8000004D;
	s1 =	smul.u32 $0xA0000, s1;
	s7 =	sshrl.u32 s6, $0x1  }
0x9: {  	s2 =	smul.u32 $0x500, s2;
	s6 =	ssub.s32 s6, s7;
	s10 =	sadd.s32 s8, s3  }
0xa: {  	s20 =	sadd.s32 $0x2000, s8;
	s22 =	sadd.s32 $0x4000, s8;
	s9 =	sadd.s32 $0x6000, s8  }
0xb: {  	s12 =	sadd.s32 s8, s1;
	s8 =	sadd.s32 $0x8000, s8;
	s26 =	smax.u32 s6, $0x1  }
0xc: {  	s6 =	simm.s32 $0xD000;
	s2 =	sadd.s32 s2, s0;
	s0 =	sadd.s32 $0x2AC00, s0  }
0xd: {  	s11 =	sadd.s32 s20, s3;
	s21 =	sadd.s32 s22, s3;
	[dreg:$0xb] =	wrdreg s26  }
0xe: {  	s14 =	sadd.s32 s9, s3;
	s13 =	sshrl.u32 s12, $0x3;
	[dreg:$0xc] =	wrdreg s10  }
0xf: {  	s12 =	sadd.s32 s8, s3;
	s23 =	sadd.s32 s1, s22;
	[dreg:$0xd] =	wrdreg s11  }
0x10: {  	s24 =	sadd.s32 s1, s9;
	s19 =	sadd.s32 $0xCC00, s2;
	[dreg:$0xe] =	wrdreg s21  }
0x11: {  	s2 =	sadd.s32 $0x2C00, s2;
	s13 =	sadd.s32 s0, s13;
	[dreg:$0x4] =	wrdreg s19  }
0x12: {  	s9 =	smov.u32 s14;
	s7 =	sshrl.u32 s24, $0x3;
	[dreg:$0x5] =	wrdreg s2  }
0x13: {  	s14 =	simm.s32 $0x0;
	s2 =	sadd.s32 s1, s20;
	[dreg:$0x6] =	wrdreg s13  }
0x14: {  	s1 =	sadd.s32 s1, s8;
	s25 =	sadd.s32 s0, s7;
	s19 =	simm.s32 $0x15  }
0x15: {  	s7 =	simm.s32 $0x3;
	s13 =	simm.s32 $0x6;
	s2 =	sshrl.u32 s2, $0x3  }
.Ltmp0:
0x16: {  	[dreg:$0xf] =	wrdreg s9;
	s2 =	sadd.s32 s0, s2;
	(pc) =	sbr.rel .LBB2_1-.Ltmp0, $4  }
0x17: {  	s20 =	simm.s32 $0x8;
	[dreg:$0x7] =	wrdreg s2;
	s2 =	sshrl.u32 s23, $0x3  }
0x18: {  	[dreg:$0x9] =	wrdreg s25;
	s1 =	sshrl.u32 s1, $0x3;
	s2 =	sadd.s32 s0, s2  }
0x19: {  	s0 =	sadd.s32 s0, s1;
	s1 =	simm.s32 $0x1;
	[dreg:$0x8] =	wrdreg s2  }
0x1a: {  	[dreg:$0xa] =	wrdreg s0;
	s0 =	simm.s32 $0x9000;
	s2 =	simm.s32 $0x2  }
.LBB2_4:
0x1b: {  	_ =	swait.ge [sflag:s13], $0x2000  }
0x1c: {  	[sflag:s13] =	ssyncset.done $0x0  }
0x1d: {  	[sflag:s13] =	ssyncadd.s32 $0xFFFFE000  }
0x1e: {  	_ =	swait.ge [sflag:s15], $0x2000  }
0x1f: {  	[sflag:s15] =	ssyncset.done $0x0  }
0x20: {  	[sflag:s15] =	ssyncadd.s32 $0xFFFFE000  }
0x21: {  	_ =	swait.ge [sflag:s20], $0x2000  }
0x22: {  	[sflag:s20] =	ssyncset.done $0x0  }
0x23: {  	[sflag:s20] =	ssyncadd.s32 $0xFFFFE000  }
0x24: {  	_ =	swait.ge [sflag:s17], $0x2000  }
0x25: {  	[sflag:s17] =	ssyncset.done $0x0  }
0x26: {  	[sflag:s17] =	ssyncadd.s32 $0xFFFFE000  }
0x27: {  	_ =	swait.ge [sflag:s18], $0x2000  }
0x28: {  	[sflag:s18] =	ssyncset.done $0x0  }
0x29: {  	[sflag:s18] =	ssyncadd.s32 $0xFFFFE000  }
0x2a: {  	[bflag:$0x0] =	sbarrier.arrive $0xFFFF  }
0x2b: {  	s10 =	rddreg [dreg:$0xc]  }
0x2c: {  	[tilespmem:s29], [sflag:$0xB] =	stream.linear.gather [spmem:s10], $0x2000, $0x38;
	[tilespmem:$0x1B000] =	vst v63  }
0x2d: {  	s11 =	rddreg [dreg:$0xd]  }
0x2e: {  	[tilespmem:s30], [sflag:$0xC] =	stream.linear.gather [spmem:s11], $0x2000, $0x38;
	[tilespmem:$0x1B000] =	vst v63  }
0x2f: {  	s21 =	rddreg [dreg:$0xe]  }
0x30: {  	[tilespmem:s0], [sflag:$0xD] =	stream.linear.gather [spmem:s21], $0x2000, $0x38;
	[tilespmem:$0x1B000] =	vst v63  }
0x31: {  	s9 =	rddreg [dreg:$0xf]  }
0x32: {  	[tilespmem:s31], [sflag:$0xE] =	stream.linear.gather [spmem:s9], $0x2000, $0x38;
	[tilespmem:$0x1B000] =	vst v63  }
0x33: {  	_ = 	snop  }
0x34: {  	[tilespmem:s6], [sflag:$0xF] =	stream.linear.gather [spmem:s26], $0x2000, $0x38;
	[tilespmem:$0x1B000] =	vst v63  }
0x35: {  	_ =	swait.ge [sflag:s23], $0x2000  }
0x36: {  	[sflag:s23] =	ssyncset.done $0x0  }
0x37: {  	s8 =	rddreg [dreg:$0x6];
	[sflag:s23] =	ssyncadd.s32 $0xFFFFE000;
	s23 =	simm.s32 $0xC  }
0x38: {  	[hbm4b:s8+s4] =	stream.linear.scatter [tilespmem:s29], [sflag:$0x10], $0x2000, $0x38;
	[tilespmem:$0x1B000] =	vst v63  }
0x39: {  	_ =	swait.ge [sflag:s23], $0x2000  }
0x3a: {  	[sflag:s23] =	ssyncset.done $0x0  }
0x3b: {  	s12 =	smov.u32 s26;
	s26 =	rddreg [dreg:$0x7];
	[sflag:s23] =	ssyncadd.s32 $0xFFFFE000  }
0x3c: {  	[hbm4b:s26+s4] =	stream.linear.scatter [tilespmem:s30], [sflag:$0x11], $0x2000, $0x38;
	[tilespmem:$0x1B000] =	vst v63  }
0x3d: {  	_ =	swait.ge [sflag:s24], $0x2000  }
0x3e: {  	[sflag:s24] =	ssyncset.done $0x0  }
0x3f: {  	s23 =	simm.s32 $0xE;
	s22 =	rddreg [dreg:$0x8];
	[sflag:s24] =	ssyncadd.s32 $0xFFFFE000  }
0x40: {  	[hbm4b:s22+s4] =	stream.linear.scatter [tilespmem:s0], [sflag:$0x12], $0x2000, $0x38;
	[tilespmem:$0x1B000] =	vst v63  }
0x41: {  	_ =	swait.ge [sflag:s23], $0x2000  }
0x42: {  	[sflag:s23] =	ssyncset.done $0x0  }
0x43: {  	s24 =	rddreg [dreg:$0x9];
	[sflag:s23] =	ssyncadd.s32 $0xFFFFE000  }
0x44: {  	[hbm4b:s24+s4] =	stream.linear.scatter [tilespmem:s31], [sflag:$0x13], $0x2000, $0x38;
	[tilespmem:$0x1B000] =	vst v63  }
0x45: {  	_ =	swait.ge [sflag:s25], $0x2000  }
0x46: {  	[sflag:s25] =	ssyncset.done $0x0  }
0x47: {  	s22 =	simm.s32 $0x10;
	s26 =	rddreg [dreg:$0xa];
	[sflag:s25] =	ssyncadd.s32 $0xFFFFE000  }
0x48: {  	[hbm4b:s26+s4] =	stream.linear.scatter [tilespmem:s6], [sflag:$0x14], $0x2000, $0x38;
	[tilespmem:$0x1B000] =	vst v63  }
0x49: {  	_ =	swait.ge [sflag:s22], $0x2000  }
0x4a: {  	[sflag:s22] =	ssyncset.done $0x0  }
0x4b: {  	s23 =	simm.s32 $0x11;
	[sflag:s22] =	ssyncadd.s32 $0xFFFFE000  }
0x4c: {  	_ =	swait.ge [sflag:s23], $0x2000  }
0x4d: {  	[sflag:s23] =	ssyncset.done $0x0  }
0x4e: {  	s24 =	simm.s32 $0x12;
	[sflag:s23] =	ssyncadd.s32 $0xFFFFE000  }
0x4f: {  	_ =	swait.ge [sflag:s24], $0x2000  }
0x50: {  	[sflag:s24] =	ssyncset.done $0x0  }
0x51: {  	s25 =	simm.s32 $0x13;
	[sflag:s24] =	ssyncadd.s32 $0xFFFFE000  }
0x52: {  	_ =	swait.ge [sflag:s25], $0x2000  }
0x53: {  	[sflag:s25] =	ssyncset.done $0x0  }
0x54: {  	s22 =	simm.s32 $0x14;
	[sflag:s25] =	ssyncadd.s32 $0xFFFFE000  }
0x55: {  	_ =	swait.ge [sflag:s22], $0x2000  }
0x56: {  	s14 =	sadd.s32 $0x1, s14;
	s26 =	rddreg [dreg:$0xb]  }
0x57: {  	p0 =	sne.s32 s14, s26  }
.Ltmp1:
0x58: {  	_ = 	snop;
	(pc) =	sbr.rel @!p0 .LBB2_5-.Ltmp1, $3  }
0x59: {  	_ =	sdelay $0x1  }
0x5a: {  	[sflag:s22] =	ssyncset.done $0x0  }
0x5b: {  	[sflag:s22] =	ssyncadd.s32 $0xFFFFE000  }
.LBB2_1:
0x5c: {  	s8 =	rddreg [dreg:$0x4]  }
0x5d: {  	[tilespmem:s4], [sflag:$0x15] =	stream.linear.gather [hbm4b:s8+s4], $0x2800, $0x38;
	[tilespmem:$0x1B000] =	vst v63  }
0x5e: {  	_ =	swait.ge [sflag:s19], $0x2800  }
0x5f: {  	[sflag:s19] =	ssyncset.done $0x0  }
0x60: {  	s22 =	simm.s32 $0x2800;
	s23 =	rddreg [dreg:$0x5];
	[sflag:s19] =	ssyncadd.s32 $0xFFFFD800  }
0x61: {  	[tilespmem:s22], [sflag:$0x15] =	stream.linear.gather [hbm4b:s23+s4], $0x2800, $0x38;
	[tilespmem:$0x1B000] =	vst v63  }
0x62: {  	_ =	swait.ge [sflag:s19], $0x2800  }
0x63: {  	[sflag:s19] =	ssyncset.done $0x0  }
0x64: {  	[sflag:s19] =	ssyncadd.s32 $0xFFFFD800  }
0x65: {  	s23 =	simm.s32 $0xF000;
	s26 =	rddreg [dreg:$0x1]  }
0x66: {  	[tilespmem:s23], [sflag:$0x15] =	stream.linear.gather [hbm4b:s26+s4], $0x2000, $0x38;
	[tilespmem:$0x1B000] =	vst v63  }
0x67: {  	_ =	swait.ge [sflag:s19], $0x2000  }
0x68: {  	[sflag:s19] =	ssyncset.done $0x0  }
0x69: {  	[sflag:s19] =	ssyncadd.s32 $0xFFFFE000  }
0x6a: {  	[spmem:s10] =	stream.linear.scatter [tilespmem:s23], [sflag:$0xB], $0x2000, $0x38;
	[tilespmem:$0x1B000] =	vst v63  }
0x6b: {  	_ = 	snop  }
0x6c: {  	[spmem:s11] =	stream.linear.scatter [tilespmem:s23], [sflag:$0xC], $0x2000, $0x38;
	[tilespmem:$0x1B000] =	vst v63  }
0x6d: {  	_ = 	snop  }
0x6e: {  	[spmem:s21] =	stream.linear.scatter [tilespmem:s23], [sflag:$0xD], $0x2000, $0x38;
	[tilespmem:$0x1B000] =	vst v63  }
0x6f: {  	_ = 	snop  }
0x70: {  	[spmem:s9] =	stream.linear.scatter [tilespmem:s23], [sflag:$0xE], $0x2000, $0x38;
	[tilespmem:$0x1B000] =	vst v63  }
0x71: {  	_ = 	snop  }
0x72: {  	[spmem:s12] =	stream.linear.scatter [tilespmem:s23], [sflag:$0xF], $0x2000, $0x38;
	[tilespmem:$0x1B000] =	vst v63  }
0x73: {  	s23 =	simm.s32 $0xB  }
0x74: {  	_ =	swait.ge [sflag:s23], $0x2000  }
0x75: {  	[sflag:s23] =	ssyncset.done $0x0  }
0x76: {  	s24 =	simm.s32 $0xC;
	[sflag:s23] =	ssyncadd.s32 $0xFFFFE000  }
0x77: {  	_ =	swait.ge [sflag:s24], $0x2000  }
0x78: {  	[sflag:s24] =	ssyncset.done $0x0  }
0x79: {  	[sflag:s24] =	ssyncadd.s32 $0xFFFFE000;
	s24 =	simm.s32 $0xD  }
0x7a: {  	_ =	swait.ge [sflag:s24], $0x2000  }
0x7b: {  	[sflag:s24] =	ssyncset.done $0x0  }
0x7c: {  	s25 =	simm.s32 $0xE;
	[sflag:s24] =	ssyncadd.s32 $0xFFFFE000  }
0x7d: {  	_ =	swait.ge [sflag:s25], $0x2000  }
0x7e: {  	[sflag:s25] =	ssyncset.done $0x0  }
0x7f: {  	[sflag:s25] =	ssyncadd.s32 $0xFFFFE000;
	s25 =	simm.s32 $0xF  }
0x80: {  	_ =	swait.ge [sflag:s25], $0x2000  }
0x81: {  	[sflag:s25] =	ssyncset.done $0x0  }
0x82: {  	[sflag:s25] =	ssyncadd.s32 $0xFFFFE000  }
0x83: {  	[bflag:$0x0] =	sbarrier.arrive $0xFFFF  }
0x84: {  	[tilespmem:s29], [sflag:$0x1] =	stream.indirect.gather [hbm4b:s5+s28], $0x40, s4, s28, $0xb8;
	[tilespmem:$0x1B000] =	vst v63  }
0x85: {  	_ = 	snop  }
0x86: {  	[tilespmem:s30], [sflag:$0x2] =	stream.indirect.gather [hbm4b:s5+s28], $0x40, s28, s28, $0xb8;
	[tilespmem:$0x1B000] =	vst v63  }
0x87: {  	s10 =	simm.s32 $0x100  }
0x88: {  	[tilespmem:s0], [sflag:$0x3] =	stream.indirect.gather [hbm4b:s5+s28], $0x40, s10, s28, $0xb8;
	[tilespmem:$0x1B000] =	vst v63  }
0x89: {  	_ =	swait.ge [sflag:s1], $0x2000  }
0x8a: {  	[sflag:s1] =	ssyncset.done $0x0  }
0x8b: {  	[sflag:s1] =	ssyncadd.s32 $0xFFFFE000  }
0x8c: {  	[spmem:s3] =	stream.indirect.scatter.add.f32 [tilespmem:s29], [sflag:$0x6], $0x40, s22, s28, $0xb8;
	[tilespmem:$0x1B000] =	vst v63  }
0x8d: {  	s11 =	simm.s32 $0x180  }
0x8e: {  	[tilespmem:s31], [sflag:$0x4] =	stream.indirect.gather [hbm4b:s5+s28], $0x40, s11, s28, $0xb8;
	[tilespmem:$0x1B000] =	vst v63  }
0x8f: {  	_ =	swait.ge [sflag:s2], $0x2000  }
0x90: {  	[sflag:s2] =	ssyncset.done $0x0  }
0x91: {  	s26 =	smov.u32 s12;
	s12 =	simm.s32 $0x2880;
	[sflag:s2] =	ssyncadd.s32 $0xFFFFE000  }
0x92: {  	[spmem:s3] =	stream.indirect.scatter.add.f32 [tilespmem:s30], [sflag:$0x7], $0x40, s12, s28, $0xb8;
	[tilespmem:$0x1B000] =	vst v63  }
0x93: {  	s21 =	simm.s32 $0x200  }
0x94: {  	[tilespmem:s6], [sflag:$0x5] =	stream.indirect.gather [hbm4b:s5+s28], $0x40, s21, s28, $0xb8;
	[tilespmem:$0x1B000] =	vst v63  }
0x95: {  	_ =	swait.ge [sflag:s7], $0x2000  }
0x96: {  	[sflag:s7] =	ssyncset.done $0x0  }
0x97: {  	s22 =	simm.s32 $0x2900;
	[sflag:s7] =	ssyncadd.s32 $0xFFFFE000  }
0x98: {  	[spmem:s3] =	stream.indirect.scatter.add.f32 [tilespmem:s0], [sflag:$0x8], $0x40, s22, s28, $0xb8;
	[tilespmem:$0x1B000] =	vst v63  }
0x99: {  	_ =	swait.ge [sflag:s13], $0x2000  }
0x9a: {  	[sflag:s13] =	ssyncset.done $0x0  }
0x9b: {  	s9 =	simm.s32 $0x280;
	s10 =	simm.s32 $0x4;
	[sflag:s13] =	ssyncadd.s32 $0xFFFFE000  }
0x9c: {  	[tilespmem:s29], [sflag:$0x1] =	stream.indirect.gather [hbm4b:s5+s28], $0x40, s9, s28, $0xb8;
	[tilespmem:$0x1B000] =	vst v63  }
0x9d: {  	_ =	swait.ge [sflag:s10], $0x2000  }
0x9e: {  	[sflag:s10] =	ssyncset.done $0x0  }
0x9f: {  	s11 =	simm.s32 $0x2980;
	[sflag:s10] =	ssyncadd.s32 $0xFFFFE000  }
0xa0: {  	[spmem:s3] =	stream.indirect.scatter.add.f32 [tilespmem:s31], [sflag:$0x9], $0x40, s11, s28, $0xb8;
	[tilespmem:$0x1B000] =	vst v63  }
0xa1: {  	_ =	swait.ge [sflag:s15], $0x2000  }
0xa2: {  	[sflag:s15] =	ssyncset.done $0x0  }
0xa3: {  	s12 =	simm.s32 $0x300;
	[sflag:s15] =	ssyncadd.s32 $0xFFFFE000  }
0xa4: {  	[tilespmem:s30], [sflag:$0x2] =	stream.indirect.gather [hbm4b:s5+s28], $0x40, s12, s28, $0xb8;
	[tilespmem:$0x1B000] =	vst v63  }
0xa5: {  	_ =	swait.ge [sflag:s16], $0x2000  }
0xa6: {  	[sflag:s16] =	ssyncset.done $0x0  }
0xa7: {  	s21 =	simm.s32 $0x2A00;
	[sflag:s16] =	ssyncadd.s32 $0xFFFFE000  }
0xa8: {  	[spmem:s3] =	stream.indirect.scatter.add.f32 [tilespmem:s6], [sflag:$0xA], $0x40, s21, s28, $0xb8;
	[tilespmem:$0x1B000] =	vst v63  }
0xa9: {  	_ =	swait.ge [sflag:s20], $0x2000  }
0xaa: {  	[sflag:s20] =	ssyncset.done $0x0  }
0xab: {  	s8 =	simm.s32 $0x0;
	s22 =	simm.s32 $0x380;
	[sflag:s20] =	ssyncadd.s32 $0xFFFFE000  }
0xac: {  	[tilespmem:s0], [sflag:$0x3] =	stream.indirect.gather [hbm4b:s5+s28], $0x40, s22, s28, $0xb8;
	[tilespmem:$0x1B000] =	vst v63  }
.LBB2_2:
0xad: {  	_ =	swait.ge [sflag:s1], $0x2000  }
0xae: {  	s9 =	sshra.s32 s8, $0x2;
	[sflag:s1] =	ssyncset.done $0x0  }
0xaf: {  	s10 =	sadd.s32 $0x2A80, s9;
	[sflag:s1] =	ssyncadd.s32 $0xFFFFE000  }
0xb0: {  	[spmem:s3] =	stream.indirect.scatter.add.f32 [tilespmem:s29], [sflag:$0x6], $0x40, s10, s28, $0xb8;
	[tilespmem:$0x1B000] =	vst v63  }
0xb1: {  	_ =	swait.ge [sflag:s17], $0x2000  }
0xb2: {  	[sflag:s17] =	ssyncset.done $0x0  }
0xb3: {  	s22 =	sadd.s32 $0x400, s9;
	[sflag:s17] =	ssyncadd.s32 $0xFFFFE000  }
0xb4: {  	[tilespmem:s31], [sflag:$0x4] =	stream.indirect.gather [hbm4b:s5+s28], $0x40, s22, s28, $0xb8;
	[tilespmem:$0x1B000] =	vst v63  }
0xb5: {  	_ =	swait.ge [sflag:s2], $0x2000  }
0xb6: {  	[sflag:s2] =	ssyncset.done $0x0  }
0xb7: {  	s11 =	sadd.s32 $0x2B00, s9;
	[sflag:s2] =	ssyncadd.s32 $0xFFFFE000  }
0xb8: {  	[spmem:s3] =	stream.indirect.scatter.add.f32 [tilespmem:s30], [sflag:$0x7], $0x40, s11, s28, $0xb8;
	[tilespmem:$0x1B000] =	vst v63  }
0xb9: {  	_ =	swait.ge [sflag:s18], $0x2000  }
0xba: {  	[sflag:s18] =	ssyncset.done $0x0  }
0xbb: {  	s12 =	sadd.s32 $0x480, s9;
	[sflag:s18] =	ssyncadd.s32 $0xFFFFE000  }
0xbc: {  	[tilespmem:s6], [sflag:$0x5] =	stream.indirect.gather [hbm4b:s5+s28], $0x40, s12, s28, $0xb8;
	[tilespmem:$0x1B000] =	vst v63  }
0xbd: {  	_ =	swait.ge [sflag:s7], $0x2000  }
0xbe: {  	p0 =	seq.s32 s8, $0x8C00;
	[sflag:s7] =	ssyncset.done $0x0  }
0xbf: {  	s21 =	sadd.s32 $0x2B80, s9;
	s10 =	simm.s32 @p0 $0x4;
	[sflag:s7] =	ssyncadd.s32 $0xFFFFE000  }
0xc0: {  	[spmem:s3] =	stream.indirect.scatter.add.f32 [tilespmem:s0], [sflag:$0x8], $0x40, s21, s28, $0xb8;
	[tilespmem:$0x1B000] =	vst v63  }
0xc1: {  	_ =	swait.ge @p0 [sflag:s10], $0x2000  }
0xc2: {  	[sflag:s10] =	ssyncset.done @p0 $0x0  }
0xc3: {  	[sflag:s10] =	ssyncadd.s32 @p0 $0xFFFFE000;
	s10 =	sshra.s32 @p0 s8, $0x2  }
0xc4: {  	s11 =	simm.s32 @p0 $0x80;
	s12 =	simm.s32 @p0 $0xB000;
	s10 =	sadd.s32 @p0 $0x2C00, s10  }
0xc5: {  	[spmem:s3] =	stream.indirect.scatter.add.f32 @p0 [tilespmem:s12], [sflag:$0x9], $0x40, s10, s11, $0xb8;
	[tilespmem:$0x1B000] =	vst v63  }
0xc6: {  	s10 =	simm.s32 @!p0 $0x6  }
0xc7: {  	_ =	swait.ge @!p0 [sflag:s10], $0x2000  }
0xc8: {  	[sflag:s10] =	ssyncset.done @!p0 $0x0  }
0xc9: {  	[sflag:s10] =	ssyncadd.s32 @!p0 $0xFFFFE000;
	s10 =	sshra.s32 @!p0 s8, $0x2  }
0xca: {  	s21 =	simm.s32 @!p0 $0x5000;
	s12 =	simm.s32 @!p0 $0x80;
	s11 =	sadd.s32 @!p0 $0x500, s10  }
0xcb: {  	[tilespmem:s21], [sflag:$0x1] =	stream.indirect.gather @!p0 [hbm4b:s5+s12], $0x40, s11, s12, $0xb8;
	[tilespmem:$0x1B000] =	vst v63  }
0xcc: {  	s11 =	simm.s32 @!p0 $0x4  }
0xcd: {  	_ =	swait.ge @!p0 [sflag:s11], $0x2000  }
0xce: {  	[sflag:s11] =	ssyncset.done @!p0 $0x0  }
0xcf: {  	s21 =	simm.s32 @!p0 $0xB000;
	[sflag:s11] =	ssyncadd.s32 @!p0 $0xFFFFE000;
	s11 =	sadd.s32 @!p0 $0x2C00, s10  }
0xd0: {  	[spmem:s3] =	stream.indirect.scatter.add.f32 @!p0 [tilespmem:s21], [sflag:$0x9], $0x40, s11, s12, $0xb8;
	[tilespmem:$0x1B000] =	vst v63  }
0xd1: {  	s11 =	simm.s32 @!p0 $0x7  }
0xd2: {  	_ =	swait.ge @!p0 [sflag:s11], $0x2000  }
0xd3: {  	[sflag:s11] =	ssyncset.done @!p0 $0x0  }
0xd4: {  	s10 =	sadd.s32 @!p0 $0x580, s10;
	[sflag:s11] =	ssyncadd.s32 @!p0 $0xFFFFE000;
	s11 =	simm.s32 @!p0 $0x7000  }
0xd5: {  	[tilespmem:s11], [sflag:$0x2] =	stream.indirect.gather @!p0 [hbm4b:s5+s12], $0x40, s10, s12, $0xb8;
	[tilespmem:$0x1B000] =	vst v63  }
.Ltmp2:
0xd6: {  	_ = 	snop;
	(pc) =	sbr.rel @p0 .LBB2_4-.Ltmp2, $4  }
0xd7: {  	_ =	swait.ge [sflag:s16], $0x2000  }
0xd8: {  	[sflag:s16] =	ssyncset.done $0x0  }
0xd9: {  	s22 =	sadd.s32 $0x2C80, s9;
	[sflag:s16] =	ssyncadd.s32 $0xFFFFE000  }
0xda: {  	[spmem:s3] =	stream.indirect.scatter.add.f32 [tilespmem:s6], [sflag:$0xA], $0x40, s22, s28, $0xb8;
	[tilespmem:$0x1B000] =	vst v63  }
.Ltmp3:
0xdb: {  	(pc) =	sbr.rel .LBB2_2-.Ltmp3, $4  }
0xdc: {  	_ =	swait.ge [sflag:s20], $0x2000  }
0xdd: {  	[sflag:s20] =	ssyncset.done $0x0  }
0xde: {  	s9 =	sadd.s32 $0x600, s9;
	s8 =	sadd.s32 $0xA00, s8;
	[sflag:s20] =	ssyncadd.s32 $0xFFFFE000  }
0xdf: {  	[tilespmem:s0], [sflag:$0x3] =	stream.indirect.gather [hbm4b:s5+s28], $0x40, s9, s28, $0xb8;
	[tilespmem:$0x1B000] =	vst v63  }
.LBB2_5:
0xe0: {  	_ =	sfence.sel $0x180000  }
0xe1: {  	[bflag:$0x0] =	sbarrier.arrive $0xFFFF  }
0xe2: {  	_ =	strace $0x9000004D  }
0xe3: {  	s0 =	stileid.u32;
	[bflag:$0x2] =	sbarrier.arrive $0xFFFF  }
0xe4: {  	p0 =	sne.s32 s0, $0x0;
	s0 =	rddreg [dreg:$0x3]  }
0xe5: {  	s0 =	sadd.s32 @!p0 $0x100000, s0  }
0xe6: {  	[sflag:s0] =	ssyncadd.tile.s32 @!p0 $0x1;
	_ =	shalt  }
.Lfunc_end2:
_tile_overlayer_lowered:
.L_overlay_start_2:
0xe7: {  	(tag) =	ssettag $0x2  }
0xe8: {  	s0 =	rddreg [dreg:$0x0];
	s2 =	stileid.u32  }
0xe9: {  	s1 =	rddreg [dreg:$0x1];
	p0 =	sne.s32 s2, $0x0  }
0xea: {  	s3 =	rddreg [dreg:$0x2];
	[bflag:$0x3] =	sbarrier.arrive $0xFFFF;
	s2 =	simm.s32 @!p0 $0x1C15  }
0xeb: {  	[timem:s3], [sflag:s2] =	dma.local @!p0 [hbm:s0], s1  }
0xec: {  	s0 =	simm.s32 @!p0 $0x15  }
0xed: {  	_ =	swait.ge @!p0 [sflag:s0], s1  }
0xee: {  	s1 =	ssub.s32 @!p0 $0x0, s1;
	[sflag:s0] =	ssyncset.done @!p0 $0x0  }
0xef: {  	[sflag:s0] =	ssyncadd.s32 @!p0 s1  }
0xf0: {  	[bflag:$0x3] =	sbarrier.arrive $0xFFFF  }
0xf1: {  	_ =	shalt  }

// kernel: kernel.19.cloned.1.call-start
scs
__scs_entry_jumppad:
0x0: {  	(pc) =	sbr.rel $0x88, $3  }
0x1: {  	(tag) =	ssettag $0x0;
	lr =	simm.s32 $0x1  }
0x2: {  	[smem:$0x3F93] =	sst lr;
	_ =	strace $0xD0000000  }
0x3: {  	_ = 	snop  }
0x4: {  	_ = 	snop  }
0x5: {  	_ = 	snop  }
0x6: {  	_ = 	snop  }
0x7: {  	_ = 	snop  }
__scs_overlays_trampoline_lowered:
0x8: {  	[smem:$0x3FA2] =	sst s0  }
0x9: {  	[smem:$0x3FA3] =	sst s1  }
0xa: {  	[smem:$0x3FA4] =	sst s2  }
0xb: {  	[smem:$0x3FA5] =	sst s3  }
0xc: {  	[smem:$0x3FA6] =	sst s4  }
0xd: {  	[smem:$0x3FA7] =	sst s5  }
0xe: {  	[smem:$0x3FA8] =	sst s6  }
0xf: {  	[smem:$0x3FA9] =	sst s7  }
0x10: {  	[smem:$0x3FAA] =	sst s8  }
0x11: {  	[smem:$0x3FAB] =	sst s9;
	s0 =	simm.s32 @!p0 $0x0  }
0x12: {  	s1 =	sld [smem:$0x3F91];
	s0 =	simm.s32 @p0 $0x1  }
0x13: {  	[smem:$0x3FAC] =	sst s0;
	s0 =	simm.s32 @!p1 $0x0  }
0x14: {  	s2 =	sld [smem:$0x3F90];
	s0 =	simm.s32 @p1 $0x1  }
0x15: {  	[smem:$0x3FAD] =	sst s0;
	s0 =	simm.s32 @!p2 $0x0  }
0x16: {  	s3 =	sld [smem:$0x3FDB];
	s0 =	simm.s32 @p2 $0x1  }
0x17: {  	s4 =	simm.s32 $0x1BF5;
	[smem:$0x3FAF] =	sst s0  }
0x18: {  	s0 =	sld [smem:$0x3F92];
	_ =	swait.ge [sflag:s4], $0x0  }
0x19: {  	s7 =	sld [smem:$0x3F93]  }
0x1a: {  	s8 =	sadd.s32 $0xFFFFE003, lr  }
0x1b: {  	s9 =	sadd.s32 $0xFFFFFEF7, lr;
	s5 =	simm.s32 $0xFFFFFFFF;
	p2 =	slt.u32 s8, $0xFFFFF086  }
0x1c: {  	p1 =	slt.u32 s9, $0xF7A;
	s5 =	simm.s32 @!p2 $0x0  }
0x1d: {  	s5 =	simm.s32 @p1 $0x1;
	p0 =	seq.s32 s7, s2  }
0x1e: {  	s7 =	smul.u32 @!p0 $0xF7A, s2;
	p2 =	seq.s32 @!p0 s5, $0x0  }
0x1f: {  	s9 =	smul.u32 $0xF7A, s1;
	s8 =	simm.s32 @!p0 $0x1BF5;
	p2 =	por !p2, p0  }
0x20: {  	[sflag:s8] =	ssyncset.s32 @!p0 $0xFFFFF086;
	s6 =	sadd.s32 @!p0 s3, s7;
	s7 =	simm.s32 @!p0 $0x108  }
0x21: {  	s3 =	sadd.s32 s3, s9;
	s6 =	sadd.s32 @!p0 $0x88, s6;
	s7 =	simm.s32 @p2 $0x1082  }
0x22: {  	[simem:s7], [sflag:s8] =	dma.local @!p0 [hbm:s6], $0xF7A  }
0x23: {  	s9 =	sor.u32 $0xD0000000, s2;
	s6 =	simm.s32 $0x108;
	_ =	swait.ge @!p0 [sflag:s8], $0x0  }
0x24: {  	s3 =	sadd.s32 $0x88, s3;
	s6 =	simm.s32 @!p1 $0x1082;
	[sflag:s4] =	ssyncset.s32 $0xFFFFF086  }
0x25: {  	[simem:s6], [sflag:s4] =	dma.local [hbm:s3], $0xF7A  }
0x26: {  	[smem:$0x3F93] =	sst s1;
	(tag) =	ssettag s2;
	_ =	strace s9  }
0x27: {  	s1 =	sld [smem:$0x3FA3]  }
0x28: {  	s2 =	sld [smem:$0x3FA4]  }
0x29: {  	s4 =	sld [smem:$0x3FA6]  }
0x2a: {  	p0 =	seq.s32 s5, $0x0;
	s5 =	sld [smem:$0x3FA7]  }
0x2b: {  	s6 =	sld [smem:$0x3FA8]  }
0x2c: {  	s7 =	sld [smem:$0x3FA9]  }
0x2d: {  	s3 =	simm.s32 $0x108;
	s8 =	sld [smem:$0x3FAA]  }
0x2e: {  	s3 =	simm.s32 @!p0 $0x1082;
	s9 =	sld [smem:$0x3FAB]  }
0x2f: {  	lr =	sadd.s32 s0, s3;
	s0 =	sld [smem:$0x3FA2]  }
0x30: {  	s3 =	sld [smem:$0x3FA5]  }
0x31: {  	[smem:$0x3FAE] =	sst s10  }
0x32: {  	s10 =	sld [smem:$0x3FAC];
	_ =	sdelay $0x3  }
0x33: {  	p0 =	seq.s32 s10, $0x1;
	s10 =	sld [smem:$0x3FAE];
	_ =	sdelay $0x3  }
0x34: {  	[smem:$0x3FAE] =	sst s10  }
0x35: {  	s10 =	sld [smem:$0x3FAD];
	_ =	sdelay $0x3  }
0x36: {  	p1 =	seq.s32 s10, $0x1;
	s10 =	sld [smem:$0x3FAE];
	_ =	sdelay $0x3  }
0x37: {  	[smem:$0x3FAE] =	sst s10  }
0x38: {  	s10 =	sld [smem:$0x3FAF]  }
0x39: {  	_ = 	snop;
	(pc) =	sbr.ind lr, $3  }
0x3a: {  	_ = 	snop  }
0x3b: {  	_ = 	snop  }
0x3c: {  	p2 =	seq.s32 s10, $0x1;
	s10 =	sld [smem:$0x3FAE]  }
0x3d: {  	_ =	shalt  }
0x3e: {  	_ =	shalt  }
0x3f: {  	_ =	shalt  }
0x40: {  	_ =	shalt  }
0x41: {  	_ =	shalt  }
0x42: {  	_ =	shalt  }
0x43: {  	_ =	shalt  }
0x44: {  	_ =	shalt  }
0x45: {  	_ =	shalt  }
0x46: {  	_ =	shalt  }
0x47: {  	_ =	shalt  }
0x48: {  	_ =	shalt  }
0x49: {  	_ =	shalt  }
0x4a: {  	_ =	shalt  }
0x4b: {  	_ =	shalt  }
0x4c: {  	_ =	shalt  }
0x4d: {  	_ =	shalt  }
0x4e: {  	_ =	shalt  }
0x4f: {  	_ =	shalt  }
0x50: {  	_ =	shalt  }
0x51: {  	_ =	shalt  }
0x52: {  	_ =	shalt  }
0x53: {  	_ =	shalt  }
0x54: {  	_ =	shalt  }
0x55: {  	_ =	shalt  }
0x56: {  	_ =	shalt  }
0x57: {  	_ =	shalt  }
0x58: {  	_ =	shalt  }
0x59: {  	_ =	shalt  }
0x5a: {  	_ =	shalt  }
0x5b: {  	_ =	shalt  }
0x5c: {  	_ =	shalt  }
0x5d: {  	_ =	shalt  }
0x5e: {  	_ =	shalt  }
0x5f: {  	_ =	shalt  }
0x60: {  	_ =	shalt  }
0x61: {  	_ =	shalt  }
0x62: {  	_ =	shalt  }
0x63: {  	_ =	shalt  }
0x64: {  	_ =	shalt  }
0x65: {  	_ =	shalt  }
0x66: {  	_ =	shalt  }
0x67: {  	_ =	shalt  }
0x68: {  	_ =	shalt  }
0x69: {  	_ =	shalt  }
0x6a: {  	_ =	shalt  }
0x6b: {  	_ =	shalt  }
0x6c: {  	_ =	shalt  }
0x6d: {  	_ =	shalt  }
0x6e: {  	_ =	shalt  }
0x6f: {  	_ =	shalt  }
0x70: {  	_ =	shalt  }
0x71: {  	_ =	shalt  }
0x72: {  	_ =	shalt  }
0x73: {  	_ =	shalt  }
0x74: {  	_ =	shalt  }
0x75: {  	_ =	shalt  }
0x76: {  	_ =	shalt  }
0x77: {  	_ =	shalt  }
0x78: {  	_ =	shalt  }
0x79: {  	_ =	shalt  }
0x7a: {  	_ =	shalt  }
0x7b: {  	_ =	shalt  }
0x7c: {  	_ =	shalt  }
0x7d: {  	_ =	shalt  }
0x7e: {  	_ =	shalt  }
0x7f: {  	_ =	shalt  }
0x80: {  	_ =	shalt  }
0x81: {  	_ =	shalt  }
0x82: {  	_ =	shalt  }
0x83: {  	_ =	shalt  }
0x84: {  	_ =	shalt  }
0x85: {  	_ =	shalt  }
0x86: {  	_ =	shalt  }
0x87: {  	_ =	shalt  }
.Lfunc_end0:
.L_simem_size_0:
called_computation.3_lowered:
.L_overlay_start_0:
0x88: {  	s2 =	sld [smem:$0x3FD9]  }
0x89: {  	s3 =	sld [smem:$0x3FFE];
	_ =	sdelay $0x1  }
0x8a: {  	s1 =	srdreg.scid  }
0x8b: {  	s0 =	sand.u32 $0x1, s1  }
0x8c: {  	s17 =	sshll.u32 s0, $0xA;
	s2 =	sadd.s32 s3, s2  }
0x8d: {  	s2 =	sadd.s32 s2, s17  }
0x8e: {  	[smem:$0x3FBA] =	sst s2  }
0x8f: {  	_ = 	snop  }
0x90: {  	s2 =	sld [smem:$0x3FD0];
	(tm) =	ssettm $0x1  }
0x91: {  	s18 =	sld [smem:$0x3FFB];
	_ =	sdelay $0x3  }
0x92: {  	_ =	strace s18  }
0x93: {  	s3 =	sld [smem:$0x3FFC];
	_ =	sdelay $0x3  }
0x94: {  	_ =	strace s3  }
0x95: {  	s3 =	sld [smem:$0x3FFD];
	_ =	sdelay $0x3  }
0x96: {  	_ =	strace s3  }
0x97: {  	_ =	strace $0x8FFFFFFF  }
0x98: {  	s19 =	sld [smem:$0x3FDB];
	_ =	sdelay $0x1  }
0x99: {  	s4 =	simm.s32 $_scs_section_size  }
0x9a: {  	s5 =	simm.s32 $_size__tile_overlayer_lowered;
	s6 =	simm.s32 $_tile_overlayer_lowered  }
0x9b: {  	s22 =	simm.s32 $0x1BFF;
	s21 =	sshll.u32 s6, $0x1;
	s3 =	sadd.s32 s4, s19  }
0x9c: {  	s7 =	simm.s32 $0x0;
	s20 =	sshll.u32 s5, $0x1;
	s5 =	sadd.s32 s21, s3  }
0x9d: {  	[timem:s7], [sflag:s22] =	dma.local [hbm:s5], s20  }
0x9e: {  	_ =	swait.ge [sflag:s22], s20  }
0x9f: {  	s4 =	ssub.s32 $0x0, s20;
	[sflag:s22] =	ssyncset.done $0x0  }
0xa0: {  	[sflag:s22] =	ssyncadd.s32 s4;
	_ =	sdelay $0x1  }
0xa1: {  	s23 =	simm.s32 $0x1B8B  }
0xa2: {  	_ =	swait.ge [sflag:s23], $0x1  }
0xa3: {  	[sflag:s23] =	ssyncset.done $0x0  }
0xa4: {  	s25 =	simm.s32 $0x1B8E;
	s24 =	sld [smem:$0x3FFE];
	[sflag:s23] =	ssyncadd.s32 $0xFFFFFFFF  }
0xa5: {  	s26 =	simm.s32 $execute0_lowered;
	[smem:$0x3FD2] =	sst s25  }
0xa6: {  	s5 =	sshll.u32 s26, $0x1;
	_ =	strace $0x8000004F;
	[dreg:$0x1] =	wrdreg $0xFFFFFFFF  }
0xa7: {  	s28 =	simm.s32 $_size_execute0_lowered;
	s3 =	sadd.s32 s3, s5;
	[dreg:$0x0] =	wrdreg $0x0  }
0xa8: {  	s5 =	sshll.u32 s28, $0x1;
	[dreg:$0x2] =	wrdreg s3  }
0xa9: {  	[dreg:$0x3] =	wrdreg s5  }
0xaa: {  	[dreg:$0x4] =	wrdreg $0xC0  }
0xab: {  	_ =	task [dreg:s7], $0x5FFFF  }
0xac: {  	[dreg:$0x1] =	wrdreg $0xFFFFFFFF  }
0xad: {  	[dreg:$0x0] =	wrdreg $0x60  }
0xae: {  	[dreg:$0x2] =	wrdreg s24  }
0xaf: {  	[dreg:$0x3] =	wrdreg s2  }
0xb0: {  	[dreg:$0x4] =	wrdreg $0xB0000  }
0xb1: {  	[dreg:$0x5] =	wrdreg $0x9  }
0xb2: {  	_ =	task.clear_ibuf [dreg:s7], $0x6FFFF;
	_ =	strace $0x9000004F  }
0xb3: {  	s29 =	simm.s32 $0x9;
	_ =	strace $0x80000051  }
0xb4: {  	_ =	swait.ge [sflag:s29], $0x1  }
0xb5: {  	[sflag:s29] =	ssyncadd.s32 $0xFFFFFFFF  }
0xb6: {  	_ =	strace $0x90000051  }
0xb7: {  	_ =	sfence  }
0xb8: {  	s30 =	sld [smem:$0x0];
	_ =	sdelay $0x2  }
0xb9: {  	s31 =	sshll.u32 s1, $0xD;
	s1 =	sshrl.u32 s1, $0x2  }
0xba: {  	s3 =	sand.u32 $0x4000, s31;
	s1 =	sadd.s32 s1, s30  }
0xbb: {  	s0 =	sor.u32 s3, s0;
	s1 =	sshll.u32 s1, $0x11  }
0xbc: {  	s0 =	sor.u32 s1, s0  }
0xbd: {  	s0 =	sadd.s32 $0x8F2B, s0  }
0xbe: {  	[sflag:s0] =	ssyncadd.remote.s32 $0x1  }
0xbf: {  	_ =	sfence.sel $0xFFFF  }
0xc0: {  	[dreg:$0x0] =	wrdreg $0xFFFFFFFF;
	(pc) =	sbr.abs _section_cstart, $3  }
0xc1: {  	[dreg:$0x1] =	wrdreg $0xFFFFFFFF  }
0xc2: {  	_ =	task.clear_ibuf [dreg:s7], $0x2FFFF;
	_ =	strace $0x9FFFFFFF  }
0xc3: {  	(tm) =	ssettm $0x7FFFFFFF  }
tec
execute0_lowered:
.L_overlay_start_1:
0x0: {  	(tag) =	ssettag $0x1  }
0x1: {  	s0 =	rddreg [dreg:$0x0];
	s1 =	srdreg.scid  }
0x2: {  	s3 =	rddreg [dreg:$0x2];
	s8 =	stileid.u32;
	s4 =	simm.s32 $0x0  }
0x3: {  	s28 =	simm.s32 $0x80;
	s29 =	simm.s32 $0x5000;
	s30 =	simm.s32 $0x6000  }
0x4: {  	s31 =	simm.s32 $0x8000;
	s15 =	simm.s32 $0x7;
	s16 =	simm.s32 $0x5  }
0x5: {  	s17 =	simm.s32 $0x9;
	s18 =	simm.s32 $0xA;
	s1 =	sand.u32 $0x1, s1  }
0x6: {  	[smem:$0x7FF] =	sst s4;
	s5 =	sadd.s32 $0x16C00, s0;
	s2 =	sshll.u32 s1, $0x4  }
0x7: {  	s6 =	ssub.s32 $0x2, s1;
	s2 =	sor.u32 s8, s2;
	s8 =	smul.u32 $0x5000, s8  }
0x8: {  	_ =	strace $0x80000050;
	s1 =	smul.u32 $0x50000, s1;
	s7 =	sshrl.u32 s6, $0x1  }
0x9: {  	s2 =	smul.u32 $0x500, s2;
	s6 =	ssub.s32 s6, s7;
	s10 =	sadd.s32 s8, s3  }
0xa: {  	s20 =	sadd.s32 $0x1000, s8;
	s22 =	sadd.s32 $0x2000, s8;
	s9 =	sadd.s32 $0x3000, s8  }
0xb: {  	s12 =	sadd.s32 s8, s1;
	s8 =	sadd.s32 $0x4000, s8;
	s26 =	smax.u32 s6, $0x1  }
0xc: {  	s6 =	simm.s32 $0x9000;
	s2 =	sadd.s32 s2, s0;
	s0 =	sadd.s32 $0x20C00, s0  }
0xd: {  	s11 =	sadd.s32 s20, s3;
	s21 =	sadd.s32 s22, s3;
	[dreg:$0xb] =	wrdreg s26  }
0xe: {  	s14 =	sadd.s32 s9, s3;
	s13 =	sshrl.u32 s12, $0x3;
	[dreg:$0xc] =	wrdreg s10  }
0xf: {  	s12 =	sadd.s32 s8, s3;
	s23 =	sadd.s32 s1, s22;
	[dreg:$0xd] =	wrdreg s11  }
0x10: {  	s24 =	sadd.s32 s1, s9;
	s19 =	sadd.s32 $0xCC00, s2;
	[dreg:$0xe] =	wrdreg s21  }
0x11: {  	s2 =	sadd.s32 $0x2C00, s2;
	s13 =	sadd.s32 s0, s13;
	[dreg:$0x4] =	wrdreg s19  }
0x12: {  	s9 =	smov.u32 s14;
	s7 =	sshrl.u32 s24, $0x3;
	[dreg:$0x5] =	wrdreg s2  }
0x13: {  	s14 =	simm.s32 $0x0;
	s2 =	sadd.s32 s1, s20;
	[dreg:$0x6] =	wrdreg s13  }
0x14: {  	s1 =	sadd.s32 s1, s8;
	s25 =	sadd.s32 s0, s7;
	s19 =	simm.s32 $0x15  }
0x15: {  	s7 =	simm.s32 $0x3;
	s13 =	simm.s32 $0x6;
	s2 =	sshrl.u32 s2, $0x3  }
.Ltmp0:
0x16: {  	[dreg:$0xf] =	wrdreg s9;
	s2 =	sadd.s32 s0, s2;
	(pc) =	sbr.rel .LBB2_1-.Ltmp0, $4  }
0x17: {  	s20 =	simm.s32 $0x8;
	[dreg:$0x7] =	wrdreg s2;
	s2 =	sshrl.u32 s23, $0x3  }
0x18: {  	[dreg:$0x9] =	wrdreg s25;
	s1 =	sshrl.u32 s1, $0x3;
	s2 =	sadd.s32 s0, s2  }
0x19: {  	s0 =	sadd.s32 s0, s1;
	s1 =	simm.s32 $0x1;
	[dreg:$0x8] =	wrdreg s2  }
0x1a: {  	[dreg:$0xa] =	wrdreg s0;
	s0 =	simm.s32 $0x7000;
	s2 =	simm.s32 $0x2  }
.LBB2_4:
0x1b: {  	_ =	swait.ge [sflag:s13], $0x1000  }
0x1c: {  	[sflag:s13] =	ssyncset.done $0x0  }
0x1d: {  	[sflag:s13] =	ssyncadd.s32 $0xFFFFF000  }
0x1e: {  	_ =	swait.ge [sflag:s15], $0x1000  }
0x1f: {  	[sflag:s15] =	ssyncset.done $0x0  }
0x20: {  	[sflag:s15] =	ssyncadd.s32 $0xFFFFF000  }
0x21: {  	_ =	swait.ge [sflag:s20], $0x1000  }
0x22: {  	[sflag:s20] =	ssyncset.done $0x0  }
0x23: {  	[sflag:s20] =	ssyncadd.s32 $0xFFFFF000  }
0x24: {  	_ =	swait.ge [sflag:s17], $0x1000  }
0x25: {  	[sflag:s17] =	ssyncset.done $0x0  }
0x26: {  	[sflag:s17] =	ssyncadd.s32 $0xFFFFF000  }
0x27: {  	_ =	swait.ge [sflag:s18], $0x1000  }
0x28: {  	[sflag:s18] =	ssyncset.done $0x0  }
0x29: {  	[sflag:s18] =	ssyncadd.s32 $0xFFFFF000  }
0x2a: {  	[bflag:$0x0] =	sbarrier.arrive $0xFFFF  }
0x2b: {  	s10 =	rddreg [dreg:$0xc]  }
0x2c: {  	[tilespmem:s29], [sflag:$0xB] =	stream.linear.gather [spmem:s10], $0x1000, $0x38;
	[tilespmem:$0x10000] =	vst v63  }
0x2d: {  	s11 =	rddreg [dreg:$0xd]  }
0x2e: {  	[tilespmem:s30], [sflag:$0xC] =	stream.linear.gather [spmem:s11], $0x1000, $0x38;
	[tilespmem:$0x10000] =	vst v63  }
0x2f: {  	s21 =	rddreg [dreg:$0xe]  }
0x30: {  	[tilespmem:s0], [sflag:$0xD] =	stream.linear.gather [spmem:s21], $0x1000, $0x38;
	[tilespmem:$0x10000] =	vst v63  }
0x31: {  	s9 =	rddreg [dreg:$0xf]  }
0x32: {  	[tilespmem:s31], [sflag:$0xE] =	stream.linear.gather [spmem:s9], $0x1000, $0x38;
	[tilespmem:$0x10000] =	vst v63  }
0x33: {  	_ = 	snop  }
0x34: {  	[tilespmem:s6], [sflag:$0xF] =	stream.linear.gather [spmem:s26], $0x1000, $0x38;
	[tilespmem:$0x10000] =	vst v63  }
0x35: {  	_ =	swait.ge [sflag:s23], $0x1000  }
0x36: {  	[sflag:s23] =	ssyncset.done $0x0  }
0x37: {  	s8 =	rddreg [dreg:$0x6];
	[sflag:s23] =	ssyncadd.s32 $0xFFFFF000;
	s23 =	simm.s32 $0xC  }
0x38: {  	[hbm4b:s8+s4] =	stream.linear.scatter [tilespmem:s29], [sflag:$0x10], $0x1000, $0x38;
	[tilespmem:$0x10000] =	vst v63  }
0x39: {  	_ =	swait.ge [sflag:s23], $0x1000  }
0x3a: {  	[sflag:s23] =	ssyncset.done $0x0  }
0x3b: {  	s12 =	smov.u32 s26;
	s26 =	rddreg [dreg:$0x7];
	[sflag:s23] =	ssyncadd.s32 $0xFFFFF000  }
0x3c: {  	[hbm4b:s26+s4] =	stream.linear.scatter [tilespmem:s30], [sflag:$0x11], $0x1000, $0x38;
	[tilespmem:$0x10000] =	vst v63  }
0x3d: {  	_ =	swait.ge [sflag:s24], $0x1000  }
0x3e: {  	[sflag:s24] =	ssyncset.done $0x0  }
0x3f: {  	s23 =	simm.s32 $0xE;
	s22 =	rddreg [dreg:$0x8];
	[sflag:s24] =	ssyncadd.s32 $0xFFFFF000  }
0x40: {  	[hbm4b:s22+s4] =	stream.linear.scatter [tilespmem:s0], [sflag:$0x12], $0x1000, $0x38;
	[tilespmem:$0x10000] =	vst v63  }
0x41: {  	_ =	swait.ge [sflag:s23], $0x1000  }
0x42: {  	[sflag:s23] =	ssyncset.done $0x0  }
0x43: {  	s24 =	rddreg [dreg:$0x9];
	[sflag:s23] =	ssyncadd.s32 $0xFFFFF000  }
0x44: {  	[hbm4b:s24+s4] =	stream.linear.scatter [tilespmem:s31], [sflag:$0x13], $0x1000, $0x38;
	[tilespmem:$0x10000] =	vst v63  }
0x45: {  	_ =	swait.ge [sflag:s25], $0x1000  }
0x46: {  	[sflag:s25] =	ssyncset.done $0x0  }
0x47: {  	s22 =	simm.s32 $0x10;
	s26 =	rddreg [dreg:$0xa];
	[sflag:s25] =	ssyncadd.s32 $0xFFFFF000  }
0x48: {  	[hbm4b:s26+s4] =	stream.linear.scatter [tilespmem:s6], [sflag:$0x14], $0x1000, $0x38;
	[tilespmem:$0x10000] =	vst v63  }
0x49: {  	_ =	swait.ge [sflag:s22], $0x1000  }
0x4a: {  	[sflag:s22] =	ssyncset.done $0x0  }
0x4b: {  	s23 =	simm.s32 $0x11;
	[sflag:s22] =	ssyncadd.s32 $0xFFFFF000  }
0x4c: {  	_ =	swait.ge [sflag:s23], $0x1000  }
0x4d: {  	[sflag:s23] =	ssyncset.done $0x0  }
0x4e: {  	s24 =	simm.s32 $0x12;
	[sflag:s23] =	ssyncadd.s32 $0xFFFFF000  }
0x4f: {  	_ =	swait.ge [sflag:s24], $0x1000  }
0x50: {  	[sflag:s24] =	ssyncset.done $0x0  }
0x51: {  	s25 =	simm.s32 $0x13;
	[sflag:s24] =	ssyncadd.s32 $0xFFFFF000  }
0x52: {  	_ =	swait.ge [sflag:s25], $0x1000  }
0x53: {  	[sflag:s25] =	ssyncset.done $0x0  }
0x54: {  	s22 =	simm.s32 $0x14;
	[sflag:s25] =	ssyncadd.s32 $0xFFFFF000  }
0x55: {  	_ =	swait.ge [sflag:s22], $0x1000  }
0x56: {  	s14 =	sadd.s32 $0x1, s14;
	s26 =	rddreg [dreg:$0xb]  }
0x57: {  	p0 =	sne.s32 s14, s26  }
.Ltmp1:
0x58: {  	_ = 	snop;
	(pc) =	sbr.rel @!p0 .LBB2_5-.Ltmp1, $3  }
0x59: {  	_ =	sdelay $0x1  }
0x5a: {  	[sflag:s22] =	ssyncset.done $0x0  }
0x5b: {  	[sflag:s22] =	ssyncadd.s32 $0xFFFFF000  }
.LBB2_1:
0x5c: {  	s8 =	rddreg [dreg:$0x4]  }
0x5d: {  	[tilespmem:s4], [sflag:$0x15] =	stream.linear.gather [hbm4b:s8+s4], $0x2800, $0x38;
	[tilespmem:$0x10000] =	vst v63  }
0x5e: {  	_ =	swait.ge [sflag:s19], $0x2800  }
0x5f: {  	[sflag:s19] =	ssyncset.done $0x0  }
0x60: {  	s22 =	simm.s32 $0x2800;
	s23 =	rddreg [dreg:$0x5];
	[sflag:s19] =	ssyncadd.s32 $0xFFFFD800  }
0x61: {  	[tilespmem:s22], [sflag:$0x15] =	stream.linear.gather [hbm4b:s23+s4], $0x2800, $0x38;
	[tilespmem:$0x10000] =	vst v63  }
0x62: {  	_ =	swait.ge [sflag:s19], $0x2800  }
0x63: {  	[sflag:s19] =	ssyncset.done $0x0  }
0x64: {  	[sflag:s19] =	ssyncadd.s32 $0xFFFFD800  }
0x65: {  	s23 =	simm.s32 $0xA000;
	s26 =	rddreg [dreg:$0x1]  }
0x66: {  	[tilespmem:s23], [sflag:$0x15] =	stream.linear.gather [hbm4b:s26+s4], $0x1000, $0x38;
	[tilespmem:$0x10000] =	vst v63  }
0x67: {  	_ =	swait.ge [sflag:s19], $0x1000  }
0x68: {  	[sflag:s19] =	ssyncset.done $0x0  }
0x69: {  	[sflag:s19] =	ssyncadd.s32 $0xFFFFF000  }
0x6a: {  	[spmem:s10] =	stream.linear.scatter [tilespmem:s23], [sflag:$0xB], $0x1000, $0x38;
	[tilespmem:$0x10000] =	vst v63  }
0x6b: {  	_ = 	snop  }
0x6c: {  	[spmem:s11] =	stream.linear.scatter [tilespmem:s23], [sflag:$0xC], $0x1000, $0x38;
	[tilespmem:$0x10000] =	vst v63  }
0x6d: {  	_ = 	snop  }
0x6e: {  	[spmem:s21] =	stream.linear.scatter [tilespmem:s23], [sflag:$0xD], $0x1000, $0x38;
	[tilespmem:$0x10000] =	vst v63  }
0x6f: {  	_ = 	snop  }
0x70: {  	[spmem:s9] =	stream.linear.scatter [tilespmem:s23], [sflag:$0xE], $0x1000, $0x38;
	[tilespmem:$0x10000] =	vst v63  }
0x71: {  	_ = 	snop  }
0x72: {  	[spmem:s12] =	stream.linear.scatter [tilespmem:s23], [sflag:$0xF], $0x1000, $0x38;
	[tilespmem:$0x10000] =	vst v63  }
0x73: {  	s23 =	simm.s32 $0xB  }
0x74: {  	_ =	swait.ge [sflag:s23], $0x1000  }
0x75: {  	[sflag:s23] =	ssyncset.done $0x0  }
0x76: {  	s24 =	simm.s32 $0xC;
	[sflag:s23] =	ssyncadd.s32 $0xFFFFF000  }
0x77: {  	_ =	swait.ge [sflag:s24], $0x1000  }
0x78: {  	[sflag:s24] =	ssyncset.done $0x0  }
0x79: {  	[sflag:s24] =	ssyncadd.s32 $0xFFFFF000;
	s24 =	simm.s32 $0xD  }
0x7a: {  	_ =	swait.ge [sflag:s24], $0x1000  }
0x7b: {  	[sflag:s24] =	ssyncset.done $0x0  }
0x7c: {  	s25 =	simm.s32 $0xE;
	[sflag:s24] =	ssyncadd.s32 $0xFFFFF000  }
0x7d: {  	_ =	swait.ge [sflag:s25], $0x1000  }
0x7e: {  	[sflag:s25] =	ssyncset.done $0x0  }
0x7f: {  	[sflag:s25] =	ssyncadd.s32 $0xFFFFF000;
	s25 =	simm.s32 $0xF  }
0x80: {  	_ =	swait.ge [sflag:s25], $0x1000  }
0x81: {  	[sflag:s25] =	ssyncset.done $0x0  }
0x82: {  	[sflag:s25] =	ssyncadd.s32 $0xFFFFF000  }
0x83: {  	[bflag:$0x0] =	sbarrier.arrive $0xFFFF  }
0x84: {  	[tilespmem:s29], [sflag:$0x1] =	stream.indirect.gather [hbm4b:s5+s28], $0x20, s4, s28, $0xb8;
	[tilespmem:$0x10000] =	vst v63  }
0x85: {  	_ = 	snop  }
0x86: {  	[tilespmem:s30], [sflag:$0x2] =	stream.indirect.gather [hbm4b:s5+s28], $0x20, s28, s28, $0xb8;
	[tilespmem:$0x10000] =	vst v63  }
0x87: {  	s10 =	simm.s32 $0x100  }
0x88: {  	[tilespmem:s0], [sflag:$0x3] =	stream.indirect.gather [hbm4b:s5+s28], $0x20, s10, s28, $0xb8;
	[tilespmem:$0x10000] =	vst v63  }
0x89: {  	_ =	swait.ge [sflag:s1], $0x1000  }
0x8a: {  	[sflag:s1] =	ssyncset.done $0x0  }
0x8b: {  	[sflag:s1] =	ssyncadd.s32 $0xFFFFF000  }
0x8c: {  	[spmem:s3] =	stream.indirect.scatter.add.f32 [tilespmem:s29], [sflag:$0x6], $0x20, s22, s28, $0xb8;
	[tilespmem:$0x10000] =	vst v63  }
0x8d: {  	s11 =	simm.s32 $0x180  }
0x8e: {  	[tilespmem:s31], [sflag:$0x4] =	stream.indirect.gather [hbm4b:s5+s28], $0x20, s11, s28, $0xb8;
	[tilespmem:$0x10000] =	vst v63  }
0x8f: {  	_ =	swait.ge [sflag:s2], $0x1000  }
0x90: {  	[sflag:s2] =	ssyncset.done $0x0  }
0x91: {  	s26 =	smov.u32 s12;
	s12 =	simm.s32 $0x2880;
	[sflag:s2] =	ssyncadd.s32 $0xFFFFF000  }
0x92: {  	[spmem:s3] =	stream.indirect.scatter.add.f32 [tilespmem:s30], [sflag:$0x7], $0x20, s12, s28, $0xb8;
	[tilespmem:$0x10000] =	vst v63  }
0x93: {  	s21 =	simm.s32 $0x200  }
0x94: {  	[tilespmem:s6], [sflag:$0x5] =	stream.indirect.gather [hbm4b:s5+s28], $0x20, s21, s28, $0xb8;
	[tilespmem:$0x10000] =	vst v63  }
0x95: {  	_ =	swait.ge [sflag:s7], $0x1000  }
0x96: {  	[sflag:s7] =	ssyncset.done $0x0  }
0x97: {  	s22 =	simm.s32 $0x2900;
	[sflag:s7] =	ssyncadd.s32 $0xFFFFF000  }
0x98: {  	[spmem:s3] =	stream.indirect.scatter.add.f32 [tilespmem:s0], [sflag:$0x8], $0x20, s22, s28, $0xb8;
	[tilespmem:$0x10000] =	vst v63  }
0x99: {  	_ =	swait.ge [sflag:s13], $0x1000  }
0x9a: {  	[sflag:s13] =	ssyncset.done $0x0  }
0x9b: {  	s9 =	simm.s32 $0x280;
	s10 =	simm.s32 $0x4;
	[sflag:s13] =	ssyncadd.s32 $0xFFFFF000  }
0x9c: {  	[tilespmem:s29], [sflag:$0x1] =	stream.indirect.gather [hbm4b:s5+s28], $0x20, s9, s28, $0xb8;
	[tilespmem:$0x10000] =	vst v63  }
0x9d: {  	_ =	swait.ge [sflag:s10], $0x1000  }
0x9e: {  	[sflag:s10] =	ssyncset.done $0x0  }
0x9f: {  	s11 =	simm.s32 $0x2980;
	[sflag:s10] =	ssyncadd.s32 $0xFFFFF000  }
0xa0: {  	[spmem:s3] =	stream.indirect.scatter.add.f32 [tilespmem:s31], [sflag:$0x9], $0x20, s11, s28, $0xb8;
	[tilespmem:$0x10000] =	vst v63  }
0xa1: {  	_ =	swait.ge [sflag:s15], $0x1000  }
0xa2: {  	[sflag:s15] =	ssyncset.done $0x0  }
0xa3: {  	s12 =	simm.s32 $0x300;
	[sflag:s15] =	ssyncadd.s32 $0xFFFFF000  }
0xa4: {  	[tilespmem:s30], [sflag:$0x2] =	stream.indirect.gather [hbm4b:s5+s28], $0x20, s12, s28, $0xb8;
	[tilespmem:$0x10000] =	vst v63  }
0xa5: {  	_ =	swait.ge [sflag:s16], $0x1000  }
0xa6: {  	[sflag:s16] =	ssyncset.done $0x0  }
0xa7: {  	s21 =	simm.s32 $0x2A00;
	[sflag:s16] =	ssyncadd.s32 $0xFFFFF000  }
0xa8: {  	[spmem:s3] =	stream.indirect.scatter.add.f32 [tilespmem:s6], [sflag:$0xA], $0x20, s21, s28, $0xb8;
	[tilespmem:$0x10000] =	vst v63  }
0xa9: {  	_ =	swait.ge [sflag:s20], $0x1000  }
0xaa: {  	[sflag:s20] =	ssyncset.done $0x0  }
0xab: {  	s8 =	simm.s32 $0x0;
	s22 =	simm.s32 $0x380;
	[sflag:s20] =	ssyncadd.s32 $0xFFFFF000  }
0xac: {  	[tilespmem:s0], [sflag:$0x3] =	stream.indirect.gather [hbm4b:s5+s28], $0x20, s22, s28, $0xb8;
	[tilespmem:$0x10000] =	vst v63  }
.LBB2_2:
0xad: {  	_ =	swait.ge [sflag:s1], $0x1000  }
0xae: {  	s9 =	sshra.s32 s8, $0x2;
	[sflag:s1] =	ssyncset.done $0x0  }
0xaf: {  	s10 =	sadd.s32 $0x2A80, s9;
	[sflag:s1] =	ssyncadd.s32 $0xFFFFF000  }
0xb0: {  	[spmem:s3] =	stream.indirect.scatter.add.f32 [tilespmem:s29], [sflag:$0x6], $0x20, s10, s28, $0xb8;
	[tilespmem:$0x10000] =	vst v63  }
0xb1: {  	_ =	swait.ge [sflag:s17], $0x1000  }
0xb2: {  	[sflag:s17] =	ssyncset.done $0x0  }
0xb3: {  	s22 =	sadd.s32 $0x400, s9;
	[sflag:s17] =	ssyncadd.s32 $0xFFFFF000  }
0xb4: {  	[tilespmem:s31], [sflag:$0x4] =	stream.indirect.gather [hbm4b:s5+s28], $0x20, s22, s28, $0xb8;
	[tilespmem:$0x10000] =	vst v63  }
0xb5: {  	_ =	swait.ge [sflag:s2], $0x1000  }
0xb6: {  	[sflag:s2] =	ssyncset.done $0x0  }
0xb7: {  	s11 =	sadd.s32 $0x2B00, s9;
	[sflag:s2] =	ssyncadd.s32 $0xFFFFF000  }
0xb8: {  	[spmem:s3] =	stream.indirect.scatter.add.f32 [tilespmem:s30], [sflag:$0x7], $0x20, s11, s28, $0xb8;
	[tilespmem:$0x10000] =	vst v63  }
0xb9: {  	_ =	swait.ge [sflag:s18], $0x1000  }
0xba: {  	[sflag:s18] =	ssyncset.done $0x0  }
0xbb: {  	s12 =	sadd.s32 $0x480, s9;
	[sflag:s18] =	ssyncadd.s32 $0xFFFFF000  }
0xbc: {  	[tilespmem:s6], [sflag:$0x5] =	stream.indirect.gather [hbm4b:s5+s28], $0x20, s12, s28, $0xb8;
	[tilespmem:$0x10000] =	vst v63  }
0xbd: {  	_ =	swait.ge [sflag:s7], $0x1000  }
0xbe: {  	p0 =	seq.s32 s8, $0x8C00;
	[sflag:s7] =	ssyncset.done $0x0  }
0xbf: {  	s21 =	sadd.s32 $0x2B80, s9;
	s10 =	simm.s32 @p0 $0x4;
	[sflag:s7] =	ssyncadd.s32 $0xFFFFF000  }
0xc0: {  	[spmem:s3] =	stream.indirect.scatter.add.f32 [tilespmem:s0], [sflag:$0x8], $0x20, s21, s28, $0xb8;
	[tilespmem:$0x10000] =	vst v63  }
0xc1: {  	_ =	swait.ge @p0 [sflag:s10], $0x1000  }
0xc2: {  	[sflag:s10] =	ssyncset.done @p0 $0x0  }
0xc3: {  	[sflag:s10] =	ssyncadd.s32 @p0 $0xFFFFF000;
	s10 =	sshra.s32 @p0 s8, $0x2  }
0xc4: {  	s11 =	simm.s32 @p0 $0x80;
	s12 =	simm.s32 @p0 $0x8000;
	s10 =	sadd.s32 @p0 $0x2C00, s10  }
0xc5: {  	[spmem:s3] =	stream.indirect.scatter.add.f32 @p0 [tilespmem:s12], [sflag:$0x9], $0x20, s10, s11, $0xb8;
	[tilespmem:$0x10000] =	vst v63  }
0xc6: {  	s10 =	simm.s32 @!p0 $0x6  }
0xc7: {  	_ =	swait.ge @!p0 [sflag:s10], $0x1000  }
0xc8: {  	[sflag:s10] =	ssyncset.done @!p0 $0x0  }
0xc9: {  	[sflag:s10] =	ssyncadd.s32 @!p0 $0xFFFFF000;
	s10 =	sshra.s32 @!p0 s8, $0x2  }
0xca: {  	s21 =	simm.s32 @!p0 $0x5000;
	s12 =	simm.s32 @!p0 $0x80;
	s11 =	sadd.s32 @!p0 $0x500, s10  }
0xcb: {  	[tilespmem:s21], [sflag:$0x1] =	stream.indirect.gather @!p0 [hbm4b:s5+s12], $0x20, s11, s12, $0xb8;
	[tilespmem:$0x10000] =	vst v63  }
0xcc: {  	s11 =	simm.s32 @!p0 $0x4  }
0xcd: {  	_ =	swait.ge @!p0 [sflag:s11], $0x1000  }
0xce: {  	[sflag:s11] =	ssyncset.done @!p0 $0x0  }
0xcf: {  	s21 =	simm.s32 @!p0 $0x8000;
	[sflag:s11] =	ssyncadd.s32 @!p0 $0xFFFFF000;
	s11 =	sadd.s32 @!p0 $0x2C00, s10  }
0xd0: {  	[spmem:s3] =	stream.indirect.scatter.add.f32 @!p0 [tilespmem:s21], [sflag:$0x9], $0x20, s11, s12, $0xb8;
	[tilespmem:$0x10000] =	vst v63  }
0xd1: {  	s11 =	simm.s32 @!p0 $0x7  }
0xd2: {  	_ =	swait.ge @!p0 [sflag:s11], $0x1000  }
0xd3: {  	[sflag:s11] =	ssyncset.done @!p0 $0x0  }
0xd4: {  	s10 =	sadd.s32 @!p0 $0x580, s10;
	[sflag:s11] =	ssyncadd.s32 @!p0 $0xFFFFF000;
	s11 =	simm.s32 @!p0 $0x6000  }
0xd5: {  	[tilespmem:s11], [sflag:$0x2] =	stream.indirect.gather @!p0 [hbm4b:s5+s12], $0x20, s10, s12, $0xb8;
	[tilespmem:$0x10000] =	vst v63  }
.Ltmp2:
0xd6: {  	_ = 	snop;
	(pc) =	sbr.rel @p0 .LBB2_4-.Ltmp2, $4  }
0xd7: {  	_ =	swait.ge [sflag:s16], $0x1000  }
0xd8: {  	[sflag:s16] =	ssyncset.done $0x0  }
0xd9: {  	s22 =	sadd.s32 $0x2C80, s9;
	[sflag:s16] =	ssyncadd.s32 $0xFFFFF000  }
0xda: {  	[spmem:s3] =	stream.indirect.scatter.add.f32 [tilespmem:s6], [sflag:$0xA], $0x20, s22, s28, $0xb8;
	[tilespmem:$0x10000] =	vst v63  }
.Ltmp3:
0xdb: {  	(pc) =	sbr.rel .LBB2_2-.Ltmp3, $4  }
0xdc: {  	_ =	swait.ge [sflag:s20], $0x1000  }
0xdd: {  	[sflag:s20] =	ssyncset.done $0x0  }
0xde: {  	s9 =	sadd.s32 $0x600, s9;
	s8 =	sadd.s32 $0xA00, s8;
	[sflag:s20] =	ssyncadd.s32 $0xFFFFF000  }
0xdf: {  	[tilespmem:s0], [sflag:$0x3] =	stream.indirect.gather [hbm4b:s5+s28], $0x20, s9, s28, $0xb8;
	[tilespmem:$0x10000] =	vst v63  }
.LBB2_5:
0xe0: {  	_ =	sfence.sel $0x180000  }
0xe1: {  	[bflag:$0x0] =	sbarrier.arrive $0xFFFF  }
0xe2: {  	_ =	strace $0x90000050  }
0xe3: {  	s0 =	stileid.u32;
	[bflag:$0x2] =	sbarrier.arrive $0xFFFF  }
0xe4: {  	p0 =	sne.s32 s0, $0x0;
	s0 =	rddreg [dreg:$0x3]  }
0xe5: {  	s0 =	sadd.s32 @!p0 $0x100000, s0  }
0xe6: {  	[sflag:s0] =	ssyncadd.tile.s32 @!p0 $0x1;
	_ =	shalt  }
.Lfunc_end2:
_tile_overlayer_lowered:
.L_overlay_start_2:
0xe7: {  	(tag) =	ssettag $0x2  }
0xe8: {  	s0 =	rddreg [dreg:$0x0];
	s2 =	stileid.u32  }
0xe9: {  	s1 =	rddreg [dreg:$0x1];
	p0 =	sne.s32 s2, $0x0  }
0xea: {  	s3 =	rddreg [dreg:$0x2];
	[bflag:$0x3] =	sbarrier.arrive $0xFFFF;
	s2 =	simm.s32 @!p0 $0x1C15  }
0xeb: {  	[timem:s3], [sflag:s2] =	dma.local @!p0 [hbm:s0], s1  }
0xec: {  	s0 =	simm.s32 @!p0 $0x15  }
0xed: {  	_ =	swait.ge @!p0 [sflag:s0], s1  }
0xee: {  	s1 =	ssub.s32 @!p0 $0x0, s1;
	[sflag:s0] =	ssyncset.done @!p0 $0x0  }
0xef: {  	[sflag:s0] =	ssyncadd.s32 @!p0 s1  }
0xf0: {  	[bflag:$0x3] =	sbarrier.arrive $0xFFFF  }
0xf1: {  	_ =	shalt  }

</sc_bundles>
